<compile_context>
chip_gen: v7x
topology: tpu7x:2x2x1
jax: 0.10.2.dev20260603
libtpu: 0.0.44.dev20260713+nightly
codegen_flags: <defaults>
</compile_context>

<pallas_src>
import functools

import jax
import jax.numpy as jnp
from jax import lax
from jax.experimental import pallas as pl
from jax.experimental.pallas import tpu as pltpu
from jax.experimental.pallas import tpu_sc as plsc

D = 128
L = 16
NW = 32
V = 10000
E = 320000
E_PAD = 327680
EPW = E_PAD // NW
CHUNK = 80
NCHUNK = EPW // CHUNK
STRIPE = 624

_mesh = plsc.VectorSubcoreMesh(core_axis_name="c", subcore_axis_name="s")


@functools.partial(
    pl.kernel,
    out_type=jax.ShapeDtypeStruct((E_PAD,), jnp.float32),
    mesh=_mesh,
    scratch_types=[
        pltpu.VMEM_SHARED((V, D), jnp.float32),
        pltpu.VMEM((CHUNK,), jnp.int32),
        pltpu.VMEM((CHUNK,), jnp.int32),
        pltpu.VMEM((CHUNK,), jnp.int32),
        pltpu.VMEM((CHUNK,), jnp.int32),
        pltpu.VMEM((CHUNK, D), jnp.float32),
        pltpu.VMEM((CHUNK, D), jnp.float32),
        pltpu.VMEM((CHUNK, D), jnp.float32),
        pltpu.VMEM((CHUNK, D), jnp.float32),
        pltpu.VMEM((CHUNK,), jnp.float32),
        pltpu.VMEM((CHUNK,), jnp.float32),
        pltpu.SemaphoreType.DMA,
        pltpu.SemaphoreType.DMA,
        pltpu.SemaphoreType.DMA,
        pltpu.SemaphoreType.DMA,
        pltpu.SemaphoreType.DMA,
        pltpu.SemaphoreType.DMA,
    ],
    compiler_params=pltpu.CompilerParams(needs_layout_passes=False),
)
def _dot_scores(h_hbm, sidx_hbm, didx_hbm, out_hbm,
                tab_sp, is0, id0, is1, id1, s0, d0, s1, d1, o0, o1,
                sem0, sem1, semi0, semi1, semo0, semo1):
    sid = lax.axis_index("s")
    wid = sid * 2 + lax.axis_index("c")
    base = wid * EPW

    @pl.when(sid < 15)
    def _():
        pltpu.sync_copy(h_hbm.at[pl.ds(sid * STRIPE, STRIPE)],
                        tab_sp.at[pl.ds(sid * STRIPE, STRIPE)])

    @pl.when(sid == 15)
    def _():
        pltpu.sync_copy(h_hbm.at[pl.ds(15 * STRIPE, V - 15 * STRIPE)],
                        tab_sp.at[pl.ds(15 * STRIPE, V - 15 * STRIPE)])

    plsc.subcore_barrier()

    def idx_stage(c, isb, idb, sem, *, sync=False):
        sl = pl.ds(base + c * CHUNK, CHUNK)
        if sync:
            pltpu.sync_copy(sidx_hbm.at[sl], isb)
            pltpu.sync_copy(didx_hbm.at[sl], idb)
        else:
            pltpu.async_copy(sidx_hbm.at[sl], isb, sem)
            pltpu.async_copy(didx_hbm.at[sl], idb, sem)

    def idx_wait(c, isb, idb, sem):
        sl = pl.ds(base + c * CHUNK, CHUNK)
        pltpu.make_async_copy(sidx_hbm.at[sl], isb, sem).wait()
        pltpu.make_async_copy(didx_hbm.at[sl], idb, sem).wait()

    def issue(isb, idb, sbuf, dbuf, sem):
        pltpu.async_copy(tab_sp.at[isb], sbuf, sem)
        pltpu.async_copy(tab_sp.at[idb], dbuf, sem)

    def wait(isb, idb, sbuf, dbuf, sem):
        pltpu.make_async_copy(tab_sp.at[isb], sbuf, sem).wait()
        pltpu.make_async_copy(tab_sp.at[idb], dbuf, sem).wait()

    def out_store(c, ob, sem):
        pltpu.async_copy(ob, out_hbm.at[pl.ds(base + c * CHUNK, CHUNK)], sem)

    def out_wait(c, ob, sem):
        pltpu.make_async_copy(ob, out_hbm.at[pl.ds(base + c * CHUNK, CHUNK)],
                              sem).wait()

    def compute(sbuf, dbuf, ob):
        @plsc.parallel_loop(0, CHUNK, step=L)
        def edge_body(e0):
            lane = jnp.arange(L, dtype=jnp.int32)
            last = jnp.full((L,), L - 1, jnp.int32)
            res = jnp.zeros((L,), jnp.float32)
            for i in range(L):
                e = e0 + i
                acc = sbuf[e, pl.ds(0, L)] * dbuf[e, pl.ds(0, L)]
                for k in range(1, D // L):
                    acc = acc + sbuf[e, pl.ds(L * k, L)] * dbuf[e, pl.ds(L * k, L)]
                scn = plsc.cumsum(acc)
                res = jnp.where(lane == i, scn[last], res)
            ob[pl.ds(e0, L)] = res

    idx_stage(0, is0, id0, semi0, sync=True)
    issue(is0, id0, s0, d0, sem0)
    idx_stage(1, is1, id1, semi1)

    def pair(cc, carry):
        c = 2 * cc
        idx_wait(c + 1, is1, id1, semi1)
        issue(is1, id1, s1, d1, sem1)
        wait(is0, id0, s0, d0, sem0)

        @pl.when(c + 2 < NCHUNK)
        def _():
            idx_stage(c + 2, is0, id0, semi0)

        @pl.when(cc >= 1)
        def _():
            out_wait(c - 2, o0, semo0)

        compute(s0, d0, o0)
        out_store(c, o0, semo0)

        @pl.when(c + 2 < NCHUNK)
        def _():
            idx_wait(c + 2, is0, id0, semi0)
            issue(is0, id0, s0, d0, sem0)

        wait(is1, id1, s1, d1, sem1)

        @pl.when(c + 3 < NCHUNK)
        def _():
            idx_stage(c + 3, is1, id1, semi1)

        @pl.when(cc >= 1)
        def _():
            out_wait(c - 1, o1, semo1)

        compute(s1, d1, o1)
        out_store(c + 1, o1, semo1)
        return carry

    lax.fori_loop(0, NCHUNK // 2, pair, 0)
    out_wait(NCHUNK - 2, o0, semo0)
    out_wait(NCHUNK - 1, o1, semo1)


def kernel(h, edges):
    e32 = edges.astype(jnp.int32)
    pad = jnp.zeros((E_PAD - E,), jnp.int32)
    sidx = jnp.concatenate([e32[:, 0], pad])
    didx = jnp.concatenate([e32[:, 1], pad])
    return _dot_scores(h, sidx, didx)[:E]

# --- scband reference (transcript-rebuilt; emitter-appended) ---
"""Pipeline reference for scband-dot-predictor-56616258895899 (READ-ONLY COPY).

The authoritative reference and input builder live on the scoring server;
editing this copy changes nothing except your own understanding.
"""

import jax, jax.numpy as jnp
import numpy as np


def setup_inputs(seed: int = 0) -> dict:
    key = jax.random.key(seed)
    k1, k2 = jax.random.split(key)
    h = jax.random.normal(k1, (10000, 128), dtype=jnp.float32)
    edges = jax.random.randint(k2, (320000, 2), 0, 10000, dtype=jnp.int64)
    return {"h": h, "edges": edges}


def reference(h, edges):
    # DotPredictor.forward: (h[edges[:, 0]] * h[edges[:, 1]]).sum(dim=1)
    src = jnp.take(h, edges[:, 0], axis=0)
    dst = jnp.take(h, edges[:, 1], axis=0)
    return (src * dst).sum(axis=1)

if __name__ == "__main__":
    import jax
    _d = setup_inputs()
    print(jax.jit(kernel)(*tuple(_d.values())))

</pallas_src>

<mosaic_0001>
#map = affine_map<(d0, d1) -> (0, 0)>
#map1 = affine_map<(d0, d1) -> (0)>
module attributes {stable_mosaic.version = 14 : i64} {
  func.func @_dot_scores(%arg0: i32, %arg1: i32, %arg2: memref<10000x128xf32, #tpu.memory_space<hbm>>, %arg3: memref<327680xi32, #tpu.memory_space<hbm>>, %arg4: memref<327680xi32, #tpu.memory_space<hbm>>, %arg5: memref<327680xf32, #tpu.memory_space<hbm>>, %arg6: memref<10000x128xf32, #tpu.memory_space<vmem_shared>>, %arg7: memref<80xi32, #tpu.memory_space<vmem>>, %arg8: memref<80xi32, #tpu.memory_space<vmem>>, %arg9: memref<80xi32, #tpu.memory_space<vmem>>, %arg10: memref<80xi32, #tpu.memory_space<vmem>>, %arg11: memref<80x128xf32, #tpu.memory_space<vmem>>, %arg12: memref<80x128xf32, #tpu.memory_space<vmem>>, %arg13: memref<80x128xf32, #tpu.memory_space<vmem>>, %arg14: memref<80x128xf32, #tpu.memory_space<vmem>>, %arg15: memref<80xf32, #tpu.memory_space<vmem>>, %arg16: memref<80xf32, #tpu.memory_space<vmem>>, %arg17: memref<!tpu.dma_semaphore, #tpu.memory_space<semaphore_mem>>, %arg18: memref<!tpu.dma_semaphore, #tpu.memory_space<semaphore_mem>>, %arg19: memref<!tpu.dma_semaphore, #tpu.memory_space<semaphore_mem>>, %arg20: memref<!tpu.dma_semaphore, #tpu.memory_space<semaphore_mem>>, %arg21: memref<!tpu.dma_semaphore, #tpu.memory_space<semaphore_mem>>, %arg22: memref<!tpu.dma_semaphore, #tpu.memory_space<semaphore_mem>>) attributes {dimension_semantics = [#tpu.dimension_semantics<core_parallel>, #tpu.dimension_semantics<subcore_parallel>], iteration_bounds = array<i64: 2, 16>, scalar_prefetch = 0 : i64, scratch_operands = 17 : i64, tpu.core_type = #tpu.core_type<sc_vector_subcore>, window_params = [{transform_indices = #map}, {transform_indices = #map1}, {transform_indices = #map1}, {transform_indices = #map1}]} {
    %mul3A = arith.constant 2 : i32
    %mul3A_0 = arith.muli %arg1, %mul3A : i32
    %add3A = arith.addi %mul3A_0, %arg0 : i32
    %mul3A_1 = arith.constant 10240 : i32
    %mul3A_2 = arith.muli %add3A, %mul3A_1 : i32
    %lt3A = arith.constant 15 : i32
    %lt3A_3 = arith.cmpi slt, %arg1, %lt3A : i32
    %convert_element_type3A = arith.extui %lt3A_3 : i1 to i32
    %cond3A = arith.constant 0 : i32
    %cond3A_4 = arith.cmpi ne, %convert_element_type3A, %cond3A : i32
    scf.if %cond3A_4 {
      %mul3A_34 = arith.constant 624 : i32
      %mul3A_35 = arith.muli %arg1, %mul3A_34 : i32
      %mul3A_36 = arith.constant 624 : i32
      %mul3A_37 = arith.muli %arg1, %mul3A_36 : i32
      "tpu.region"() ({
        %run_scoped3A = tpu.sem_alloc : memref<!tpu.dma_semaphore, #tpu.memory_space<semaphore_mem>>
        %dma_start3A_38 = arith.constant 0 : i32
        %dma_start3A_39 = tpu.memref_slice %arg6[%mul3A_37, %dma_start3A_38] : memref<10000x128xf32, #tpu.memory_space<vmem_shared>> -> memref<624x128xf32, #tpu.memory_space<vmem_shared>>
        %dma_start3A_40 = arith.constant 0 : i32
        %dma_start3A_41 = tpu.memref_slice %arg2[%mul3A_35, %dma_start3A_40] : memref<10000x128xf32, #tpu.memory_space<hbm>> -> memref<624x128xf32, #tpu.memory_space<hbm>>
        tpu.enqueue_dma source(%dma_start3A_41 : memref<624x128xf32, #tpu.memory_space<hbm>>) target(%dma_start3A_39 : memref<624x128xf32, #tpu.memory_space<vmem_shared>>) target_semaphore(%run_scoped3A : memref<!tpu.dma_semaphore, #tpu.memory_space<semaphore_mem>>)
        %dma_wait3A_42 = arith.constant 0 : i32
        %dma_wait3A_43 = tpu.memref_slice %arg6[%mul3A_37, %dma_wait3A_42] : memref<10000x128xf32, #tpu.memory_space<vmem_shared>> -> memref<624x128xf32, #tpu.memory_space<vmem_shared>>
        %dma_wait3A_44 = arith.constant 0 : i32
        %dma_wait3A_45 = tpu.memref_slice %arg2[%mul3A_35, %dma_wait3A_44] : memref<10000x128xf32, #tpu.memory_space<hbm>> -> memref<624x128xf32, #tpu.memory_space<hbm>>
        tpu.wait_dma2 semaphore(%run_scoped3A : memref<!tpu.dma_semaphore, #tpu.memory_space<semaphore_mem>>) src(%dma_wait3A_45 : memref<624x128xf32, #tpu.memory_space<hbm>>) dst(%dma_wait3A_43 : memref<624x128xf32, #tpu.memory_space<vmem_shared>>)
        tpu.yield
      }) : () -> ()
    } else {
    }
    %eq3A = arith.constant 15 : i32
    %eq3A_5 = arith.cmpi eq, %arg1, %eq3A : i32
    %convert_element_type3A_6 = arith.extui %eq3A_5 : i1 to i32
    %cond3A_7 = arith.constant 0 : i32
    %cond3A_8 = arith.cmpi ne, %convert_element_type3A_6, %cond3A_7 : i32
    scf.if %cond3A_8 {
      "tpu.region"() ({
        %run_scoped3A = tpu.sem_alloc : memref<!tpu.dma_semaphore, #tpu.memory_space<semaphore_mem>>
        %dma_start3A_34 = arith.constant 9360 : i32
        %dma_start3A_35 = arith.constant 0 : i32
        %dma_start3A_36 = tpu.memref_slice %arg6[%dma_start3A_34, %dma_start3A_35] : memref<10000x128xf32, #tpu.memory_space<vmem_shared>> -> memref<640x128xf32, #tpu.memory_space<vmem_shared>>
        %dma_start3A_37 = arith.constant 9360 : i32
        %dma_start3A_38 = arith.constant 0 : i32
        %dma_start3A_39 = tpu.memref_slice %arg2[%dma_start3A_37, %dma_start3A_38] : memref<10000x128xf32, #tpu.memory_space<hbm>> -> memref<640x128xf32, #tpu.memory_space<hbm>>
        tpu.enqueue_dma source(%dma_start3A_39 : memref<640x128xf32, #tpu.memory_space<hbm>>) target(%dma_start3A_36 : memref<640x128xf32, #tpu.memory_space<vmem_shared>>) target_semaphore(%run_scoped3A : memref<!tpu.dma_semaphore, #tpu.memory_space<semaphore_mem>>)
        %dma_wait3A_40 = arith.constant 9360 : i32
        %dma_wait3A_41 = arith.constant 0 : i32
        %dma_wait3A_42 = tpu.memref_slice %arg6[%dma_wait3A_40, %dma_wait3A_41] : memref<10000x128xf32, #tpu.memory_space<vmem_shared>> -> memref<640x128xf32, #tpu.memory_space<vmem_shared>>
        %dma_wait3A_43 = arith.constant 9360 : i32
        %dma_wait3A_44 = arith.constant 0 : i32
        %dma_wait3A_45 = tpu.memref_slice %arg2[%dma_wait3A_43, %dma_wait3A_44] : memref<10000x128xf32, #tpu.memory_space<hbm>> -> memref<640x128xf32, #tpu.memory_space<hbm>>
        tpu.wait_dma2 semaphore(%run_scoped3A : memref<!tpu.dma_semaphore, #tpu.memory_space<semaphore_mem>>) src(%dma_wait3A_45 : memref<640x128xf32, #tpu.memory_space<hbm>>) dst(%dma_wait3A_42 : memref<640x128xf32, #tpu.memory_space<vmem_shared>>)
        tpu.yield
      }) : () -> ()
    } else {
    }
    %barrier3A = arith.constant 0 : index
    tpu.barrier barrier_id(%barrier3A)
    %add3A_9 = arith.constant 0 : i32
    %add3A_10 = arith.addi %mul3A_2, %add3A_9 : i32
    "tpu.region"() ({
      %run_scoped3A = tpu.sem_alloc : memref<!tpu.dma_semaphore, #tpu.memory_space<semaphore_mem>>
      %dma_start3A_34 = tpu.memref_slice %arg3[%add3A_10] : memref<327680xi32, #tpu.memory_space<hbm>> -> memref<80xi32, #tpu.memory_space<hbm>>
      %dma_start3A_35 = tpu.memref_slice %arg3[%add3A_10] : memref<327680xi32, #tpu.memory_space<hbm>> -> memref<80xi32, #tpu.memory_space<hbm>>
      tpu.enqueue_dma source(%dma_start3A_35 : memref<80xi32, #tpu.memory_space<hbm>>) target(%arg7 : memref<80xi32, #tpu.memory_space<vmem>>) target_semaphore(%run_scoped3A : memref<!tpu.dma_semaphore, #tpu.memory_space<semaphore_mem>>)
      %dma_wait3A_36 = tpu.memref_slice %arg3[%add3A_10] : memref<327680xi32, #tpu.memory_space<hbm>> -> memref<80xi32, #tpu.memory_space<hbm>>
      %dma_wait3A_37 = tpu.memref_slice %arg3[%add3A_10] : memref<327680xi32, #tpu.memory_space<hbm>> -> memref<80xi32, #tpu.memory_space<hbm>>
      tpu.wait_dma2 semaphore(%run_scoped3A : memref<!tpu.dma_semaphore, #tpu.memory_space<semaphore_mem>>) src(%dma_wait3A_37 : memref<80xi32, #tpu.memory_space<hbm>>) dst(%arg7 : memref<80xi32, #tpu.memory_space<vmem>>)
      tpu.yield
    }) : () -> ()
    "tpu.region"() ({
      %run_scoped3A = tpu.sem_alloc : memref<!tpu.dma_semaphore, #tpu.memory_space<semaphore_mem>>
      %dma_start3A_34 = tpu.memref_slice %arg4[%add3A_10] : memref<327680xi32, #tpu.memory_space<hbm>> -> memref<80xi32, #tpu.memory_space<hbm>>
      %dma_start3A_35 = tpu.memref_slice %arg4[%add3A_10] : memref<327680xi32, #tpu.memory_space<hbm>> -> memref<80xi32, #tpu.memory_space<hbm>>
      tpu.enqueue_dma source(%dma_start3A_35 : memref<80xi32, #tpu.memory_space<hbm>>) target(%arg8 : memref<80xi32, #tpu.memory_space<vmem>>) target_semaphore(%run_scoped3A : memref<!tpu.dma_semaphore, #tpu.memory_space<semaphore_mem>>)
      %dma_wait3A_36 = tpu.memref_slice %arg4[%add3A_10] : memref<327680xi32, #tpu.memory_space<hbm>> -> memref<80xi32, #tpu.memory_space<hbm>>
      %dma_wait3A_37 = tpu.memref_slice %arg4[%add3A_10] : memref<327680xi32, #tpu.memory_space<hbm>> -> memref<80xi32, #tpu.memory_space<hbm>>
      tpu.wait_dma2 semaphore(%run_scoped3A : memref<!tpu.dma_semaphore, #tpu.memory_space<semaphore_mem>>) src(%dma_wait3A_37 : memref<80xi32, #tpu.memory_space<hbm>>) dst(%arg8 : memref<80xi32, #tpu.memory_space<vmem>>)
      tpu.yield
    }) : () -> ()
    %dma_start3A = arith.constant 0 : i32
    %dma_start3A_11 = arith.constant 0 : i32
    %dma_start3A_12 = tpu.memref_slice %arg6[%dma_start3A, %dma_start3A_11] : memref<10000x128xf32, #tpu.memory_space<vmem_shared>> -> memref<10000x128xf32, #tpu.memory_space<vmem_shared>>
    tpu.enqueue_indirect_dma source(%dma_start3A_12 : memref<10000x128xf32, #tpu.memory_space<vmem_shared>>) target(%arg11 : memref<80x128xf32, #tpu.memory_space<vmem>>) offsets(%arg7 : memref<80xi32, #tpu.memory_space<vmem>>) semaphore(%arg17 : memref<!tpu.dma_semaphore, #tpu.memory_space<semaphore_mem>>)
    %dma_start3A_13 = arith.constant 0 : i32
    %dma_start3A_14 = arith.constant 0 : i32
    %dma_start3A_15 = tpu.memref_slice %arg6[%dma_start3A_13, %dma_start3A_14] : memref<10000x128xf32, #tpu.memory_space<vmem_shared>> -> memref<10000x128xf32, #tpu.memory_space<vmem_shared>>
    tpu.enqueue_indirect_dma source(%dma_start3A_15 : memref<10000x128xf32, #tpu.memory_space<vmem_shared>>) target(%arg12 : memref<80x128xf32, #tpu.memory_space<vmem>>) offsets(%arg8 : memref<80xi32, #tpu.memory_space<vmem>>) semaphore(%arg17 : memref<!tpu.dma_semaphore, #tpu.memory_space<semaphore_mem>>)
    %add3A_16 = arith.constant 80 : i32
    %add3A_17 = arith.addi %mul3A_2, %add3A_16 : i32
    %dma_start3A_18 = tpu.memref_slice %arg3[%add3A_17] : memref<327680xi32, #tpu.memory_space<hbm>> -> memref<80xi32, #tpu.memory_space<hbm>>
    %dma_start3A_19 = tpu.memref_slice %arg3[%add3A_17] : memref<327680xi32, #tpu.memory_space<hbm>> -> memref<80xi32, #tpu.memory_space<hbm>>
    tpu.enqueue_dma source(%dma_start3A_19 : memref<80xi32, #tpu.memory_space<hbm>>) target(%arg9 : memref<80xi32, #tpu.memory_space<vmem>>) target_semaphore(%arg20 : memref<!tpu.dma_semaphore, #tpu.memory_space<semaphore_mem>>)
    %dma_start3A_20 = tpu.memref_slice %arg4[%add3A_17] : memref<327680xi32, #tpu.memory_space<hbm>> -> memref<80xi32, #tpu.memory_space<hbm>>
    %dma_start3A_21 = tpu.memref_slice %arg4[%add3A_17] : memref<327680xi32, #tpu.memory_space<hbm>> -> memref<80xi32, #tpu.memory_space<hbm>>
    tpu.enqueue_dma source(%dma_start3A_21 : memref<80xi32, #tpu.memory_space<hbm>>) target(%arg10 : memref<80xi32, #tpu.memory_space<vmem>>) target_semaphore(%arg20 : memref<!tpu.dma_semaphore, #tpu.memory_space<semaphore_mem>>)
    %scan3A = arith.constant 0 : i32
    %scan3A_22 = arith.constant 0 : i32
    %scan3A_23 = arith.constant 64 : i32
    %scan3A_24 = arith.addi %scan3A_22, %scan3A_23 : i32
    %scan3A_25 = arith.constant 1 : i32
    scf.for %scan3A_34 = %scan3A_22 to %scan3A_24 step %scan3A_25  : i32 {
      %mul3A_35 = arith.constant 2 : i32
      %mul3A_36 = arith.muli %mul3A_35, %scan3A_34 : i32
      %add3A_37 = arith.constant 1 : i32
      %add3A_38 = arith.addi %mul3A_36, %add3A_37 : i32
      %mul3A_39 = arith.constant 80 : i32
      %mul3A_40 = arith.muli %add3A_38, %mul3A_39 : i32
      %add3A_41 = arith.addi %mul3A_2, %mul3A_40 : i32
      %dma_wait3A_42 = tpu.memref_slice %arg3[%add3A_41] : memref<327680xi32, #tpu.memory_space<hbm>> -> memref<80xi32, #tpu.memory_space<hbm>>
      %dma_wait3A_43 = tpu.memref_slice %arg3[%add3A_41] : memref<327680xi32, #tpu.memory_space<hbm>> -> memref<80xi32, #tpu.memory_space<hbm>>
      tpu.wait_dma2 semaphore(%arg20 : memref<!tpu.dma_semaphore, #tpu.memory_space<semaphore_mem>>) src(%dma_wait3A_43 : memref<80xi32, #tpu.memory_space<hbm>>) dst(%arg9 : memref<80xi32, #tpu.memory_space<vmem>>)
      %dma_wait3A_44 = tpu.memref_slice %arg4[%add3A_41] : memref<327680xi32, #tpu.memory_space<hbm>> -> memref<80xi32, #tpu.memory_space<hbm>>
      %dma_wait3A_45 = tpu.memref_slice %arg4[%add3A_41] : memref<327680xi32, #tpu.memory_space<hbm>> -> memref<80xi32, #tpu.memory_space<hbm>>
      tpu.wait_dma2 semaphore(%arg20 : memref<!tpu.dma_semaphore, #tpu.memory_space<semaphore_mem>>) src(%dma_wait3A_45 : memref<80xi32, #tpu.memory_space<hbm>>) dst(%arg10 : memref<80xi32, #tpu.memory_space<vmem>>)
      %dma_start3A_46 = arith.constant 0 : i32
      %dma_start3A_47 = arith.constant 0 : i32
      %dma_start3A_48 = tpu.memref_slice %arg6[%dma_start3A_46, %dma_start3A_47] : memref<10000x128xf32, #tpu.memory_space<vmem_shared>> -> memref<10000x128xf32, #tpu.memory_space<vmem_shared>>
      tpu.enqueue_indirect_dma source(%dma_start3A_48 : memref<10000x128xf32, #tpu.memory_space<vmem_shared>>) target(%arg13 : memref<80x128xf32, #tpu.memory_space<vmem>>) offsets(%arg9 : memref<80xi32, #tpu.memory_space<vmem>>) semaphore(%arg18 : memref<!tpu.dma_semaphore, #tpu.memory_space<semaphore_mem>>)
      %dma_start3A_49 = arith.constant 0 : i32
      %dma_start3A_50 = arith.constant 0 : i32
      %dma_start3A_51 = tpu.memref_slice %arg6[%dma_start3A_49, %dma_start3A_50] : memref<10000x128xf32, #tpu.memory_space<vmem_shared>> -> memref<10000x128xf32, #tpu.memory_space<vmem_shared>>
      tpu.enqueue_indirect_dma source(%dma_start3A_51 : memref<10000x128xf32, #tpu.memory_space<vmem_shared>>) target(%arg14 : memref<80x128xf32, #tpu.memory_space<vmem>>) offsets(%arg10 : memref<80xi32, #tpu.memory_space<vmem>>) semaphore(%arg18 : memref<!tpu.dma_semaphore, #tpu.memory_space<semaphore_mem>>)
      %dma_wait3A_52 = arith.constant 0 : i32
      %dma_wait3A_53 = arith.constant 0 : i32
      %dma_wait3A_54 = tpu.memref_slice %arg6[%dma_wait3A_52, %dma_wait3A_53] : memref<10000x128xf32, #tpu.memory_space<vmem_shared>> -> memref<10000x128xf32, #tpu.memory_space<vmem_shared>>
      tpu.wait_indirect_dma semaphore(%arg17 : memref<!tpu.dma_semaphore, #tpu.memory_space<semaphore_mem>>) src(%dma_wait3A_54 : memref<10000x128xf32, #tpu.memory_space<vmem_shared>>) dst(%arg11 : memref<80x128xf32, #tpu.memory_space<vmem>>)
      %dma_wait3A_55 = arith.constant 0 : i32
      %dma_wait3A_56 = arith.constant 0 : i32
      %dma_wait3A_57 = tpu.memref_slice %arg6[%dma_wait3A_55, %dma_wait3A_56] : memref<10000x128xf32, #tpu.memory_space<vmem_shared>> -> memref<10000x128xf32, #tpu.memory_space<vmem_shared>>
      tpu.wait_indirect_dma semaphore(%arg17 : memref<!tpu.dma_semaphore, #tpu.memory_space<semaphore_mem>>) src(%dma_wait3A_57 : memref<10000x128xf32, #tpu.memory_space<vmem_shared>>) dst(%arg12 : memref<80x128xf32, #tpu.memory_space<vmem>>)
      %add3A_58 = arith.constant 2 : i32
      %add3A_59 = arith.addi %mul3A_36, %add3A_58 : i32
      %lt3A_60 = arith.constant 128 : i32
      %lt3A_61 = arith.cmpi slt, %add3A_59, %lt3A_60 : i32
      %convert_element_type3A_62 = arith.extui %lt3A_61 : i1 to i32
      %cond3A_63 = arith.constant 0 : i32
      %cond3A_64 = arith.cmpi ne, %convert_element_type3A_62, %cond3A_63 : i32
      scf.if %cond3A_64 {
        %add3A_111 = arith.constant 2 : i32
        %add3A_112 = arith.addi %mul3A_36, %add3A_111 : i32
        %mul3A_113 = arith.constant 80 : i32
        %mul3A_114 = arith.muli %add3A_112, %mul3A_113 : i32
        %add3A_115 = arith.addi %mul3A_2, %mul3A_114 : i32
        %dma_start3A_116 = tpu.memref_slice %arg3[%add3A_115] : memref<327680xi32, #tpu.memory_space<hbm>> -> memref<80xi32, #tpu.memory_space<hbm>>
        %dma_start3A_117 = tpu.memref_slice %arg3[%add3A_115] : memref<327680xi32, #tpu.memory_space<hbm>> -> memref<80xi32, #tpu.memory_space<hbm>>
        tpu.enqueue_dma source(%dma_start3A_117 : memref<80xi32, #tpu.memory_space<hbm>>) target(%arg7 : memref<80xi32, #tpu.memory_space<vmem>>) target_semaphore(%arg19 : memref<!tpu.dma_semaphore, #tpu.memory_space<semaphore_mem>>)
        %dma_start3A_118 = tpu.memref_slice %arg4[%add3A_115] : memref<327680xi32, #tpu.memory_space<hbm>> -> memref<80xi32, #tpu.memory_space<hbm>>
        %dma_start3A_119 = tpu.memref_slice %arg4[%add3A_115] : memref<327680xi32, #tpu.memory_space<hbm>> -> memref<80xi32, #tpu.memory_space<hbm>>
        tpu.enqueue_dma source(%dma_start3A_119 : memref<80xi32, #tpu.memory_space<hbm>>) target(%arg8 : memref<80xi32, #tpu.memory_space<vmem>>) target_semaphore(%arg19 : memref<!tpu.dma_semaphore, #tpu.memory_space<semaphore_mem>>)
      } else {
      }
      %ge3A = arith.constant 1 : i32
      %ge3A_65 = arith.cmpi sge, %scan3A_34, %ge3A : i32
      %convert_element_type3A_66 = arith.extui %ge3A_65 : i1 to i32
      %cond3A_67 = arith.constant 0 : i32
      %cond3A_68 = arith.cmpi ne, %convert_element_type3A_66, %cond3A_67 : i32
      scf.if %cond3A_68 {
        %sub3A = arith.constant 2 : i32
        %sub3A_111 = arith.subi %mul3A_36, %sub3A : i32
        %mul3A_112 = arith.constant 80 : i32
        %mul3A_113 = arith.muli %sub3A_111, %mul3A_112 : i32
        %add3A_114 = arith.addi %mul3A_2, %mul3A_113 : i32
        %dma_wait3A_115 = tpu.memref_slice %arg5[%add3A_114] : memref<327680xf32, #tpu.memory_space<hbm>> -> memref<80xf32, #tpu.memory_space<hbm>>
        %dma_wait3A_116 = tpu.memref_slice %arg5[%add3A_114] : memref<327680xf32, #tpu.memory_space<hbm>> -> memref<80xf32, #tpu.memory_space<hbm>>
        tpu.wait_dma2 semaphore(%arg21 : memref<!tpu.dma_semaphore, #tpu.memory_space<semaphore_mem>>) src(%arg15 : memref<80xf32, #tpu.memory_space<vmem>>) dst(%dma_wait3A_116 : memref<80xf32, #tpu.memory_space<hbm>>)
      } else {
      }
      %parallel_loop3A = arith.constant 0 : i32
      %parallel_loop3A_69 = arith.constant 80 : i32
      %parallel_loop3A_70 = arith.constant 16 : i32
      scf.for %parallel_loop3A_111 = %parallel_loop3A to %parallel_loop3A_69 step %parallel_loop3A_70  : i32 {
        %parallel_loop3A_112 = tpu.iota {dimensions = array<i32: 0>} : vector<16xi32>
        %parallel_loop3A_113 = arith.constant 15 : i32
        %parallel_loop3A_114 = vector.broadcast %parallel_loop3A_113 : i32 to vector<16xi32>
        %parallel_loop3A_115 = arith.constant 0.000000e+00 : f32
        %parallel_loop3A_116 = vector.broadcast %parallel_loop3A_115 : f32 to vector<16xf32>
        %parallel_loop3A_117 = arith.constant 0 : i32
        %parallel_loop3A_118 = arith.addi %parallel_loop3A_111, %parallel_loop3A_117 : i32
        %parallel_loop3A_119 = arith.index_cast %parallel_loop3A_118 : i32 to index
        %parallel_loop3A_120 = arith.constant 0 : index
        %parallel_loop3A_121 = tpu.vector_load %arg11[%parallel_loop3A_119, %parallel_loop3A_120] {strides = array<i32>} : memref<80x128xf32, #tpu.memory_space<vmem>>, vector<16xf32>,
        %parallel_loop3A_122 = arith.index_cast %parallel_loop3A_118 : i32 to index
        %parallel_loop3A_123 = arith.constant 0 : index
        %parallel_loop3A_124 = tpu.vector_load %arg12[%parallel_loop3A_122, %parallel_loop3A_123] {strides = array<i32>} : memref<80x128xf32, #tpu.memory_space<vmem>>, vector<16xf32>,
        %parallel_loop3A_125 = arith.mulf %parallel_loop3A_121, %parallel_loop3A_124 : vector<16xf32>
        %parallel_loop3A_126 = arith.index_cast %parallel_loop3A_118 : i32 to index
        %parallel_loop3A_127 = arith.constant 16 : index
        %parallel_loop3A_128 = tpu.vector_load %arg11[%parallel_loop3A_126, %parallel_loop3A_127] {strides = array<i32>} : memref<80x128xf32, #tpu.memory_space<vmem>>, vector<16xf32>,
        %parallel_loop3A_129 = arith.index_cast %parallel_loop3A_118 : i32 to index
        %parallel_loop3A_130 = arith.constant 16 : index
        %parallel_loop3A_131 = tpu.vector_load %arg12[%parallel_loop3A_129, %parallel_loop3A_130] {strides = array<i32>} : memref<80x128xf32, #tpu.memory_space<vmem>>, vector<16xf32>,
        %parallel_loop3A_132 = arith.mulf %parallel_loop3A_128, %parallel_loop3A_131 : vector<16xf32>
        %parallel_loop3A_133 = arith.addf %parallel_loop3A_125, %parallel_loop3A_132 : vector<16xf32>
        %parallel_loop3A_134 = arith.index_cast %parallel_loop3A_118 : i32 to index
        %parallel_loop3A_135 = arith.constant 32 : index
        %parallel_loop3A_136 = tpu.vector_load %arg11[%parallel_loop3A_134, %parallel_loop3A_135] {strides = array<i32>} : memref<80x128xf32, #tpu.memory_space<vmem>>, vector<16xf32>,
        %parallel_loop3A_137 = arith.index_cast %parallel_loop3A_118 : i32 to index
        %parallel_loop3A_138 = arith.constant 32 : index
        %parallel_loop3A_139 = tpu.vector_load %arg12[%parallel_loop3A_137, %parallel_loop3A_138] {strides = array<i32>} : memref<80x128xf32, #tpu.memory_space<vmem>>, vector<16xf32>,
        %parallel_loop3A_140 = arith.mulf %parallel_loop3A_136, %parallel_loop3A_139 : vector<16xf32>
        %parallel_loop3A_141 = arith.addf %parallel_loop3A_133, %parallel_loop3A_140 : vector<16xf32>
        %parallel_loop3A_142 = arith.index_cast %parallel_loop3A_118 : i32 to index
        %parallel_loop3A_143 = arith.constant 48 : index
        %parallel_loop3A_144 = tpu.vector_load %arg11[%parallel_loop3A_142, %parallel_loop3A_143] {strides = array<i32>} : memref<80x128xf32, #tpu.memory_space<vmem>>, vector<16xf32>,
        %parallel_loop3A_145 = arith.index_cast %parallel_loop3A_118 : i32 to index
        %parallel_loop3A_146 = arith.constant 48 : index
        %parallel_loop3A_147 = tpu.vector_load %arg12[%parallel_loop3A_145, %parallel_loop3A_146] {strides = array<i32>} : memref<80x128xf32, #tpu.memory_space<vmem>>, vector<16xf32>,
        %parallel_loop3A_148 = arith.mulf %parallel_loop3A_144, %parallel_loop3A_147 : vector<16xf32>
        %parallel_loop3A_149 = arith.addf %parallel_loop3A_141, %parallel_loop3A_148 : vector<16xf32>
        %parallel_loop3A_150 = arith.index_cast %parallel_loop3A_118 : i32 to index
        %parallel_loop3A_151 = arith.constant 64 : index
        %parallel_loop3A_152 = tpu.vector_load %arg11[%parallel_loop3A_150, %parallel_loop3A_151] {strides = array<i32>} : memref<80x128xf32, #tpu.memory_space<vmem>>, vector<16xf32>,
        %parallel_loop3A_153 = arith.index_cast %parallel_loop3A_118 : i32 to index
        %parallel_loop3A_154 = arith.constant 64 : index
        %parallel_loop3A_155 = tpu.vector_load %arg12[%parallel_loop3A_153, %parallel_loop3A_154] {strides = array<i32>} : memref<80x128xf32, #tpu.memory_space<vmem>>, vector<16xf32>,
        %parallel_loop3A_156 = arith.mulf %parallel_loop3A_152, %parallel_loop3A_155 : vector<16xf32>
        %parallel_loop3A_157 = arith.addf %parallel_loop3A_149, %parallel_loop3A_156 : vector<16xf32>
        %parallel_loop3A_158 = arith.index_cast %parallel_loop3A_118 : i32 to index
        %parallel_loop3A_159 = arith.constant 80 : index
        %parallel_loop3A_160 = tpu.vector_load %arg11[%parallel_loop3A_158, %parallel_loop3A_159] {strides = array<i32>} : memref<80x128xf32, #tpu.memory_space<vmem>>, vector<16xf32>,
        %parallel_loop3A_161 = arith.index_cast %parallel_loop3A_118 : i32 to index
        %parallel_loop3A_162 = arith.constant 80 : index
        %parallel_loop3A_163 = tpu.vector_load %arg12[%parallel_loop3A_161, %parallel_loop3A_162] {strides = array<i32>} : memref<80x128xf32, #tpu.memory_space<vmem>>, vector<16xf32>,
        %parallel_loop3A_164 = arith.mulf %parallel_loop3A_160, %parallel_loop3A_163 : vector<16xf32>
        %parallel_loop3A_165 = arith.addf %parallel_loop3A_157, %parallel_loop3A_164 : vector<16xf32>
        %parallel_loop3A_166 = arith.index_cast %parallel_loop3A_118 : i32 to index
        %parallel_loop3A_167 = arith.constant 96 : index
        %parallel_loop3A_168 = tpu.vector_load %arg11[%parallel_loop3A_166, %parallel_loop3A_167] {strides = array<i32>} : memref<80x128xf32, #tpu.memory_space<vmem>>, vector<16xf32>,
        %parallel_loop3A_169 = arith.index_cast %parallel_loop3A_118 : i32 to index
        %parallel_loop3A_170 = arith.constant 96 : index
        %parallel_loop3A_171 = tpu.vector_load %arg12[%parallel_loop3A_169, %parallel_loop3A_170] {strides = array<i32>} : memref<80x128xf32, #tpu.memory_space<vmem>>, vector<16xf32>,
        %parallel_loop3A_172 = arith.mulf %parallel_loop3A_168, %parallel_loop3A_171 : vector<16xf32>
        %parallel_loop3A_173 = arith.addf %parallel_loop3A_165, %parallel_loop3A_172 : vector<16xf32>
        %parallel_loop3A_174 = arith.index_cast %parallel_loop3A_118 : i32 to index
        %parallel_loop3A_175 = arith.constant 112 : index
        %parallel_loop3A_176 = tpu.vector_load %arg11[%parallel_loop3A_174, %parallel_loop3A_175] {strides = array<i32>} : memref<80x128xf32, #tpu.memory_space<vmem>>, vector<16xf32>,
        %parallel_loop3A_177 = arith.index_cast %parallel_loop3A_118 : i32 to index
        %parallel_loop3A_178 = arith.constant 112 : index
        %parallel_loop3A_179 = tpu.vector_load %arg12[%parallel_loop3A_177, %parallel_loop3A_178] {strides = array<i32>} : memref<80x128xf32, #tpu.memory_space<vmem>>, vector<16xf32>,
        %parallel_loop3A_180 = arith.mulf %parallel_loop3A_176, %parallel_loop3A_179 : vector<16xf32>
        %parallel_loop3A_181 = arith.addf %parallel_loop3A_173, %parallel_loop3A_180 : vector<16xf32>
        %parallel_loop3A_182 = arith.constant true
        %parallel_loop3A_183 = vector.broadcast %parallel_loop3A_182 : i1 to vector<16xi1>
        %parallel_loop3A_184 = tpu.scan <sum>, %parallel_loop3A_181 masked %parallel_loop3A_183 : vector<16xf32>, vector<16xi1> -> vector<16xf32>
        %parallel_loop3A_185 = arith.constant 0 : i32
        %parallel_loop3A_186 = vector.broadcast %parallel_loop3A_185 : i32 to vector<16xi32>
        %parallel_loop3A_187 = arith.cmpi eq, %parallel_loop3A_112, %parallel_loop3A_186 : vector<16xi32>
        %parallel_loop3A_188 = arith.constant 0 : i32
        %parallel_loop3A_189 = vector.broadcast %parallel_loop3A_188 : i32 to vector<16xi32>
        %parallel_loop3A_190 = arith.cmpi slt, %parallel_loop3A_114, %parallel_loop3A_189 : vector<16xi32>
        %parallel_loop3A_191 = arith.constant 16 : i32
        %parallel_loop3A_192 = vector.broadcast %parallel_loop3A_191 : i32 to vector<16xi32>
        %parallel_loop3A_193 = arith.addi %parallel_loop3A_114, %parallel_loop3A_192 : vector<16xi32>
        %parallel_loop3A_194 = arith.select %parallel_loop3A_190, %parallel_loop3A_193, %parallel_loop3A_114 : vector<16xi1>, vector<16xi32>
        %parallel_loop3A_195 = vector.shape_cast %parallel_loop3A_194 : vector<16xi32> to vector<16x1xi32>
        %parallel_loop3A_196 = vector.shape_cast %parallel_loop3A_195 : vector<16x1xi32> to vector<16xi32>
        %parallel_loop3A_197 = tpu.dynamic_gather %parallel_loop3A_184[%parallel_loop3A_196] in [0] : vector<16xf32>, vector<16xi32> -> vector<16xf32>
        %parallel_loop3A_198 = arith.select %parallel_loop3A_187, %parallel_loop3A_197, %parallel_loop3A_116 : vector<16xi1>, vector<16xf32>
        %parallel_loop3A_199 = arith.constant 1 : i32
        %parallel_loop3A_200 = arith.addi %parallel_loop3A_111, %parallel_loop3A_199 : i32
        %parallel_loop3A_201 = arith.index_cast %parallel_loop3A_200 : i32 to index
        %parallel_loop3A_202 = arith.constant 0 : index
        %parallel_loop3A_203 = tpu.vector_load %arg11[%parallel_loop3A_201, %parallel_loop3A_202] {strides = array<i32>} : memref<80x128xf32, #tpu.memory_space<vmem>>, vector<16xf32>,
        %parallel_loop3A_204 = arith.index_cast %parallel_loop3A_200 : i32 to index
        %parallel_loop3A_205 = arith.constant 0 : index
        %parallel_loop3A_206 = tpu.vector_load %arg12[%parallel_loop3A_204, %parallel_loop3A_205] {strides = array<i32>} : memref<80x128xf32, #tpu.memory_space<vmem>>, vector<16xf32>,
        %parallel_loop3A_207 = arith.mulf %parallel_loop3A_203, %parallel_loop3A_206 : vector<16xf32>
        %parallel_loop3A_208 = arith.index_cast %parallel_loop3A_200 : i32 to index
        %parallel_loop3A_209 = arith.constant 16 : index
        %parallel_loop3A_210 = tpu.vector_load %arg11[%parallel_loop3A_208, %parallel_loop3A_209] {strides = array<i32>} : memref<80x128xf32, #tpu.memory_space<vmem>>, vector<16xf32>,
        %parallel_loop3A_211 = arith.index_cast %parallel_loop3A_200 : i32 to index
        %parallel_loop3A_212 = arith.constant 16 : index
        %parallel_loop3A_213 = tpu.vector_load %arg12[%parallel_loop3A_211, %parallel_loop3A_212] {strides = array<i32>} : memref<80x128xf32, #tpu.memory_space<vmem>>, vector<16xf32>,
        %parallel_loop3A_214 = arith.mulf %parallel_loop3A_210, %parallel_loop3A_213 : vector<16xf32>
        %parallel_loop3A_215 = arith.addf %parallel_loop3A_207, %parallel_loop3A_214 : vector<16xf32>
        %parallel_loop3A_216 = arith.index_cast %parallel_loop3A_200 : i32 to index
        %parallel_loop3A_217 = arith.constant 32 : index
        %parallel_loop3A_218 = tpu.vector_load %arg11[%parallel_loop3A_216, %parallel_loop3A_217] {strides = array<i32>} : memref<80x128xf32, #tpu.memory_space<vmem>>, vector<16xf32>,
        %parallel_loop3A_219 = arith.index_cast %parallel_loop3A_200 : i32 to index
        %parallel_loop3A_220 = arith.constant 32 : index
        %parallel_loop3A_221 = tpu.vector_load %arg12[%parallel_loop3A_219, %parallel_loop3A_220] {strides = array<i32>} : memref<80x128xf32, #tpu.memory_space<vmem>>, vector<16xf32>,
        %parallel_loop3A_222 = arith.mulf %parallel_loop3A_218, %parallel_loop3A_221 : vector<16xf32>
        %parallel_loop3A_223 = arith.addf %parallel_loop3A_215, %parallel_loop3A_222 : vector<16xf32>
        %parallel_loop3A_224 = arith.index_cast %parallel_loop3A_200 : i32 to index
        %parallel_loop3A_225 = arith.constant 48 : index
        %parallel_loop3A_226 = tpu.vector_load %arg11[%parallel_loop3A_224, %parallel_loop3A_225] {strides = array<i32>} : memref<80x128xf32, #tpu.memory_space<vmem>>, vector<16xf32>,
        %parallel_loop3A_227 = arith.index_cast %parallel_loop3A_200 : i32 to index
        %parallel_loop3A_228 = arith.constant 48 : index
        %parallel_loop3A_229 = tpu.vector_load %arg12[%parallel_loop3A_227, %parallel_loop3A_228] {strides = array<i32>} : memref<80x128xf32, #tpu.memory_space<vmem>>, vector<16xf32>,
        %parallel_loop3A_230 = arith.mulf %parallel_loop3A_226, %parallel_loop3A_229 : vector<16xf32>
        %parallel_loop3A_231 = arith.addf %parallel_loop3A_223, %parallel_loop3A_230 : vector<16xf32>
        %parallel_loop3A_232 = arith.index_cast %parallel_loop3A_200 : i32 to index
        %parallel_loop3A_233 = arith.constant 64 : index
        %parallel_loop3A_234 = tpu.vector_load %arg11[%parallel_loop3A_232, %parallel_loop3A_233] {strides = array<i32>} : memref<80x128xf32, #tpu.memory_space<vmem>>, vector<16xf32>,
        %parallel_loop3A_235 = arith.index_cast %parallel_loop3A_200 : i32 to index
        %parallel_loop3A_236 = arith.constant 64 : index
        %parallel_loop3A_237 = tpu.vector_load %arg12[%parallel_loop3A_235, %parallel_loop3A_236] {strides = array<i32>} : memref<80x128xf32, #tpu.memory_space<vmem>>, vector<16xf32>,
        %parallel_loop3A_238 = arith.mulf %parallel_loop3A_234, %parallel_loop3A_237 : vector<16xf32>
        %parallel_loop3A_239 = arith.addf %parallel_loop3A_231, %parallel_loop3A_238 : vector<16xf32>
        %parallel_loop3A_240 = arith.index_cast %parallel_loop3A_200 : i32 to index
        %parallel_loop3A_241 = arith.constant 80 : index
        %parallel_loop3A_242 = tpu.vector_load %arg11[%parallel_loop3A_240, %parallel_loop3A_241] {strides = array<i32>} : memref<80x128xf32, #tpu.memory_space<vmem>>, vector<16xf32>,
        %parallel_loop3A_243 = arith.index_cast %parallel_loop3A_200 : i32 to index
        %parallel_loop3A_244 = arith.constant 80 : index
        %parallel_loop3A_245 = tpu.vector_load %arg12[%parallel_loop3A_243, %parallel_loop3A_244] {strides = array<i32>} : memref<80x128xf32, #tpu.memory_space<vmem>>, vector<16xf32>,
        %parallel_loop3A_246 = arith.mulf %parallel_loop3A_242, %parallel_loop3A_245 : vector<16xf32>
        %parallel_loop3A_247 = arith.addf %parallel_loop3A_239, %parallel_loop3A_246 : vector<16xf32>
        %parallel_loop3A_248 = arith.index_cast %parallel_loop3A_200 : i32 to index
        %parallel_loop3A_249 = arith.constant 96 : index
        %parallel_loop3A_250 = tpu.vector_load %arg11[%parallel_loop3A_248, %parallel_loop3A_249] {strides = array<i32>} : memref<80x128xf32, #tpu.memory_space<vmem>>, vector<16xf32>,
        %parallel_loop3A_251 = arith.index_cast %parallel_loop3A_200 : i32 to index
        %parallel_loop3A_252 = arith.constant 96 : index
        %parallel_loop3A_253 = tpu.vector_load %arg12[%parallel_loop3A_251, %parallel_loop3A_252] {strides = array<i32>} : memref<80x128xf32, #tpu.memory_space<vmem>>, vector<16xf32>,
        %parallel_loop3A_254 = arith.mulf %parallel_loop3A_250, %parallel_loop3A_253 : vector<16xf32>
        %parallel_loop3A_255 = arith.addf %parallel_loop3A_247, %parallel_loop3A_254 : vector<16xf32>
        %parallel_loop3A_256 = arith.index_cast %parallel_loop3A_200 : i32 to index
        %parallel_loop3A_257 = arith.constant 112 : index
        %parallel_loop3A_258 = tpu.vector_load %arg11[%parallel_loop3A_256, %parallel_loop3A_257] {strides = array<i32>} : memref<80x128xf32, #tpu.memory_space<vmem>>, vector<16xf32>,
        %parallel_loop3A_259 = arith.index_cast %parallel_loop3A_200 : i32 to index
        %parallel_loop3A_260 = arith.constant 112 : index
        %parallel_loop3A_261 = tpu.vector_load %arg12[%parallel_loop3A_259, %parallel_loop3A_260] {strides = array<i32>} : memref<80x128xf32, #tpu.memory_space<vmem>>, vector<16xf32>,
        %parallel_loop3A_262 = arith.mulf %parallel_loop3A_258, %parallel_loop3A_261 : vector<16xf32>
        %parallel_loop3A_263 = arith.addf %parallel_loop3A_255, %parallel_loop3A_262 : vector<16xf32>
        %parallel_loop3A_264 = arith.constant true
        %parallel_loop3A_265 = vector.broadcast %parallel_loop3A_264 : i1 to vector<16xi1>
        %parallel_loop3A_266 = tpu.scan <sum>, %parallel_loop3A_263 masked %parallel_loop3A_265 : vector<16xf32>, vector<16xi1> -> vector<16xf32>
        %parallel_loop3A_267 = arith.constant 1 : i32
        %parallel_loop3A_268 = vector.broadcast %parallel_loop3A_267 : i32 to vector<16xi32>
        %parallel_loop3A_269 = arith.cmpi eq, %parallel_loop3A_112, %parallel_loop3A_268 : vector<16xi32>
        %parallel_loop3A_270 = arith.constant 0 : i32
        %parallel_loop3A_271 = vector.broadcast %parallel_loop3A_270 : i32 to vector<16xi32>
        %parallel_loop3A_272 = arith.cmpi slt, %parallel_loop3A_114, %parallel_loop3A_271 : vector<16xi32>
        %parallel_loop3A_273 = arith.constant 16 : i32
        %parallel_loop3A_274 = vector.broadcast %parallel_loop3A_273 : i32 to vector<16xi32>
        %parallel_loop3A_275 = arith.addi %parallel_loop3A_114, %parallel_loop3A_274 : vector<16xi32>
        %parallel_loop3A_276 = arith.select %parallel_loop3A_272, %parallel_loop3A_275, %parallel_loop3A_114 : vector<16xi1>, vector<16xi32>
        %parallel_loop3A_277 = vector.shape_cast %parallel_loop3A_276 : vector<16xi32> to vector<16x1xi32>
        %parallel_loop3A_278 = vector.shape_cast %parallel_loop3A_277 : vector<16x1xi32> to vector<16xi32>
        %parallel_loop3A_279 = tpu.dynamic_gather %parallel_loop3A_266[%parallel_loop3A_278] in [0] : vector<16xf32>, vector<16xi32> -> vector<16xf32>
        %parallel_loop3A_280 = arith.select %parallel_loop3A_269, %parallel_loop3A_279, %parallel_loop3A_198 : vector<16xi1>, vector<16xf32>
        %parallel_loop3A_281 = arith.constant 2 : i32
        %parallel_loop3A_282 = arith.addi %parallel_loop3A_111, %parallel_loop3A_281 : i32
        %parallel_loop3A_283 = arith.index_cast %parallel_loop3A_282 : i32 to index
        %parallel_loop3A_284 = arith.constant 0 : index
        %parallel_loop3A_285 = tpu.vector_load %arg11[%parallel_loop3A_283, %parallel_loop3A_284] {strides = array<i32>} : memref<80x128xf32, #tpu.memory_space<vmem>>, vector<16xf32>,
        %parallel_loop3A_286 = arith.index_cast %parallel_loop3A_282 : i32 to index
        %parallel_loop3A_287 = arith.constant 0 : index
        %parallel_loop3A_288 = tpu.vector_load %arg12[%parallel_loop3A_286, %parallel_loop3A_287] {strides = array<i32>} : memref<80x128xf32, #tpu.memory_space<vmem>>, vector<16xf32>,
        %parallel_loop3A_289 = arith.mulf %parallel_loop3A_285, %parallel_loop3A_288 : vector<16xf32>
        %parallel_loop3A_290 = arith.index_cast %parallel_loop3A_282 : i32 to index
        %parallel_loop3A_291 = arith.constant 16 : index
        %parallel_loop3A_292 = tpu.vector_load %arg11[%parallel_loop3A_290, %parallel_loop3A_291] {strides = array<i32>} : memref<80x128xf32, #tpu.memory_space<vmem>>, vector<16xf32>,
        %parallel_loop3A_293 = arith.index_cast %parallel_loop3A_282 : i32 to index
        %parallel_loop3A_294 = arith.constant 16 : index
        %parallel_loop3A_295 = tpu.vector_load %arg12[%parallel_loop3A_293, %parallel_loop3A_294] {strides = array<i32>} : memref<80x128xf32, #tpu.memory_space<vmem>>, vector<16xf32>,
        %parallel_loop3A_296 = arith.mulf %parallel_loop3A_292, %parallel_loop3A_295 : vector<16xf32>
        %parallel_loop3A_297 = arith.addf %parallel_loop3A_289, %parallel_loop3A_296 : vector<16xf32>
        %parallel_loop3A_298 = arith.index_cast %parallel_loop3A_282 : i32 to index
        %parallel_loop3A_299 = arith.constant 32 : index
        %parallel_loop3A_300 = tpu.vector_load %arg11[%parallel_loop3A_298, %parallel_loop3A_299] {strides = array<i32>} : memref<80x128xf32, #tpu.memory_space<vmem>>, vector<16xf32>,
        %parallel_loop3A_301 = arith.index_cast %parallel_loop3A_282 : i32 to index
        %parallel_loop3A_302 = arith.constant 32 : index
        %parallel_loop3A_303 = tpu.vector_load %arg12[%parallel_loop3A_301, %parallel_loop3A_302] {strides = array<i32>} : memref<80x128xf32, #tpu.memory_space<vmem>>, vector<16xf32>,
        %parallel_loop3A_304 = arith.mulf %parallel_loop3A_300, %parallel_loop3A_303 : vector<16xf32>
        %parallel_loop3A_305 = arith.addf %parallel_loop3A_297, %parallel_loop3A_304 : vector<16xf32>
        %parallel_loop3A_306 = arith.index_cast %parallel_loop3A_282 : i32 to index
        %parallel_loop3A_307 = arith.constant 48 : index
        %parallel_loop3A_308 = tpu.vector_load %arg11[%parallel_loop3A_306, %parallel_loop3A_307] {strides = array<i32>} : memref<80x128xf32, #tpu.memory_space<vmem>>, vector<16xf32>,
        %parallel_loop3A_309 = arith.index_cast %parallel_loop3A_282 : i32 to index
        %parallel_loop3A_310 = arith.constant 48 : index
        %parallel_loop3A_311 = tpu.vector_load %arg12[%parallel_loop3A_309, %parallel_loop3A_310] {strides = array<i32>} : memref<80x128xf32, #tpu.memory_space<vmem>>, vector<16xf32>,
        %parallel_loop3A_312 = arith.mulf %parallel_loop3A_308, %parallel_loop3A_311 : vector<16xf32>
        %parallel_loop3A_313 = arith.addf %parallel_loop3A_305, %parallel_loop3A_312 : vector<16xf32>
        %parallel_loop3A_314 = arith.index_cast %parallel_loop3A_282 : i32 to index
        %parallel_loop3A_315 = arith.constant 64 : index
        %parallel_loop3A_316 = tpu.vector_load %arg11[%parallel_loop3A_314, %parallel_loop3A_315] {strides = array<i32>} : memref<80x128xf32, #tpu.memory_space<vmem>>, vector<16xf32>,
        %parallel_loop3A_317 = arith.index_cast %parallel_loop3A_282 : i32 to index
        %parallel_loop3A_318 = arith.constant 64 : index
        %parallel_loop3A_319 = tpu.vector_load %arg12[%parallel_loop3A_317, %parallel_loop3A_318] {strides = array<i32>} : memref<80x128xf32, #tpu.memory_space<vmem>>, vector<16xf32>,
        %parallel_loop3A_320 = arith.mulf %parallel_loop3A_316, %parallel_loop3A_319 : vector<16xf32>
        %parallel_loop3A_321 = arith.addf %parallel_loop3A_313, %parallel_loop3A_320 : vector<16xf32>
        %parallel_loop3A_322 = arith.index_cast %parallel_loop3A_282 : i32 to index
        %parallel_loop3A_323 = arith.constant 80 : index
        %parallel_loop3A_324 = tpu.vector_load %arg11[%parallel_loop3A_322, %parallel_loop3A_323] {strides = array<i32>} : memref<80x128xf32, #tpu.memory_space<vmem>>, vector<16xf32>,
        %parallel_loop3A_325 = arith.index_cast %parallel_loop3A_282 : i32 to index
        %parallel_loop3A_326 = arith.constant 80 : index
        %parallel_loop3A_327 = tpu.vector_load %arg12[%parallel_loop3A_325, %parallel_loop3A_326] {strides = array<i32>} : memref<80x128xf32, #tpu.memory_space<vmem>>, vector<16xf32>,
        %parallel_loop3A_328 = arith.mulf %parallel_loop3A_324, %parallel_loop3A_327 : vector<16xf32>
        %parallel_loop3A_329 = arith.addf %parallel_loop3A_321, %parallel_loop3A_328 : vector<16xf32>
        %parallel_loop3A_330 = arith.index_cast %parallel_loop3A_282 : i32 to index
        %parallel_loop3A_331 = arith.constant 96 : index
        %parallel_loop3A_332 = tpu.vector_load %arg11[%parallel_loop3A_330, %parallel_loop3A_331] {strides = array<i32>} : memref<80x128xf32, #tpu.memory_space<vmem>>, vector<16xf32>,
        %parallel_loop3A_333 = arith.index_cast %parallel_loop3A_282 : i32 to index
        %parallel_loop3A_334 = arith.constant 96 : index
        %parallel_loop3A_335 = tpu.vector_load %arg12[%parallel_loop3A_333, %parallel_loop3A_334] {strides = array<i32>} : memref<80x128xf32, #tpu.memory_space<vmem>>, vector<16xf32>,
        %parallel_loop3A_336 = arith.mulf %parallel_loop3A_332, %parallel_loop3A_335 : vector<16xf32>
        %parallel_loop3A_337 = arith.addf %parallel_loop3A_329, %parallel_loop3A_336 : vector<16xf32>
        %parallel_loop3A_338 = arith.index_cast %parallel_loop3A_282 : i32 to index
        %parallel_loop3A_339 = arith.constant 112 : index
        %parallel_loop3A_340 = tpu.vector_load %arg11[%parallel_loop3A_338, %parallel_loop3A_339] {strides = array<i32>} : memref<80x128xf32, #tpu.memory_space<vmem>>, vector<16xf32>,
        %parallel_loop3A_341 = arith.index_cast %parallel_loop3A_282 : i32 to index
        %parallel_loop3A_342 = arith.constant 112 : index
        %parallel_loop3A_343 = tpu.vector_load %arg12[%parallel_loop3A_341, %parallel_loop3A_342] {strides = array<i32>} : memref<80x128xf32, #tpu.memory_space<vmem>>, vector<16xf32>,
        %parallel_loop3A_344 = arith.mulf %parallel_loop3A_340, %parallel_loop3A_343 : vector<16xf32>
        %parallel_loop3A_345 = arith.addf %parallel_loop3A_337, %parallel_loop3A_344 : vector<16xf32>
        %parallel_loop3A_346 = arith.constant true
        %parallel_loop3A_347 = vector.broadcast %parallel_loop3A_346 : i1 to vector<16xi1>
        %parallel_loop3A_348 = tpu.scan <sum>, %parallel_loop3A_345 masked %parallel_loop3A_347 : vector<16xf32>, vector<16xi1> -> vector<16xf32>
        %parallel_loop3A_349 = arith.constant 2 : i32
        %parallel_loop3A_350 = vector.broadcast %parallel_loop3A_349 : i32 to vector<16xi32>
        %parallel_loop3A_351 = arith.cmpi eq, %parallel_loop3A_112, %parallel_loop3A_350 : vector<16xi32>
        %parallel_loop3A_352 = arith.constant 0 : i32
        %parallel_loop3A_353 = vector.broadcast %parallel_loop3A_352 : i32 to vector<16xi32>
        %parallel_loop3A_354 = arith.cmpi slt, %parallel_loop3A_114, %parallel_loop3A_353 : vector<16xi32>
        %parallel_loop3A_355 = arith.constant 16 : i32
        %parallel_loop3A_356 = vector.broadcast %parallel_loop3A_355 : i32 to vector<16xi32>
        %parallel_loop3A_357 = arith.addi %parallel_loop3A_114, %parallel_loop3A_356 : vector<16xi32>
        %parallel_loop3A_358 = arith.select %parallel_loop3A_354, %parallel_loop3A_357, %parallel_loop3A_114 : vector<16xi1>, vector<16xi32>
        %parallel_loop3A_359 = vector.shape_cast %parallel_loop3A_358 : vector<16xi32> to vector<16x1xi32>
        %parallel_loop3A_360 = vector.shape_cast %parallel_loop3A_359 : vector<16x1xi32> to vector<16xi32>
        %parallel_loop3A_361 = tpu.dynamic_gather %parallel_loop3A_348[%parallel_loop3A_360] in [0] : vector<16xf32>, vector<16xi32> -> vector<16xf32>
        %parallel_loop3A_362 = arith.select %parallel_loop3A_351, %parallel_loop3A_361, %parallel_loop3A_280 : vector<16xi1>, vector<16xf32>
        %parallel_loop3A_363 = arith.constant 3 : i32
        %parallel_loop3A_364 = arith.addi %parallel_loop3A_111, %parallel_loop3A_363 : i32
        %parallel_loop3A_365 = arith.index_cast %parallel_loop3A_364 : i32 to index
        %parallel_loop3A_366 = arith.constant 0 : index
        %parallel_loop3A_367 = tpu.vector_load %arg11[%parallel_loop3A_365, %parallel_loop3A_366] {strides = array<i32>} : memref<80x128xf32, #tpu.memory_space<vmem>>, vector<16xf32>,
        %parallel_loop3A_368 = arith.index_cast %parallel_loop3A_364 : i32 to index
        %parallel_loop3A_369 = arith.constant 0 : index
        %parallel_loop3A_370 = tpu.vector_load %arg12[%parallel_loop3A_368, %parallel_loop3A_369] {strides = array<i32>} : memref<80x128xf32, #tpu.memory_space<vmem>>, vector<16xf32>,
        %parallel_loop3A_371 = arith.mulf %parallel_loop3A_367, %parallel_loop3A_370 : vector<16xf32>
        %parallel_loop3A_372 = arith.index_cast %parallel_loop3A_364 : i32 to index
        %parallel_loop3A_373 = arith.constant 16 : index
        %parallel_loop3A_374 = tpu.vector_load %arg11[%parallel_loop3A_372, %parallel_loop3A_373] {strides = array<i32>} : memref<80x128xf32, #tpu.memory_space<vmem>>, vector<16xf32>,
        %parallel_loop3A_375 = arith.index_cast %parallel_loop3A_364 : i32 to index
        %parallel_loop3A_376 = arith.constant 16 : index
        %parallel_loop3A_377 = tpu.vector_load %arg12[%parallel_loop3A_375, %parallel_loop3A_376] {strides = array<i32>} : memref<80x128xf32, #tpu.memory_space<vmem>>, vector<16xf32>,
        %parallel_loop3A_378 = arith.mulf %parallel_loop3A_374, %parallel_loop3A_377 : vector<16xf32>
        %parallel_loop3A_379 = arith.addf %parallel_loop3A_371, %parallel_loop3A_378 : vector<16xf32>
        %parallel_loop3A_380 = arith.index_cast %parallel_loop3A_364 : i32 to index
        %parallel_loop3A_381 = arith.constant 32 : index
        %parallel_loop3A_382 = tpu.vector_load %arg11[%parallel_loop3A_380, %parallel_loop3A_381] {strides = array<i32>} : memref<80x128xf32, #tpu.memory_space<vmem>>, vector<16xf32>,
        %parallel_loop3A_383 = arith.index_cast %parallel_loop3A_364 : i32 to index
        %parallel_loop3A_384 = arith.constant 32 : index
        %parallel_loop3A_385 = tpu.vector_load %arg12[%parallel_loop3A_383, %parallel_loop3A_384] {strides = array<i32>} : memref<80x128xf32, #tpu.memory_space<vmem>>, vector<16xf32>,
        %parallel_loop3A_386 = arith.mulf %parallel_loop3A_382, %parallel_loop3A_385 : vector<16xf32>
        %parallel_loop3A_387 = arith.addf %parallel_loop3A_379, %parallel_loop3A_386 : vector<16xf32>
        %parallel_loop3A_388 = arith.index_cast %parallel_loop3A_364 : i32 to index
        %parallel_loop3A_389 = arith.constant 48 : index
        %parallel_loop3A_390 = tpu.vector_load %arg11[%parallel_loop3A_388, %parallel_loop3A_389] {strides = array<i32>} : memref<80x128xf32, #tpu.memory_space<vmem>>, vector<16xf32>,
        %parallel_loop3A_391 = arith.index_cast %parallel_loop3A_364 : i32 to index
        %parallel_loop3A_392 = arith.constant 48 : index
        %parallel_loop3A_393 = tpu.vector_load %arg12[%parallel_loop3A_391, %parallel_loop3A_392] {strides = array<i32>} : memref<80x128xf32, #tpu.memory_space<vmem>>, vector<16xf32>,
        %parallel_loop3A_394 = arith.mulf %parallel_loop3A_390, %parallel_loop3A_393 : vector<16xf32>
        %parallel_loop3A_395 = arith.addf %parallel_loop3A_387, %parallel_loop3A_394 : vector<16xf32>
        %parallel_loop3A_396 = arith.index_cast %parallel_loop3A_364 : i32 to index
        %parallel_loop3A_397 = arith.constant 64 : index
        %parallel_loop3A_398 = tpu.vector_load %arg11[%parallel_loop3A_396, %parallel_loop3A_397] {strides = array<i32>} : memref<80x128xf32, #tpu.memory_space<vmem>>, vector<16xf32>,
        %parallel_loop3A_399 = arith.index_cast %parallel_loop3A_364 : i32 to index
        %parallel_loop3A_400 = arith.constant 64 : index
        %parallel_loop3A_401 = tpu.vector_load %arg12[%parallel_loop3A_399, %parallel_loop3A_400] {strides = array<i32>} : memref<80x128xf32, #tpu.memory_space<vmem>>, vector<16xf32>,
        %parallel_loop3A_402 = arith.mulf %parallel_loop3A_398, %parallel_loop3A_401 : vector<16xf32>
        %parallel_loop3A_403 = arith.addf %parallel_loop3A_395, %parallel_loop3A_402 : vector<16xf32>
        %parallel_loop3A_404 = arith.index_cast %parallel_loop3A_364 : i32 to index
        %parallel_loop3A_405 = arith.constant 80 : index
        %parallel_loop3A_406 = tpu.vector_load %arg11[%parallel_loop3A_404, %parallel_loop3A_405] {strides = array<i32>} : memref<80x128xf32, #tpu.memory_space<vmem>>, vector<16xf32>,
        %parallel_loop3A_407 = arith.index_cast %parallel_loop3A_364 : i32 to index
        %parallel_loop3A_408 = arith.constant 80 : index
        %parallel_loop3A_409 = tpu.vector_load %arg12[%parallel_loop3A_407, %parallel_loop3A_408] {strides = array<i32>} : memref<80x128xf32, #tpu.memory_space<vmem>>, vector<16xf32>,
        %parallel_loop3A_410 = arith.mulf %parallel_loop3A_406, %parallel_loop3A_409 : vector<16xf32>
        %parallel_loop3A_411 = arith.addf %parallel_loop3A_403, %parallel_loop3A_410 : vector<16xf32>
        %parallel_loop3A_412 = arith.index_cast %parallel_loop3A_364 : i32 to index
        %parallel_loop3A_413 = arith.constant 96 : index
        %parallel_loop3A_414 = tpu.vector_load %arg11[%parallel_loop3A_412, %parallel_loop3A_413] {strides = array<i32>} : memref<80x128xf32, #tpu.memory_space<vmem>>, vector<16xf32>,
        %parallel_loop3A_415 = arith.index_cast %parallel_loop3A_364 : i32 to index
        %parallel_loop3A_416 = arith.constant 96 : index
        %parallel_loop3A_417 = tpu.vector_load %arg12[%parallel_loop3A_415, %parallel_loop3A_416] {strides = array<i32>} : memref<80x128xf32, #tpu.memory_space<vmem>>, vector<16xf32>,
        %parallel_loop3A_418 = arith.mulf %parallel_loop3A_414, %parallel_loop3A_417 : vector<16xf32>
        %parallel_loop3A_419 = arith.addf %parallel_loop3A_411, %parallel_loop3A_418 : vector<16xf32>
        %parallel_loop3A_420 = arith.index_cast %parallel_loop3A_364 : i32 to index
        %parallel_loop3A_421 = arith.constant 112 : index
        %parallel_loop3A_422 = tpu.vector_load %arg11[%parallel_loop3A_420, %parallel_loop3A_421] {strides = array<i32>} : memref<80x128xf32, #tpu.memory_space<vmem>>, vector<16xf32>,
        %parallel_loop3A_423 = arith.index_cast %parallel_loop3A_364 : i32 to index
        %parallel_loop3A_424 = arith.constant 112 : index
        %parallel_loop3A_425 = tpu.vector_load %arg12[%parallel_loop3A_423, %parallel_loop3A_424] {strides = array<i32>} : memref<80x128xf32, #tpu.memory_space<vmem>>, vector<16xf32>,
        %parallel_loop3A_426 = arith.mulf %parallel_loop3A_422, %parallel_loop3A_425 : vector<16xf32>
        %parallel_loop3A_427 = arith.addf %parallel_loop3A_419, %parallel_loop3A_426 : vector<16xf32>
        %parallel_loop3A_428 = arith.constant true
        %parallel_loop3A_429 = vector.broadcast %parallel_loop3A_428 : i1 to vector<16xi1>
        %parallel_loop3A_430 = tpu.scan <sum>, %parallel_loop3A_427 masked %parallel_loop3A_429 : vector<16xf32>, vector<16xi1> -> vector<16xf32>
        %parallel_loop3A_431 = arith.constant 3 : i32
        %parallel_loop3A_432 = vector.broadcast %parallel_loop3A_431 : i32 to vector<16xi32>
        %parallel_loop3A_433 = arith.cmpi eq, %parallel_loop3A_112, %parallel_loop3A_432 : vector<16xi32>
        %parallel_loop3A_434 = arith.constant 0 : i32
        %parallel_loop3A_435 = vector.broadcast %parallel_loop3A_434 : i32 to vector<16xi32>
        %parallel_loop3A_436 = arith.cmpi slt, %parallel_loop3A_114, %parallel_loop3A_435 : vector<16xi32>
        %parallel_loop3A_437 = arith.constant 16 : i32
        %parallel_loop3A_438 = vector.broadcast %parallel_loop3A_437 : i32 to vector<16xi32>
        %parallel_loop3A_439 = arith.addi %parallel_loop3A_114, %parallel_loop3A_438 : vector<16xi32>
        %parallel_loop3A_440 = arith.select %parallel_loop3A_436, %parallel_loop3A_439, %parallel_loop3A_114 : vector<16xi1>, vector<16xi32>
        %parallel_loop3A_441 = vector.shape_cast %parallel_loop3A_440 : vector<16xi32> to vector<16x1xi32>
        %parallel_loop3A_442 = vector.shape_cast %parallel_loop3A_441 : vector<16x1xi32> to vector<16xi32>
        %parallel_loop3A_443 = tpu.dynamic_gather %parallel_loop3A_430[%parallel_loop3A_442] in [0] : vector<16xf32>, vector<16xi32> -> vector<16xf32>
        %parallel_loop3A_444 = arith.select %parallel_loop3A_433, %parallel_loop3A_443, %parallel_loop3A_362 : vector<16xi1>, vector<16xf32>
        %parallel_loop3A_445 = arith.constant 4 : i32
        %parallel_loop3A_446 = arith.addi %parallel_loop3A_111, %parallel_loop3A_445 : i32
        %parallel_loop3A_447 = arith.index_cast %parallel_loop3A_446 : i32 to index
        %parallel_loop3A_448 = arith.constant 0 : index
        %parallel_loop3A_449 = tpu.vector_load %arg11[%parallel_loop3A_447, %parallel_loop3A_448] {strides = array<i32>} : memref<80x128xf32, #tpu.memory_space<vmem>>, vector<16xf32>,
        %parallel_loop3A_450 = arith.index_cast %parallel_loop3A_446 : i32 to index
        %parallel_loop3A_451 = arith.constant 0 : index
        %parallel_loop3A_452 = tpu.vector_load %arg12[%parallel_loop3A_450, %parallel_loop3A_451] {strides = array<i32>} : memref<80x128xf32, #tpu.memory_space<vmem>>, vector<16xf32>,
        %parallel_loop3A_453 = arith.mulf %parallel_loop3A_449, %parallel_loop3A_452 : vector<16xf32>
        %parallel_loop3A_454 = arith.index_cast %parallel_loop3A_446 : i32 to index
        %parallel_loop3A_455 = arith.constant 16 : index
        %parallel_loop3A_456 = tpu.vector_load %arg11[%parallel_loop3A_454, %parallel_loop3A_455] {strides = array<i32>} : memref<80x128xf32, #tpu.memory_space<vmem>>, vector<16xf32>,
        %parallel_loop3A_457 = arith.index_cast %parallel_loop3A_446 : i32 to index
        %parallel_loop3A_458 = arith.constant 16 : index
        %parallel_loop3A_459 = tpu.vector_load %arg12[%parallel_loop3A_457, %parallel_loop3A_458] {strides = array<i32>} : memref<80x128xf32, #tpu.memory_space<vmem>>, vector<16xf32>,
        %parallel_loop3A_460 = arith.mulf %parallel_loop3A_456, %parallel_loop3A_459 : vector<16xf32>
        %parallel_loop3A_461 = arith.addf %parallel_loop3A_453, %parallel_loop3A_460 : vector<16xf32>
        %parallel_loop3A_462 = arith.index_cast %parallel_loop3A_446 : i32 to index
        %parallel_loop3A_463 = arith.constant 32 : index
        %parallel_loop3A_464 = tpu.vector_load %arg11[%parallel_loop3A_462, %parallel_loop3A_463] {strides = array<i32>} : memref<80x128xf32, #tpu.memory_space<vmem>>, vector<16xf32>,
        %parallel_loop3A_465 = arith.index_cast %parallel_loop3A_446 : i32 to index
        %parallel_loop3A_466 = arith.constant 32 : index
        %parallel_loop3A_467 = tpu.vector_load %arg12[%parallel_loop3A_465, %parallel_loop3A_466] {strides = array<i32>} : memref<80x128xf32, #tpu.memory_space<vmem>>, vector<16xf32>,
        %parallel_loop3A_468 = arith.mulf %parallel_loop3A_464, %parallel_loop3A_467 : vector<16xf32>
        %parallel_loop3A_469 = arith.addf %parallel_loop3A_461, %parallel_loop3A_468 : vector<16xf32>
        %parallel_loop3A_470 = arith.index_cast %parallel_loop3A_446 : i32 to index
        %parallel_loop3A_471 = arith.constant 48 : index
        %parallel_loop3A_472 = tpu.vector_load %arg11[%parallel_loop3A_470, %parallel_loop3A_471] {strides = array<i32>} : memref<80x128xf32, #tpu.memory_space<vmem>>, vector<16xf32>,
        %parallel_loop3A_473 = arith.index_cast %parallel_loop3A_446 : i32 to index
        %parallel_loop3A_474 = arith.constant 48 : index
        %parallel_loop3A_475 = tpu.vector_load %arg12[%parallel_loop3A_473, %parallel_loop3A_474] {strides = array<i32>} : memref<80x128xf32, #tpu.memory_space<vmem>>, vector<16xf32>,
        %parallel_loop3A_476 = arith.mulf %parallel_loop3A_472, %parallel_loop3A_475 : vector<16xf32>
        %parallel_loop3A_477 = arith.addf %parallel_loop3A_469, %parallel_loop3A_476 : vector<16xf32>
        %parallel_loop3A_478 = arith.index_cast %parallel_loop3A_446 : i32 to index
        %parallel_loop3A_479 = arith.constant 64 : index
        %parallel_loop3A_480 = tpu.vector_load %arg11[%parallel_loop3A_478, %parallel_loop3A_479] {strides = array<i32>} : memref<80x128xf32, #tpu.memory_space<vmem>>, vector<16xf32>,
        %parallel_loop3A_481 = arith.index_cast %parallel_loop3A_446 : i32 to index
        %parallel_loop3A_482 = arith.constant 64 : index
        %parallel_loop3A_483 = tpu.vector_load %arg12[%parallel_loop3A_481, %parallel_loop3A_482] {strides = array<i32>} : memref<80x128xf32, #tpu.memory_space<vmem>>, vector<16xf32>,
        %parallel_loop3A_484 = arith.mulf %parallel_loop3A_480, %parallel_loop3A_483 : vector<16xf32>
        %parallel_loop3A_485 = arith.addf %parallel_loop3A_477, %parallel_loop3A_484 : vector<16xf32>
        %parallel_loop3A_486 = arith.index_cast %parallel_loop3A_446 : i32 to index
        %parallel_loop3A_487 = arith.constant 80 : index
        %parallel_loop3A_488 = tpu.vector_load %arg11[%parallel_loop3A_486, %parallel_loop3A_487] {strides = array<i32>} : memref<80x128xf32, #tpu.memory_space<vmem>>, vector<16xf32>,
        %parallel_loop3A_489 = arith.index_cast %parallel_loop3A_446 : i32 to index
        %parallel_loop3A_490 = arith.constant 80 : index
        %parallel_loop3A_491 = tpu.vector_load %arg12[%parallel_loop3A_489, %parallel_loop3A_490] {strides = array<i32>} : memref<80x128xf32, #tpu.memory_space<vmem>>, vector<16xf32>,
        %parallel_loop3A_492 = arith.mulf %parallel_loop3A_488, %parallel_loop3A_491 : vector<16xf32>
        %parallel_loop3A_493 = arith.addf %parallel_loop3A_485, %parallel_loop3A_492 : vector<16xf32>
        %parallel_loop3A_494 = arith.index_cast %parallel_loop3A_446 : i32 to index
        %parallel_loop3A_495 = arith.constant 96 : index
        %parallel_loop3A_496 = tpu.vector_load %arg11[%parallel_loop3A_494, %parallel_loop3A_495] {strides = array<i32>} : memref<80x128xf32, #tpu.memory_space<vmem>>, vector<16xf32>,
        %parallel_loop3A_497 = arith.index_cast %parallel_loop3A_446 : i32 to index
        %parallel_loop3A_498 = arith.constant 96 : index
        %parallel_loop3A_499 = tpu.vector_load %arg12[%parallel_loop3A_497, %parallel_loop3A_498] {strides = array<i32>} : memref<80x128xf32, #tpu.memory_space<vmem>>, vector<16xf32>,
        %parallel_loop3A_500 = arith.mulf %parallel_loop3A_496, %parallel_loop3A_499 : vector<16xf32>
        %parallel_loop3A_501 = arith.addf %parallel_loop3A_493, %parallel_loop3A_500 : vector<16xf32>
        %parallel_loop3A_502 = arith.index_cast %parallel_loop3A_446 : i32 to index
        %parallel_loop3A_503 = arith.constant 112 : index
        %parallel_loop3A_504 = tpu.vector_load %arg11[%parallel_loop3A_502, %parallel_loop3A_503] {strides = array<i32>} : memref<80x128xf32, #tpu.memory_space<vmem>>, vector<16xf32>,
        %parallel_loop3A_505 = arith.index_cast %parallel_loop3A_446 : i32 to index
        %parallel_loop3A_506 = arith.constant 112 : index
        %parallel_loop3A_507 = tpu.vector_load %arg12[%parallel_loop3A_505, %parallel_loop3A_506] {strides = array<i32>} : memref<80x128xf32, #tpu.memory_space<vmem>>, vector<16xf32>,
        %parallel_loop3A_508 = arith.mulf %parallel_loop3A_504, %parallel_loop3A_507 : vector<16xf32>
        %parallel_loop3A_509 = arith.addf %parallel_loop3A_501, %parallel_loop3A_508 : vector<16xf32>
        %parallel_loop3A_510 = arith.constant true
        %parallel_loop3A_511 = vector.broadcast %parallel_loop3A_510 : i1 to vector<16xi1>
        %parallel_loop3A_512 = tpu.scan <sum>, %parallel_loop3A_509 masked %parallel_loop3A_511 : vector<16xf32>, vector<16xi1> -> vector<16xf32>
        %parallel_loop3A_513 = arith.constant 4 : i32
        %parallel_loop3A_514 = vector.broadcast %parallel_loop3A_513 : i32 to vector<16xi32>
        %parallel_loop3A_515 = arith.cmpi eq, %parallel_loop3A_112, %parallel_loop3A_514 : vector<16xi32>
        %parallel_loop3A_516 = arith.constant 0 : i32
        %parallel_loop3A_517 = vector.broadcast %parallel_loop3A_516 : i32 to vector<16xi32>
        %parallel_loop3A_518 = arith.cmpi slt, %parallel_loop3A_114, %parallel_loop3A_517 : vector<16xi32>
        %parallel_loop3A_519 = arith.constant 16 : i32
        %parallel_loop3A_520 = vector.broadcast %parallel_loop3A_519 : i32 to vector<16xi32>
        %parallel_loop3A_521 = arith.addi %parallel_loop3A_114, %parallel_loop3A_520 : vector<16xi32>
        %parallel_loop3A_522 = arith.select %parallel_loop3A_518, %parallel_loop3A_521, %parallel_loop3A_114 : vector<16xi1>, vector<16xi32>
        %parallel_loop3A_523 = vector.shape_cast %parallel_loop3A_522 : vector<16xi32> to vector<16x1xi32>
        %parallel_loop3A_524 = vector.shape_cast %parallel_loop3A_523 : vector<16x1xi32> to vector<16xi32>
        %parallel_loop3A_525 = tpu.dynamic_gather %parallel_loop3A_512[%parallel_loop3A_524] in [0] : vector<16xf32>, vector<16xi32> -> vector<16xf32>
        %parallel_loop3A_526 = arith.select %parallel_loop3A_515, %parallel_loop3A_525, %parallel_loop3A_444 : vector<16xi1>, vector<16xf32>
        %parallel_loop3A_527 = arith.constant 5 : i32
        %parallel_loop3A_528 = arith.addi %parallel_loop3A_111, %parallel_loop3A_527 : i32
        %parallel_loop3A_529 = arith.index_cast %parallel_loop3A_528 : i32 to index
        %parallel_loop3A_530 = arith.constant 0 : index
        %parallel_loop3A_531 = tpu.vector_load %arg11[%parallel_loop3A_529, %parallel_loop3A_530] {strides = array<i32>} : memref<80x128xf32, #tpu.memory_space<vmem>>, vector<16xf32>,
        %parallel_loop3A_532 = arith.index_cast %parallel_loop3A_528 : i32 to index
        %parallel_loop3A_533 = arith.constant 0 : index
        %parallel_loop3A_534 = tpu.vector_load %arg12[%parallel_loop3A_532, %parallel_loop3A_533] {strides = array<i32>} : memref<80x128xf32, #tpu.memory_space<vmem>>, vector<16xf32>,
        %parallel_loop3A_535 = arith.mulf %parallel_loop3A_531, %parallel_loop3A_534 : vector<16xf32>
        %parallel_loop3A_536 = arith.index_cast %parallel_loop3A_528 : i32 to index
        %parallel_loop3A_537 = arith.constant 16 : index
        %parallel_loop3A_538 = tpu.vector_load %arg11[%parallel_loop3A_536, %parallel_loop3A_537] {strides = array<i32>} : memref<80x128xf32, #tpu.memory_space<vmem>>, vector<16xf32>,
        %parallel_loop3A_539 = arith.index_cast %parallel_loop3A_528 : i32 to index
        %parallel_loop3A_540 = arith.constant 16 : index
        %parallel_loop3A_541 = tpu.vector_load %arg12[%parallel_loop3A_539, %parallel_loop3A_540] {strides = array<i32>} : memref<80x128xf32, #tpu.memory_space<vmem>>, vector<16xf32>,
        %parallel_loop3A_542 = arith.mulf %parallel_loop3A_538, %parallel_loop3A_541 : vector<16xf32>
        %parallel_loop3A_543 = arith.addf %parallel_loop3A_535, %parallel_loop3A_542 : vector<16xf32>
        %parallel_loop3A_544 = arith.index_cast %parallel_loop3A_528 : i32 to index
        %parallel_loop3A_545 = arith.constant 32 : index
        %parallel_loop3A_546 = tpu.vector_load %arg11[%parallel_loop3A_544, %parallel_loop3A_545] {strides = array<i32>} : memref<80x128xf32, #tpu.memory_space<vmem>>, vector<16xf32>,
        %parallel_loop3A_547 = arith.index_cast %parallel_loop3A_528 : i32 to index
        %parallel_loop3A_548 = arith.constant 32 : index
        %parallel_loop3A_549 = tpu.vector_load %arg12[%parallel_loop3A_547, %parallel_loop3A_548] {strides = array<i32>} : memref<80x128xf32, #tpu.memory_space<vmem>>, vector<16xf32>,
        %parallel_loop3A_550 = arith.mulf %parallel_loop3A_546, %parallel_loop3A_549 : vector<16xf32>
        %parallel_loop3A_551 = arith.addf %parallel_loop3A_543, %parallel_loop3A_550 : vector<16xf32>
        %parallel_loop3A_552 = arith.index_cast %parallel_loop3A_528 : i32 to index
        %parallel_loop3A_553 = arith.constant 48 : index
        %parallel_loop3A_554 = tpu.vector_load %arg11[%parallel_loop3A_552, %parallel_loop3A_553] {strides = array<i32>} : memref<80x128xf32, #tpu.memory_space<vmem>>, vector<16xf32>,
        %parallel_loop3A_555 = arith.index_cast %parallel_loop3A_528 : i32 to index
        %parallel_loop3A_556 = arith.constant 48 : index
        %parallel_loop3A_557 = tpu.vector_load %arg12[%parallel_loop3A_555, %parallel_loop3A_556] {strides = array<i32>} : memref<80x128xf32, #tpu.memory_space<vmem>>, vector<16xf32>,
        %parallel_loop3A_558 = arith.mulf %parallel_loop3A_554, %parallel_loop3A_557 : vector<16xf32>
        %parallel_loop3A_559 = arith.addf %parallel_loop3A_551, %parallel_loop3A_558 : vector<16xf32>
        %parallel_loop3A_560 = arith.index_cast %parallel_loop3A_528 : i32 to index
        %parallel_loop3A_561 = arith.constant 64 : index
        %parallel_loop3A_562 = tpu.vector_load %arg11[%parallel_loop3A_560, %parallel_loop3A_561] {strides = array<i32>} : memref<80x128xf32, #tpu.memory_space<vmem>>, vector<16xf32>,
        %parallel_loop3A_563 = arith.index_cast %parallel_loop3A_528 : i32 to index
        %parallel_loop3A_564 = arith.constant 64 : index
        %parallel_loop3A_565 = tpu.vector_load %arg12[%parallel_loop3A_563, %parallel_loop3A_564] {strides = array<i32>} : memref<80x128xf32, #tpu.memory_space<vmem>>, vector<16xf32>,
        %parallel_loop3A_566 = arith.mulf %parallel_loop3A_562, %parallel_loop3A_565 : vector<16xf32>
        %parallel_loop3A_567 = arith.addf %parallel_loop3A_559, %parallel_loop3A_566 : vector<16xf32>
        %parallel_loop3A_568 = arith.index_cast %parallel_loop3A_528 : i32 to index
        %parallel_loop3A_569 = arith.constant 80 : index
        %parallel_loop3A_570 = tpu.vector_load %arg11[%parallel_loop3A_568, %parallel_loop3A_569] {strides = array<i32>} : memref<80x128xf32, #tpu.memory_space<vmem>>, vector<16xf32>,
        %parallel_loop3A_571 = arith.index_cast %parallel_loop3A_528 : i32 to index
        %parallel_loop3A_572 = arith.constant 80 : index
        %parallel_loop3A_573 = tpu.vector_load %arg12[%parallel_loop3A_571, %parallel_loop3A_572] {strides = array<i32>} : memref<80x128xf32, #tpu.memory_space<vmem>>, vector<16xf32>,
        %parallel_loop3A_574 = arith.mulf %parallel_loop3A_570, %parallel_loop3A_573 : vector<16xf32>
        %parallel_loop3A_575 = arith.addf %parallel_loop3A_567, %parallel_loop3A_574 : vector<16xf32>
        %parallel_loop3A_576 = arith.index_cast %parallel_loop3A_528 : i32 to index
        %parallel_loop3A_577 = arith.constant 96 : index
        %parallel_loop3A_578 = tpu.vector_load %arg11[%parallel_loop3A_576, %parallel_loop3A_577] {strides = array<i32>} : memref<80x128xf32, #tpu.memory_space<vmem>>, vector<16xf32>,
        %parallel_loop3A_579 = arith.index_cast %parallel_loop3A_528 : i32 to index
        %parallel_loop3A_580 = arith.constant 96 : index
        %parallel_loop3A_581 = tpu.vector_load %arg12[%parallel_loop3A_579, %parallel_loop3A_580] {strides = array<i32>} : memref<80x128xf32, #tpu.memory_space<vmem>>, vector<16xf32>,
        %parallel_loop3A_582 = arith.mulf %parallel_loop3A_578, %parallel_loop3A_581 : vector<16xf32>
        %parallel_loop3A_583 = arith.addf %parallel_loop3A_575, %parallel_loop3A_582 : vector<16xf32>
        %parallel_loop3A_584 = arith.index_cast %parallel_loop3A_528 : i32 to index
        %parallel_loop3A_585 = arith.constant 112 : index
        %parallel_loop3A_586 = tpu.vector_load %arg11[%parallel_loop3A_584, %parallel_loop3A_585] {strides = array<i32>} : memref<80x128xf32, #tpu.memory_space<vmem>>, vector<16xf32>,
        %parallel_loop3A_587 = arith.index_cast %parallel_loop3A_528 : i32 to index
        %parallel_loop3A_588 = arith.constant 112 : index
        %parallel_loop3A_589 = tpu.vector_load %arg12[%parallel_loop3A_587, %parallel_loop3A_588] {strides = array<i32>} : memref<80x128xf32, #tpu.memory_space<vmem>>, vector<16xf32>,
        %parallel_loop3A_590 = arith.mulf %parallel_loop3A_586, %parallel_loop3A_589 : vector<16xf32>
        %parallel_loop3A_591 = arith.addf %parallel_loop3A_583, %parallel_loop3A_590 : vector<16xf32>
        %parallel_loop3A_592 = arith.constant true
        %parallel_loop3A_593 = vector.broadcast %parallel_loop3A_592 : i1 to vector<16xi1>
        %parallel_loop3A_594 = tpu.scan <sum>, %parallel_loop3A_591 masked %parallel_loop3A_593 : vector<16xf32>, vector<16xi1> -> vector<16xf32>
        %parallel_loop3A_595 = arith.constant 5 : i32
        %parallel_loop3A_596 = vector.broadcast %parallel_loop3A_595 : i32 to vector<16xi32>
        %parallel_loop3A_597 = arith.cmpi eq, %parallel_loop3A_112, %parallel_loop3A_596 : vector<16xi32>
        %parallel_loop3A_598 = arith.constant 0 : i32
        %parallel_loop3A_599 = vector.broadcast %parallel_loop3A_598 : i32 to vector<16xi32>
        %parallel_loop3A_600 = arith.cmpi slt, %parallel_loop3A_114, %parallel_loop3A_599 : vector<16xi32>
        %parallel_loop3A_601 = arith.constant 16 : i32
        %parallel_loop3A_602 = vector.broadcast %parallel_loop3A_601 : i32 to vector<16xi32>
        %parallel_loop3A_603 = arith.addi %parallel_loop3A_114, %parallel_loop3A_602 : vector<16xi32>
        %parallel_loop3A_604 = arith.select %parallel_loop3A_600, %parallel_loop3A_603, %parallel_loop3A_114 : vector<16xi1>, vector<16xi32>
        %parallel_loop3A_605 = vector.shape_cast %parallel_loop3A_604 : vector<16xi32> to vector<16x1xi32>
        %parallel_loop3A_606 = vector.shape_cast %parallel_loop3A_605 : vector<16x1xi32> to vector<16xi32>
        %parallel_loop3A_607 = tpu.dynamic_gather %parallel_loop3A_594[%parallel_loop3A_606] in [0] : vector<16xf32>, vector<16xi32> -> vector<16xf32>
        %parallel_loop3A_608 = arith.select %parallel_loop3A_597, %parallel_loop3A_607, %parallel_loop3A_526 : vector<16xi1>, vector<16xf32>
        %parallel_loop3A_609 = arith.constant 6 : i32
        %parallel_loop3A_610 = arith.addi %parallel_loop3A_111, %parallel_loop3A_609 : i32
        %parallel_loop3A_611 = arith.index_cast %parallel_loop3A_610 : i32 to index
        %parallel_loop3A_612 = arith.constant 0 : index
        %parallel_loop3A_613 = tpu.vector_load %arg11[%parallel_loop3A_611, %parallel_loop3A_612] {strides = array<i32>} : memref<80x128xf32, #tpu.memory_space<vmem>>, vector<16xf32>,
        %parallel_loop3A_614 = arith.index_cast %parallel_loop3A_610 : i32 to index
        %parallel_loop3A_615 = arith.constant 0 : index
        %parallel_loop3A_616 = tpu.vector_load %arg12[%parallel_loop3A_614, %parallel_loop3A_615] {strides = array<i32>} : memref<80x128xf32, #tpu.memory_space<vmem>>, vector<16xf32>,
        %parallel_loop3A_617 = arith.mulf %parallel_loop3A_613, %parallel_loop3A_616 : vector<16xf32>
        %parallel_loop3A_618 = arith.index_cast %parallel_loop3A_610 : i32 to index
        %parallel_loop3A_619 = arith.constant 16 : index
        %parallel_loop3A_620 = tpu.vector_load %arg11[%parallel_loop3A_618, %parallel_loop3A_619] {strides = array<i32>} : memref<80x128xf32, #tpu.memory_space<vmem>>, vector<16xf32>,
        %parallel_loop3A_621 = arith.index_cast %parallel_loop3A_610 : i32 to index
        %parallel_loop3A_622 = arith.constant 16 : index
        %parallel_loop3A_623 = tpu.vector_load %arg12[%parallel_loop3A_621, %parallel_loop3A_622] {strides = array<i32>} : memref<80x128xf32, #tpu.memory_space<vmem>>, vector<16xf32>,
        %parallel_loop3A_624 = arith.mulf %parallel_loop3A_620, %parallel_loop3A_623 : vector<16xf32>
        %parallel_loop3A_625 = arith.addf %parallel_loop3A_617, %parallel_loop3A_624 : vector<16xf32>
        %parallel_loop3A_626 = arith.index_cast %parallel_loop3A_610 : i32 to index
        %parallel_loop3A_627 = arith.constant 32 : index
        %parallel_loop3A_628 = tpu.vector_load %arg11[%parallel_loop3A_626, %parallel_loop3A_627] {strides = array<i32>} : memref<80x128xf32, #tpu.memory_space<vmem>>, vector<16xf32>,
        %parallel_loop3A_629 = arith.index_cast %parallel_loop3A_610 : i32 to index
        %parallel_loop3A_630 = arith.constant 32 : index
        %parallel_loop3A_631 = tpu.vector_load %arg12[%parallel_loop3A_629, %parallel_loop3A_630] {strides = array<i32>} : memref<80x128xf32, #tpu.memory_space<vmem>>, vector<16xf32>,
        %parallel_loop3A_632 = arith.mulf %parallel_loop3A_628, %parallel_loop3A_631 : vector<16xf32>
        %parallel_loop3A_633 = arith.addf %parallel_loop3A_625, %parallel_loop3A_632 : vector<16xf32>
        %parallel_loop3A_634 = arith.index_cast %parallel_loop3A_610 : i32 to index
        %parallel_loop3A_635 = arith.constant 48 : index
        %parallel_loop3A_636 = tpu.vector_load %arg11[%parallel_loop3A_634, %parallel_loop3A_635] {strides = array<i32>} : memref<80x128xf32, #tpu.memory_space<vmem>>, vector<16xf32>,
        %parallel_loop3A_637 = arith.index_cast %parallel_loop3A_610 : i32 to index
        %parallel_loop3A_638 = arith.constant 48 : index
        %parallel_loop3A_639 = tpu.vector_load %arg12[%parallel_loop3A_637, %parallel_loop3A_638] {strides = array<i32>} : memref<80x128xf32, #tpu.memory_space<vmem>>, vector<16xf32>,
        %parallel_loop3A_640 = arith.mulf %parallel_loop3A_636, %parallel_loop3A_639 : vector<16xf32>
        %parallel_loop3A_641 = arith.addf %parallel_loop3A_633, %parallel_loop3A_640 : vector<16xf32>
        %parallel_loop3A_642 = arith.index_cast %parallel_loop3A_610 : i32 to index
        %parallel_loop3A_643 = arith.constant 64 : index
        %parallel_loop3A_644 = tpu.vector_load %arg11[%parallel_loop3A_642, %parallel_loop3A_643] {strides = array<i32>} : memref<80x128xf32, #tpu.memory_space<vmem>>, vector<16xf32>,
        %parallel_loop3A_645 = arith.index_cast %parallel_loop3A_610 : i32 to index
        %parallel_loop3A_646 = arith.constant 64 : index
        %parallel_loop3A_647 = tpu.vector_load %arg12[%parallel_loop3A_645, %parallel_loop3A_646] {strides = array<i32>} : memref<80x128xf32, #tpu.memory_space<vmem>>, vector<16xf32>,
        %parallel_loop3A_648 = arith.mulf %parallel_loop3A_644, %parallel_loop3A_647 : vector<16xf32>
        %parallel_loop3A_649 = arith.addf %parallel_loop3A_641, %parallel_loop3A_648 : vector<16xf32>
        %parallel_loop3A_650 = arith.index_cast %parallel_loop3A_610 : i32 to index
        %parallel_loop3A_651 = arith.constant 80 : index
        %parallel_loop3A_652 = tpu.vector_load %arg11[%parallel_loop3A_650, %parallel_loop3A_651] {strides = array<i32>} : memref<80x128xf32, #tpu.memory_space<vmem>>, vector<16xf32>,
        %parallel_loop3A_653 = arith.index_cast %parallel_loop3A_610 : i32 to index
        %parallel_loop3A_654 = arith.constant 80 : index
        %parallel_loop3A_655 = tpu.vector_load %arg12[%parallel_loop3A_653, %parallel_loop3A_654] {strides = array<i32>} : memref<80x128xf32, #tpu.memory_space<vmem>>, vector<16xf32>,
        %parallel_loop3A_656 = arith.mulf %parallel_loop3A_652, %parallel_loop3A_655 : vector<16xf32>
        %parallel_loop3A_657 = arith.addf %parallel_loop3A_649, %parallel_loop3A_656 : vector<16xf32>
        %parallel_loop3A_658 = arith.index_cast %parallel_loop3A_610 : i32 to index
        %parallel_loop3A_659 = arith.constant 96 : index
        %parallel_loop3A_660 = tpu.vector_load %arg11[%parallel_loop3A_658, %parallel_loop3A_659] {strides = array<i32>} : memref<80x128xf32, #tpu.memory_space<vmem>>, vector<16xf32>,
        %parallel_loop3A_661 = arith.index_cast %parallel_loop3A_610 : i32 to index
        %parallel_loop3A_662 = arith.constant 96 : index
        %parallel_loop3A_663 = tpu.vector_load %arg12[%parallel_loop3A_661, %parallel_loop3A_662] {strides = array<i32>} : memref<80x128xf32, #tpu.memory_space<vmem>>, vector<16xf32>,
        %parallel_loop3A_664 = arith.mulf %parallel_loop3A_660, %parallel_loop3A_663 : vector<16xf32>
        %parallel_loop3A_665 = arith.addf %parallel_loop3A_657, %parallel_loop3A_664 : vector<16xf32>
        %parallel_loop3A_666 = arith.index_cast %parallel_loop3A_610 : i32 to index
        %parallel_loop3A_667 = arith.constant 112 : index
        %parallel_loop3A_668 = tpu.vector_load %arg11[%parallel_loop3A_666, %parallel_loop3A_667] {strides = array<i32>} : memref<80x128xf32, #tpu.memory_space<vmem>>, vector<16xf32>,
        %parallel_loop3A_669 = arith.index_cast %parallel_loop3A_610 : i32 to index
        %parallel_loop3A_670 = arith.constant 112 : index
        %parallel_loop3A_671 = tpu.vector_load %arg12[%parallel_loop3A_669, %parallel_loop3A_670] {strides = array<i32>} : memref<80x128xf32, #tpu.memory_space<vmem>>, vector<16xf32>,
        %parallel_loop3A_672 = arith.mulf %parallel_loop3A_668, %parallel_loop3A_671 : vector<16xf32>
        %parallel_loop3A_673 = arith.addf %parallel_loop3A_665, %parallel_loop3A_672 : vector<16xf32>
        %parallel_loop3A_674 = arith.constant true
        %parallel_loop3A_675 = vector.broadcast %parallel_loop3A_674 : i1 to vector<16xi1>
        %parallel_loop3A_676 = tpu.scan <sum>, %parallel_loop3A_673 masked %parallel_loop3A_675 : vector<16xf32>, vector<16xi1> -> vector<16xf32>
        %parallel_loop3A_677 = arith.constant 6 : i32
        %parallel_loop3A_678 = vector.broadcast %parallel_loop3A_677 : i32 to vector<16xi32>
        %parallel_loop3A_679 = arith.cmpi eq, %parallel_loop3A_112, %parallel_loop3A_678 : vector<16xi32>
        %parallel_loop3A_680 = arith.constant 0 : i32
        %parallel_loop3A_681 = vector.broadcast %parallel_loop3A_680 : i32 to vector<16xi32>
        %parallel_loop3A_682 = arith.cmpi slt, %parallel_loop3A_114, %parallel_loop3A_681 : vector<16xi32>
        %parallel_loop3A_683 = arith.constant 16 : i32
        %parallel_loop3A_684 = vector.broadcast %parallel_loop3A_683 : i32 to vector<16xi32>
        %parallel_loop3A_685 = arith.addi %parallel_loop3A_114, %parallel_loop3A_684 : vector<16xi32>
        %parallel_loop3A_686 = arith.select %parallel_loop3A_682, %parallel_loop3A_685, %parallel_loop3A_114 : vector<16xi1>, vector<16xi32>
        %parallel_loop3A_687 = vector.shape_cast %parallel_loop3A_686 : vector<16xi32> to vector<16x1xi32>
        %parallel_loop3A_688 = vector.shape_cast %parallel_loop3A_687 : vector<16x1xi32> to vector<16xi32>
        %parallel_loop3A_689 = tpu.dynamic_gather %parallel_loop3A_676[%parallel_loop3A_688] in [0] : vector<16xf32>, vector<16xi32> -> vector<16xf32>
        %parallel_loop3A_690 = arith.select %parallel_loop3A_679, %parallel_loop3A_689, %parallel_loop3A_608 : vector<16xi1>, vector<16xf32>
        %parallel_loop3A_691 = arith.constant 7 : i32
        %parallel_loop3A_692 = arith.addi %parallel_loop3A_111, %parallel_loop3A_691 : i32
        %parallel_loop3A_693 = arith.index_cast %parallel_loop3A_692 : i32 to index
        %parallel_loop3A_694 = arith.constant 0 : index
        %parallel_loop3A_695 = tpu.vector_load %arg11[%parallel_loop3A_693, %parallel_loop3A_694] {strides = array<i32>} : memref<80x128xf32, #tpu.memory_space<vmem>>, vector<16xf32>,
        %parallel_loop3A_696 = arith.index_cast %parallel_loop3A_692 : i32 to index
        %parallel_loop3A_697 = arith.constant 0 : index
        %parallel_loop3A_698 = tpu.vector_load %arg12[%parallel_loop3A_696, %parallel_loop3A_697] {strides = array<i32>} : memref<80x128xf32, #tpu.memory_space<vmem>>, vector<16xf32>,
        %parallel_loop3A_699 = arith.mulf %parallel_loop3A_695, %parallel_loop3A_698 : vector<16xf32>
        %parallel_loop3A_700 = arith.index_cast %parallel_loop3A_692 : i32 to index
        %parallel_loop3A_701 = arith.constant 16 : index
        %parallel_loop3A_702 = tpu.vector_load %arg11[%parallel_loop3A_700, %parallel_loop3A_701] {strides = array<i32>} : memref<80x128xf32, #tpu.memory_space<vmem>>, vector<16xf32>,
        %parallel_loop3A_703 = arith.index_cast %parallel_loop3A_692 : i32 to index
        %parallel_loop3A_704 = arith.constant 16 : index
        %parallel_loop3A_705 = tpu.vector_load %arg12[%parallel_loop3A_703, %parallel_loop3A_704] {strides = array<i32>} : memref<80x128xf32, #tpu.memory_space<vmem>>, vector<16xf32>,
        %parallel_loop3A_706 = arith.mulf %parallel_loop3A_702, %parallel_loop3A_705 : vector<16xf32>
        %parallel_loop3A_707 = arith.addf %parallel_loop3A_699, %parallel_loop3A_706 : vector<16xf32>
        %parallel_loop3A_708 = arith.index_cast %parallel_loop3A_692 : i32 to index
        %parallel_loop3A_709 = arith.constant 32 : index
        %parallel_loop3A_710 = tpu.vector_load %arg11[%parallel_loop3A_708, %parallel_loop3A_709] {strides = array<i32>} : memref<80x128xf32, #tpu.memory_space<vmem>>, vector<16xf32>,
        %parallel_loop3A_711 = arith.index_cast %parallel_loop3A_692 : i32 to index
        %parallel_loop3A_712 = arith.constant 32 : index
        %parallel_loop3A_713 = tpu.vector_load %arg12[%parallel_loop3A_711, %parallel_loop3A_712] {strides = array<i32>} : memref<80x128xf32, #tpu.memory_space<vmem>>, vector<16xf32>,
        %parallel_loop3A_714 = arith.mulf %parallel_loop3A_710, %parallel_loop3A_713 : vector<16xf32>
        %parallel_loop3A_715 = arith.addf %parallel_loop3A_707, %parallel_loop3A_714 : vector<16xf32>
        %parallel_loop3A_716 = arith.index_cast %parallel_loop3A_692 : i32 to index
        %parallel_loop3A_717 = arith.constant 48 : index
        %parallel_loop3A_718 = tpu.vector_load %arg11[%parallel_loop3A_716, %parallel_loop3A_717] {strides = array<i32>} : memref<80x128xf32, #tpu.memory_space<vmem>>, vector<16xf32>,
        %parallel_loop3A_719 = arith.index_cast %parallel_loop3A_692 : i32 to index
        %parallel_loop3A_720 = arith.constant 48 : index
        %parallel_loop3A_721 = tpu.vector_load %arg12[%parallel_loop3A_719, %parallel_loop3A_720] {strides = array<i32>} : memref<80x128xf32, #tpu.memory_space<vmem>>, vector<16xf32>,
        %parallel_loop3A_722 = arith.mulf %parallel_loop3A_718, %parallel_loop3A_721 : vector<16xf32>
        %parallel_loop3A_723 = arith.addf %parallel_loop3A_715, %parallel_loop3A_722 : vector<16xf32>
        %parallel_loop3A_724 = arith.index_cast %parallel_loop3A_692 : i32 to index
        %parallel_loop3A_725 = arith.constant 64 : index
        %parallel_loop3A_726 = tpu.vector_load %arg11[%parallel_loop3A_724, %parallel_loop3A_725] {strides = array<i32>} : memref<80x128xf32, #tpu.memory_space<vmem>>, vector<16xf32>,
        %parallel_loop3A_727 = arith.index_cast %parallel_loop3A_692 : i32 to index
        %parallel_loop3A_728 = arith.constant 64 : index
        %parallel_loop3A_729 = tpu.vector_load %arg12[%parallel_loop3A_727, %parallel_loop3A_728] {strides = array<i32>} : memref<80x128xf32, #tpu.memory_space<vmem>>, vector<16xf32>,
        %parallel_loop3A_730 = arith.mulf %parallel_loop3A_726, %parallel_loop3A_729 : vector<16xf32>
        %parallel_loop3A_731 = arith.addf %parallel_loop3A_723, %parallel_loop3A_730 : vector<16xf32>
        %parallel_loop3A_732 = arith.index_cast %parallel_loop3A_692 : i32 to index
        %parallel_loop3A_733 = arith.constant 80 : index
        %parallel_loop3A_734 = tpu.vector_load %arg11[%parallel_loop3A_732, %parallel_loop3A_733] {strides = array<i32>} : memref<80x128xf32, #tpu.memory_space<vmem>>, vector<16xf32>,
        %parallel_loop3A_735 = arith.index_cast %parallel_loop3A_692 : i32 to index
        %parallel_loop3A_736 = arith.constant 80 : index
        %parallel_loop3A_737 = tpu.vector_load %arg12[%parallel_loop3A_735, %parallel_loop3A_736] {strides = array<i32>} : memref<80x128xf32, #tpu.memory_space<vmem>>, vector<16xf32>,
        %parallel_loop3A_738 = arith.mulf %parallel_loop3A_734, %parallel_loop3A_737 : vector<16xf32>
        %parallel_loop3A_739 = arith.addf %parallel_loop3A_731, %parallel_loop3A_738 : vector<16xf32>
        %parallel_loop3A_740 = arith.index_cast %parallel_loop3A_692 : i32 to index
        %parallel_loop3A_741 = arith.constant 96 : index
        %parallel_loop3A_742 = tpu.vector_load %arg11[%parallel_loop3A_740, %parallel_loop3A_741] {strides = array<i32>} : memref<80x128xf32, #tpu.memory_space<vmem>>, vector<16xf32>,
        %parallel_loop3A_743 = arith.index_cast %parallel_loop3A_692 : i32 to index
        %parallel_loop3A_744 = arith.constant 96 : index
        %parallel_loop3A_745 = tpu.vector_load %arg12[%parallel_loop3A_743, %parallel_loop3A_744] {strides = array<i32>} : memref<80x128xf32, #tpu.memory_space<vmem>>, vector<16xf32>,
        %parallel_loop3A_746 = arith.mulf %parallel_loop3A_742, %parallel_loop3A_745 : vector<16xf32>
        %parallel_loop3A_747 = arith.addf %parallel_loop3A_739, %parallel_loop3A_746 : vector<16xf32>
        %parallel_loop3A_748 = arith.index_cast %parallel_loop3A_692 : i32 to index
        %parallel_loop3A_749 = arith.constant 112 : index
        %parallel_loop3A_750 = tpu.vector_load %arg11[%parallel_loop3A_748, %parallel_loop3A_749] {strides = array<i32>} : memref<80x128xf32, #tpu.memory_space<vmem>>, vector<16xf32>,
        %parallel_loop3A_751 = arith.index_cast %parallel_loop3A_692 : i32 to index
        %parallel_loop3A_752 = arith.constant 112 : index
        %parallel_loop3A_753 = tpu.vector_load %arg12[%parallel_loop3A_751, %parallel_loop3A_752] {strides = array<i32>} : memref<80x128xf32, #tpu.memory_space<vmem>>, vector<16xf32>,
        %parallel_loop3A_754 = arith.mulf %parallel_loop3A_750, %parallel_loop3A_753 : vector<16xf32>
        %parallel_loop3A_755 = arith.addf %parallel_loop3A_747, %parallel_loop3A_754 : vector<16xf32>
        %parallel_loop3A_756 = arith.constant true
        %parallel_loop3A_757 = vector.broadcast %parallel_loop3A_756 : i1 to vector<16xi1>
        %parallel_loop3A_758 = tpu.scan <sum>, %parallel_loop3A_755 masked %parallel_loop3A_757 : vector<16xf32>, vector<16xi1> -> vector<16xf32>
        %parallel_loop3A_759 = arith.constant 7 : i32
        %parallel_loop3A_760 = vector.broadcast %parallel_loop3A_759 : i32 to vector<16xi32>
        %parallel_loop3A_761 = arith.cmpi eq, %parallel_loop3A_112, %parallel_loop3A_760 : vector<16xi32>
        %parallel_loop3A_762 = arith.constant 0 : i32
        %parallel_loop3A_763 = vector.broadcast %parallel_loop3A_762 : i32 to vector<16xi32>
        %parallel_loop3A_764 = arith.cmpi slt, %parallel_loop3A_114, %parallel_loop3A_763 : vector<16xi32>
        %parallel_loop3A_765 = arith.constant 16 : i32
        %parallel_loop3A_766 = vector.broadcast %parallel_loop3A_765 : i32 to vector<16xi32>
        %parallel_loop3A_767 = arith.addi %parallel_loop3A_114, %parallel_loop3A_766 : vector<16xi32>
        %parallel_loop3A_768 = arith.select %parallel_loop3A_764, %parallel_loop3A_767, %parallel_loop3A_114 : vector<16xi1>, vector<16xi32>
        %parallel_loop3A_769 = vector.shape_cast %parallel_loop3A_768 : vector<16xi32> to vector<16x1xi32>
        %parallel_loop3A_770 = vector.shape_cast %parallel_loop3A_769 : vector<16x1xi32> to vector<16xi32>
        %parallel_loop3A_771 = tpu.dynamic_gather %parallel_loop3A_758[%parallel_loop3A_770] in [0] : vector<16xf32>, vector<16xi32> -> vector<16xf32>
        %parallel_loop3A_772 = arith.select %parallel_loop3A_761, %parallel_loop3A_771, %parallel_loop3A_690 : vector<16xi1>, vector<16xf32>
        %parallel_loop3A_773 = arith.constant 8 : i32
        %parallel_loop3A_774 = arith.addi %parallel_loop3A_111, %parallel_loop3A_773 : i32
        %parallel_loop3A_775 = arith.index_cast %parallel_loop3A_774 : i32 to index
        %parallel_loop3A_776 = arith.constant 0 : index
        %parallel_loop3A_777 = tpu.vector_load %arg11[%parallel_loop3A_775, %parallel_loop3A_776] {strides = array<i32>} : memref<80x128xf32, #tpu.memory_space<vmem>>, vector<16xf32>,
        %parallel_loop3A_778 = arith.index_cast %parallel_loop3A_774 : i32 to index
        %parallel_loop3A_779 = arith.constant 0 : index
        %parallel_loop3A_780 = tpu.vector_load %arg12[%parallel_loop3A_778, %parallel_loop3A_779] {strides = array<i32>} : memref<80x128xf32, #tpu.memory_space<vmem>>, vector<16xf32>,
        %parallel_loop3A_781 = arith.mulf %parallel_loop3A_777, %parallel_loop3A_780 : vector<16xf32>
        %parallel_loop3A_782 = arith.index_cast %parallel_loop3A_774 : i32 to index
        %parallel_loop3A_783 = arith.constant 16 : index
        %parallel_loop3A_784 = tpu.vector_load %arg11[%parallel_loop3A_782, %parallel_loop3A_783] {strides = array<i32>} : memref<80x128xf32, #tpu.memory_space<vmem>>, vector<16xf32>,
        %parallel_loop3A_785 = arith.index_cast %parallel_loop3A_774 : i32 to index
        %parallel_loop3A_786 = arith.constant 16 : index
        %parallel_loop3A_787 = tpu.vector_load %arg12[%parallel_loop3A_785, %parallel_loop3A_786] {strides = array<i32>} : memref<80x128xf32, #tpu.memory_space<vmem>>, vector<16xf32>,
        %parallel_loop3A_788 = arith.mulf %parallel_loop3A_784, %parallel_loop3A_787 : vector<16xf32>
        %parallel_loop3A_789 = arith.addf %parallel_loop3A_781, %parallel_loop3A_788 : vector<16xf32>
        %parallel_loop3A_790 = arith.index_cast %parallel_loop3A_774 : i32 to index
        %parallel_loop3A_791 = arith.constant 32 : index
        %parallel_loop3A_792 = tpu.vector_load %arg11[%parallel_loop3A_790, %parallel_loop3A_791] {strides = array<i32>} : memref<80x128xf32, #tpu.memory_space<vmem>>, vector<16xf32>,
        %parallel_loop3A_793 = arith.index_cast %parallel_loop3A_774 : i32 to index
        %parallel_loop3A_794 = arith.constant 32 : index
        %parallel_loop3A_795 = tpu.vector_load %arg12[%parallel_loop3A_793, %parallel_loop3A_794] {strides = array<i32>} : memref<80x128xf32, #tpu.memory_space<vmem>>, vector<16xf32>,
        %parallel_loop3A_796 = arith.mulf %parallel_loop3A_792, %parallel_loop3A_795 : vector<16xf32>
        %parallel_loop3A_797 = arith.addf %parallel_loop3A_789, %parallel_loop3A_796 : vector<16xf32>
        %parallel_loop3A_798 = arith.index_cast %parallel_loop3A_774 : i32 to index
        %parallel_loop3A_799 = arith.constant 48 : index
        %parallel_loop3A_800 = tpu.vector_load %arg11[%parallel_loop3A_798, %parallel_loop3A_799] {strides = array<i32>} : memref<80x128xf32, #tpu.memory_space<vmem>>, vector<16xf32>,
        %parallel_loop3A_801 = arith.index_cast %parallel_loop3A_774 : i32 to index
        %parallel_loop3A_802 = arith.constant 48 : index
        %parallel_loop3A_803 = tpu.vector_load %arg12[%parallel_loop3A_801, %parallel_loop3A_802] {strides = array<i32>} : memref<80x128xf32, #tpu.memory_space<vmem>>, vector<16xf32>,
        %parallel_loop3A_804 = arith.mulf %parallel_loop3A_800, %parallel_loop3A_803 : vector<16xf32>
        %parallel_loop3A_805 = arith.addf %parallel_loop3A_797, %parallel_loop3A_804 : vector<16xf32>
        %parallel_loop3A_806 = arith.index_cast %parallel_loop3A_774 : i32 to index
        %parallel_loop3A_807 = arith.constant 64 : index
        %parallel_loop3A_808 = tpu.vector_load %arg11[%parallel_loop3A_806, %parallel_loop3A_807] {strides = array<i32>} : memref<80x128xf32, #tpu.memory_space<vmem>>, vector<16xf32>,
        %parallel_loop3A_809 = arith.index_cast %parallel_loop3A_774 : i32 to index
        %parallel_loop3A_810 = arith.constant 64 : index
        %parallel_loop3A_811 = tpu.vector_load %arg12[%parallel_loop3A_809, %parallel_loop3A_810] {strides = array<i32>} : memref<80x128xf32, #tpu.memory_space<vmem>>, vector<16xf32>,
        %parallel_loop3A_812 = arith.mulf %parallel_loop3A_808, %parallel_loop3A_811 : vector<16xf32>
        %parallel_loop3A_813 = arith.addf %parallel_loop3A_805, %parallel_loop3A_812 : vector<16xf32>
        %parallel_loop3A_814 = arith.index_cast %parallel_loop3A_774 : i32 to index
        %parallel_loop3A_815 = arith.constant 80 : index
        %parallel_loop3A_816 = tpu.vector_load %arg11[%parallel_loop3A_814, %parallel_loop3A_815] {strides = array<i32>} : memref<80x128xf32, #tpu.memory_space<vmem>>, vector<16xf32>,
        %parallel_loop3A_817 = arith.index_cast %parallel_loop3A_774 : i32 to index
        %parallel_loop3A_818 = arith.constant 80 : index
        %parallel_loop3A_819 = tpu.vector_load %arg12[%parallel_loop3A_817, %parallel_loop3A_818] {strides = array<i32>} : memref<80x128xf32, #tpu.memory_space<vmem>>, vector<16xf32>,
        %parallel_loop3A_820 = arith.mulf %parallel_loop3A_816, %parallel_loop3A_819 : vector<16xf32>
        %parallel_loop3A_821 = arith.addf %parallel_loop3A_813, %parallel_loop3A_820 : vector<16xf32>
        %parallel_loop3A_822 = arith.index_cast %parallel_loop3A_774 : i32 to index
        %parallel_loop3A_823 = arith.constant 96 : index
        %parallel_loop3A_824 = tpu.vector_load %arg11[%parallel_loop3A_822, %parallel_loop3A_823] {strides = array<i32>} : memref<80x128xf32, #tpu.memory_space<vmem>>, vector<16xf32>,
        %parallel_loop3A_825 = arith.index_cast %parallel_loop3A_774 : i32 to index
        %parallel_loop3A_826 = arith.constant 96 : index
        %parallel_loop3A_827 = tpu.vector_load %arg12[%parallel_loop3A_825, %parallel_loop3A_826] {strides = array<i32>} : memref<80x128xf32, #tpu.memory_space<vmem>>, vector<16xf32>,
        %parallel_loop3A_828 = arith.mulf %parallel_loop3A_824, %parallel_loop3A_827 : vector<16xf32>
        %parallel_loop3A_829 = arith.addf %parallel_loop3A_821, %parallel_loop3A_828 : vector<16xf32>
        %parallel_loop3A_830 = arith.index_cast %parallel_loop3A_774 : i32 to index
        %parallel_loop3A_831 = arith.constant 112 : index
        %parallel_loop3A_832 = tpu.vector_load %arg11[%parallel_loop3A_830, %parallel_loop3A_831] {strides = array<i32>} : memref<80x128xf32, #tpu.memory_space<vmem>>, vector<16xf32>,
        %parallel_loop3A_833 = arith.index_cast %parallel_loop3A_774 : i32 to index
        %parallel_loop3A_834 = arith.constant 112 : index
        %parallel_loop3A_835 = tpu.vector_load %arg12[%parallel_loop3A_833, %parallel_loop3A_834] {strides = array<i32>} : memref<80x128xf32, #tpu.memory_space<vmem>>, vector<16xf32>,
        %parallel_loop3A_836 = arith.mulf %parallel_loop3A_832, %parallel_loop3A_835 : vector<16xf32>
        %parallel_loop3A_837 = arith.addf %parallel_loop3A_829, %parallel_loop3A_836 : vector<16xf32>
        %parallel_loop3A_838 = arith.constant true
        %parallel_loop3A_839 = vector.broadcast %parallel_loop3A_838 : i1 to vector<16xi1>
        %parallel_loop3A_840 = tpu.scan <sum>, %parallel_loop3A_837 masked %parallel_loop3A_839 : vector<16xf32>, vector<16xi1> -> vector<16xf32>
        %parallel_loop3A_841 = arith.constant 8 : i32
        %parallel_loop3A_842 = vector.broadcast %parallel_loop3A_841 : i32 to vector<16xi32>
        %parallel_loop3A_843 = arith.cmpi eq, %parallel_loop3A_112, %parallel_loop3A_842 : vector<16xi32>
        %parallel_loop3A_844 = arith.constant 0 : i32
        %parallel_loop3A_845 = vector.broadcast %parallel_loop3A_844 : i32 to vector<16xi32>
        %parallel_loop3A_846 = arith.cmpi slt, %parallel_loop3A_114, %parallel_loop3A_845 : vector<16xi32>
        %parallel_loop3A_847 = arith.constant 16 : i32
        %parallel_loop3A_848 = vector.broadcast %parallel_loop3A_847 : i32 to vector<16xi32>
        %parallel_loop3A_849 = arith.addi %parallel_loop3A_114, %parallel_loop3A_848 : vector<16xi32>
        %parallel_loop3A_850 = arith.select %parallel_loop3A_846, %parallel_loop3A_849, %parallel_loop3A_114 : vector<16xi1>, vector<16xi32>
        %parallel_loop3A_851 = vector.shape_cast %parallel_loop3A_850 : vector<16xi32> to vector<16x1xi32>
        %parallel_loop3A_852 = vector.shape_cast %parallel_loop3A_851 : vector<16x1xi32> to vector<16xi32>
        %parallel_loop3A_853 = tpu.dynamic_gather %parallel_loop3A_840[%parallel_loop3A_852] in [0] : vector<16xf32>, vector<16xi32> -> vector<16xf32>
        %parallel_loop3A_854 = arith.select %parallel_loop3A_843, %parallel_loop3A_853, %parallel_loop3A_772 : vector<16xi1>, vector<16xf32>
        %parallel_loop3A_855 = arith.constant 9 : i32
        %parallel_loop3A_856 = arith.addi %parallel_loop3A_111, %parallel_loop3A_855 : i32
        %parallel_loop3A_857 = arith.index_cast %parallel_loop3A_856 : i32 to index
        %parallel_loop3A_858 = arith.constant 0 : index
        %parallel_loop3A_859 = tpu.vector_load %arg11[%parallel_loop3A_857, %parallel_loop3A_858] {strides = array<i32>} : memref<80x128xf32, #tpu.memory_space<vmem>>, vector<16xf32>,
        %parallel_loop3A_860 = arith.index_cast %parallel_loop3A_856 : i32 to index
        %parallel_loop3A_861 = arith.constant 0 : index
        %parallel_loop3A_862 = tpu.vector_load %arg12[%parallel_loop3A_860, %parallel_loop3A_861] {strides = array<i32>} : memref<80x128xf32, #tpu.memory_space<vmem>>, vector<16xf32>,
        %parallel_loop3A_863 = arith.mulf %parallel_loop3A_859, %parallel_loop3A_862 : vector<16xf32>
        %parallel_loop3A_864 = arith.index_cast %parallel_loop3A_856 : i32 to index
        %parallel_loop3A_865 = arith.constant 16 : index
        %parallel_loop3A_866 = tpu.vector_load %arg11[%parallel_loop3A_864, %parallel_loop3A_865] {strides = array<i32>} : memref<80x128xf32, #tpu.memory_space<vmem>>, vector<16xf32>,
        %parallel_loop3A_867 = arith.index_cast %parallel_loop3A_856 : i32 to index
        %parallel_loop3A_868 = arith.constant 16 : index
        %parallel_loop3A_869 = tpu.vector_load %arg12[%parallel_loop3A_867, %parallel_loop3A_868] {strides = array<i32>} : memref<80x128xf32, #tpu.memory_space<vmem>>, vector<16xf32>,
        %parallel_loop3A_870 = arith.mulf %parallel_loop3A_866, %parallel_loop3A_869 : vector<16xf32>
        %parallel_loop3A_871 = arith.addf %parallel_loop3A_863, %parallel_loop3A_870 : vector<16xf32>
        %parallel_loop3A_872 = arith.index_cast %parallel_loop3A_856 : i32 to index
        %parallel_loop3A_873 = arith.constant 32 : index
        %parallel_loop3A_874 = tpu.vector_load %arg11[%parallel_loop3A_872, %parallel_loop3A_873] {strides = array<i32>} : memref<80x128xf32, #tpu.memory_space<vmem>>, vector<16xf32>,
        %parallel_loop3A_875 = arith.index_cast %parallel_loop3A_856 : i32 to index
        %parallel_loop3A_876 = arith.constant 32 : index
        %parallel_loop3A_877 = tpu.vector_load %arg12[%parallel_loop3A_875, %parallel_loop3A_876] {strides = array<i32>} : memref<80x128xf32, #tpu.memory_space<vmem>>, vector<16xf32>,
        %parallel_loop3A_878 = arith.mulf %parallel_loop3A_874, %parallel_loop3A_877 : vector<16xf32>
        %parallel_loop3A_879 = arith.addf %parallel_loop3A_871, %parallel_loop3A_878 : vector<16xf32>
        %parallel_loop3A_880 = arith.index_cast %parallel_loop3A_856 : i32 to index
        %parallel_loop3A_881 = arith.constant 48 : index
        %parallel_loop3A_882 = tpu.vector_load %arg11[%parallel_loop3A_880, %parallel_loop3A_881] {strides = array<i32>} : memref<80x128xf32, #tpu.memory_space<vmem>>, vector<16xf32>,
        %parallel_loop3A_883 = arith.index_cast %parallel_loop3A_856 : i32 to index
        %parallel_loop3A_884 = arith.constant 48 : index
        %parallel_loop3A_885 = tpu.vector_load %arg12[%parallel_loop3A_883, %parallel_loop3A_884] {strides = array<i32>} : memref<80x128xf32, #tpu.memory_space<vmem>>, vector<16xf32>,
        %parallel_loop3A_886 = arith.mulf %parallel_loop3A_882, %parallel_loop3A_885 : vector<16xf32>
        %parallel_loop3A_887 = arith.addf %parallel_loop3A_879, %parallel_loop3A_886 : vector<16xf32>
        %parallel_loop3A_888 = arith.index_cast %parallel_loop3A_856 : i32 to index
        %parallel_loop3A_889 = arith.constant 64 : index
        %parallel_loop3A_890 = tpu.vector_load %arg11[%parallel_loop3A_888, %parallel_loop3A_889] {strides = array<i32>} : memref<80x128xf32, #tpu.memory_space<vmem>>, vector<16xf32>,
        %parallel_loop3A_891 = arith.index_cast %parallel_loop3A_856 : i32 to index
        %parallel_loop3A_892 = arith.constant 64 : index
        %parallel_loop3A_893 = tpu.vector_load %arg12[%parallel_loop3A_891, %parallel_loop3A_892] {strides = array<i32>} : memref<80x128xf32, #tpu.memory_space<vmem>>, vector<16xf32>,
        %parallel_loop3A_894 = arith.mulf %parallel_loop3A_890, %parallel_loop3A_893 : vector<16xf32>
        %parallel_loop3A_895 = arith.addf %parallel_loop3A_887, %parallel_loop3A_894 : vector<16xf32>
        %parallel_loop3A_896 = arith.index_cast %parallel_loop3A_856 : i32 to index
        %parallel_loop3A_897 = arith.constant 80 : index
        %parallel_loop3A_898 = tpu.vector_load %arg11[%parallel_loop3A_896, %parallel_loop3A_897] {strides = array<i32>} : memref<80x128xf32, #tpu.memory_space<vmem>>, vector<16xf32>,
        %parallel_loop3A_899 = arith.index_cast %parallel_loop3A_856 : i32 to index
        %parallel_loop3A_900 = arith.constant 80 : index
        %parallel_loop3A_901 = tpu.vector_load %arg12[%parallel_loop3A_899, %parallel_loop3A_900] {strides = array<i32>} : memref<80x128xf32, #tpu.memory_space<vmem>>, vector<16xf32>,
        %parallel_loop3A_902 = arith.mulf %parallel_loop3A_898, %parallel_loop3A_901 : vector<16xf32>
        %parallel_loop3A_903 = arith.addf %parallel_loop3A_895, %parallel_loop3A_902 : vector<16xf32>
        %parallel_loop3A_904 = arith.index_cast %parallel_loop3A_856 : i32 to index
        %parallel_loop3A_905 = arith.constant 96 : index
        %parallel_loop3A_906 = tpu.vector_load %arg11[%parallel_loop3A_904, %parallel_loop3A_905] {strides = array<i32>} : memref<80x128xf32, #tpu.memory_space<vmem>>, vector<16xf32>,
        %parallel_loop3A_907 = arith.index_cast %parallel_loop3A_856 : i32 to index
        %parallel_loop3A_908 = arith.constant 96 : index
        %parallel_loop3A_909 = tpu.vector_load %arg12[%parallel_loop3A_907, %parallel_loop3A_908] {strides = array<i32>} : memref<80x128xf32, #tpu.memory_space<vmem>>, vector<16xf32>,
        %parallel_loop3A_910 = arith.mulf %parallel_loop3A_906, %parallel_loop3A_909 : vector<16xf32>
        %parallel_loop3A_911 = arith.addf %parallel_loop3A_903, %parallel_loop3A_910 : vector<16xf32>
        %parallel_loop3A_912 = arith.index_cast %parallel_loop3A_856 : i32 to index
        %parallel_loop3A_913 = arith.constant 112 : index
        %parallel_loop3A_914 = tpu.vector_load %arg11[%parallel_loop3A_912, %parallel_loop3A_913] {strides = array<i32>} : memref<80x128xf32, #tpu.memory_space<vmem>>, vector<16xf32>,
        %parallel_loop3A_915 = arith.index_cast %parallel_loop3A_856 : i32 to index
        %parallel_loop3A_916 = arith.constant 112 : index
        %parallel_loop3A_917 = tpu.vector_load %arg12[%parallel_loop3A_915, %parallel_loop3A_916] {strides = array<i32>} : memref<80x128xf32, #tpu.memory_space<vmem>>, vector<16xf32>,
        %parallel_loop3A_918 = arith.mulf %parallel_loop3A_914, %parallel_loop3A_917 : vector<16xf32>
        %parallel_loop3A_919 = arith.addf %parallel_loop3A_911, %parallel_loop3A_918 : vector<16xf32>
        %parallel_loop3A_920 = arith.constant true
        %parallel_loop3A_921 = vector.broadcast %parallel_loop3A_920 : i1 to vector<16xi1>
        %parallel_loop3A_922 = tpu.scan <sum>, %parallel_loop3A_919 masked %parallel_loop3A_921 : vector<16xf32>, vector<16xi1> -> vector<16xf32>
        %parallel_loop3A_923 = arith.constant 9 : i32
        %parallel_loop3A_924 = vector.broadcast %parallel_loop3A_923 : i32 to vector<16xi32>
        %parallel_loop3A_925 = arith.cmpi eq, %parallel_loop3A_112, %parallel_loop3A_924 : vector<16xi32>
        %parallel_loop3A_926 = arith.constant 0 : i32
        %parallel_loop3A_927 = vector.broadcast %parallel_loop3A_926 : i32 to vector<16xi32>
        %parallel_loop3A_928 = arith.cmpi slt, %parallel_loop3A_114, %parallel_loop3A_927 : vector<16xi32>
        %parallel_loop3A_929 = arith.constant 16 : i32
        %parallel_loop3A_930 = vector.broadcast %parallel_loop3A_929 : i32 to vector<16xi32>
        %parallel_loop3A_931 = arith.addi %parallel_loop3A_114, %parallel_loop3A_930 : vector<16xi32>
        %parallel_loop3A_932 = arith.select %parallel_loop3A_928, %parallel_loop3A_931, %parallel_loop3A_114 : vector<16xi1>, vector<16xi32>
        %parallel_loop3A_933 = vector.shape_cast %parallel_loop3A_932 : vector<16xi32> to vector<16x1xi32>
        %parallel_loop3A_934 = vector.shape_cast %parallel_loop3A_933 : vector<16x1xi32> to vector<16xi32>
        %parallel_loop3A_935 = tpu.dynamic_gather %parallel_loop3A_922[%parallel_loop3A_934] in [0] : vector<16xf32>, vector<16xi32> -> vector<16xf32>
        %parallel_loop3A_936 = arith.select %parallel_loop3A_925, %parallel_loop3A_935, %parallel_loop3A_854 : vector<16xi1>, vector<16xf32>
        %parallel_loop3A_937 = arith.constant 10 : i32
        %parallel_loop3A_938 = arith.addi %parallel_loop3A_111, %parallel_loop3A_937 : i32
        %parallel_loop3A_939 = arith.index_cast %parallel_loop3A_938 : i32 to index
        %parallel_loop3A_940 = arith.constant 0 : index
        %parallel_loop3A_941 = tpu.vector_load %arg11[%parallel_loop3A_939, %parallel_loop3A_940] {strides = array<i32>} : memref<80x128xf32, #tpu.memory_space<vmem>>, vector<16xf32>,
        %parallel_loop3A_942 = arith.index_cast %parallel_loop3A_938 : i32 to index
        %parallel_loop3A_943 = arith.constant 0 : index
        %parallel_loop3A_944 = tpu.vector_load %arg12[%parallel_loop3A_942, %parallel_loop3A_943] {strides = array<i32>} : memref<80x128xf32, #tpu.memory_space<vmem>>, vector<16xf32>,
        %parallel_loop3A_945 = arith.mulf %parallel_loop3A_941, %parallel_loop3A_944 : vector<16xf32>
        %parallel_loop3A_946 = arith.index_cast %parallel_loop3A_938 : i32 to index
        %parallel_loop3A_947 = arith.constant 16 : index
        %parallel_loop3A_948 = tpu.vector_load %arg11[%parallel_loop3A_946, %parallel_loop3A_947] {strides = array<i32>} : memref<80x128xf32, #tpu.memory_space<vmem>>, vector<16xf32>,
        %parallel_loop3A_949 = arith.index_cast %parallel_loop3A_938 : i32 to index
        %parallel_loop3A_950 = arith.constant 16 : index
        %parallel_loop3A_951 = tpu.vector_load %arg12[%parallel_loop3A_949, %parallel_loop3A_950] {strides = array<i32>} : memref<80x128xf32, #tpu.memory_space<vmem>>, vector<16xf32>,
        %parallel_loop3A_952 = arith.mulf %parallel_loop3A_948, %parallel_loop3A_951 : vector<16xf32>
        %parallel_loop3A_953 = arith.addf %parallel_loop3A_945, %parallel_loop3A_952 : vector<16xf32>
        %parallel_loop3A_954 = arith.index_cast %parallel_loop3A_938 : i32 to index
        %parallel_loop3A_955 = arith.constant 32 : index
        %parallel_loop3A_956 = tpu.vector_load %arg11[%parallel_loop3A_954, %parallel_loop3A_955] {strides = array<i32>} : memref<80x128xf32, #tpu.memory_space<vmem>>, vector<16xf32>,
        %parallel_loop3A_957 = arith.index_cast %parallel_loop3A_938 : i32 to index
        %parallel_loop3A_958 = arith.constant 32 : index
        %parallel_loop3A_959 = tpu.vector_load %arg12[%parallel_loop3A_957, %parallel_loop3A_958] {strides = array<i32>} : memref<80x128xf32, #tpu.memory_space<vmem>>, vector<16xf32>,
        %parallel_loop3A_960 = arith.mulf %parallel_loop3A_956, %parallel_loop3A_959 : vector<16xf32>
        %parallel_loop3A_961 = arith.addf %parallel_loop3A_953, %parallel_loop3A_960 : vector<16xf32>
        %parallel_loop3A_962 = arith.index_cast %parallel_loop3A_938 : i32 to index
        %parallel_loop3A_963 = arith.constant 48 : index
        %parallel_loop3A_964 = tpu.vector_load %arg11[%parallel_loop3A_962, %parallel_loop3A_963] {strides = array<i32>} : memref<80x128xf32, #tpu.memory_space<vmem>>, vector<16xf32>,
        %parallel_loop3A_965 = arith.index_cast %parallel_loop3A_938 : i32 to index
        %parallel_loop3A_966 = arith.constant 48 : index
        %parallel_loop3A_967 = tpu.vector_load %arg12[%parallel_loop3A_965, %parallel_loop3A_966] {strides = array<i32>} : memref<80x128xf32, #tpu.memory_space<vmem>>, vector<16xf32>,
        %parallel_loop3A_968 = arith.mulf %parallel_loop3A_964, %parallel_loop3A_967 : vector<16xf32>
        %parallel_loop3A_969 = arith.addf %parallel_loop3A_961, %parallel_loop3A_968 : vector<16xf32>
        %parallel_loop3A_970 = arith.index_cast %parallel_loop3A_938 : i32 to index
        %parallel_loop3A_971 = arith.constant 64 : index
        %parallel_loop3A_972 = tpu.vector_load %arg11[%parallel_loop3A_970, %parallel_loop3A_971] {strides = array<i32>} : memref<80x128xf32, #tpu.memory_space<vmem>>, vector<16xf32>,
        %parallel_loop3A_973 = arith.index_cast %parallel_loop3A_938 : i32 to index
        %parallel_loop3A_974 = arith.constant 64 : index
        %parallel_loop3A_975 = tpu.vector_load %arg12[%parallel_loop3A_973, %parallel_loop3A_974] {strides = array<i32>} : memref<80x128xf32, #tpu.memory_space<vmem>>, vector<16xf32>,
        %parallel_loop3A_976 = arith.mulf %parallel_loop3A_972, %parallel_loop3A_975 : vector<16xf32>
        %parallel_loop3A_977 = arith.addf %parallel_loop3A_969, %parallel_loop3A_976 : vector<16xf32>
        %parallel_loop3A_978 = arith.index_cast %parallel_loop3A_938 : i32 to index
        %parallel_loop3A_979 = arith.constant 80 : index
        %parallel_loop3A_980 = tpu.vector_load %arg11[%parallel_loop3A_978, %parallel_loop3A_979] {strides = array<i32>} : memref<80x128xf32, #tpu.memory_space<vmem>>, vector<16xf32>,
        %parallel_loop3A_981 = arith.index_cast %parallel_loop3A_938 : i32 to index
        %parallel_loop3A_982 = arith.constant 80 : index
        %parallel_loop3A_983 = tpu.vector_load %arg12[%parallel_loop3A_981, %parallel_loop3A_982] {strides = array<i32>} : memref<80x128xf32, #tpu.memory_space<vmem>>, vector<16xf32>,
        %parallel_loop3A_984 = arith.mulf %parallel_loop3A_980, %parallel_loop3A_983 : vector<16xf32>
        %parallel_loop3A_985 = arith.addf %parallel_loop3A_977, %parallel_loop3A_984 : vector<16xf32>
        %parallel_loop3A_986 = arith.index_cast %parallel_loop3A_938 : i32 to index
        %parallel_loop3A_987 = arith.constant 96 : index
        %parallel_loop3A_988 = tpu.vector_load %arg11[%parallel_loop3A_986, %parallel_loop3A_987] {strides = array<i32>} : memref<80x128xf32, #tpu.memory_space<vmem>>, vector<16xf32>,
        %parallel_loop3A_989 = arith.index_cast %parallel_loop3A_938 : i32 to index
        %parallel_loop3A_990 = arith.constant 96 : index
        %parallel_loop3A_991 = tpu.vector_load %arg12[%parallel_loop3A_989, %parallel_loop3A_990] {strides = array<i32>} : memref<80x128xf32, #tpu.memory_space<vmem>>, vector<16xf32>,
        %parallel_loop3A_992 = arith.mulf %parallel_loop3A_988, %parallel_loop3A_991 : vector<16xf32>
        %parallel_loop3A_993 = arith.addf %parallel_loop3A_985, %parallel_loop3A_992 : vector<16xf32>
        %parallel_loop3A_994 = arith.index_cast %parallel_loop3A_938 : i32 to index
        %parallel_loop3A_995 = arith.constant 112 : index
        %parallel_loop3A_996 = tpu.vector_load %arg11[%parallel_loop3A_994, %parallel_loop3A_995] {strides = array<i32>} : memref<80x128xf32, #tpu.memory_space<vmem>>, vector<16xf32>,
        %parallel_loop3A_997 = arith.index_cast %parallel_loop3A_938 : i32 to index
        %parallel_loop3A_998 = arith.constant 112 : index
        %parallel_loop3A_999 = tpu.vector_load %arg12[%parallel_loop3A_997, %parallel_loop3A_998] {strides = array<i32>} : memref<80x128xf32, #tpu.memory_space<vmem>>, vector<16xf32>,
        %parallel_loop3A_1000 = arith.mulf %parallel_loop3A_996, %parallel_loop3A_999 : vector<16xf32>
        %parallel_loop3A_1001 = arith.addf %parallel_loop3A_993, %parallel_loop3A_1000 : vector<16xf32>
        %parallel_loop3A_1002 = arith.constant true
        %parallel_loop3A_1003 = vector.broadcast %parallel_loop3A_1002 : i1 to vector<16xi1>
        %parallel_loop3A_1004 = tpu.scan <sum>, %parallel_loop3A_1001 masked %parallel_loop3A_1003 : vector<16xf32>, vector<16xi1> -> vector<16xf32>
        %parallel_loop3A_1005 = arith.constant 10 : i32
        %parallel_loop3A_1006 = vector.broadcast %parallel_loop3A_1005 : i32 to vector<16xi32>
        %parallel_loop3A_1007 = arith.cmpi eq, %parallel_loop3A_112, %parallel_loop3A_1006 : vector<16xi32>
        %parallel_loop3A_1008 = arith.constant 0 : i32
        %parallel_loop3A_1009 = vector.broadcast %parallel_loop3A_1008 : i32 to vector<16xi32>
        %parallel_loop3A_1010 = arith.cmpi slt, %parallel_loop3A_114, %parallel_loop3A_1009 : vector<16xi32>
        %parallel_loop3A_1011 = arith.constant 16 : i32
        %parallel_loop3A_1012 = vector.broadcast %parallel_loop3A_1011 : i32 to vector<16xi32>
        %parallel_loop3A_1013 = arith.addi %parallel_loop3A_114, %parallel_loop3A_1012 : vector<16xi32>
        %parallel_loop3A_1014 = arith.select %parallel_loop3A_1010, %parallel_loop3A_1013, %parallel_loop3A_114 : vector<16xi1>, vector<16xi32>
        %parallel_loop3A_1015 = vector.shape_cast %parallel_loop3A_1014 : vector<16xi32> to vector<16x1xi32>
        %parallel_loop3A_1016 = vector.shape_cast %parallel_loop3A_1015 : vector<16x1xi32> to vector<16xi32>
        %parallel_loop3A_1017 = tpu.dynamic_gather %parallel_loop3A_1004[%parallel_loop3A_1016] in [0] : vector<16xf32>, vector<16xi32> -> vector<16xf32>
        %parallel_loop3A_1018 = arith.select %parallel_loop3A_1007, %parallel_loop3A_1017, %parallel_loop3A_936 : vector<16xi1>, vector<16xf32>
        %parallel_loop3A_1019 = arith.constant 11 : i32
        %parallel_loop3A_1020 = arith.addi %parallel_loop3A_111, %parallel_loop3A_1019 : i32
        %parallel_loop3A_1021 = arith.index_cast %parallel_loop3A_1020 : i32 to index
        %parallel_loop3A_1022 = arith.constant 0 : index
        %parallel_loop3A_1023 = tpu.vector_load %arg11[%parallel_loop3A_1021, %parallel_loop3A_1022] {strides = array<i32>} : memref<80x128xf32, #tpu.memory_space<vmem>>, vector<16xf32>,
        %parallel_loop3A_1024 = arith.index_cast %parallel_loop3A_1020 : i32 to index
        %parallel_loop3A_1025 = arith.constant 0 : index
        %parallel_loop3A_1026 = tpu.vector_load %arg12[%parallel_loop3A_1024, %parallel_loop3A_1025] {strides = array<i32>} : memref<80x128xf32, #tpu.memory_space<vmem>>, vector<16xf32>,
        %parallel_loop3A_1027 = arith.mulf %parallel_loop3A_1023, %parallel_loop3A_1026 : vector<16xf32>
        %parallel_loop3A_1028 = arith.index_cast %parallel_loop3A_1020 : i32 to index
        %parallel_loop3A_1029 = arith.constant 16 : index
        %parallel_loop3A_1030 = tpu.vector_load %arg11[%parallel_loop3A_1028, %parallel_loop3A_1029] {strides = array<i32>} : memref<80x128xf32, #tpu.memory_space<vmem>>, vector<16xf32>,
        %parallel_loop3A_1031 = arith.index_cast %parallel_loop3A_1020 : i32 to index
        %parallel_loop3A_1032 = arith.constant 16 : index
        %parallel_loop3A_1033 = tpu.vector_load %arg12[%parallel_loop3A_1031, %parallel_loop3A_1032] {strides = array<i32>} : memref<80x128xf32, #tpu.memory_space<vmem>>, vector<16xf32>,
        %parallel_loop3A_1034 = arith.mulf %parallel_loop3A_1030, %parallel_loop3A_1033 : vector<16xf32>
        %parallel_loop3A_1035 = arith.addf %parallel_loop3A_1027, %parallel_loop3A_1034 : vector<16xf32>
        %parallel_loop3A_1036 = arith.index_cast %parallel_loop3A_1020 : i32 to index
        %parallel_loop3A_1037 = arith.constant 32 : index
        %parallel_loop3A_1038 = tpu.vector_load %arg11[%parallel_loop3A_1036, %parallel_loop3A_1037] {strides = array<i32>} : memref<80x128xf32, #tpu.memory_space<vmem>>, vector<16xf32>,
        %parallel_loop3A_1039 = arith.index_cast %parallel_loop3A_1020 : i32 to index
        %parallel_loop3A_1040 = arith.constant 32 : index
        %parallel_loop3A_1041 = tpu.vector_load %arg12[%parallel_loop3A_1039, %parallel_loop3A_1040] {strides = array<i32>} : memref<80x128xf32, #tpu.memory_space<vmem>>, vector<16xf32>,
        %parallel_loop3A_1042 = arith.mulf %parallel_loop3A_1038, %parallel_loop3A_1041 : vector<16xf32>
        %parallel_loop3A_1043 = arith.addf %parallel_loop3A_1035, %parallel_loop3A_1042 : vector<16xf32>
        %parallel_loop3A_1044 = arith.index_cast %parallel_loop3A_1020 : i32 to index
        %parallel_loop3A_1045 = arith.constant 48 : index
        %parallel_loop3A_1046 = tpu.vector_load %arg11[%parallel_loop3A_1044, %parallel_loop3A_1045] {strides = array<i32>} : memref<80x128xf32, #tpu.memory_space<vmem>>, vector<16xf32>,
        %parallel_loop3A_1047 = arith.index_cast %parallel_loop3A_1020 : i32 to index
        %parallel_loop3A_1048 = arith.constant 48 : index
        %parallel_loop3A_1049 = tpu.vector_load %arg12[%parallel_loop3A_1047, %parallel_loop3A_1048] {strides = array<i32>} : memref<80x128xf32, #tpu.memory_space<vmem>>, vector<16xf32>,
        %parallel_loop3A_1050 = arith.mulf %parallel_loop3A_1046, %parallel_loop3A_1049 : vector<16xf32>
        %parallel_loop3A_1051 = arith.addf %parallel_loop3A_1043, %parallel_loop3A_1050 : vector<16xf32>
        %parallel_loop3A_1052 = arith.index_cast %parallel_loop3A_1020 : i32 to index
        %parallel_loop3A_1053 = arith.constant 64 : index
        %parallel_loop3A_1054 = tpu.vector_load %arg11[%parallel_loop3A_1052, %parallel_loop3A_1053] {strides = array<i32>} : memref<80x128xf32, #tpu.memory_space<vmem>>, vector<16xf32>,
        %parallel_loop3A_1055 = arith.index_cast %parallel_loop3A_1020 : i32 to index
        %parallel_loop3A_1056 = arith.constant 64 : index
        %parallel_loop3A_1057 = tpu.vector_load %arg12[%parallel_loop3A_1055, %parallel_loop3A_1056] {strides = array<i32>} : memref<80x128xf32, #tpu.memory_space<vmem>>, vector<16xf32>,
        %parallel_loop3A_1058 = arith.mulf %parallel_loop3A_1054, %parallel_loop3A_1057 : vector<16xf32>
        %parallel_loop3A_1059 = arith.addf %parallel_loop3A_1051, %parallel_loop3A_1058 : vector<16xf32>
        %parallel_loop3A_1060 = arith.index_cast %parallel_loop3A_1020 : i32 to index
        %parallel_loop3A_1061 = arith.constant 80 : index
        %parallel_loop3A_1062 = tpu.vector_load %arg11[%parallel_loop3A_1060, %parallel_loop3A_1061] {strides = array<i32>} : memref<80x128xf32, #tpu.memory_space<vmem>>, vector<16xf32>,
        %parallel_loop3A_1063 = arith.index_cast %parallel_loop3A_1020 : i32 to index
        %parallel_loop3A_1064 = arith.constant 80 : index
        %parallel_loop3A_1065 = tpu.vector_load %arg12[%parallel_loop3A_1063, %parallel_loop3A_1064] {strides = array<i32>} : memref<80x128xf32, #tpu.memory_space<vmem>>, vector<16xf32>,
        %parallel_loop3A_1066 = arith.mulf %parallel_loop3A_1062, %parallel_loop3A_1065 : vector<16xf32>
        %parallel_loop3A_1067 = arith.addf %parallel_loop3A_1059, %parallel_loop3A_1066 : vector<16xf32>
        %parallel_loop3A_1068 = arith.index_cast %parallel_loop3A_1020 : i32 to index
        %parallel_loop3A_1069 = arith.constant 96 : index
        %parallel_loop3A_1070 = tpu.vector_load %arg11[%parallel_loop3A_1068, %parallel_loop3A_1069] {strides = array<i32>} : memref<80x128xf32, #tpu.memory_space<vmem>>, vector<16xf32>,
        %parallel_loop3A_1071 = arith.index_cast %parallel_loop3A_1020 : i32 to index
        %parallel_loop3A_1072 = arith.constant 96 : index
        %parallel_loop3A_1073 = tpu.vector_load %arg12[%parallel_loop3A_1071, %parallel_loop3A_1072] {strides = array<i32>} : memref<80x128xf32, #tpu.memory_space<vmem>>, vector<16xf32>,
        %parallel_loop3A_1074 = arith.mulf %parallel_loop3A_1070, %parallel_loop3A_1073 : vector<16xf32>
        %parallel_loop3A_1075 = arith.addf %parallel_loop3A_1067, %parallel_loop3A_1074 : vector<16xf32>
        %parallel_loop3A_1076 = arith.index_cast %parallel_loop3A_1020 : i32 to index
        %parallel_loop3A_1077 = arith.constant 112 : index
        %parallel_loop3A_1078 = tpu.vector_load %arg11[%parallel_loop3A_1076, %parallel_loop3A_1077] {strides = array<i32>} : memref<80x128xf32, #tpu.memory_space<vmem>>, vector<16xf32>,
        %parallel_loop3A_1079 = arith.index_cast %parallel_loop3A_1020 : i32 to index
        %parallel_loop3A_1080 = arith.constant 112 : index
        %parallel_loop3A_1081 = tpu.vector_load %arg12[%parallel_loop3A_1079, %parallel_loop3A_1080] {strides = array<i32>} : memref<80x128xf32, #tpu.memory_space<vmem>>, vector<16xf32>,
        %parallel_loop3A_1082 = arith.mulf %parallel_loop3A_1078, %parallel_loop3A_1081 : vector<16xf32>
        %parallel_loop3A_1083 = arith.addf %parallel_loop3A_1075, %parallel_loop3A_1082 : vector<16xf32>
        %parallel_loop3A_1084 = arith.constant true
        %parallel_loop3A_1085 = vector.broadcast %parallel_loop3A_1084 : i1 to vector<16xi1>
        %parallel_loop3A_1086 = tpu.scan <sum>, %parallel_loop3A_1083 masked %parallel_loop3A_1085 : vector<16xf32>, vector<16xi1> -> vector<16xf32>
        %parallel_loop3A_1087 = arith.constant 11 : i32
        %parallel_loop3A_1088 = vector.broadcast %parallel_loop3A_1087 : i32 to vector<16xi32>
        %parallel_loop3A_1089 = arith.cmpi eq, %parallel_loop3A_112, %parallel_loop3A_1088 : vector<16xi32>
        %parallel_loop3A_1090 = arith.constant 0 : i32
        %parallel_loop3A_1091 = vector.broadcast %parallel_loop3A_1090 : i32 to vector<16xi32>
        %parallel_loop3A_1092 = arith.cmpi slt, %parallel_loop3A_114, %parallel_loop3A_1091 : vector<16xi32>
        %parallel_loop3A_1093 = arith.constant 16 : i32
        %parallel_loop3A_1094 = vector.broadcast %parallel_loop3A_1093 : i32 to vector<16xi32>
        %parallel_loop3A_1095 = arith.addi %parallel_loop3A_114, %parallel_loop3A_1094 : vector<16xi32>
        %parallel_loop3A_1096 = arith.select %parallel_loop3A_1092, %parallel_loop3A_1095, %parallel_loop3A_114 : vector<16xi1>, vector<16xi32>
        %parallel_loop3A_1097 = vector.shape_cast %parallel_loop3A_1096 : vector<16xi32> to vector<16x1xi32>
        %parallel_loop3A_1098 = vector.shape_cast %parallel_loop3A_1097 : vector<16x1xi32> to vector<16xi32>
        %parallel_loop3A_1099 = tpu.dynamic_gather %parallel_loop3A_1086[%parallel_loop3A_1098] in [0] : vector<16xf32>, vector<16xi32> -> vector<16xf32>
        %parallel_loop3A_1100 = arith.select %parallel_loop3A_1089, %parallel_loop3A_1099, %parallel_loop3A_1018 : vector<16xi1>, vector<16xf32>
        %parallel_loop3A_1101 = arith.constant 12 : i32
        %parallel_loop3A_1102 = arith.addi %parallel_loop3A_111, %parallel_loop3A_1101 : i32
        %parallel_loop3A_1103 = arith.index_cast %parallel_loop3A_1102 : i32 to index
        %parallel_loop3A_1104 = arith.constant 0 : index
        %parallel_loop3A_1105 = tpu.vector_load %arg11[%parallel_loop3A_1103, %parallel_loop3A_1104] {strides = array<i32>} : memref<80x128xf32, #tpu.memory_space<vmem>>, vector<16xf32>,
        %parallel_loop3A_1106 = arith.index_cast %parallel_loop3A_1102 : i32 to index
        %parallel_loop3A_1107 = arith.constant 0 : index
        %parallel_loop3A_1108 = tpu.vector_load %arg12[%parallel_loop3A_1106, %parallel_loop3A_1107] {strides = array<i32>} : memref<80x128xf32, #tpu.memory_space<vmem>>, vector<16xf32>,
        %parallel_loop3A_1109 = arith.mulf %parallel_loop3A_1105, %parallel_loop3A_1108 : vector<16xf32>
        %parallel_loop3A_1110 = arith.index_cast %parallel_loop3A_1102 : i32 to index
        %parallel_loop3A_1111 = arith.constant 16 : index
        %parallel_loop3A_1112 = tpu.vector_load %arg11[%parallel_loop3A_1110, %parallel_loop3A_1111] {strides = array<i32>} : memref<80x128xf32, #tpu.memory_space<vmem>>, vector<16xf32>,
        %parallel_loop3A_1113 = arith.index_cast %parallel_loop3A_1102 : i32 to index
        %parallel_loop3A_1114 = arith.constant 16 : index
        %parallel_loop3A_1115 = tpu.vector_load %arg12[%parallel_loop3A_1113, %parallel_loop3A_1114] {strides = array<i32>} : memref<80x128xf32, #tpu.memory_space<vmem>>, vector<16xf32>,
        %parallel_loop3A_1116 = arith.mulf %parallel_loop3A_1112, %parallel_loop3A_1115 : vector<16xf32>
        %parallel_loop3A_1117 = arith.addf %parallel_loop3A_1109, %parallel_loop3A_1116 : vector<16xf32>
        %parallel_loop3A_1118 = arith.index_cast %parallel_loop3A_1102 : i32 to index
        %parallel_loop3A_1119 = arith.constant 32 : index
        %parallel_loop3A_1120 = tpu.vector_load %arg11[%parallel_loop3A_1118, %parallel_loop3A_1119] {strides = array<i32>} : memref<80x128xf32, #tpu.memory_space<vmem>>, vector<16xf32>,
        %parallel_loop3A_1121 = arith.index_cast %parallel_loop3A_1102 : i32 to index
        %parallel_loop3A_1122 = arith.constant 32 : index
        %parallel_loop3A_1123 = tpu.vector_load %arg12[%parallel_loop3A_1121, %parallel_loop3A_1122] {strides = array<i32>} : memref<80x128xf32, #tpu.memory_space<vmem>>, vector<16xf32>,
        %parallel_loop3A_1124 = arith.mulf %parallel_loop3A_1120, %parallel_loop3A_1123 : vector<16xf32>
        %parallel_loop3A_1125 = arith.addf %parallel_loop3A_1117, %parallel_loop3A_1124 : vector<16xf32>
        %parallel_loop3A_1126 = arith.index_cast %parallel_loop3A_1102 : i32 to index
        %parallel_loop3A_1127 = arith.constant 48 : index
        %parallel_loop3A_1128 = tpu.vector_load %arg11[%parallel_loop3A_1126, %parallel_loop3A_1127] {strides = array<i32>} : memref<80x128xf32, #tpu.memory_space<vmem>>, vector<16xf32>,
        %parallel_loop3A_1129 = arith.index_cast %parallel_loop3A_1102 : i32 to index
        %parallel_loop3A_1130 = arith.constant 48 : index
        %parallel_loop3A_1131 = tpu.vector_load %arg12[%parallel_loop3A_1129, %parallel_loop3A_1130] {strides = array<i32>} : memref<80x128xf32, #tpu.memory_space<vmem>>, vector<16xf32>,
        %parallel_loop3A_1132 = arith.mulf %parallel_loop3A_1128, %parallel_loop3A_1131 : vector<16xf32>
        %parallel_loop3A_1133 = arith.addf %parallel_loop3A_1125, %parallel_loop3A_1132 : vector<16xf32>
        %parallel_loop3A_1134 = arith.index_cast %parallel_loop3A_1102 : i32 to index
        %parallel_loop3A_1135 = arith.constant 64 : index
        %parallel_loop3A_1136 = tpu.vector_load %arg11[%parallel_loop3A_1134, %parallel_loop3A_1135] {strides = array<i32>} : memref<80x128xf32, #tpu.memory_space<vmem>>, vector<16xf32>,
        %parallel_loop3A_1137 = arith.index_cast %parallel_loop3A_1102 : i32 to index
        %parallel_loop3A_1138 = arith.constant 64 : index
        %parallel_loop3A_1139 = tpu.vector_load %arg12[%parallel_loop3A_1137, %parallel_loop3A_1138] {strides = array<i32>} : memref<80x128xf32, #tpu.memory_space<vmem>>, vector<16xf32>,
        %parallel_loop3A_1140 = arith.mulf %parallel_loop3A_1136, %parallel_loop3A_1139 : vector<16xf32>
        %parallel_loop3A_1141 = arith.addf %parallel_loop3A_1133, %parallel_loop3A_1140 : vector<16xf32>
        %parallel_loop3A_1142 = arith.index_cast %parallel_loop3A_1102 : i32 to index
        %parallel_loop3A_1143 = arith.constant 80 : index
        %parallel_loop3A_1144 = tpu.vector_load %arg11[%parallel_loop3A_1142, %parallel_loop3A_1143] {strides = array<i32>} : memref<80x128xf32, #tpu.memory_space<vmem>>, vector<16xf32>,
        %parallel_loop3A_1145 = arith.index_cast %parallel_loop3A_1102 : i32 to index
        %parallel_loop3A_1146 = arith.constant 80 : index
        %parallel_loop3A_1147 = tpu.vector_load %arg12[%parallel_loop3A_1145, %parallel_loop3A_1146] {strides = array<i32>} : memref<80x128xf32, #tpu.memory_space<vmem>>, vector<16xf32>,
        %parallel_loop3A_1148 = arith.mulf %parallel_loop3A_1144, %parallel_loop3A_1147 : vector<16xf32>
        %parallel_loop3A_1149 = arith.addf %parallel_loop3A_1141, %parallel_loop3A_1148 : vector<16xf32>
        %parallel_loop3A_1150 = arith.index_cast %parallel_loop3A_1102 : i32 to index
        %parallel_loop3A_1151 = arith.constant 96 : index
        %parallel_loop3A_1152 = tpu.vector_load %arg11[%parallel_loop3A_1150, %parallel_loop3A_1151] {strides = array<i32>} : memref<80x128xf32, #tpu.memory_space<vmem>>, vector<16xf32>,
        %parallel_loop3A_1153 = arith.index_cast %parallel_loop3A_1102 : i32 to index
        %parallel_loop3A_1154 = arith.constant 96 : index
        %parallel_loop3A_1155 = tpu.vector_load %arg12[%parallel_loop3A_1153, %parallel_loop3A_1154] {strides = array<i32>} : memref<80x128xf32, #tpu.memory_space<vmem>>, vector<16xf32>,
        %parallel_loop3A_1156 = arith.mulf %parallel_loop3A_1152, %parallel_loop3A_1155 : vector<16xf32>
        %parallel_loop3A_1157 = arith.addf %parallel_loop3A_1149, %parallel_loop3A_1156 : vector<16xf32>
        %parallel_loop3A_1158 = arith.index_cast %parallel_loop3A_1102 : i32 to index
        %parallel_loop3A_1159 = arith.constant 112 : index
        %parallel_loop3A_1160 = tpu.vector_load %arg11[%parallel_loop3A_1158, %parallel_loop3A_1159] {strides = array<i32>} : memref<80x128xf32, #tpu.memory_space<vmem>>, vector<16xf32>,
        %parallel_loop3A_1161 = arith.index_cast %parallel_loop3A_1102 : i32 to index
        %parallel_loop3A_1162 = arith.constant 112 : index
        %parallel_loop3A_1163 = tpu.vector_load %arg12[%parallel_loop3A_1161, %parallel_loop3A_1162] {strides = array<i32>} : memref<80x128xf32, #tpu.memory_space<vmem>>, vector<16xf32>,
        %parallel_loop3A_1164 = arith.mulf %parallel_loop3A_1160, %parallel_loop3A_1163 : vector<16xf32>
        %parallel_loop3A_1165 = arith.addf %parallel_loop3A_1157, %parallel_loop3A_1164 : vector<16xf32>
        %parallel_loop3A_1166 = arith.constant true
        %parallel_loop3A_1167 = vector.broadcast %parallel_loop3A_1166 : i1 to vector<16xi1>
        %parallel_loop3A_1168 = tpu.scan <sum>, %parallel_loop3A_1165 masked %parallel_loop3A_1167 : vector<16xf32>, vector<16xi1> -> vector<16xf32>
        %parallel_loop3A_1169 = arith.constant 12 : i32
        %parallel_loop3A_1170 = vector.broadcast %parallel_loop3A_1169 : i32 to vector<16xi32>
        %parallel_loop3A_1171 = arith.cmpi eq, %parallel_loop3A_112, %parallel_loop3A_1170 : vector<16xi32>
        %parallel_loop3A_1172 = arith.constant 0 : i32
        %parallel_loop3A_1173 = vector.broadcast %parallel_loop3A_1172 : i32 to vector<16xi32>
        %parallel_loop3A_1174 = arith.cmpi slt, %parallel_loop3A_114, %parallel_loop3A_1173 : vector<16xi32>
        %parallel_loop3A_1175 = arith.constant 16 : i32
        %parallel_loop3A_1176 = vector.broadcast %parallel_loop3A_1175 : i32 to vector<16xi32>
        %parallel_loop3A_1177 = arith.addi %parallel_loop3A_114, %parallel_loop3A_1176 : vector<16xi32>
        %parallel_loop3A_1178 = arith.select %parallel_loop3A_1174, %parallel_loop3A_1177, %parallel_loop3A_114 : vector<16xi1>, vector<16xi32>
        %parallel_loop3A_1179 = vector.shape_cast %parallel_loop3A_1178 : vector<16xi32> to vector<16x1xi32>
        %parallel_loop3A_1180 = vector.shape_cast %parallel_loop3A_1179 : vector<16x1xi32> to vector<16xi32>
        %parallel_loop3A_1181 = tpu.dynamic_gather %parallel_loop3A_1168[%parallel_loop3A_1180] in [0] : vector<16xf32>, vector<16xi32> -> vector<16xf32>
        %parallel_loop3A_1182 = arith.select %parallel_loop3A_1171, %parallel_loop3A_1181, %parallel_loop3A_1100 : vector<16xi1>, vector<16xf32>
        %parallel_loop3A_1183 = arith.constant 13 : i32
        %parallel_loop3A_1184 = arith.addi %parallel_loop3A_111, %parallel_loop3A_1183 : i32
        %parallel_loop3A_1185 = arith.index_cast %parallel_loop3A_1184 : i32 to index
        %parallel_loop3A_1186 = arith.constant 0 : index
        %parallel_loop3A_1187 = tpu.vector_load %arg11[%parallel_loop3A_1185, %parallel_loop3A_1186] {strides = array<i32>} : memref<80x128xf32, #tpu.memory_space<vmem>>, vector<16xf32>,
        %parallel_loop3A_1188 = arith.index_cast %parallel_loop3A_1184 : i32 to index
        %parallel_loop3A_1189 = arith.constant 0 : index
        %parallel_loop3A_1190 = tpu.vector_load %arg12[%parallel_loop3A_1188, %parallel_loop3A_1189] {strides = array<i32>} : memref<80x128xf32, #tpu.memory_space<vmem>>, vector<16xf32>,
        %parallel_loop3A_1191 = arith.mulf %parallel_loop3A_1187, %parallel_loop3A_1190 : vector<16xf32>
        %parallel_loop3A_1192 = arith.index_cast %parallel_loop3A_1184 : i32 to index
        %parallel_loop3A_1193 = arith.constant 16 : index
        %parallel_loop3A_1194 = tpu.vector_load %arg11[%parallel_loop3A_1192, %parallel_loop3A_1193] {strides = array<i32>} : memref<80x128xf32, #tpu.memory_space<vmem>>, vector<16xf32>,
        %parallel_loop3A_1195 = arith.index_cast %parallel_loop3A_1184 : i32 to index
        %parallel_loop3A_1196 = arith.constant 16 : index
        %parallel_loop3A_1197 = tpu.vector_load %arg12[%parallel_loop3A_1195, %parallel_loop3A_1196] {strides = array<i32>} : memref<80x128xf32, #tpu.memory_space<vmem>>, vector<16xf32>,
        %parallel_loop3A_1198 = arith.mulf %parallel_loop3A_1194, %parallel_loop3A_1197 : vector<16xf32>
        %parallel_loop3A_1199 = arith.addf %parallel_loop3A_1191, %parallel_loop3A_1198 : vector<16xf32>
        %parallel_loop3A_1200 = arith.index_cast %parallel_loop3A_1184 : i32 to index
        %parallel_loop3A_1201 = arith.constant 32 : index
        %parallel_loop3A_1202 = tpu.vector_load %arg11[%parallel_loop3A_1200, %parallel_loop3A_1201] {strides = array<i32>} : memref<80x128xf32, #tpu.memory_space<vmem>>, vector<16xf32>,
        %parallel_loop3A_1203 = arith.index_cast %parallel_loop3A_1184 : i32 to index
        %parallel_loop3A_1204 = arith.constant 32 : index
        %parallel_loop3A_1205 = tpu.vector_load %arg12[%parallel_loop3A_1203, %parallel_loop3A_1204] {strides = array<i32>} : memref<80x128xf32, #tpu.memory_space<vmem>>, vector<16xf32>,
        %parallel_loop3A_1206 = arith.mulf %parallel_loop3A_1202, %parallel_loop3A_1205 : vector<16xf32>
        %parallel_loop3A_1207 = arith.addf %parallel_loop3A_1199, %parallel_loop3A_1206 : vector<16xf32>
        %parallel_loop3A_1208 = arith.index_cast %parallel_loop3A_1184 : i32 to index
        %parallel_loop3A_1209 = arith.constant 48 : index
        %parallel_loop3A_1210 = tpu.vector_load %arg11[%parallel_loop3A_1208, %parallel_loop3A_1209] {strides = array<i32>} : memref<80x128xf32, #tpu.memory_space<vmem>>, vector<16xf32>,
        %parallel_loop3A_1211 = arith.index_cast %parallel_loop3A_1184 : i32 to index
        %parallel_loop3A_1212 = arith.constant 48 : index
        %parallel_loop3A_1213 = tpu.vector_load %arg12[%parallel_loop3A_1211, %parallel_loop3A_1212] {strides = array<i32>} : memref<80x128xf32, #tpu.memory_space<vmem>>, vector<16xf32>,
        %parallel_loop3A_1214 = arith.mulf %parallel_loop3A_1210, %parallel_loop3A_1213 : vector<16xf32>
        %parallel_loop3A_1215 = arith.addf %parallel_loop3A_1207, %parallel_loop3A_1214 : vector<16xf32>
        %parallel_loop3A_1216 = arith.index_cast %parallel_loop3A_1184 : i32 to index
        %parallel_loop3A_1217 = arith.constant 64 : index
        %parallel_loop3A_1218 = tpu.vector_load %arg11[%parallel_loop3A_1216, %parallel_loop3A_1217] {strides = array<i32>} : memref<80x128xf32, #tpu.memory_space<vmem>>, vector<16xf32>,
        %parallel_loop3A_1219 = arith.index_cast %parallel_loop3A_1184 : i32 to index
        %parallel_loop3A_1220 = arith.constant 64 : index
        %parallel_loop3A_1221 = tpu.vector_load %arg12[%parallel_loop3A_1219, %parallel_loop3A_1220] {strides = array<i32>} : memref<80x128xf32, #tpu.memory_space<vmem>>, vector<16xf32>,
        %parallel_loop3A_1222 = arith.mulf %parallel_loop3A_1218, %parallel_loop3A_1221 : vector<16xf32>
        %parallel_loop3A_1223 = arith.addf %parallel_loop3A_1215, %parallel_loop3A_1222 : vector<16xf32>
        %parallel_loop3A_1224 = arith.index_cast %parallel_loop3A_1184 : i32 to index
        %parallel_loop3A_1225 = arith.constant 80 : index
        %parallel_loop3A_1226 = tpu.vector_load %arg11[%parallel_loop3A_1224, %parallel_loop3A_1225] {strides = array<i32>} : memref<80x128xf32, #tpu.memory_space<vmem>>, vector<16xf32>,
        %parallel_loop3A_1227 = arith.index_cast %parallel_loop3A_1184 : i32 to index
        %parallel_loop3A_1228 = arith.constant 80 : index
        %parallel_loop3A_1229 = tpu.vector_load %arg12[%parallel_loop3A_1227, %parallel_loop3A_1228] {strides = array<i32>} : memref<80x128xf32, #tpu.memory_space<vmem>>, vector<16xf32>,
        %parallel_loop3A_1230 = arith.mulf %parallel_loop3A_1226, %parallel_loop3A_1229 : vector<16xf32>
        %parallel_loop3A_1231 = arith.addf %parallel_loop3A_1223, %parallel_loop3A_1230 : vector<16xf32>
        %parallel_loop3A_1232 = arith.index_cast %parallel_loop3A_1184 : i32 to index
        %parallel_loop3A_1233 = arith.constant 96 : index
        %parallel_loop3A_1234 = tpu.vector_load %arg11[%parallel_loop3A_1232, %parallel_loop3A_1233] {strides = array<i32>} : memref<80x128xf32, #tpu.memory_space<vmem>>, vector<16xf32>,
        %parallel_loop3A_1235 = arith.index_cast %parallel_loop3A_1184 : i32 to index
        %parallel_loop3A_1236 = arith.constant 96 : index
        %parallel_loop3A_1237 = tpu.vector_load %arg12[%parallel_loop3A_1235, %parallel_loop3A_1236] {strides = array<i32>} : memref<80x128xf32, #tpu.memory_space<vmem>>, vector<16xf32>,
        %parallel_loop3A_1238 = arith.mulf %parallel_loop3A_1234, %parallel_loop3A_1237 : vector<16xf32>
        %parallel_loop3A_1239 = arith.addf %parallel_loop3A_1231, %parallel_loop3A_1238 : vector<16xf32>
        %parallel_loop3A_1240 = arith.index_cast %parallel_loop3A_1184 : i32 to index
        %parallel_loop3A_1241 = arith.constant 112 : index
        %parallel_loop3A_1242 = tpu.vector_load %arg11[%parallel_loop3A_1240, %parallel_loop3A_1241] {strides = array<i32>} : memref<80x128xf32, #tpu.memory_space<vmem>>, vector<16xf32>,
        %parallel_loop3A_1243 = arith.index_cast %parallel_loop3A_1184 : i32 to index
        %parallel_loop3A_1244 = arith.constant 112 : index
        %parallel_loop3A_1245 = tpu.vector_load %arg12[%parallel_loop3A_1243, %parallel_loop3A_1244] {strides = array<i32>} : memref<80x128xf32, #tpu.memory_space<vmem>>, vector<16xf32>,
        %parallel_loop3A_1246 = arith.mulf %parallel_loop3A_1242, %parallel_loop3A_1245 : vector<16xf32>
        %parallel_loop3A_1247 = arith.addf %parallel_loop3A_1239, %parallel_loop3A_1246 : vector<16xf32>
        %parallel_loop3A_1248 = arith.constant true
        %parallel_loop3A_1249 = vector.broadcast %parallel_loop3A_1248 : i1 to vector<16xi1>
        %parallel_loop3A_1250 = tpu.scan <sum>, %parallel_loop3A_1247 masked %parallel_loop3A_1249 : vector<16xf32>, vector<16xi1> -> vector<16xf32>
        %parallel_loop3A_1251 = arith.constant 13 : i32
        %parallel_loop3A_1252 = vector.broadcast %parallel_loop3A_1251 : i32 to vector<16xi32>
        %parallel_loop3A_1253 = arith.cmpi eq, %parallel_loop3A_112, %parallel_loop3A_1252 : vector<16xi32>
        %parallel_loop3A_1254 = arith.constant 0 : i32
        %parallel_loop3A_1255 = vector.broadcast %parallel_loop3A_1254 : i32 to vector<16xi32>
        %parallel_loop3A_1256 = arith.cmpi slt, %parallel_loop3A_114, %parallel_loop3A_1255 : vector<16xi32>
        %parallel_loop3A_1257 = arith.constant 16 : i32
        %parallel_loop3A_1258 = vector.broadcast %parallel_loop3A_1257 : i32 to vector<16xi32>
        %parallel_loop3A_1259 = arith.addi %parallel_loop3A_114, %parallel_loop3A_1258 : vector<16xi32>
        %parallel_loop3A_1260 = arith.select %parallel_loop3A_1256, %parallel_loop3A_1259, %parallel_loop3A_114 : vector<16xi1>, vector<16xi32>
        %parallel_loop3A_1261 = vector.shape_cast %parallel_loop3A_1260 : vector<16xi32> to vector<16x1xi32>
        %parallel_loop3A_1262 = vector.shape_cast %parallel_loop3A_1261 : vector<16x1xi32> to vector<16xi32>
        %parallel_loop3A_1263 = tpu.dynamic_gather %parallel_loop3A_1250[%parallel_loop3A_1262] in [0] : vector<16xf32>, vector<16xi32> -> vector<16xf32>
        %parallel_loop3A_1264 = arith.select %parallel_loop3A_1253, %parallel_loop3A_1263, %parallel_loop3A_1182 : vector<16xi1>, vector<16xf32>
        %parallel_loop3A_1265 = arith.constant 14 : i32
        %parallel_loop3A_1266 = arith.addi %parallel_loop3A_111, %parallel_loop3A_1265 : i32
        %parallel_loop3A_1267 = arith.index_cast %parallel_loop3A_1266 : i32 to index
        %parallel_loop3A_1268 = arith.constant 0 : index
        %parallel_loop3A_1269 = tpu.vector_load %arg11[%parallel_loop3A_1267, %parallel_loop3A_1268] {strides = array<i32>} : memref<80x128xf32, #tpu.memory_space<vmem>>, vector<16xf32>,
        %parallel_loop3A_1270 = arith.index_cast %parallel_loop3A_1266 : i32 to index
        %parallel_loop3A_1271 = arith.constant 0 : index
        %parallel_loop3A_1272 = tpu.vector_load %arg12[%parallel_loop3A_1270, %parallel_loop3A_1271] {strides = array<i32>} : memref<80x128xf32, #tpu.memory_space<vmem>>, vector<16xf32>,
        %parallel_loop3A_1273 = arith.mulf %parallel_loop3A_1269, %parallel_loop3A_1272 : vector<16xf32>
        %parallel_loop3A_1274 = arith.index_cast %parallel_loop3A_1266 : i32 to index
        %parallel_loop3A_1275 = arith.constant 16 : index
        %parallel_loop3A_1276 = tpu.vector_load %arg11[%parallel_loop3A_1274, %parallel_loop3A_1275] {strides = array<i32>} : memref<80x128xf32, #tpu.memory_space<vmem>>, vector<16xf32>,
        %parallel_loop3A_1277 = arith.index_cast %parallel_loop3A_1266 : i32 to index
        %parallel_loop3A_1278 = arith.constant 16 : index
        %parallel_loop3A_1279 = tpu.vector_load %arg12[%parallel_loop3A_1277, %parallel_loop3A_1278] {strides = array<i32>} : memref<80x128xf32, #tpu.memory_space<vmem>>, vector<16xf32>,
        %parallel_loop3A_1280 = arith.mulf %parallel_loop3A_1276, %parallel_loop3A_1279 : vector<16xf32>
        %parallel_loop3A_1281 = arith.addf %parallel_loop3A_1273, %parallel_loop3A_1280 : vector<16xf32>
        %parallel_loop3A_1282 = arith.index_cast %parallel_loop3A_1266 : i32 to index
        %parallel_loop3A_1283 = arith.constant 32 : index
        %parallel_loop3A_1284 = tpu.vector_load %arg11[%parallel_loop3A_1282, %parallel_loop3A_1283] {strides = array<i32>} : memref<80x128xf32, #tpu.memory_space<vmem>>, vector<16xf32>,
        %parallel_loop3A_1285 = arith.index_cast %parallel_loop3A_1266 : i32 to index
        %parallel_loop3A_1286 = arith.constant 32 : index
        %parallel_loop3A_1287 = tpu.vector_load %arg12[%parallel_loop3A_1285, %parallel_loop3A_1286] {strides = array<i32>} : memref<80x128xf32, #tpu.memory_space<vmem>>, vector<16xf32>,
        %parallel_loop3A_1288 = arith.mulf %parallel_loop3A_1284, %parallel_loop3A_1287 : vector<16xf32>
        %parallel_loop3A_1289 = arith.addf %parallel_loop3A_1281, %parallel_loop3A_1288 : vector<16xf32>
        %parallel_loop3A_1290 = arith.index_cast %parallel_loop3A_1266 : i32 to index
        %parallel_loop3A_1291 = arith.constant 48 : index
        %parallel_loop3A_1292 = tpu.vector_load %arg11[%parallel_loop3A_1290, %parallel_loop3A_1291] {strides = array<i32>} : memref<80x128xf32, #tpu.memory_space<vmem>>, vector<16xf32>,
        %parallel_loop3A_1293 = arith.index_cast %parallel_loop3A_1266 : i32 to index
        %parallel_loop3A_1294 = arith.constant 48 : index
        %parallel_loop3A_1295 = tpu.vector_load %arg12[%parallel_loop3A_1293, %parallel_loop3A_1294] {strides = array<i32>} : memref<80x128xf32, #tpu.memory_space<vmem>>, vector<16xf32>,
        %parallel_loop3A_1296 = arith.mulf %parallel_loop3A_1292, %parallel_loop3A_1295 : vector<16xf32>
        %parallel_loop3A_1297 = arith.addf %parallel_loop3A_1289, %parallel_loop3A_1296 : vector<16xf32>
        %parallel_loop3A_1298 = arith.index_cast %parallel_loop3A_1266 : i32 to index
        %parallel_loop3A_1299 = arith.constant 64 : index
        %parallel_loop3A_1300 = tpu.vector_load %arg11[%parallel_loop3A_1298, %parallel_loop3A_1299] {strides = array<i32>} : memref<80x128xf32, #tpu.memory_space<vmem>>, vector<16xf32>,
        %parallel_loop3A_1301 = arith.index_cast %parallel_loop3A_1266 : i32 to index
        %parallel_loop3A_1302 = arith.constant 64 : index
        %parallel_loop3A_1303 = tpu.vector_load %arg12[%parallel_loop3A_1301, %parallel_loop3A_1302] {strides = array<i32>} : memref<80x128xf32, #tpu.memory_space<vmem>>, vector<16xf32>,
        %parallel_loop3A_1304 = arith.mulf %parallel_loop3A_1300, %parallel_loop3A_1303 : vector<16xf32>
        %parallel_loop3A_1305 = arith.addf %parallel_loop3A_1297, %parallel_loop3A_1304 : vector<16xf32>
        %parallel_loop3A_1306 = arith.index_cast %parallel_loop3A_1266 : i32 to index
        %parallel_loop3A_1307 = arith.constant 80 : index
        %parallel_loop3A_1308 = tpu.vector_load %arg11[%parallel_loop3A_1306, %parallel_loop3A_1307] {strides = array<i32>} : memref<80x128xf32, #tpu.memory_space<vmem>>, vector<16xf32>,
        %parallel_loop3A_1309 = arith.index_cast %parallel_loop3A_1266 : i32 to index
        %parallel_loop3A_1310 = arith.constant 80 : index
        %parallel_loop3A_1311 = tpu.vector_load %arg12[%parallel_loop3A_1309, %parallel_loop3A_1310] {strides = array<i32>} : memref<80x128xf32, #tpu.memory_space<vmem>>, vector<16xf32>,
        %parallel_loop3A_1312 = arith.mulf %parallel_loop3A_1308, %parallel_loop3A_1311 : vector<16xf32>
        %parallel_loop3A_1313 = arith.addf %parallel_loop3A_1305, %parallel_loop3A_1312 : vector<16xf32>
        %parallel_loop3A_1314 = arith.index_cast %parallel_loop3A_1266 : i32 to index
        %parallel_loop3A_1315 = arith.constant 96 : index
        %parallel_loop3A_1316 = tpu.vector_load %arg11[%parallel_loop3A_1314, %parallel_loop3A_1315] {strides = array<i32>} : memref<80x128xf32, #tpu.memory_space<vmem>>, vector<16xf32>,
        %parallel_loop3A_1317 = arith.index_cast %parallel_loop3A_1266 : i32 to index
        %parallel_loop3A_1318 = arith.constant 96 : index
        %parallel_loop3A_1319 = tpu.vector_load %arg12[%parallel_loop3A_1317, %parallel_loop3A_1318] {strides = array<i32>} : memref<80x128xf32, #tpu.memory_space<vmem>>, vector<16xf32>,
        %parallel_loop3A_1320 = arith.mulf %parallel_loop3A_1316, %parallel_loop3A_1319 : vector<16xf32>
        %parallel_loop3A_1321 = arith.addf %parallel_loop3A_1313, %parallel_loop3A_1320 : vector<16xf32>
        %parallel_loop3A_1322 = arith.index_cast %parallel_loop3A_1266 : i32 to index
        %parallel_loop3A_1323 = arith.constant 112 : index
        %parallel_loop3A_1324 = tpu.vector_load %arg11[%parallel_loop3A_1322, %parallel_loop3A_1323] {strides = array<i32>} : memref<80x128xf32, #tpu.memory_space<vmem>>, vector<16xf32>,
        %parallel_loop3A_1325 = arith.index_cast %parallel_loop3A_1266 : i32 to index
        %parallel_loop3A_1326 = arith.constant 112 : index
        %parallel_loop3A_1327 = tpu.vector_load %arg12[%parallel_loop3A_1325, %parallel_loop3A_1326] {strides = array<i32>} : memref<80x128xf32, #tpu.memory_space<vmem>>, vector<16xf32>,
        %parallel_loop3A_1328 = arith.mulf %parallel_loop3A_1324, %parallel_loop3A_1327 : vector<16xf32>
        %parallel_loop3A_1329 = arith.addf %parallel_loop3A_1321, %parallel_loop3A_1328 : vector<16xf32>
        %parallel_loop3A_1330 = arith.constant true
        %parallel_loop3A_1331 = vector.broadcast %parallel_loop3A_1330 : i1 to vector<16xi1>
        %parallel_loop3A_1332 = tpu.scan <sum>, %parallel_loop3A_1329 masked %parallel_loop3A_1331 : vector<16xf32>, vector<16xi1> -> vector<16xf32>
        %parallel_loop3A_1333 = arith.constant 14 : i32
        %parallel_loop3A_1334 = vector.broadcast %parallel_loop3A_1333 : i32 to vector<16xi32>
        %parallel_loop3A_1335 = arith.cmpi eq, %parallel_loop3A_112, %parallel_loop3A_1334 : vector<16xi32>
        %parallel_loop3A_1336 = arith.constant 0 : i32
        %parallel_loop3A_1337 = vector.broadcast %parallel_loop3A_1336 : i32 to vector<16xi32>
        %parallel_loop3A_1338 = arith.cmpi slt, %parallel_loop3A_114, %parallel_loop3A_1337 : vector<16xi32>
        %parallel_loop3A_1339 = arith.constant 16 : i32
        %parallel_loop3A_1340 = vector.broadcast %parallel_loop3A_1339 : i32 to vector<16xi32>
        %parallel_loop3A_1341 = arith.addi %parallel_loop3A_114, %parallel_loop3A_1340 : vector<16xi32>
        %parallel_loop3A_1342 = arith.select %parallel_loop3A_1338, %parallel_loop3A_1341, %parallel_loop3A_114 : vector<16xi1>, vector<16xi32>
        %parallel_loop3A_1343 = vector.shape_cast %parallel_loop3A_1342 : vector<16xi32> to vector<16x1xi32>
        %parallel_loop3A_1344 = vector.shape_cast %parallel_loop3A_1343 : vector<16x1xi32> to vector<16xi32>
        %parallel_loop3A_1345 = tpu.dynamic_gather %parallel_loop3A_1332[%parallel_loop3A_1344] in [0] : vector<16xf32>, vector<16xi32> -> vector<16xf32>
        %parallel_loop3A_1346 = arith.select %parallel_loop3A_1335, %parallel_loop3A_1345, %parallel_loop3A_1264 : vector<16xi1>, vector<16xf32>
        %parallel_loop3A_1347 = arith.constant 15 : i32
        %parallel_loop3A_1348 = arith.addi %parallel_loop3A_111, %parallel_loop3A_1347 : i32
        %parallel_loop3A_1349 = arith.index_cast %parallel_loop3A_1348 : i32 to index
        %parallel_loop3A_1350 = arith.constant 0 : index
        %parallel_loop3A_1351 = tpu.vector_load %arg11[%parallel_loop3A_1349, %parallel_loop3A_1350] {strides = array<i32>} : memref<80x128xf32, #tpu.memory_space<vmem>>, vector<16xf32>,
        %parallel_loop3A_1352 = arith.index_cast %parallel_loop3A_1348 : i32 to index
        %parallel_loop3A_1353 = arith.constant 0 : index
        %parallel_loop3A_1354 = tpu.vector_load %arg12[%parallel_loop3A_1352, %parallel_loop3A_1353] {strides = array<i32>} : memref<80x128xf32, #tpu.memory_space<vmem>>, vector<16xf32>,
        %parallel_loop3A_1355 = arith.mulf %parallel_loop3A_1351, %parallel_loop3A_1354 : vector<16xf32>
        %parallel_loop3A_1356 = arith.index_cast %parallel_loop3A_1348 : i32 to index
        %parallel_loop3A_1357 = arith.constant 16 : index
        %parallel_loop3A_1358 = tpu.vector_load %arg11[%parallel_loop3A_1356, %parallel_loop3A_1357] {strides = array<i32>} : memref<80x128xf32, #tpu.memory_space<vmem>>, vector<16xf32>,
        %parallel_loop3A_1359 = arith.index_cast %parallel_loop3A_1348 : i32 to index
        %parallel_loop3A_1360 = arith.constant 16 : index
        %parallel_loop3A_1361 = tpu.vector_load %arg12[%parallel_loop3A_1359, %parallel_loop3A_1360] {strides = array<i32>} : memref<80x128xf32, #tpu.memory_space<vmem>>, vector<16xf32>,
        %parallel_loop3A_1362 = arith.mulf %parallel_loop3A_1358, %parallel_loop3A_1361 : vector<16xf32>
        %parallel_loop3A_1363 = arith.addf %parallel_loop3A_1355, %parallel_loop3A_1362 : vector<16xf32>
        %parallel_loop3A_1364 = arith.index_cast %parallel_loop3A_1348 : i32 to index
        %parallel_loop3A_1365 = arith.constant 32 : index
        %parallel_loop3A_1366 = tpu.vector_load %arg11[%parallel_loop3A_1364, %parallel_loop3A_1365] {strides = array<i32>} : memref<80x128xf32, #tpu.memory_space<vmem>>, vector<16xf32>,
        %parallel_loop3A_1367 = arith.index_cast %parallel_loop3A_1348 : i32 to index
        %parallel_loop3A_1368 = arith.constant 32 : index
        %parallel_loop3A_1369 = tpu.vector_load %arg12[%parallel_loop3A_1367, %parallel_loop3A_1368] {strides = array<i32>} : memref<80x128xf32, #tpu.memory_space<vmem>>, vector<16xf32>,
        %parallel_loop3A_1370 = arith.mulf %parallel_loop3A_1366, %parallel_loop3A_1369 : vector<16xf32>
        %parallel_loop3A_1371 = arith.addf %parallel_loop3A_1363, %parallel_loop3A_1370 : vector<16xf32>
        %parallel_loop3A_1372 = arith.index_cast %parallel_loop3A_1348 : i32 to index
        %parallel_loop3A_1373 = arith.constant 48 : index
        %parallel_loop3A_1374 = tpu.vector_load %arg11[%parallel_loop3A_1372, %parallel_loop3A_1373] {strides = array<i32>} : memref<80x128xf32, #tpu.memory_space<vmem>>, vector<16xf32>,
        %parallel_loop3A_1375 = arith.index_cast %parallel_loop3A_1348 : i32 to index
        %parallel_loop3A_1376 = arith.constant 48 : index
        %parallel_loop3A_1377 = tpu.vector_load %arg12[%parallel_loop3A_1375, %parallel_loop3A_1376] {strides = array<i32>} : memref<80x128xf32, #tpu.memory_space<vmem>>, vector<16xf32>,
        %parallel_loop3A_1378 = arith.mulf %parallel_loop3A_1374, %parallel_loop3A_1377 : vector<16xf32>
        %parallel_loop3A_1379 = arith.addf %parallel_loop3A_1371, %parallel_loop3A_1378 : vector<16xf32>
        %parallel_loop3A_1380 = arith.index_cast %parallel_loop3A_1348 : i32 to index
        %parallel_loop3A_1381 = arith.constant 64 : index
        %parallel_loop3A_1382 = tpu.vector_load %arg11[%parallel_loop3A_1380, %parallel_loop3A_1381] {strides = array<i32>} : memref<80x128xf32, #tpu.memory_space<vmem>>, vector<16xf32>,
        %parallel_loop3A_1383 = arith.index_cast %parallel_loop3A_1348 : i32 to index
        %parallel_loop3A_1384 = arith.constant 64 : index
        %parallel_loop3A_1385 = tpu.vector_load %arg12[%parallel_loop3A_1383, %parallel_loop3A_1384] {strides = array<i32>} : memref<80x128xf32, #tpu.memory_space<vmem>>, vector<16xf32>,
        %parallel_loop3A_1386 = arith.mulf %parallel_loop3A_1382, %parallel_loop3A_1385 : vector<16xf32>
        %parallel_loop3A_1387 = arith.addf %parallel_loop3A_1379, %parallel_loop3A_1386 : vector<16xf32>
        %parallel_loop3A_1388 = arith.index_cast %parallel_loop3A_1348 : i32 to index
        %parallel_loop3A_1389 = arith.constant 80 : index
        %parallel_loop3A_1390 = tpu.vector_load %arg11[%parallel_loop3A_1388, %parallel_loop3A_1389] {strides = array<i32>} : memref<80x128xf32, #tpu.memory_space<vmem>>, vector<16xf32>,
        %parallel_loop3A_1391 = arith.index_cast %parallel_loop3A_1348 : i32 to index
        %parallel_loop3A_1392 = arith.constant 80 : index
        %parallel_loop3A_1393 = tpu.vector_load %arg12[%parallel_loop3A_1391, %parallel_loop3A_1392] {strides = array<i32>} : memref<80x128xf32, #tpu.memory_space<vmem>>, vector<16xf32>,
        %parallel_loop3A_1394 = arith.mulf %parallel_loop3A_1390, %parallel_loop3A_1393 : vector<16xf32>
        %parallel_loop3A_1395 = arith.addf %parallel_loop3A_1387, %parallel_loop3A_1394 : vector<16xf32>
        %parallel_loop3A_1396 = arith.index_cast %parallel_loop3A_1348 : i32 to index
        %parallel_loop3A_1397 = arith.constant 96 : index
        %parallel_loop3A_1398 = tpu.vector_load %arg11[%parallel_loop3A_1396, %parallel_loop3A_1397] {strides = array<i32>} : memref<80x128xf32, #tpu.memory_space<vmem>>, vector<16xf32>,
        %parallel_loop3A_1399 = arith.index_cast %parallel_loop3A_1348 : i32 to index
        %parallel_loop3A_1400 = arith.constant 96 : index
        %parallel_loop3A_1401 = tpu.vector_load %arg12[%parallel_loop3A_1399, %parallel_loop3A_1400] {strides = array<i32>} : memref<80x128xf32, #tpu.memory_space<vmem>>, vector<16xf32>,
        %parallel_loop3A_1402 = arith.mulf %parallel_loop3A_1398, %parallel_loop3A_1401 : vector<16xf32>
        %parallel_loop3A_1403 = arith.addf %parallel_loop3A_1395, %parallel_loop3A_1402 : vector<16xf32>
        %parallel_loop3A_1404 = arith.index_cast %parallel_loop3A_1348 : i32 to index
        %parallel_loop3A_1405 = arith.constant 112 : index
        %parallel_loop3A_1406 = tpu.vector_load %arg11[%parallel_loop3A_1404, %parallel_loop3A_1405] {strides = array<i32>} : memref<80x128xf32, #tpu.memory_space<vmem>>, vector<16xf32>,
        %parallel_loop3A_1407 = arith.index_cast %parallel_loop3A_1348 : i32 to index
        %parallel_loop3A_1408 = arith.constant 112 : index
        %parallel_loop3A_1409 = tpu.vector_load %arg12[%parallel_loop3A_1407, %parallel_loop3A_1408] {strides = array<i32>} : memref<80x128xf32, #tpu.memory_space<vmem>>, vector<16xf32>,
        %parallel_loop3A_1410 = arith.mulf %parallel_loop3A_1406, %parallel_loop3A_1409 : vector<16xf32>
        %parallel_loop3A_1411 = arith.addf %parallel_loop3A_1403, %parallel_loop3A_1410 : vector<16xf32>
        %parallel_loop3A_1412 = arith.constant true
        %parallel_loop3A_1413 = vector.broadcast %parallel_loop3A_1412 : i1 to vector<16xi1>
        %parallel_loop3A_1414 = tpu.scan <sum>, %parallel_loop3A_1411 masked %parallel_loop3A_1413 : vector<16xf32>, vector<16xi1> -> vector<16xf32>
        %parallel_loop3A_1415 = arith.constant 15 : i32
        %parallel_loop3A_1416 = vector.broadcast %parallel_loop3A_1415 : i32 to vector<16xi32>
        %parallel_loop3A_1417 = arith.cmpi eq, %parallel_loop3A_112, %parallel_loop3A_1416 : vector<16xi32>
        %parallel_loop3A_1418 = arith.constant 0 : i32
        %parallel_loop3A_1419 = vector.broadcast %parallel_loop3A_1418 : i32 to vector<16xi32>
        %parallel_loop3A_1420 = arith.cmpi slt, %parallel_loop3A_114, %parallel_loop3A_1419 : vector<16xi32>
        %parallel_loop3A_1421 = arith.constant 16 : i32
        %parallel_loop3A_1422 = vector.broadcast %parallel_loop3A_1421 : i32 to vector<16xi32>
        %parallel_loop3A_1423 = arith.addi %parallel_loop3A_114, %parallel_loop3A_1422 : vector<16xi32>
        %parallel_loop3A_1424 = arith.select %parallel_loop3A_1420, %parallel_loop3A_1423, %parallel_loop3A_114 : vector<16xi1>, vector<16xi32>
        %parallel_loop3A_1425 = vector.shape_cast %parallel_loop3A_1424 : vector<16xi32> to vector<16x1xi32>
        %parallel_loop3A_1426 = vector.shape_cast %parallel_loop3A_1425 : vector<16x1xi32> to vector<16xi32>
        %parallel_loop3A_1427 = tpu.dynamic_gather %parallel_loop3A_1414[%parallel_loop3A_1426] in [0] : vector<16xf32>, vector<16xi32> -> vector<16xf32>
        %parallel_loop3A_1428 = arith.select %parallel_loop3A_1417, %parallel_loop3A_1427, %parallel_loop3A_1346 : vector<16xi1>, vector<16xf32>
        %parallel_loop3A_1429 = arith.index_cast %parallel_loop3A_111 : i32 to index
        %parallel_loop3A_1430 = tpu.vector_load %arg15[%parallel_loop3A_1429] {strides = array<i32>} : memref<80xf32, #tpu.memory_space<vmem>>, vector<16xf32>,
        tpu.vector_store %arg15[%parallel_loop3A_1429], %parallel_loop3A_1428 {strides = array<i32>} : memref<80xf32, #tpu.memory_space<vmem>>, vector<16xf32>,
      } {sc.loop_unroll_factor = 1 : i64, sc.parallel_access}
      %mul3A_71 = arith.constant 80 : i32
      %mul3A_72 = arith.muli %mul3A_36, %mul3A_71 : i32
      %add3A_73 = arith.addi %mul3A_2, %mul3A_72 : i32
      %dma_start3A_74 = tpu.memref_slice %arg5[%add3A_73] : memref<327680xf32, #tpu.memory_space<hbm>> -> memref<80xf32, #tpu.memory_space<hbm>>
      %dma_start3A_75 = tpu.memref_slice %arg5[%add3A_73] : memref<327680xf32, #tpu.memory_space<hbm>> -> memref<80xf32, #tpu.memory_space<hbm>>
      tpu.enqueue_dma source(%arg15 : memref<80xf32, #tpu.memory_space<vmem>>) target(%dma_start3A_75 : memref<80xf32, #tpu.memory_space<hbm>>) target_semaphore(%arg21 : memref<!tpu.dma_semaphore, #tpu.memory_space<semaphore_mem>>)
      %add3A_76 = arith.constant 2 : i32
      %add3A_77 = arith.addi %mul3A_36, %add3A_76 : i32
      %lt3A_78 = arith.constant 128 : i32
      %lt3A_79 = arith.cmpi slt, %add3A_77, %lt3A_78 : i32
      %convert_element_type3A_80 = arith.extui %lt3A_79 : i1 to i32
      %cond3A_81 = arith.constant 0 : i32
      %cond3A_82 = arith.cmpi ne, %convert_element_type3A_80, %cond3A_81 : i32
      scf.if %cond3A_82 {
        %add3A_111 = arith.constant 2 : i32
        %add3A_112 = arith.addi %mul3A_36, %add3A_111 : i32
        %mul3A_113 = arith.constant 80 : i32
        %mul3A_114 = arith.muli %add3A_112, %mul3A_113 : i32
        %add3A_115 = arith.addi %mul3A_2, %mul3A_114 : i32
        %dma_wait3A_116 = tpu.memref_slice %arg3[%add3A_115] : memref<327680xi32, #tpu.memory_space<hbm>> -> memref<80xi32, #tpu.memory_space<hbm>>
        %dma_wait3A_117 = tpu.memref_slice %arg3[%add3A_115] : memref<327680xi32, #tpu.memory_space<hbm>> -> memref<80xi32, #tpu.memory_space<hbm>>
        tpu.wait_dma2 semaphore(%arg19 : memref<!tpu.dma_semaphore, #tpu.memory_space<semaphore_mem>>) src(%dma_wait3A_117 : memref<80xi32, #tpu.memory_space<hbm>>) dst(%arg7 : memref<80xi32, #tpu.memory_space<vmem>>)
        %dma_wait3A_118 = tpu.memref_slice %arg4[%add3A_115] : memref<327680xi32, #tpu.memory_space<hbm>> -> memref<80xi32, #tpu.memory_space<hbm>>
        %dma_wait3A_119 = tpu.memref_slice %arg4[%add3A_115] : memref<327680xi32, #tpu.memory_space<hbm>> -> memref<80xi32, #tpu.memory_space<hbm>>
        tpu.wait_dma2 semaphore(%arg19 : memref<!tpu.dma_semaphore, #tpu.memory_space<semaphore_mem>>) src(%dma_wait3A_119 : memref<80xi32, #tpu.memory_space<hbm>>) dst(%arg8 : memref<80xi32, #tpu.memory_space<vmem>>)
        %dma_start3A_120 = arith.constant 0 : i32
        %dma_start3A_121 = arith.constant 0 : i32
        %dma_start3A_122 = tpu.memref_slice %arg6[%dma_start3A_120, %dma_start3A_121] : memref<10000x128xf32, #tpu.memory_space<vmem_shared>> -> memref<10000x128xf32, #tpu.memory_space<vmem_shared>>
        tpu.enqueue_indirect_dma source(%dma_start3A_122 : memref<10000x128xf32, #tpu.memory_space<vmem_shared>>) target(%arg11 : memref<80x128xf32, #tpu.memory_space<vmem>>) offsets(%arg7 : memref<80xi32, #tpu.memory_space<vmem>>) semaphore(%arg17 : memref<!tpu.dma_semaphore, #tpu.memory_space<semaphore_mem>>)
        %dma_start3A_123 = arith.constant 0 : i32
        %dma_start3A_124 = arith.constant 0 : i32
        %dma_start3A_125 = tpu.memref_slice %arg6[%dma_start3A_123, %dma_start3A_124] : memref<10000x128xf32, #tpu.memory_space<vmem_shared>> -> memref<10000x128xf32, #tpu.memory_space<vmem_shared>>
        tpu.enqueue_indirect_dma source(%dma_start3A_125 : memref<10000x128xf32, #tpu.memory_space<vmem_shared>>) target(%arg12 : memref<80x128xf32, #tpu.memory_space<vmem>>) offsets(%arg8 : memref<80xi32, #tpu.memory_space<vmem>>) semaphore(%arg17 : memref<!tpu.dma_semaphore, #tpu.memory_space<semaphore_mem>>)
      } else {
      }
      %dma_wait3A_83 = arith.constant 0 : i32
      %dma_wait3A_84 = arith.constant 0 : i32
      %dma_wait3A_85 = tpu.memref_slice %arg6[%dma_wait3A_83, %dma_wait3A_84] : memref<10000x128xf32, #tpu.memory_space<vmem_shared>> -> memref<10000x128xf32, #tpu.memory_space<vmem_shared>>
      tpu.wait_indirect_dma semaphore(%arg18 : memref<!tpu.dma_semaphore, #tpu.memory_space<semaphore_mem>>) src(%dma_wait3A_85 : memref<10000x128xf32, #tpu.memory_space<vmem_shared>>) dst(%arg13 : memref<80x128xf32, #tpu.memory_space<vmem>>)
      %dma_wait3A_86 = arith.constant 0 : i32
      %dma_wait3A_87 = arith.constant 0 : i32
      %dma_wait3A_88 = tpu.memref_slice %arg6[%dma_wait3A_86, %dma_wait3A_87] : memref<10000x128xf32, #tpu.memory_space<vmem_shared>> -> memref<10000x128xf32, #tpu.memory_space<vmem_shared>>
      tpu.wait_indirect_dma semaphore(%arg18 : memref<!tpu.dma_semaphore, #tpu.memory_space<semaphore_mem>>) src(%dma_wait3A_88 : memref<10000x128xf32, #tpu.memory_space<vmem_shared>>) dst(%arg14 : memref<80x128xf32, #tpu.memory_space<vmem>>)
      %add3A_89 = arith.constant 3 : i32
      %add3A_90 = arith.addi %mul3A_36, %add3A_89 : i32
      %lt3A_91 = arith.constant 128 : i32
      %lt3A_92 = arith.cmpi slt, %add3A_90, %lt3A_91 : i32
      %convert_element_type3A_93 = arith.extui %lt3A_92 : i1 to i32
      %cond3A_94 = arith.constant 0 : i32
      %cond3A_95 = arith.cmpi ne, %convert_element_type3A_93, %cond3A_94 : i32
      scf.if %cond3A_95 {
        %add3A_111 = arith.constant 3 : i32
        %add3A_112 = arith.addi %mul3A_36, %add3A_111 : i32
        %mul3A_113 = arith.constant 80 : i32
        %mul3A_114 = arith.muli %add3A_112, %mul3A_113 : i32
        %add3A_115 = arith.addi %mul3A_2, %mul3A_114 : i32
        %dma_start3A_116 = tpu.memref_slice %arg3[%add3A_115] : memref<327680xi32, #tpu.memory_space<hbm>> -> memref<80xi32, #tpu.memory_space<hbm>>
        %dma_start3A_117 = tpu.memref_slice %arg3[%add3A_115] : memref<327680xi32, #tpu.memory_space<hbm>> -> memref<80xi32, #tpu.memory_space<hbm>>
        tpu.enqueue_dma source(%dma_start3A_117 : memref<80xi32, #tpu.memory_space<hbm>>) target(%arg9 : memref<80xi32, #tpu.memory_space<vmem>>) target_semaphore(%arg20 : memref<!tpu.dma_semaphore, #tpu.memory_space<semaphore_mem>>)
        %dma_start3A_118 = tpu.memref_slice %arg4[%add3A_115] : memref<327680xi32, #tpu.memory_space<hbm>> -> memref<80xi32, #tpu.memory_space<hbm>>
        %dma_start3A_119 = tpu.memref_slice %arg4[%add3A_115] : memref<327680xi32, #tpu.memory_space<hbm>> -> memref<80xi32, #tpu.memory_space<hbm>>
        tpu.enqueue_dma source(%dma_start3A_119 : memref<80xi32, #tpu.memory_space<hbm>>) target(%arg10 : memref<80xi32, #tpu.memory_space<vmem>>) target_semaphore(%arg20 : memref<!tpu.dma_semaphore, #tpu.memory_space<semaphore_mem>>)
      } else {
      }
      %ge3A_96 = arith.constant 1 : i32
      %ge3A_97 = arith.cmpi sge, %scan3A_34, %ge3A_96 : i32
      %convert_element_type3A_98 = arith.extui %ge3A_97 : i1 to i32
      %cond3A_99 = arith.constant 0 : i32
      %cond3A_100 = arith.cmpi ne, %convert_element_type3A_98, %cond3A_99 : i32
      scf.if %cond3A_100 {
        %sub3A = arith.constant 1 : i32
        %sub3A_111 = arith.subi %mul3A_36, %sub3A : i32
        %mul3A_112 = arith.constant 80 : i32
        %mul3A_113 = arith.muli %sub3A_111, %mul3A_112 : i32
        %add3A_114 = arith.addi %mul3A_2, %mul3A_113 : i32
        %dma_wait3A_115 = tpu.memref_slice %arg5[%add3A_114] : memref<327680xf32, #tpu.memory_space<hbm>> -> memref<80xf32, #tpu.memory_space<hbm>>
        %dma_wait3A_116 = tpu.memref_slice %arg5[%add3A_114] : memref<327680xf32, #tpu.memory_space<hbm>> -> memref<80xf32, #tpu.memory_space<hbm>>
        tpu.wait_dma2 semaphore(%arg22 : memref<!tpu.dma_semaphore, #tpu.memory_space<semaphore_mem>>) src(%arg16 : memref<80xf32, #tpu.memory_space<vmem>>) dst(%dma_wait3A_116 : memref<80xf32, #tpu.memory_space<hbm>>)
      } else {
      }
      %parallel_loop3A_101 = arith.constant 0 : i32
      %parallel_loop3A_102 = arith.constant 80 : i32
      %parallel_loop3A_103 = arith.constant 16 : i32
      scf.for %parallel_loop3A_111 = %parallel_loop3A_101 to %parallel_loop3A_102 step %parallel_loop3A_103  : i32 {
        %parallel_loop3A_112 = tpu.iota {dimensions = array<i32: 0>} : vector<16xi32>
        %parallel_loop3A_113 = arith.constant 15 : i32
        %parallel_loop3A_114 = vector.broadcast %parallel_loop3A_113 : i32 to vector<16xi32>
        %parallel_loop3A_115 = arith.constant 0.000000e+00 : f32
        %parallel_loop3A_116 = vector.broadcast %parallel_loop3A_115 : f32 to vector<16xf32>
        %parallel_loop3A_117 = arith.constant 0 : i32
        %parallel_loop3A_118 = arith.addi %parallel_loop3A_111, %parallel_loop3A_117 : i32
        %parallel_loop3A_119 = arith.index_cast %parallel_loop3A_118 : i32 to index
        %parallel_loop3A_120 = arith.constant 0 : index
        %parallel_loop3A_121 = tpu.vector_load %arg13[%parallel_loop3A_119, %parallel_loop3A_120] {strides = array<i32>} : memref<80x128xf32, #tpu.memory_space<vmem>>, vector<16xf32>,
        %parallel_loop3A_122 = arith.index_cast %parallel_loop3A_118 : i32 to index
        %parallel_loop3A_123 = arith.constant 0 : index
        %parallel_loop3A_124 = tpu.vector_load %arg14[%parallel_loop3A_122, %parallel_loop3A_123] {strides = array<i32>} : memref<80x128xf32, #tpu.memory_space<vmem>>, vector<16xf32>,
        %parallel_loop3A_125 = arith.mulf %parallel_loop3A_121, %parallel_loop3A_124 : vector<16xf32>
        %parallel_loop3A_126 = arith.index_cast %parallel_loop3A_118 : i32 to index
        %parallel_loop3A_127 = arith.constant 16 : index
        %parallel_loop3A_128 = tpu.vector_load %arg13[%parallel_loop3A_126, %parallel_loop3A_127] {strides = array<i32>} : memref<80x128xf32, #tpu.memory_space<vmem>>, vector<16xf32>,
        %parallel_loop3A_129 = arith.index_cast %parallel_loop3A_118 : i32 to index
        %parallel_loop3A_130 = arith.constant 16 : index
        %parallel_loop3A_131 = tpu.vector_load %arg14[%parallel_loop3A_129, %parallel_loop3A_130] {strides = array<i32>} : memref<80x128xf32, #tpu.memory_space<vmem>>, vector<16xf32>,
        %parallel_loop3A_132 = arith.mulf %parallel_loop3A_128, %parallel_loop3A_131 : vector<16xf32>
        %parallel_loop3A_133 = arith.addf %parallel_loop3A_125, %parallel_loop3A_132 : vector<16xf32>
        %parallel_loop3A_134 = arith.index_cast %parallel_loop3A_118 : i32 to index
        %parallel_loop3A_135 = arith.constant 32 : index
        %parallel_loop3A_136 = tpu.vector_load %arg13[%parallel_loop3A_134, %parallel_loop3A_135] {strides = array<i32>} : memref<80x128xf32, #tpu.memory_space<vmem>>, vector<16xf32>,
        %parallel_loop3A_137 = arith.index_cast %parallel_loop3A_118 : i32 to index
        %parallel_loop3A_138 = arith.constant 32 : index
        %parallel_loop3A_139 = tpu.vector_load %arg14[%parallel_loop3A_137, %parallel_loop3A_138] {strides = array<i32>} : memref<80x128xf32, #tpu.memory_space<vmem>>, vector<16xf32>,
        %parallel_loop3A_140 = arith.mulf %parallel_loop3A_136, %parallel_loop3A_139 : vector<16xf32>
        %parallel_loop3A_141 = arith.addf %parallel_loop3A_133, %parallel_loop3A_140 : vector<16xf32>
        %parallel_loop3A_142 = arith.index_cast %parallel_loop3A_118 : i32 to index
        %parallel_loop3A_143 = arith.constant 48 : index
        %parallel_loop3A_144 = tpu.vector_load %arg13[%parallel_loop3A_142, %parallel_loop3A_143] {strides = array<i32>} : memref<80x128xf32, #tpu.memory_space<vmem>>, vector<16xf32>,
        %parallel_loop3A_145 = arith.index_cast %parallel_loop3A_118 : i32 to index
        %parallel_loop3A_146 = arith.constant 48 : index
        %parallel_loop3A_147 = tpu.vector_load %arg14[%parallel_loop3A_145, %parallel_loop3A_146] {strides = array<i32>} : memref<80x128xf32, #tpu.memory_space<vmem>>, vector<16xf32>,
        %parallel_loop3A_148 = arith.mulf %parallel_loop3A_144, %parallel_loop3A_147 : vector<16xf32>
        %parallel_loop3A_149 = arith.addf %parallel_loop3A_141, %parallel_loop3A_148 : vector<16xf32>
        %parallel_loop3A_150 = arith.index_cast %parallel_loop3A_118 : i32 to index
        %parallel_loop3A_151 = arith.constant 64 : index
        %parallel_loop3A_152 = tpu.vector_load %arg13[%parallel_loop3A_150, %parallel_loop3A_151] {strides = array<i32>} : memref<80x128xf32, #tpu.memory_space<vmem>>, vector<16xf32>,
        %parallel_loop3A_153 = arith.index_cast %parallel_loop3A_118 : i32 to index
        %parallel_loop3A_154 = arith.constant 64 : index
        %parallel_loop3A_155 = tpu.vector_load %arg14[%parallel_loop3A_153, %parallel_loop3A_154] {strides = array<i32>} : memref<80x128xf32, #tpu.memory_space<vmem>>, vector<16xf32>,
        %parallel_loop3A_156 = arith.mulf %parallel_loop3A_152, %parallel_loop3A_155 : vector<16xf32>
        %parallel_loop3A_157 = arith.addf %parallel_loop3A_149, %parallel_loop3A_156 : vector<16xf32>
        %parallel_loop3A_158 = arith.index_cast %parallel_loop3A_118 : i32 to index
        %parallel_loop3A_159 = arith.constant 80 : index
        %parallel_loop3A_160 = tpu.vector_load %arg13[%parallel_loop3A_158, %parallel_loop3A_159] {strides = array<i32>} : memref<80x128xf32, #tpu.memory_space<vmem>>, vector<16xf32>,
        %parallel_loop3A_161 = arith.index_cast %parallel_loop3A_118 : i32 to index
        %parallel_loop3A_162 = arith.constant 80 : index
        %parallel_loop3A_163 = tpu.vector_load %arg14[%parallel_loop3A_161, %parallel_loop3A_162] {strides = array<i32>} : memref<80x128xf32, #tpu.memory_space<vmem>>, vector<16xf32>,
        %parallel_loop3A_164 = arith.mulf %parallel_loop3A_160, %parallel_loop3A_163 : vector<16xf32>
        %parallel_loop3A_165 = arith.addf %parallel_loop3A_157, %parallel_loop3A_164 : vector<16xf32>
        %parallel_loop3A_166 = arith.index_cast %parallel_loop3A_118 : i32 to index
        %parallel_loop3A_167 = arith.constant 96 : index
        %parallel_loop3A_168 = tpu.vector_load %arg13[%parallel_loop3A_166, %parallel_loop3A_167] {strides = array<i32>} : memref<80x128xf32, #tpu.memory_space<vmem>>, vector<16xf32>,
        %parallel_loop3A_169 = arith.index_cast %parallel_loop3A_118 : i32 to index
        %parallel_loop3A_170 = arith.constant 96 : index
        %parallel_loop3A_171 = tpu.vector_load %arg14[%parallel_loop3A_169, %parallel_loop3A_170] {strides = array<i32>} : memref<80x128xf32, #tpu.memory_space<vmem>>, vector<16xf32>,
        %parallel_loop3A_172 = arith.mulf %parallel_loop3A_168, %parallel_loop3A_171 : vector<16xf32>
        %parallel_loop3A_173 = arith.addf %parallel_loop3A_165, %parallel_loop3A_172 : vector<16xf32>
        %parallel_loop3A_174 = arith.index_cast %parallel_loop3A_118 : i32 to index
        %parallel_loop3A_175 = arith.constant 112 : index
        %parallel_loop3A_176 = tpu.vector_load %arg13[%parallel_loop3A_174, %parallel_loop3A_175] {strides = array<i32>} : memref<80x128xf32, #tpu.memory_space<vmem>>, vector<16xf32>,
        %parallel_loop3A_177 = arith.index_cast %parallel_loop3A_118 : i32 to index
        %parallel_loop3A_178 = arith.constant 112 : index
        %parallel_loop3A_179 = tpu.vector_load %arg14[%parallel_loop3A_177, %parallel_loop3A_178] {strides = array<i32>} : memref<80x128xf32, #tpu.memory_space<vmem>>, vector<16xf32>,
        %parallel_loop3A_180 = arith.mulf %parallel_loop3A_176, %parallel_loop3A_179 : vector<16xf32>
        %parallel_loop3A_181 = arith.addf %parallel_loop3A_173, %parallel_loop3A_180 : vector<16xf32>
        %parallel_loop3A_182 = arith.constant true
        %parallel_loop3A_183 = vector.broadcast %parallel_loop3A_182 : i1 to vector<16xi1>
        %parallel_loop3A_184 = tpu.scan <sum>, %parallel_loop3A_181 masked %parallel_loop3A_183 : vector<16xf32>, vector<16xi1> -> vector<16xf32>
        %parallel_loop3A_185 = arith.constant 0 : i32
        %parallel_loop3A_186 = vector.broadcast %parallel_loop3A_185 : i32 to vector<16xi32>
        %parallel_loop3A_187 = arith.cmpi eq, %parallel_loop3A_112, %parallel_loop3A_186 : vector<16xi32>
        %parallel_loop3A_188 = arith.constant 0 : i32
        %parallel_loop3A_189 = vector.broadcast %parallel_loop3A_188 : i32 to vector<16xi32>
        %parallel_loop3A_190 = arith.cmpi slt, %parallel_loop3A_114, %parallel_loop3A_189 : vector<16xi32>
        %parallel_loop3A_191 = arith.constant 16 : i32
        %parallel_loop3A_192 = vector.broadcast %parallel_loop3A_191 : i32 to vector<16xi32>
        %parallel_loop3A_193 = arith.addi %parallel_loop3A_114, %parallel_loop3A_192 : vector<16xi32>
        %parallel_loop3A_194 = arith.select %parallel_loop3A_190, %parallel_loop3A_193, %parallel_loop3A_114 : vector<16xi1>, vector<16xi32>
        %parallel_loop3A_195 = vector.shape_cast %parallel_loop3A_194 : vector<16xi32> to vector<16x1xi32>
        %parallel_loop3A_196 = vector.shape_cast %parallel_loop3A_195 : vector<16x1xi32> to vector<16xi32>
        %parallel_loop3A_197 = tpu.dynamic_gather %parallel_loop3A_184[%parallel_loop3A_196] in [0] : vector<16xf32>, vector<16xi32> -> vector<16xf32>
        %parallel_loop3A_198 = arith.select %parallel_loop3A_187, %parallel_loop3A_197, %parallel_loop3A_116 : vector<16xi1>, vector<16xf32>
        %parallel_loop3A_199 = arith.constant 1 : i32
        %parallel_loop3A_200 = arith.addi %parallel_loop3A_111, %parallel_loop3A_199 : i32
        %parallel_loop3A_201 = arith.index_cast %parallel_loop3A_200 : i32 to index
        %parallel_loop3A_202 = arith.constant 0 : index
        %parallel_loop3A_203 = tpu.vector_load %arg13[%parallel_loop3A_201, %parallel_loop3A_202] {strides = array<i32>} : memref<80x128xf32, #tpu.memory_space<vmem>>, vector<16xf32>,
        %parallel_loop3A_204 = arith.index_cast %parallel_loop3A_200 : i32 to index
        %parallel_loop3A_205 = arith.constant 0 : index
        %parallel_loop3A_206 = tpu.vector_load %arg14[%parallel_loop3A_204, %parallel_loop3A_205] {strides = array<i32>} : memref<80x128xf32, #tpu.memory_space<vmem>>, vector<16xf32>,
        %parallel_loop3A_207 = arith.mulf %parallel_loop3A_203, %parallel_loop3A_206 : vector<16xf32>
        %parallel_loop3A_208 = arith.index_cast %parallel_loop3A_200 : i32 to index
        %parallel_loop3A_209 = arith.constant 16 : index
        %parallel_loop3A_210 = tpu.vector_load %arg13[%parallel_loop3A_208, %parallel_loop3A_209] {strides = array<i32>} : memref<80x128xf32, #tpu.memory_space<vmem>>, vector<16xf32>,
        %parallel_loop3A_211 = arith.index_cast %parallel_loop3A_200 : i32 to index
        %parallel_loop3A_212 = arith.constant 16 : index
        %parallel_loop3A_213 = tpu.vector_load %arg14[%parallel_loop3A_211, %parallel_loop3A_212] {strides = array<i32>} : memref<80x128xf32, #tpu.memory_space<vmem>>, vector<16xf32>,
        %parallel_loop3A_214 = arith.mulf %parallel_loop3A_210, %parallel_loop3A_213 : vector<16xf32>
        %parallel_loop3A_215 = arith.addf %parallel_loop3A_207, %parallel_loop3A_214 : vector<16xf32>
        %parallel_loop3A_216 = arith.index_cast %parallel_loop3A_200 : i32 to index
        %parallel_loop3A_217 = arith.constant 32 : index
        %parallel_loop3A_218 = tpu.vector_load %arg13[%parallel_loop3A_216, %parallel_loop3A_217] {strides = array<i32>} : memref<80x128xf32, #tpu.memory_space<vmem>>, vector<16xf32>,
        %parallel_loop3A_219 = arith.index_cast %parallel_loop3A_200 : i32 to index
        %parallel_loop3A_220 = arith.constant 32 : index
        %parallel_loop3A_221 = tpu.vector_load %arg14[%parallel_loop3A_219, %parallel_loop3A_220] {strides = array<i32>} : memref<80x128xf32, #tpu.memory_space<vmem>>, vector<16xf32>,
        %parallel_loop3A_222 = arith.mulf %parallel_loop3A_218, %parallel_loop3A_221 : vector<16xf32>
        %parallel_loop3A_223 = arith.addf %parallel_loop3A_215, %parallel_loop3A_222 : vector<16xf32>
        %parallel_loop3A_224 = arith.index_cast %parallel_loop3A_200 : i32 to index
        %parallel_loop3A_225 = arith.constant 48 : index
        %parallel_loop3A_226 = tpu.vector_load %arg13[%parallel_loop3A_224, %parallel_loop3A_225] {strides = array<i32>} : memref<80x128xf32, #tpu.memory_space<vmem>>, vector<16xf32>,
        %parallel_loop3A_227 = arith.index_cast %parallel_loop3A_200 : i32 to index
        %parallel_loop3A_228 = arith.constant 48 : index
        %parallel_loop3A_229 = tpu.vector_load %arg14[%parallel_loop3A_227, %parallel_loop3A_228] {strides = array<i32>} : memref<80x128xf32, #tpu.memory_space<vmem>>, vector<16xf32>,
        %parallel_loop3A_230 = arith.mulf %parallel_loop3A_226, %parallel_loop3A_229 : vector<16xf32>
        %parallel_loop3A_231 = arith.addf %parallel_loop3A_223, %parallel_loop3A_230 : vector<16xf32>
        %parallel_loop3A_232 = arith.index_cast %parallel_loop3A_200 : i32 to index
        %parallel_loop3A_233 = arith.constant 64 : index
        %parallel_loop3A_234 = tpu.vector_load %arg13[%parallel_loop3A_232, %parallel_loop3A_233] {strides = array<i32>} : memref<80x128xf32, #tpu.memory_space<vmem>>, vector<16xf32>,
        %parallel_loop3A_235 = arith.index_cast %parallel_loop3A_200 : i32 to index
        %parallel_loop3A_236 = arith.constant 64 : index
        %parallel_loop3A_237 = tpu.vector_load %arg14[%parallel_loop3A_235, %parallel_loop3A_236] {strides = array<i32>} : memref<80x128xf32, #tpu.memory_space<vmem>>, vector<16xf32>,
        %parallel_loop3A_238 = arith.mulf %parallel_loop3A_234, %parallel_loop3A_237 : vector<16xf32>
        %parallel_loop3A_239 = arith.addf %parallel_loop3A_231, %parallel_loop3A_238 : vector<16xf32>
        %parallel_loop3A_240 = arith.index_cast %parallel_loop3A_200 : i32 to index
        %parallel_loop3A_241 = arith.constant 80 : index
        %parallel_loop3A_242 = tpu.vector_load %arg13[%parallel_loop3A_240, %parallel_loop3A_241] {strides = array<i32>} : memref<80x128xf32, #tpu.memory_space<vmem>>, vector<16xf32>,
        %parallel_loop3A_243 = arith.index_cast %parallel_loop3A_200 : i32 to index
        %parallel_loop3A_244 = arith.constant 80 : index
        %parallel_loop3A_245 = tpu.vector_load %arg14[%parallel_loop3A_243, %parallel_loop3A_244] {strides = array<i32>} : memref<80x128xf32, #tpu.memory_space<vmem>>, vector<16xf32>,
        %parallel_loop3A_246 = arith.mulf %parallel_loop3A_242, %parallel_loop3A_245 : vector<16xf32>
        %parallel_loop3A_247 = arith.addf %parallel_loop3A_239, %parallel_loop3A_246 : vector<16xf32>
        %parallel_loop3A_248 = arith.index_cast %parallel_loop3A_200 : i32 to index
        %parallel_loop3A_249 = arith.constant 96 : index
        %parallel_loop3A_250 = tpu.vector_load %arg13[%parallel_loop3A_248, %parallel_loop3A_249] {strides = array<i32>} : memref<80x128xf32, #tpu.memory_space<vmem>>, vector<16xf32>,
        %parallel_loop3A_251 = arith.index_cast %parallel_loop3A_200 : i32 to index
        %parallel_loop3A_252 = arith.constant 96 : index
        %parallel_loop3A_253 = tpu.vector_load %arg14[%parallel_loop3A_251, %parallel_loop3A_252] {strides = array<i32>} : memref<80x128xf32, #tpu.memory_space<vmem>>, vector<16xf32>,
        %parallel_loop3A_254 = arith.mulf %parallel_loop3A_250, %parallel_loop3A_253 : vector<16xf32>
        %parallel_loop3A_255 = arith.addf %parallel_loop3A_247, %parallel_loop3A_254 : vector<16xf32>
        %parallel_loop3A_256 = arith.index_cast %parallel_loop3A_200 : i32 to index
        %parallel_loop3A_257 = arith.constant 112 : index
        %parallel_loop3A_258 = tpu.vector_load %arg13[%parallel_loop3A_256, %parallel_loop3A_257] {strides = array<i32>} : memref<80x128xf32, #tpu.memory_space<vmem>>, vector<16xf32>,
        %parallel_loop3A_259 = arith.index_cast %parallel_loop3A_200 : i32 to index
        %parallel_loop3A_260 = arith.constant 112 : index
        %parallel_loop3A_261 = tpu.vector_load %arg14[%parallel_loop3A_259, %parallel_loop3A_260] {strides = array<i32>} : memref<80x128xf32, #tpu.memory_space<vmem>>, vector<16xf32>,
        %parallel_loop3A_262 = arith.mulf %parallel_loop3A_258, %parallel_loop3A_261 : vector<16xf32>
        %parallel_loop3A_263 = arith.addf %parallel_loop3A_255, %parallel_loop3A_262 : vector<16xf32>
        %parallel_loop3A_264 = arith.constant true
        %parallel_loop3A_265 = vector.broadcast %parallel_loop3A_264 : i1 to vector<16xi1>
        %parallel_loop3A_266 = tpu.scan <sum>, %parallel_loop3A_263 masked %parallel_loop3A_265 : vector<16xf32>, vector<16xi1> -> vector<16xf32>
        %parallel_loop3A_267 = arith.constant 1 : i32
        %parallel_loop3A_268 = vector.broadcast %parallel_loop3A_267 : i32 to vector<16xi32>
        %parallel_loop3A_269 = arith.cmpi eq, %parallel_loop3A_112, %parallel_loop3A_268 : vector<16xi32>
        %parallel_loop3A_270 = arith.constant 0 : i32
        %parallel_loop3A_271 = vector.broadcast %parallel_loop3A_270 : i32 to vector<16xi32>
        %parallel_loop3A_272 = arith.cmpi slt, %parallel_loop3A_114, %parallel_loop3A_271 : vector<16xi32>
        %parallel_loop3A_273 = arith.constant 16 : i32
        %parallel_loop3A_274 = vector.broadcast %parallel_loop3A_273 : i32 to vector<16xi32>
        %parallel_loop3A_275 = arith.addi %parallel_loop3A_114, %parallel_loop3A_274 : vector<16xi32>
        %parallel_loop3A_276 = arith.select %parallel_loop3A_272, %parallel_loop3A_275, %parallel_loop3A_114 : vector<16xi1>, vector<16xi32>
        %parallel_loop3A_277 = vector.shape_cast %parallel_loop3A_276 : vector<16xi32> to vector<16x1xi32>
        %parallel_loop3A_278 = vector.shape_cast %parallel_loop3A_277 : vector<16x1xi32> to vector<16xi32>
        %parallel_loop3A_279 = tpu.dynamic_gather %parallel_loop3A_266[%parallel_loop3A_278] in [0] : vector<16xf32>, vector<16xi32> -> vector<16xf32>
        %parallel_loop3A_280 = arith.select %parallel_loop3A_269, %parallel_loop3A_279, %parallel_loop3A_198 : vector<16xi1>, vector<16xf32>
        %parallel_loop3A_281 = arith.constant 2 : i32
        %parallel_loop3A_282 = arith.addi %parallel_loop3A_111, %parallel_loop3A_281 : i32
        %parallel_loop3A_283 = arith.index_cast %parallel_loop3A_282 : i32 to index
        %parallel_loop3A_284 = arith.constant 0 : index
        %parallel_loop3A_285 = tpu.vector_load %arg13[%parallel_loop3A_283, %parallel_loop3A_284] {strides = array<i32>} : memref<80x128xf32, #tpu.memory_space<vmem>>, vector<16xf32>,
        %parallel_loop3A_286 = arith.index_cast %parallel_loop3A_282 : i32 to index
        %parallel_loop3A_287 = arith.constant 0 : index
        %parallel_loop3A_288 = tpu.vector_load %arg14[%parallel_loop3A_286, %parallel_loop3A_287] {strides = array<i32>} : memref<80x128xf32, #tpu.memory_space<vmem>>, vector<16xf32>,
        %parallel_loop3A_289 = arith.mulf %parallel_loop3A_285, %parallel_loop3A_288 : vector<16xf32>
        %parallel_loop3A_290 = arith.index_cast %parallel_loop3A_282 : i32 to index
        %parallel_loop3A_291 = arith.constant 16 : index
        %parallel_loop3A_292 = tpu.vector_load %arg13[%parallel_loop3A_290, %parallel_loop3A_291] {strides = array<i32>} : memref<80x128xf32, #tpu.memory_space<vmem>>, vector<16xf32>,
        %parallel_loop3A_293 = arith.index_cast %parallel_loop3A_282 : i32 to index
        %parallel_loop3A_294 = arith.constant 16 : index
        %parallel_loop3A_295 = tpu.vector_load %arg14[%parallel_loop3A_293, %parallel_loop3A_294] {strides = array<i32>} : memref<80x128xf32, #tpu.memory_space<vmem>>, vector<16xf32>,
        %parallel_loop3A_296 = arith.mulf %parallel_loop3A_292, %parallel_loop3A_295 : vector<16xf32>
        %parallel_loop3A_297 = arith.addf %parallel_loop3A_289, %parallel_loop3A_296 : vector<16xf32>
        %parallel_loop3A_298 = arith.index_cast %parallel_loop3A_282 : i32 to index
        %parallel_loop3A_299 = arith.constant 32 : index
        %parallel_loop3A_300 = tpu.vector_load %arg13[%parallel_loop3A_298, %parallel_loop3A_299] {strides = array<i32>} : memref<80x128xf32, #tpu.memory_space<vmem>>, vector<16xf32>,
        %parallel_loop3A_301 = arith.index_cast %parallel_loop3A_282 : i32 to index
        %parallel_loop3A_302 = arith.constant 32 : index
        %parallel_loop3A_303 = tpu.vector_load %arg14[%parallel_loop3A_301, %parallel_loop3A_302] {strides = array<i32>} : memref<80x128xf32, #tpu.memory_space<vmem>>, vector<16xf32>,
        %parallel_loop3A_304 = arith.mulf %parallel_loop3A_300, %parallel_loop3A_303 : vector<16xf32>
        %parallel_loop3A_305 = arith.addf %parallel_loop3A_297, %parallel_loop3A_304 : vector<16xf32>
        %parallel_loop3A_306 = arith.index_cast %parallel_loop3A_282 : i32 to index
        %parallel_loop3A_307 = arith.constant 48 : index
        %parallel_loop3A_308 = tpu.vector_load %arg13[%parallel_loop3A_306, %parallel_loop3A_307] {strides = array<i32>} : memref<80x128xf32, #tpu.memory_space<vmem>>, vector<16xf32>,
        %parallel_loop3A_309 = arith.index_cast %parallel_loop3A_282 : i32 to index
        %parallel_loop3A_310 = arith.constant 48 : index
        %parallel_loop3A_311 = tpu.vector_load %arg14[%parallel_loop3A_309, %parallel_loop3A_310] {strides = array<i32>} : memref<80x128xf32, #tpu.memory_space<vmem>>, vector<16xf32>,
        %parallel_loop3A_312 = arith.mulf %parallel_loop3A_308, %parallel_loop3A_311 : vector<16xf32>
        %parallel_loop3A_313 = arith.addf %parallel_loop3A_305, %parallel_loop3A_312 : vector<16xf32>
        %parallel_loop3A_314 = arith.index_cast %parallel_loop3A_282 : i32 to index
        %parallel_loop3A_315 = arith.constant 64 : index
        %parallel_loop3A_316 = tpu.vector_load %arg13[%parallel_loop3A_314, %parallel_loop3A_315] {strides = array<i32>} : memref<80x128xf32, #tpu.memory_space<vmem>>, vector<16xf32>,
        %parallel_loop3A_317 = arith.index_cast %parallel_loop3A_282 : i32 to index
        %parallel_loop3A_318 = arith.constant 64 : index
        %parallel_loop3A_319 = tpu.vector_load %arg14[%parallel_loop3A_317, %parallel_loop3A_318] {strides = array<i32>} : memref<80x128xf32, #tpu.memory_space<vmem>>, vector<16xf32>,
        %parallel_loop3A_320 = arith.mulf %parallel_loop3A_316, %parallel_loop3A_319 : vector<16xf32>
        %parallel_loop3A_321 = arith.addf %parallel_loop3A_313, %parallel_loop3A_320 : vector<16xf32>
        %parallel_loop3A_322 = arith.index_cast %parallel_loop3A_282 : i32 to index
        %parallel_loop3A_323 = arith.constant 80 : index
        %parallel_loop3A_324 = tpu.vector_load %arg13[%parallel_loop3A_322, %parallel_loop3A_323] {strides = array<i32>} : memref<80x128xf32, #tpu.memory_space<vmem>>, vector<16xf32>,
        %parallel_loop3A_325 = arith.index_cast %parallel_loop3A_282 : i32 to index
        %parallel_loop3A_326 = arith.constant 80 : index
        %parallel_loop3A_327 = tpu.vector_load %arg14[%parallel_loop3A_325, %parallel_loop3A_326] {strides = array<i32>} : memref<80x128xf32, #tpu.memory_space<vmem>>, vector<16xf32>,
        %parallel_loop3A_328 = arith.mulf %parallel_loop3A_324, %parallel_loop3A_327 : vector<16xf32>
        %parallel_loop3A_329 = arith.addf %parallel_loop3A_321, %parallel_loop3A_328 : vector<16xf32>
        %parallel_loop3A_330 = arith.index_cast %parallel_loop3A_282 : i32 to index
        %parallel_loop3A_331 = arith.constant 96 : index
        %parallel_loop3A_332 = tpu.vector_load %arg13[%parallel_loop3A_330, %parallel_loop3A_331] {strides = array<i32>} : memref<80x128xf32, #tpu.memory_space<vmem>>, vector<16xf32>,
        %parallel_loop3A_333 = arith.index_cast %parallel_loop3A_282 : i32 to index
        %parallel_loop3A_334 = arith.constant 96 : index
        %parallel_loop3A_335 = tpu.vector_load %arg14[%parallel_loop3A_333, %parallel_loop3A_334] {strides = array<i32>} : memref<80x128xf32, #tpu.memory_space<vmem>>, vector<16xf32>,
        %parallel_loop3A_336 = arith.mulf %parallel_loop3A_332, %parallel_loop3A_335 : vector<16xf32>
        %parallel_loop3A_337 = arith.addf %parallel_loop3A_329, %parallel_loop3A_336 : vector<16xf32>
        %parallel_loop3A_338 = arith.index_cast %parallel_loop3A_282 : i32 to index
        %parallel_loop3A_339 = arith.constant 112 : index
        %parallel_loop3A_340 = tpu.vector_load %arg13[%parallel_loop3A_338, %parallel_loop3A_339] {strides = array<i32>} : memref<80x128xf32, #tpu.memory_space<vmem>>, vector<16xf32>,
        %parallel_loop3A_341 = arith.index_cast %parallel_loop3A_282 : i32 to index
        %parallel_loop3A_342 = arith.constant 112 : index
        %parallel_loop3A_343 = tpu.vector_load %arg14[%parallel_loop3A_341, %parallel_loop3A_342] {strides = array<i32>} : memref<80x128xf32, #tpu.memory_space<vmem>>, vector<16xf32>,
        %parallel_loop3A_344 = arith.mulf %parallel_loop3A_340, %parallel_loop3A_343 : vector<16xf32>
        %parallel_loop3A_345 = arith.addf %parallel_loop3A_337, %parallel_loop3A_344 : vector<16xf32>
        %parallel_loop3A_346 = arith.constant true
        %parallel_loop3A_347 = vector.broadcast %parallel_loop3A_346 : i1 to vector<16xi1>
        %parallel_loop3A_348 = tpu.scan <sum>, %parallel_loop3A_345 masked %parallel_loop3A_347 : vector<16xf32>, vector<16xi1> -> vector<16xf32>
        %parallel_loop3A_349 = arith.constant 2 : i32
        %parallel_loop3A_350 = vector.broadcast %parallel_loop3A_349 : i32 to vector<16xi32>
        %parallel_loop3A_351 = arith.cmpi eq, %parallel_loop3A_112, %parallel_loop3A_350 : vector<16xi32>
        %parallel_loop3A_352 = arith.constant 0 : i32
        %parallel_loop3A_353 = vector.broadcast %parallel_loop3A_352 : i32 to vector<16xi32>
        %parallel_loop3A_354 = arith.cmpi slt, %parallel_loop3A_114, %parallel_loop3A_353 : vector<16xi32>
        %parallel_loop3A_355 = arith.constant 16 : i32
        %parallel_loop3A_356 = vector.broadcast %parallel_loop3A_355 : i32 to vector<16xi32>
        %parallel_loop3A_357 = arith.addi %parallel_loop3A_114, %parallel_loop3A_356 : vector<16xi32>
        %parallel_loop3A_358 = arith.select %parallel_loop3A_354, %parallel_loop3A_357, %parallel_loop3A_114 : vector<16xi1>, vector<16xi32>
        %parallel_loop3A_359 = vector.shape_cast %parallel_loop3A_358 : vector<16xi32> to vector<16x1xi32>
        %parallel_loop3A_360 = vector.shape_cast %parallel_loop3A_359 : vector<16x1xi32> to vector<16xi32>
        %parallel_loop3A_361 = tpu.dynamic_gather %parallel_loop3A_348[%parallel_loop3A_360] in [0] : vector<16xf32>, vector<16xi32> -> vector<16xf32>
        %parallel_loop3A_362 = arith.select %parallel_loop3A_351, %parallel_loop3A_361, %parallel_loop3A_280 : vector<16xi1>, vector<16xf32>
        %parallel_loop3A_363 = arith.constant 3 : i32
        %parallel_loop3A_364 = arith.addi %parallel_loop3A_111, %parallel_loop3A_363 : i32
        %parallel_loop3A_365 = arith.index_cast %parallel_loop3A_364 : i32 to index
        %parallel_loop3A_366 = arith.constant 0 : index
        %parallel_loop3A_367 = tpu.vector_load %arg13[%parallel_loop3A_365, %parallel_loop3A_366] {strides = array<i32>} : memref<80x128xf32, #tpu.memory_space<vmem>>, vector<16xf32>,
        %parallel_loop3A_368 = arith.index_cast %parallel_loop3A_364 : i32 to index
        %parallel_loop3A_369 = arith.constant 0 : index
        %parallel_loop3A_370 = tpu.vector_load %arg14[%parallel_loop3A_368, %parallel_loop3A_369] {strides = array<i32>} : memref<80x128xf32, #tpu.memory_space<vmem>>, vector<16xf32>,
        %parallel_loop3A_371 = arith.mulf %parallel_loop3A_367, %parallel_loop3A_370 : vector<16xf32>
        %parallel_loop3A_372 = arith.index_cast %parallel_loop3A_364 : i32 to index
        %parallel_loop3A_373 = arith.constant 16 : index
        %parallel_loop3A_374 = tpu.vector_load %arg13[%parallel_loop3A_372, %parallel_loop3A_373] {strides = array<i32>} : memref<80x128xf32, #tpu.memory_space<vmem>>, vector<16xf32>,
        %parallel_loop3A_375 = arith.index_cast %parallel_loop3A_364 : i32 to index
        %parallel_loop3A_376 = arith.constant 16 : index
        %parallel_loop3A_377 = tpu.vector_load %arg14[%parallel_loop3A_375, %parallel_loop3A_376] {strides = array<i32>} : memref<80x128xf32, #tpu.memory_space<vmem>>, vector<16xf32>,
        %parallel_loop3A_378 = arith.mulf %parallel_loop3A_374, %parallel_loop3A_377 : vector<16xf32>
        %parallel_loop3A_379 = arith.addf %parallel_loop3A_371, %parallel_loop3A_378 : vector<16xf32>
        %parallel_loop3A_380 = arith.index_cast %parallel_loop3A_364 : i32 to index
        %parallel_loop3A_381 = arith.constant 32 : index
        %parallel_loop3A_382 = tpu.vector_load %arg13[%parallel_loop3A_380, %parallel_loop3A_381] {strides = array<i32>} : memref<80x128xf32, #tpu.memory_space<vmem>>, vector<16xf32>,
        %parallel_loop3A_383 = arith.index_cast %parallel_loop3A_364 : i32 to index
        %parallel_loop3A_384 = arith.constant 32 : index
        %parallel_loop3A_385 = tpu.vector_load %arg14[%parallel_loop3A_383, %parallel_loop3A_384] {strides = array<i32>} : memref<80x128xf32, #tpu.memory_space<vmem>>, vector<16xf32>,
        %parallel_loop3A_386 = arith.mulf %parallel_loop3A_382, %parallel_loop3A_385 : vector<16xf32>
        %parallel_loop3A_387 = arith.addf %parallel_loop3A_379, %parallel_loop3A_386 : vector<16xf32>
        %parallel_loop3A_388 = arith.index_cast %parallel_loop3A_364 : i32 to index
        %parallel_loop3A_389 = arith.constant 48 : index
        %parallel_loop3A_390 = tpu.vector_load %arg13[%parallel_loop3A_388, %parallel_loop3A_389] {strides = array<i32>} : memref<80x128xf32, #tpu.memory_space<vmem>>, vector<16xf32>,
        %parallel_loop3A_391 = arith.index_cast %parallel_loop3A_364 : i32 to index
        %parallel_loop3A_392 = arith.constant 48 : index
        %parallel_loop3A_393 = tpu.vector_load %arg14[%parallel_loop3A_391, %parallel_loop3A_392] {strides = array<i32>} : memref<80x128xf32, #tpu.memory_space<vmem>>, vector<16xf32>,
        %parallel_loop3A_394 = arith.mulf %parallel_loop3A_390, %parallel_loop3A_393 : vector<16xf32>
        %parallel_loop3A_395 = arith.addf %parallel_loop3A_387, %parallel_loop3A_394 : vector<16xf32>
        %parallel_loop3A_396 = arith.index_cast %parallel_loop3A_364 : i32 to index
        %parallel_loop3A_397 = arith.constant 64 : index
        %parallel_loop3A_398 = tpu.vector_load %arg13[%parallel_loop3A_396, %parallel_loop3A_397] {strides = array<i32>} : memref<80x128xf32, #tpu.memory_space<vmem>>, vector<16xf32>,
        %parallel_loop3A_399 = arith.index_cast %parallel_loop3A_364 : i32 to index
        %parallel_loop3A_400 = arith.constant 64 : index
        %parallel_loop3A_401 = tpu.vector_load %arg14[%parallel_loop3A_399, %parallel_loop3A_400] {strides = array<i32>} : memref<80x128xf32, #tpu.memory_space<vmem>>, vector<16xf32>,
        %parallel_loop3A_402 = arith.mulf %parallel_loop3A_398, %parallel_loop3A_401 : vector<16xf32>
        %parallel_loop3A_403 = arith.addf %parallel_loop3A_395, %parallel_loop3A_402 : vector<16xf32>
        %parallel_loop3A_404 = arith.index_cast %parallel_loop3A_364 : i32 to index
        %parallel_loop3A_405 = arith.constant 80 : index
        %parallel_loop3A_406 = tpu.vector_load %arg13[%parallel_loop3A_404, %parallel_loop3A_405] {strides = array<i32>} : memref<80x128xf32, #tpu.memory_space<vmem>>, vector<16xf32>,
        %parallel_loop3A_407 = arith.index_cast %parallel_loop3A_364 : i32 to index
        %parallel_loop3A_408 = arith.constant 80 : index
        %parallel_loop3A_409 = tpu.vector_load %arg14[%parallel_loop3A_407, %parallel_loop3A_408] {strides = array<i32>} : memref<80x128xf32, #tpu.memory_space<vmem>>, vector<16xf32>,
        %parallel_loop3A_410 = arith.mulf %parallel_loop3A_406, %parallel_loop3A_409 : vector<16xf32>
        %parallel_loop3A_411 = arith.addf %parallel_loop3A_403, %parallel_loop3A_410 : vector<16xf32>
        %parallel_loop3A_412 = arith.index_cast %parallel_loop3A_364 : i32 to index
        %parallel_loop3A_413 = arith.constant 96 : index
        %parallel_loop3A_414 = tpu.vector_load %arg13[%parallel_loop3A_412, %parallel_loop3A_413] {strides = array<i32>} : memref<80x128xf32, #tpu.memory_space<vmem>>, vector<16xf32>,
        %parallel_loop3A_415 = arith.index_cast %parallel_loop3A_364 : i32 to index
        %parallel_loop3A_416 = arith.constant 96 : index
        %parallel_loop3A_417 = tpu.vector_load %arg14[%parallel_loop3A_415, %parallel_loop3A_416] {strides = array<i32>} : memref<80x128xf32, #tpu.memory_space<vmem>>, vector<16xf32>,
        %parallel_loop3A_418 = arith.mulf %parallel_loop3A_414, %parallel_loop3A_417 : vector<16xf32>
        %parallel_loop3A_419 = arith.addf %parallel_loop3A_411, %parallel_loop3A_418 : vector<16xf32>
        %parallel_loop3A_420 = arith.index_cast %parallel_loop3A_364 : i32 to index
        %parallel_loop3A_421 = arith.constant 112 : index
        %parallel_loop3A_422 = tpu.vector_load %arg13[%parallel_loop3A_420, %parallel_loop3A_421] {strides = array<i32>} : memref<80x128xf32, #tpu.memory_space<vmem>>, vector<16xf32>,
        %parallel_loop3A_423 = arith.index_cast %parallel_loop3A_364 : i32 to index
        %parallel_loop3A_424 = arith.constant 112 : index
        %parallel_loop3A_425 = tpu.vector_load %arg14[%parallel_loop3A_423, %parallel_loop3A_424] {strides = array<i32>} : memref<80x128xf32, #tpu.memory_space<vmem>>, vector<16xf32>,
        %parallel_loop3A_426 = arith.mulf %parallel_loop3A_422, %parallel_loop3A_425 : vector<16xf32>
        %parallel_loop3A_427 = arith.addf %parallel_loop3A_419, %parallel_loop3A_426 : vector<16xf32>
        %parallel_loop3A_428 = arith.constant true
        %parallel_loop3A_429 = vector.broadcast %parallel_loop3A_428 : i1 to vector<16xi1>
        %parallel_loop3A_430 = tpu.scan <sum>, %parallel_loop3A_427 masked %parallel_loop3A_429 : vector<16xf32>, vector<16xi1> -> vector<16xf32>
        %parallel_loop3A_431 = arith.constant 3 : i32
        %parallel_loop3A_432 = vector.broadcast %parallel_loop3A_431 : i32 to vector<16xi32>
        %parallel_loop3A_433 = arith.cmpi eq, %parallel_loop3A_112, %parallel_loop3A_432 : vector<16xi32>
        %parallel_loop3A_434 = arith.constant 0 : i32
        %parallel_loop3A_435 = vector.broadcast %parallel_loop3A_434 : i32 to vector<16xi32>
        %parallel_loop3A_436 = arith.cmpi slt, %parallel_loop3A_114, %parallel_loop3A_435 : vector<16xi32>
        %parallel_loop3A_437 = arith.constant 16 : i32
        %parallel_loop3A_438 = vector.broadcast %parallel_loop3A_437 : i32 to vector<16xi32>
        %parallel_loop3A_439 = arith.addi %parallel_loop3A_114, %parallel_loop3A_438 : vector<16xi32>
        %parallel_loop3A_440 = arith.select %parallel_loop3A_436, %parallel_loop3A_439, %parallel_loop3A_114 : vector<16xi1>, vector<16xi32>
        %parallel_loop3A_441 = vector.shape_cast %parallel_loop3A_440 : vector<16xi32> to vector<16x1xi32>
        %parallel_loop3A_442 = vector.shape_cast %parallel_loop3A_441 : vector<16x1xi32> to vector<16xi32>
        %parallel_loop3A_443 = tpu.dynamic_gather %parallel_loop3A_430[%parallel_loop3A_442] in [0] : vector<16xf32>, vector<16xi32> -> vector<16xf32>
        %parallel_loop3A_444 = arith.select %parallel_loop3A_433, %parallel_loop3A_443, %parallel_loop3A_362 : vector<16xi1>, vector<16xf32>
        %parallel_loop3A_445 = arith.constant 4 : i32
        %parallel_loop3A_446 = arith.addi %parallel_loop3A_111, %parallel_loop3A_445 : i32
        %parallel_loop3A_447 = arith.index_cast %parallel_loop3A_446 : i32 to index
        %parallel_loop3A_448 = arith.constant 0 : index
        %parallel_loop3A_449 = tpu.vector_load %arg13[%parallel_loop3A_447, %parallel_loop3A_448] {strides = array<i32>} : memref<80x128xf32, #tpu.memory_space<vmem>>, vector<16xf32>,
        %parallel_loop3A_450 = arith.index_cast %parallel_loop3A_446 : i32 to index
        %parallel_loop3A_451 = arith.constant 0 : index
        %parallel_loop3A_452 = tpu.vector_load %arg14[%parallel_loop3A_450, %parallel_loop3A_451] {strides = array<i32>} : memref<80x128xf32, #tpu.memory_space<vmem>>, vector<16xf32>,
        %parallel_loop3A_453 = arith.mulf %parallel_loop3A_449, %parallel_loop3A_452 : vector<16xf32>
        %parallel_loop3A_454 = arith.index_cast %parallel_loop3A_446 : i32 to index
        %parallel_loop3A_455 = arith.constant 16 : index
        %parallel_loop3A_456 = tpu.vector_load %arg13[%parallel_loop3A_454, %parallel_loop3A_455] {strides = array<i32>} : memref<80x128xf32, #tpu.memory_space<vmem>>, vector<16xf32>,
        %parallel_loop3A_457 = arith.index_cast %parallel_loop3A_446 : i32 to index
        %parallel_loop3A_458 = arith.constant 16 : index
        %parallel_loop3A_459 = tpu.vector_load %arg14[%parallel_loop3A_457, %parallel_loop3A_458] {strides = array<i32>} : memref<80x128xf32, #tpu.memory_space<vmem>>, vector<16xf32>,
        %parallel_loop3A_460 = arith.mulf %parallel_loop3A_456, %parallel_loop3A_459 : vector<16xf32>
        %parallel_loop3A_461 = arith.addf %parallel_loop3A_453, %parallel_loop3A_460 : vector<16xf32>
        %parallel_loop3A_462 = arith.index_cast %parallel_loop3A_446 : i32 to index
        %parallel_loop3A_463 = arith.constant 32 : index
        %parallel_loop3A_464 = tpu.vector_load %arg13[%parallel_loop3A_462, %parallel_loop3A_463] {strides = array<i32>} : memref<80x128xf32, #tpu.memory_space<vmem>>, vector<16xf32>,
        %parallel_loop3A_465 = arith.index_cast %parallel_loop3A_446 : i32 to index
        %parallel_loop3A_466 = arith.constant 32 : index
        %parallel_loop3A_467 = tpu.vector_load %arg14[%parallel_loop3A_465, %parallel_loop3A_466] {strides = array<i32>} : memref<80x128xf32, #tpu.memory_space<vmem>>, vector<16xf32>,
        %parallel_loop3A_468 = arith.mulf %parallel_loop3A_464, %parallel_loop3A_467 : vector<16xf32>
        %parallel_loop3A_469 = arith.addf %parallel_loop3A_461, %parallel_loop3A_468 : vector<16xf32>
        %parallel_loop3A_470 = arith.index_cast %parallel_loop3A_446 : i32 to index
        %parallel_loop3A_471 = arith.constant 48 : index
        %parallel_loop3A_472 = tpu.vector_load %arg13[%parallel_loop3A_470, %parallel_loop3A_471] {strides = array<i32>} : memref<80x128xf32, #tpu.memory_space<vmem>>, vector<16xf32>,
        %parallel_loop3A_473 = arith.index_cast %parallel_loop3A_446 : i32 to index
        %parallel_loop3A_474 = arith.constant 48 : index
        %parallel_loop3A_475 = tpu.vector_load %arg14[%parallel_loop3A_473, %parallel_loop3A_474] {strides = array<i32>} : memref<80x128xf32, #tpu.memory_space<vmem>>, vector<16xf32>,
        %parallel_loop3A_476 = arith.mulf %parallel_loop3A_472, %parallel_loop3A_475 : vector<16xf32>
        %parallel_loop3A_477 = arith.addf %parallel_loop3A_469, %parallel_loop3A_476 : vector<16xf32>
        %parallel_loop3A_478 = arith.index_cast %parallel_loop3A_446 : i32 to index
        %parallel_loop3A_479 = arith.constant 64 : index
        %parallel_loop3A_480 = tpu.vector_load %arg13[%parallel_loop3A_478, %parallel_loop3A_479] {strides = array<i32>} : memref<80x128xf32, #tpu.memory_space<vmem>>, vector<16xf32>,
        %parallel_loop3A_481 = arith.index_cast %parallel_loop3A_446 : i32 to index
        %parallel_loop3A_482 = arith.constant 64 : index
        %parallel_loop3A_483 = tpu.vector_load %arg14[%parallel_loop3A_481, %parallel_loop3A_482] {strides = array<i32>} : memref<80x128xf32, #tpu.memory_space<vmem>>, vector<16xf32>,
        %parallel_loop3A_484 = arith.mulf %parallel_loop3A_480, %parallel_loop3A_483 : vector<16xf32>
        %parallel_loop3A_485 = arith.addf %parallel_loop3A_477, %parallel_loop3A_484 : vector<16xf32>
        %parallel_loop3A_486 = arith.index_cast %parallel_loop3A_446 : i32 to index
        %parallel_loop3A_487 = arith.constant 80 : index
        %parallel_loop3A_488 = tpu.vector_load %arg13[%parallel_loop3A_486, %parallel_loop3A_487] {strides = array<i32>} : memref<80x128xf32, #tpu.memory_space<vmem>>, vector<16xf32>,
        %parallel_loop3A_489 = arith.index_cast %parallel_loop3A_446 : i32 to index
        %parallel_loop3A_490 = arith.constant 80 : index
        %parallel_loop3A_491 = tpu.vector_load %arg14[%parallel_loop3A_489, %parallel_loop3A_490] {strides = array<i32>} : memref<80x128xf32, #tpu.memory_space<vmem>>, vector<16xf32>,
        %parallel_loop3A_492 = arith.mulf %parallel_loop3A_488, %parallel_loop3A_491 : vector<16xf32>
        %parallel_loop3A_493 = arith.addf %parallel_loop3A_485, %parallel_loop3A_492 : vector<16xf32>
        %parallel_loop3A_494 = arith.index_cast %parallel_loop3A_446 : i32 to index
        %parallel_loop3A_495 = arith.constant 96 : index
        %parallel_loop3A_496 = tpu.vector_load %arg13[%parallel_loop3A_494, %parallel_loop3A_495] {strides = array<i32>} : memref<80x128xf32, #tpu.memory_space<vmem>>, vector<16xf32>,
        %parallel_loop3A_497 = arith.index_cast %parallel_loop3A_446 : i32 to index
        %parallel_loop3A_498 = arith.constant 96 : index
        %parallel_loop3A_499 = tpu.vector_load %arg14[%parallel_loop3A_497, %parallel_loop3A_498] {strides = array<i32>} : memref<80x128xf32, #tpu.memory_space<vmem>>, vector<16xf32>,
        %parallel_loop3A_500 = arith.mulf %parallel_loop3A_496, %parallel_loop3A_499 : vector<16xf32>
        %parallel_loop3A_501 = arith.addf %parallel_loop3A_493, %parallel_loop3A_500 : vector<16xf32>
        %parallel_loop3A_502 = arith.index_cast %parallel_loop3A_446 : i32 to index
        %parallel_loop3A_503 = arith.constant 112 : index
        %parallel_loop3A_504 = tpu.vector_load %arg13[%parallel_loop3A_502, %parallel_loop3A_503] {strides = array<i32>} : memref<80x128xf32, #tpu.memory_space<vmem>>, vector<16xf32>,
        %parallel_loop3A_505 = arith.index_cast %parallel_loop3A_446 : i32 to index
        %parallel_loop3A_506 = arith.constant 112 : index
        %parallel_loop3A_507 = tpu.vector_load %arg14[%parallel_loop3A_505, %parallel_loop3A_506] {strides = array<i32>} : memref<80x128xf32, #tpu.memory_space<vmem>>, vector<16xf32>,
        %parallel_loop3A_508 = arith.mulf %parallel_loop3A_504, %parallel_loop3A_507 : vector<16xf32>
        %parallel_loop3A_509 = arith.addf %parallel_loop3A_501, %parallel_loop3A_508 : vector<16xf32>
        %parallel_loop3A_510 = arith.constant true
        %parallel_loop3A_511 = vector.broadcast %parallel_loop3A_510 : i1 to vector<16xi1>
        %parallel_loop3A_512 = tpu.scan <sum>, %parallel_loop3A_509 masked %parallel_loop3A_511 : vector<16xf32>, vector<16xi1> -> vector<16xf32>
        %parallel_loop3A_513 = arith.constant 4 : i32
        %parallel_loop3A_514 = vector.broadcast %parallel_loop3A_513 : i32 to vector<16xi32>
        %parallel_loop3A_515 = arith.cmpi eq, %parallel_loop3A_112, %parallel_loop3A_514 : vector<16xi32>
        %parallel_loop3A_516 = arith.constant 0 : i32
        %parallel_loop3A_517 = vector.broadcast %parallel_loop3A_516 : i32 to vector<16xi32>
        %parallel_loop3A_518 = arith.cmpi slt, %parallel_loop3A_114, %parallel_loop3A_517 : vector<16xi32>
        %parallel_loop3A_519 = arith.constant 16 : i32
        %parallel_loop3A_520 = vector.broadcast %parallel_loop3A_519 : i32 to vector<16xi32>
        %parallel_loop3A_521 = arith.addi %parallel_loop3A_114, %parallel_loop3A_520 : vector<16xi32>
        %parallel_loop3A_522 = arith.select %parallel_loop3A_518, %parallel_loop3A_521, %parallel_loop3A_114 : vector<16xi1>, vector<16xi32>
        %parallel_loop3A_523 = vector.shape_cast %parallel_loop3A_522 : vector<16xi32> to vector<16x1xi32>
        %parallel_loop3A_524 = vector.shape_cast %parallel_loop3A_523 : vector<16x1xi32> to vector<16xi32>
        %parallel_loop3A_525 = tpu.dynamic_gather %parallel_loop3A_512[%parallel_loop3A_524] in [0] : vector<16xf32>, vector<16xi32> -> vector<16xf32>
        %parallel_loop3A_526 = arith.select %parallel_loop3A_515, %parallel_loop3A_525, %parallel_loop3A_444 : vector<16xi1>, vector<16xf32>
        %parallel_loop3A_527 = arith.constant 5 : i32
        %parallel_loop3A_528 = arith.addi %parallel_loop3A_111, %parallel_loop3A_527 : i32
        %parallel_loop3A_529 = arith.index_cast %parallel_loop3A_528 : i32 to index
        %parallel_loop3A_530 = arith.constant 0 : index
        %parallel_loop3A_531 = tpu.vector_load %arg13[%parallel_loop3A_529, %parallel_loop3A_530] {strides = array<i32>} : memref<80x128xf32, #tpu.memory_space<vmem>>, vector<16xf32>,
        %parallel_loop3A_532 = arith.index_cast %parallel_loop3A_528 : i32 to index
        %parallel_loop3A_533 = arith.constant 0 : index
        %parallel_loop3A_534 = tpu.vector_load %arg14[%parallel_loop3A_532, %parallel_loop3A_533] {strides = array<i32>} : memref<80x128xf32, #tpu.memory_space<vmem>>, vector<16xf32>,
        %parallel_loop3A_535 = arith.mulf %parallel_loop3A_531, %parallel_loop3A_534 : vector<16xf32>
        %parallel_loop3A_536 = arith.index_cast %parallel_loop3A_528 : i32 to index
        %parallel_loop3A_537 = arith.constant 16 : index
        %parallel_loop3A_538 = tpu.vector_load %arg13[%parallel_loop3A_536, %parallel_loop3A_537] {strides = array<i32>} : memref<80x128xf32, #tpu.memory_space<vmem>>, vector<16xf32>,
        %parallel_loop3A_539 = arith.index_cast %parallel_loop3A_528 : i32 to index
        %parallel_loop3A_540 = arith.constant 16 : index
        %parallel_loop3A_541 = tpu.vector_load %arg14[%parallel_loop3A_539, %parallel_loop3A_540] {strides = array<i32>} : memref<80x128xf32, #tpu.memory_space<vmem>>, vector<16xf32>,
        %parallel_loop3A_542 = arith.mulf %parallel_loop3A_538, %parallel_loop3A_541 : vector<16xf32>
        %parallel_loop3A_543 = arith.addf %parallel_loop3A_535, %parallel_loop3A_542 : vector<16xf32>
        %parallel_loop3A_544 = arith.index_cast %parallel_loop3A_528 : i32 to index
        %parallel_loop3A_545 = arith.constant 32 : index
        %parallel_loop3A_546 = tpu.vector_load %arg13[%parallel_loop3A_544, %parallel_loop3A_545] {strides = array<i32>} : memref<80x128xf32, #tpu.memory_space<vmem>>, vector<16xf32>,
        %parallel_loop3A_547 = arith.index_cast %parallel_loop3A_528 : i32 to index
        %parallel_loop3A_548 = arith.constant 32 : index
        %parallel_loop3A_549 = tpu.vector_load %arg14[%parallel_loop3A_547, %parallel_loop3A_548] {strides = array<i32>} : memref<80x128xf32, #tpu.memory_space<vmem>>, vector<16xf32>,
        %parallel_loop3A_550 = arith.mulf %parallel_loop3A_546, %parallel_loop3A_549 : vector<16xf32>
        %parallel_loop3A_551 = arith.addf %parallel_loop3A_543, %parallel_loop3A_550 : vector<16xf32>
        %parallel_loop3A_552 = arith.index_cast %parallel_loop3A_528 : i32 to index
        %parallel_loop3A_553 = arith.constant 48 : index
        %parallel_loop3A_554 = tpu.vector_load %arg13[%parallel_loop3A_552, %parallel_loop3A_553] {strides = array<i32>} : memref<80x128xf32, #tpu.memory_space<vmem>>, vector<16xf32>,
        %parallel_loop3A_555 = arith.index_cast %parallel_loop3A_528 : i32 to index
        %parallel_loop3A_556 = arith.constant 48 : index
        %parallel_loop3A_557 = tpu.vector_load %arg14[%parallel_loop3A_555, %parallel_loop3A_556] {strides = array<i32>} : memref<80x128xf32, #tpu.memory_space<vmem>>, vector<16xf32>,
        %parallel_loop3A_558 = arith.mulf %parallel_loop3A_554, %parallel_loop3A_557 : vector<16xf32>
        %parallel_loop3A_559 = arith.addf %parallel_loop3A_551, %parallel_loop3A_558 : vector<16xf32>
        %parallel_loop3A_560 = arith.index_cast %parallel_loop3A_528 : i32 to index
        %parallel_loop3A_561 = arith.constant 64 : index
        %parallel_loop3A_562 = tpu.vector_load %arg13[%parallel_loop3A_560, %parallel_loop3A_561] {strides = array<i32>} : memref<80x128xf32, #tpu.memory_space<vmem>>, vector<16xf32>,
        %parallel_loop3A_563 = arith.index_cast %parallel_loop3A_528 : i32 to index
        %parallel_loop3A_564 = arith.constant 64 : index
        %parallel_loop3A_565 = tpu.vector_load %arg14[%parallel_loop3A_563, %parallel_loop3A_564] {strides = array<i32>} : memref<80x128xf32, #tpu.memory_space<vmem>>, vector<16xf32>,
        %parallel_loop3A_566 = arith.mulf %parallel_loop3A_562, %parallel_loop3A_565 : vector<16xf32>
        %parallel_loop3A_567 = arith.addf %parallel_loop3A_559, %parallel_loop3A_566 : vector<16xf32>
        %parallel_loop3A_568 = arith.index_cast %parallel_loop3A_528 : i32 to index
        %parallel_loop3A_569 = arith.constant 80 : index
        %parallel_loop3A_570 = tpu.vector_load %arg13[%parallel_loop3A_568, %parallel_loop3A_569] {strides = array<i32>} : memref<80x128xf32, #tpu.memory_space<vmem>>, vector<16xf32>,
        %parallel_loop3A_571 = arith.index_cast %parallel_loop3A_528 : i32 to index
        %parallel_loop3A_572 = arith.constant 80 : index
        %parallel_loop3A_573 = tpu.vector_load %arg14[%parallel_loop3A_571, %parallel_loop3A_572] {strides = array<i32>} : memref<80x128xf32, #tpu.memory_space<vmem>>, vector<16xf32>,
        %parallel_loop3A_574 = arith.mulf %parallel_loop3A_570, %parallel_loop3A_573 : vector<16xf32>
        %parallel_loop3A_575 = arith.addf %parallel_loop3A_567, %parallel_loop3A_574 : vector<16xf32>
        %parallel_loop3A_576 = arith.index_cast %parallel_loop3A_528 : i32 to index
        %parallel_loop3A_577 = arith.constant 96 : index
        %parallel_loop3A_578 = tpu.vector_load %arg13[%parallel_loop3A_576, %parallel_loop3A_577] {strides = array<i32>} : memref<80x128xf32, #tpu.memory_space<vmem>>, vector<16xf32>,
        %parallel_loop3A_579 = arith.index_cast %parallel_loop3A_528 : i32 to index
        %parallel_loop3A_580 = arith.constant 96 : index
        %parallel_loop3A_581 = tpu.vector_load %arg14[%parallel_loop3A_579, %parallel_loop3A_580] {strides = array<i32>} : memref<80x128xf32, #tpu.memory_space<vmem>>, vector<16xf32>,
        %parallel_loop3A_582 = arith.mulf %parallel_loop3A_578, %parallel_loop3A_581 : vector<16xf32>
        %parallel_loop3A_583 = arith.addf %parallel_loop3A_575, %parallel_loop3A_582 : vector<16xf32>
        %parallel_loop3A_584 = arith.index_cast %parallel_loop3A_528 : i32 to index
        %parallel_loop3A_585 = arith.constant 112 : index
        %parallel_loop3A_586 = tpu.vector_load %arg13[%parallel_loop3A_584, %parallel_loop3A_585] {strides = array<i32>} : memref<80x128xf32, #tpu.memory_space<vmem>>, vector<16xf32>,
        %parallel_loop3A_587 = arith.index_cast %parallel_loop3A_528 : i32 to index
        %parallel_loop3A_588 = arith.constant 112 : index
        %parallel_loop3A_589 = tpu.vector_load %arg14[%parallel_loop3A_587, %parallel_loop3A_588] {strides = array<i32>} : memref<80x128xf32, #tpu.memory_space<vmem>>, vector<16xf32>,
        %parallel_loop3A_590 = arith.mulf %parallel_loop3A_586, %parallel_loop3A_589 : vector<16xf32>
        %parallel_loop3A_591 = arith.addf %parallel_loop3A_583, %parallel_loop3A_590 : vector<16xf32>
        %parallel_loop3A_592 = arith.constant true
        %parallel_loop3A_593 = vector.broadcast %parallel_loop3A_592 : i1 to vector<16xi1>
        %parallel_loop3A_594 = tpu.scan <sum>, %parallel_loop3A_591 masked %parallel_loop3A_593 : vector<16xf32>, vector<16xi1> -> vector<16xf32>
        %parallel_loop3A_595 = arith.constant 5 : i32
        %parallel_loop3A_596 = vector.broadcast %parallel_loop3A_595 : i32 to vector<16xi32>
        %parallel_loop3A_597 = arith.cmpi eq, %parallel_loop3A_112, %parallel_loop3A_596 : vector<16xi32>
        %parallel_loop3A_598 = arith.constant 0 : i32
        %parallel_loop3A_599 = vector.broadcast %parallel_loop3A_598 : i32 to vector<16xi32>
        %parallel_loop3A_600 = arith.cmpi slt, %parallel_loop3A_114, %parallel_loop3A_599 : vector<16xi32>
        %parallel_loop3A_601 = arith.constant 16 : i32
        %parallel_loop3A_602 = vector.broadcast %parallel_loop3A_601 : i32 to vector<16xi32>
        %parallel_loop3A_603 = arith.addi %parallel_loop3A_114, %parallel_loop3A_602 : vector<16xi32>
        %parallel_loop3A_604 = arith.select %parallel_loop3A_600, %parallel_loop3A_603, %parallel_loop3A_114 : vector<16xi1>, vector<16xi32>
        %parallel_loop3A_605 = vector.shape_cast %parallel_loop3A_604 : vector<16xi32> to vector<16x1xi32>
        %parallel_loop3A_606 = vector.shape_cast %parallel_loop3A_605 : vector<16x1xi32> to vector<16xi32>
        %parallel_loop3A_607 = tpu.dynamic_gather %parallel_loop3A_594[%parallel_loop3A_606] in [0] : vector<16xf32>, vector<16xi32> -> vector<16xf32>
        %parallel_loop3A_608 = arith.select %parallel_loop3A_597, %parallel_loop3A_607, %parallel_loop3A_526 : vector<16xi1>, vector<16xf32>
        %parallel_loop3A_609 = arith.constant 6 : i32
        %parallel_loop3A_610 = arith.addi %parallel_loop3A_111, %parallel_loop3A_609 : i32
        %parallel_loop3A_611 = arith.index_cast %parallel_loop3A_610 : i32 to index
        %parallel_loop3A_612 = arith.constant 0 : index
        %parallel_loop3A_613 = tpu.vector_load %arg13[%parallel_loop3A_611, %parallel_loop3A_612] {strides = array<i32>} : memref<80x128xf32, #tpu.memory_space<vmem>>, vector<16xf32>,
        %parallel_loop3A_614 = arith.index_cast %parallel_loop3A_610 : i32 to index
        %parallel_loop3A_615 = arith.constant 0 : index
        %parallel_loop3A_616 = tpu.vector_load %arg14[%parallel_loop3A_614, %parallel_loop3A_615] {strides = array<i32>} : memref<80x128xf32, #tpu.memory_space<vmem>>, vector<16xf32>,
        %parallel_loop3A_617 = arith.mulf %parallel_loop3A_613, %parallel_loop3A_616 : vector<16xf32>
        %parallel_loop3A_618 = arith.index_cast %parallel_loop3A_610 : i32 to index
        %parallel_loop3A_619 = arith.constant 16 : index
        %parallel_loop3A_620 = tpu.vector_load %arg13[%parallel_loop3A_618, %parallel_loop3A_619] {strides = array<i32>} : memref<80x128xf32, #tpu.memory_space<vmem>>, vector<16xf32>,
        %parallel_loop3A_621 = arith.index_cast %parallel_loop3A_610 : i32 to index
        %parallel_loop3A_622 = arith.constant 16 : index
        %parallel_loop3A_623 = tpu.vector_load %arg14[%parallel_loop3A_621, %parallel_loop3A_622] {strides = array<i32>} : memref<80x128xf32, #tpu.memory_space<vmem>>, vector<16xf32>,
        %parallel_loop3A_624 = arith.mulf %parallel_loop3A_620, %parallel_loop3A_623 : vector<16xf32>
        %parallel_loop3A_625 = arith.addf %parallel_loop3A_617, %parallel_loop3A_624 : vector<16xf32>
        %parallel_loop3A_626 = arith.index_cast %parallel_loop3A_610 : i32 to index
        %parallel_loop3A_627 = arith.constant 32 : index
        %parallel_loop3A_628 = tpu.vector_load %arg13[%parallel_loop3A_626, %parallel_loop3A_627] {strides = array<i32>} : memref<80x128xf32, #tpu.memory_space<vmem>>, vector<16xf32>,
        %parallel_loop3A_629 = arith.index_cast %parallel_loop3A_610 : i32 to index
        %parallel_loop3A_630 = arith.constant 32 : index
        %parallel_loop3A_631 = tpu.vector_load %arg14[%parallel_loop3A_629, %parallel_loop3A_630] {strides = array<i32>} : memref<80x128xf32, #tpu.memory_space<vmem>>, vector<16xf32>,
        %parallel_loop3A_632 = arith.mulf %parallel_loop3A_628, %parallel_loop3A_631 : vector<16xf32>
        %parallel_loop3A_633 = arith.addf %parallel_loop3A_625, %parallel_loop3A_632 : vector<16xf32>
        %parallel_loop3A_634 = arith.index_cast %parallel_loop3A_610 : i32 to index
        %parallel_loop3A_635 = arith.constant 48 : index
        %parallel_loop3A_636 = tpu.vector_load %arg13[%parallel_loop3A_634, %parallel_loop3A_635] {strides = array<i32>} : memref<80x128xf32, #tpu.memory_space<vmem>>, vector<16xf32>,
        %parallel_loop3A_637 = arith.index_cast %parallel_loop3A_610 : i32 to index
        %parallel_loop3A_638 = arith.constant 48 : index
        %parallel_loop3A_639 = tpu.vector_load %arg14[%parallel_loop3A_637, %parallel_loop3A_638] {strides = array<i32>} : memref<80x128xf32, #tpu.memory_space<vmem>>, vector<16xf32>,
        %parallel_loop3A_640 = arith.mulf %parallel_loop3A_636, %parallel_loop3A_639 : vector<16xf32>
        %parallel_loop3A_641 = arith.addf %parallel_loop3A_633, %parallel_loop3A_640 : vector<16xf32>
        %parallel_loop3A_642 = arith.index_cast %parallel_loop3A_610 : i32 to index
        %parallel_loop3A_643 = arith.constant 64 : index
        %parallel_loop3A_644 = tpu.vector_load %arg13[%parallel_loop3A_642, %parallel_loop3A_643] {strides = array<i32>} : memref<80x128xf32, #tpu.memory_space<vmem>>, vector<16xf32>,
        %parallel_loop3A_645 = arith.index_cast %parallel_loop3A_610 : i32 to index
        %parallel_loop3A_646 = arith.constant 64 : index
        %parallel_loop3A_647 = tpu.vector_load %arg14[%parallel_loop3A_645, %parallel_loop3A_646] {strides = array<i32>} : memref<80x128xf32, #tpu.memory_space<vmem>>, vector<16xf32>,
        %parallel_loop3A_648 = arith.mulf %parallel_loop3A_644, %parallel_loop3A_647 : vector<16xf32>
        %parallel_loop3A_649 = arith.addf %parallel_loop3A_641, %parallel_loop3A_648 : vector<16xf32>
        %parallel_loop3A_650 = arith.index_cast %parallel_loop3A_610 : i32 to index
        %parallel_loop3A_651 = arith.constant 80 : index
        %parallel_loop3A_652 = tpu.vector_load %arg13[%parallel_loop3A_650, %parallel_loop3A_651] {strides = array<i32>} : memref<80x128xf32, #tpu.memory_space<vmem>>, vector<16xf32>,
        %parallel_loop3A_653 = arith.index_cast %parallel_loop3A_610 : i32 to index
        %parallel_loop3A_654 = arith.constant 80 : index
        %parallel_loop3A_655 = tpu.vector_load %arg14[%parallel_loop3A_653, %parallel_loop3A_654] {strides = array<i32>} : memref<80x128xf32, #tpu.memory_space<vmem>>, vector<16xf32>,
        %parallel_loop3A_656 = arith.mulf %parallel_loop3A_652, %parallel_loop3A_655 : vector<16xf32>
        %parallel_loop3A_657 = arith.addf %parallel_loop3A_649, %parallel_loop3A_656 : vector<16xf32>
        %parallel_loop3A_658 = arith.index_cast %parallel_loop3A_610 : i32 to index
        %parallel_loop3A_659 = arith.constant 96 : index
        %parallel_loop3A_660 = tpu.vector_load %arg13[%parallel_loop3A_658, %parallel_loop3A_659] {strides = array<i32>} : memref<80x128xf32, #tpu.memory_space<vmem>>, vector<16xf32>,
        %parallel_loop3A_661 = arith.index_cast %parallel_loop3A_610 : i32 to index
        %parallel_loop3A_662 = arith.constant 96 : index
        %parallel_loop3A_663 = tpu.vector_load %arg14[%parallel_loop3A_661, %parallel_loop3A_662] {strides = array<i32>} : memref<80x128xf32, #tpu.memory_space<vmem>>, vector<16xf32>,
        %parallel_loop3A_664 = arith.mulf %parallel_loop3A_660, %parallel_loop3A_663 : vector<16xf32>
        %parallel_loop3A_665 = arith.addf %parallel_loop3A_657, %parallel_loop3A_664 : vector<16xf32>
        %parallel_loop3A_666 = arith.index_cast %parallel_loop3A_610 : i32 to index
        %parallel_loop3A_667 = arith.constant 112 : index
        %parallel_loop3A_668 = tpu.vector_load %arg13[%parallel_loop3A_666, %parallel_loop3A_667] {strides = array<i32>} : memref<80x128xf32, #tpu.memory_space<vmem>>, vector<16xf32>,
        %parallel_loop3A_669 = arith.index_cast %parallel_loop3A_610 : i32 to index
        %parallel_loop3A_670 = arith.constant 112 : index
        %parallel_loop3A_671 = tpu.vector_load %arg14[%parallel_loop3A_669, %parallel_loop3A_670] {strides = array<i32>} : memref<80x128xf32, #tpu.memory_space<vmem>>, vector<16xf32>,
        %parallel_loop3A_672 = arith.mulf %parallel_loop3A_668, %parallel_loop3A_671 : vector<16xf32>
        %parallel_loop3A_673 = arith.addf %parallel_loop3A_665, %parallel_loop3A_672 : vector<16xf32>
        %parallel_loop3A_674 = arith.constant true
        %parallel_loop3A_675 = vector.broadcast %parallel_loop3A_674 : i1 to vector<16xi1>
        %parallel_loop3A_676 = tpu.scan <sum>, %parallel_loop3A_673 masked %parallel_loop3A_675 : vector<16xf32>, vector<16xi1> -> vector<16xf32>
        %parallel_loop3A_677 = arith.constant 6 : i32
        %parallel_loop3A_678 = vector.broadcast %parallel_loop3A_677 : i32 to vector<16xi32>
        %parallel_loop3A_679 = arith.cmpi eq, %parallel_loop3A_112, %parallel_loop3A_678 : vector<16xi32>
        %parallel_loop3A_680 = arith.constant 0 : i32
        %parallel_loop3A_681 = vector.broadcast %parallel_loop3A_680 : i32 to vector<16xi32>
        %parallel_loop3A_682 = arith.cmpi slt, %parallel_loop3A_114, %parallel_loop3A_681 : vector<16xi32>
        %parallel_loop3A_683 = arith.constant 16 : i32
        %parallel_loop3A_684 = vector.broadcast %parallel_loop3A_683 : i32 to vector<16xi32>
        %parallel_loop3A_685 = arith.addi %parallel_loop3A_114, %parallel_loop3A_684 : vector<16xi32>
        %parallel_loop3A_686 = arith.select %parallel_loop3A_682, %parallel_loop3A_685, %parallel_loop3A_114 : vector<16xi1>, vector<16xi32>
        %parallel_loop3A_687 = vector.shape_cast %parallel_loop3A_686 : vector<16xi32> to vector<16x1xi32>
        %parallel_loop3A_688 = vector.shape_cast %parallel_loop3A_687 : vector<16x1xi32> to vector<16xi32>
        %parallel_loop3A_689 = tpu.dynamic_gather %parallel_loop3A_676[%parallel_loop3A_688] in [0] : vector<16xf32>, vector<16xi32> -> vector<16xf32>
        %parallel_loop3A_690 = arith.select %parallel_loop3A_679, %parallel_loop3A_689, %parallel_loop3A_608 : vector<16xi1>, vector<16xf32>
        %parallel_loop3A_691 = arith.constant 7 : i32
        %parallel_loop3A_692 = arith.addi %parallel_loop3A_111, %parallel_loop3A_691 : i32
        %parallel_loop3A_693 = arith.index_cast %parallel_loop3A_692 : i32 to index
        %parallel_loop3A_694 = arith.constant 0 : index
        %parallel_loop3A_695 = tpu.vector_load %arg13[%parallel_loop3A_693, %parallel_loop3A_694] {strides = array<i32>} : memref<80x128xf32, #tpu.memory_space<vmem>>, vector<16xf32>,
        %parallel_loop3A_696 = arith.index_cast %parallel_loop3A_692 : i32 to index
        %parallel_loop3A_697 = arith.constant 0 : index
        %parallel_loop3A_698 = tpu.vector_load %arg14[%parallel_loop3A_696, %parallel_loop3A_697] {strides = array<i32>} : memref<80x128xf32, #tpu.memory_space<vmem>>, vector<16xf32>,
        %parallel_loop3A_699 = arith.mulf %parallel_loop3A_695, %parallel_loop3A_698 : vector<16xf32>
        %parallel_loop3A_700 = arith.index_cast %parallel_loop3A_692 : i32 to index
        %parallel_loop3A_701 = arith.constant 16 : index
        %parallel_loop3A_702 = tpu.vector_load %arg13[%parallel_loop3A_700, %parallel_loop3A_701] {strides = array<i32>} : memref<80x128xf32, #tpu.memory_space<vmem>>, vector<16xf32>,
        %parallel_loop3A_703 = arith.index_cast %parallel_loop3A_692 : i32 to index
        %parallel_loop3A_704 = arith.constant 16 : index
        %parallel_loop3A_705 = tpu.vector_load %arg14[%parallel_loop3A_703, %parallel_loop3A_704] {strides = array<i32>} : memref<80x128xf32, #tpu.memory_space<vmem>>, vector<16xf32>,
        %parallel_loop3A_706 = arith.mulf %parallel_loop3A_702, %parallel_loop3A_705 : vector<16xf32>
        %parallel_loop3A_707 = arith.addf %parallel_loop3A_699, %parallel_loop3A_706 : vector<16xf32>
        %parallel_loop3A_708 = arith.index_cast %parallel_loop3A_692 : i32 to index
        %parallel_loop3A_709 = arith.constant 32 : index
        %parallel_loop3A_710 = tpu.vector_load %arg13[%parallel_loop3A_708, %parallel_loop3A_709] {strides = array<i32>} : memref<80x128xf32, #tpu.memory_space<vmem>>, vector<16xf32>,
        %parallel_loop3A_711 = arith.index_cast %parallel_loop3A_692 : i32 to index
        %parallel_loop3A_712 = arith.constant 32 : index
        %parallel_loop3A_713 = tpu.vector_load %arg14[%parallel_loop3A_711, %parallel_loop3A_712] {strides = array<i32>} : memref<80x128xf32, #tpu.memory_space<vmem>>, vector<16xf32>,
        %parallel_loop3A_714 = arith.mulf %parallel_loop3A_710, %parallel_loop3A_713 : vector<16xf32>
        %parallel_loop3A_715 = arith.addf %parallel_loop3A_707, %parallel_loop3A_714 : vector<16xf32>
        %parallel_loop3A_716 = arith.index_cast %parallel_loop3A_692 : i32 to index
        %parallel_loop3A_717 = arith.constant 48 : index
        %parallel_loop3A_718 = tpu.vector_load %arg13[%parallel_loop3A_716, %parallel_loop3A_717] {strides = array<i32>} : memref<80x128xf32, #tpu.memory_space<vmem>>, vector<16xf32>,
        %parallel_loop3A_719 = arith.index_cast %parallel_loop3A_692 : i32 to index
        %parallel_loop3A_720 = arith.constant 48 : index
        %parallel_loop3A_721 = tpu.vector_load %arg14[%parallel_loop3A_719, %parallel_loop3A_720] {strides = array<i32>} : memref<80x128xf32, #tpu.memory_space<vmem>>, vector<16xf32>,
        %parallel_loop3A_722 = arith.mulf %parallel_loop3A_718, %parallel_loop3A_721 : vector<16xf32>
        %parallel_loop3A_723 = arith.addf %parallel_loop3A_715, %parallel_loop3A_722 : vector<16xf32>
        %parallel_loop3A_724 = arith.index_cast %parallel_loop3A_692 : i32 to index
        %parallel_loop3A_725 = arith.constant 64 : index
        %parallel_loop3A_726 = tpu.vector_load %arg13[%parallel_loop3A_724, %parallel_loop3A_725] {strides = array<i32>} : memref<80x128xf32, #tpu.memory_space<vmem>>, vector<16xf32>,
        %parallel_loop3A_727 = arith.index_cast %parallel_loop3A_692 : i32 to index
        %parallel_loop3A_728 = arith.constant 64 : index
        %parallel_loop3A_729 = tpu.vector_load %arg14[%parallel_loop3A_727, %parallel_loop3A_728] {strides = array<i32>} : memref<80x128xf32, #tpu.memory_space<vmem>>, vector<16xf32>,
        %parallel_loop3A_730 = arith.mulf %parallel_loop3A_726, %parallel_loop3A_729 : vector<16xf32>
        %parallel_loop3A_731 = arith.addf %parallel_loop3A_723, %parallel_loop3A_730 : vector<16xf32>
        %parallel_loop3A_732 = arith.index_cast %parallel_loop3A_692 : i32 to index
        %parallel_loop3A_733 = arith.constant 80 : index
        %parallel_loop3A_734 = tpu.vector_load %arg13[%parallel_loop3A_732, %parallel_loop3A_733] {strides = array<i32>} : memref<80x128xf32, #tpu.memory_space<vmem>>, vector<16xf32>,
        %parallel_loop3A_735 = arith.index_cast %parallel_loop3A_692 : i32 to index
        %parallel_loop3A_736 = arith.constant 80 : index
        %parallel_loop3A_737 = tpu.vector_load %arg14[%parallel_loop3A_735, %parallel_loop3A_736] {strides = array<i32>} : memref<80x128xf32, #tpu.memory_space<vmem>>, vector<16xf32>,
        %parallel_loop3A_738 = arith.mulf %parallel_loop3A_734, %parallel_loop3A_737 : vector<16xf32>
        %parallel_loop3A_739 = arith.addf %parallel_loop3A_731, %parallel_loop3A_738 : vector<16xf32>
        %parallel_loop3A_740 = arith.index_cast %parallel_loop3A_692 : i32 to index
        %parallel_loop3A_741 = arith.constant 96 : index
        %parallel_loop3A_742 = tpu.vector_load %arg13[%parallel_loop3A_740, %parallel_loop3A_741] {strides = array<i32>} : memref<80x128xf32, #tpu.memory_space<vmem>>, vector<16xf32>,
        %parallel_loop3A_743 = arith.index_cast %parallel_loop3A_692 : i32 to index
        %parallel_loop3A_744 = arith.constant 96 : index
        %parallel_loop3A_745 = tpu.vector_load %arg14[%parallel_loop3A_743, %parallel_loop3A_744] {strides = array<i32>} : memref<80x128xf32, #tpu.memory_space<vmem>>, vector<16xf32>,
        %parallel_loop3A_746 = arith.mulf %parallel_loop3A_742, %parallel_loop3A_745 : vector<16xf32>
        %parallel_loop3A_747 = arith.addf %parallel_loop3A_739, %parallel_loop3A_746 : vector<16xf32>
        %parallel_loop3A_748 = arith.index_cast %parallel_loop3A_692 : i32 to index
        %parallel_loop3A_749 = arith.constant 112 : index
        %parallel_loop3A_750 = tpu.vector_load %arg13[%parallel_loop3A_748, %parallel_loop3A_749] {strides = array<i32>} : memref<80x128xf32, #tpu.memory_space<vmem>>, vector<16xf32>,
        %parallel_loop3A_751 = arith.index_cast %parallel_loop3A_692 : i32 to index
        %parallel_loop3A_752 = arith.constant 112 : index
        %parallel_loop3A_753 = tpu.vector_load %arg14[%parallel_loop3A_751, %parallel_loop3A_752] {strides = array<i32>} : memref<80x128xf32, #tpu.memory_space<vmem>>, vector<16xf32>,
        %parallel_loop3A_754 = arith.mulf %parallel_loop3A_750, %parallel_loop3A_753 : vector<16xf32>
        %parallel_loop3A_755 = arith.addf %parallel_loop3A_747, %parallel_loop3A_754 : vector<16xf32>
        %parallel_loop3A_756 = arith.constant true
        %parallel_loop3A_757 = vector.broadcast %parallel_loop3A_756 : i1 to vector<16xi1>
        %parallel_loop3A_758 = tpu.scan <sum>, %parallel_loop3A_755 masked %parallel_loop3A_757 : vector<16xf32>, vector<16xi1> -> vector<16xf32>
        %parallel_loop3A_759 = arith.constant 7 : i32
        %parallel_loop3A_760 = vector.broadcast %parallel_loop3A_759 : i32 to vector<16xi32>
        %parallel_loop3A_761 = arith.cmpi eq, %parallel_loop3A_112, %parallel_loop3A_760 : vector<16xi32>
        %parallel_loop3A_762 = arith.constant 0 : i32
        %parallel_loop3A_763 = vector.broadcast %parallel_loop3A_762 : i32 to vector<16xi32>
        %parallel_loop3A_764 = arith.cmpi slt, %parallel_loop3A_114, %parallel_loop3A_763 : vector<16xi32>
        %parallel_loop3A_765 = arith.constant 16 : i32
        %parallel_loop3A_766 = vector.broadcast %parallel_loop3A_765 : i32 to vector<16xi32>
        %parallel_loop3A_767 = arith.addi %parallel_loop3A_114, %parallel_loop3A_766 : vector<16xi32>
        %parallel_loop3A_768 = arith.select %parallel_loop3A_764, %parallel_loop3A_767, %parallel_loop3A_114 : vector<16xi1>, vector<16xi32>
        %parallel_loop3A_769 = vector.shape_cast %parallel_loop3A_768 : vector<16xi32> to vector<16x1xi32>
        %parallel_loop3A_770 = vector.shape_cast %parallel_loop3A_769 : vector<16x1xi32> to vector<16xi32>
        %parallel_loop3A_771 = tpu.dynamic_gather %parallel_loop3A_758[%parallel_loop3A_770] in [0] : vector<16xf32>, vector<16xi32> -> vector<16xf32>
        %parallel_loop3A_772 = arith.select %parallel_loop3A_761, %parallel_loop3A_771, %parallel_loop3A_690 : vector<16xi1>, vector<16xf32>
        %parallel_loop3A_773 = arith.constant 8 : i32
        %parallel_loop3A_774 = arith.addi %parallel_loop3A_111, %parallel_loop3A_773 : i32
        %parallel_loop3A_775 = arith.index_cast %parallel_loop3A_774 : i32 to index
        %parallel_loop3A_776 = arith.constant 0 : index
        %parallel_loop3A_777 = tpu.vector_load %arg13[%parallel_loop3A_775, %parallel_loop3A_776] {strides = array<i32>} : memref<80x128xf32, #tpu.memory_space<vmem>>, vector<16xf32>,
        %parallel_loop3A_778 = arith.index_cast %parallel_loop3A_774 : i32 to index
        %parallel_loop3A_779 = arith.constant 0 : index
        %parallel_loop3A_780 = tpu.vector_load %arg14[%parallel_loop3A_778, %parallel_loop3A_779] {strides = array<i32>} : memref<80x128xf32, #tpu.memory_space<vmem>>, vector<16xf32>,
        %parallel_loop3A_781 = arith.mulf %parallel_loop3A_777, %parallel_loop3A_780 : vector<16xf32>
        %parallel_loop3A_782 = arith.index_cast %parallel_loop3A_774 : i32 to index
        %parallel_loop3A_783 = arith.constant 16 : index
        %parallel_loop3A_784 = tpu.vector_load %arg13[%parallel_loop3A_782, %parallel_loop3A_783] {strides = array<i32>} : memref<80x128xf32, #tpu.memory_space<vmem>>, vector<16xf32>,
        %parallel_loop3A_785 = arith.index_cast %parallel_loop3A_774 : i32 to index
        %parallel_loop3A_786 = arith.constant 16 : index
        %parallel_loop3A_787 = tpu.vector_load %arg14[%parallel_loop3A_785, %parallel_loop3A_786] {strides = array<i32>} : memref<80x128xf32, #tpu.memory_space<vmem>>, vector<16xf32>,
        %parallel_loop3A_788 = arith.mulf %parallel_loop3A_784, %parallel_loop3A_787 : vector<16xf32>
        %parallel_loop3A_789 = arith.addf %parallel_loop3A_781, %parallel_loop3A_788 : vector<16xf32>
        %parallel_loop3A_790 = arith.index_cast %parallel_loop3A_774 : i32 to index
        %parallel_loop3A_791 = arith.constant 32 : index
        %parallel_loop3A_792 = tpu.vector_load %arg13[%parallel_loop3A_790, %parallel_loop3A_791] {strides = array<i32>} : memref<80x128xf32, #tpu.memory_space<vmem>>, vector<16xf32>,
        %parallel_loop3A_793 = arith.index_cast %parallel_loop3A_774 : i32 to index
        %parallel_loop3A_794 = arith.constant 32 : index
        %parallel_loop3A_795 = tpu.vector_load %arg14[%parallel_loop3A_793, %parallel_loop3A_794] {strides = array<i32>} : memref<80x128xf32, #tpu.memory_space<vmem>>, vector<16xf32>,
        %parallel_loop3A_796 = arith.mulf %parallel_loop3A_792, %parallel_loop3A_795 : vector<16xf32>
        %parallel_loop3A_797 = arith.addf %parallel_loop3A_789, %parallel_loop3A_796 : vector<16xf32>
        %parallel_loop3A_798 = arith.index_cast %parallel_loop3A_774 : i32 to index
        %parallel_loop3A_799 = arith.constant 48 : index
        %parallel_loop3A_800 = tpu.vector_load %arg13[%parallel_loop3A_798, %parallel_loop3A_799] {strides = array<i32>} : memref<80x128xf32, #tpu.memory_space<vmem>>, vector<16xf32>,
        %parallel_loop3A_801 = arith.index_cast %parallel_loop3A_774 : i32 to index
        %parallel_loop3A_802 = arith.constant 48 : index
        %parallel_loop3A_803 = tpu.vector_load %arg14[%parallel_loop3A_801, %parallel_loop3A_802] {strides = array<i32>} : memref<80x128xf32, #tpu.memory_space<vmem>>, vector<16xf32>,
        %parallel_loop3A_804 = arith.mulf %parallel_loop3A_800, %parallel_loop3A_803 : vector<16xf32>
        %parallel_loop3A_805 = arith.addf %parallel_loop3A_797, %parallel_loop3A_804 : vector<16xf32>
        %parallel_loop3A_806 = arith.index_cast %parallel_loop3A_774 : i32 to index
        %parallel_loop3A_807 = arith.constant 64 : index
        %parallel_loop3A_808 = tpu.vector_load %arg13[%parallel_loop3A_806, %parallel_loop3A_807] {strides = array<i32>} : memref<80x128xf32, #tpu.memory_space<vmem>>, vector<16xf32>,
        %parallel_loop3A_809 = arith.index_cast %parallel_loop3A_774 : i32 to index
        %parallel_loop3A_810 = arith.constant 64 : index
        %parallel_loop3A_811 = tpu.vector_load %arg14[%parallel_loop3A_809, %parallel_loop3A_810] {strides = array<i32>} : memref<80x128xf32, #tpu.memory_space<vmem>>, vector<16xf32>,
        %parallel_loop3A_812 = arith.mulf %parallel_loop3A_808, %parallel_loop3A_811 : vector<16xf32>
        %parallel_loop3A_813 = arith.addf %parallel_loop3A_805, %parallel_loop3A_812 : vector<16xf32>
        %parallel_loop3A_814 = arith.index_cast %parallel_loop3A_774 : i32 to index
        %parallel_loop3A_815 = arith.constant 80 : index
        %parallel_loop3A_816 = tpu.vector_load %arg13[%parallel_loop3A_814, %parallel_loop3A_815] {strides = array<i32>} : memref<80x128xf32, #tpu.memory_space<vmem>>, vector<16xf32>,
        %parallel_loop3A_817 = arith.index_cast %parallel_loop3A_774 : i32 to index
        %parallel_loop3A_818 = arith.constant 80 : index
        %parallel_loop3A_819 = tpu.vector_load %arg14[%parallel_loop3A_817, %parallel_loop3A_818] {strides = array<i32>} : memref<80x128xf32, #tpu.memory_space<vmem>>, vector<16xf32>,
        %parallel_loop3A_820 = arith.mulf %parallel_loop3A_816, %parallel_loop3A_819 : vector<16xf32>
        %parallel_loop3A_821 = arith.addf %parallel_loop3A_813, %parallel_loop3A_820 : vector<16xf32>
        %parallel_loop3A_822 = arith.index_cast %parallel_loop3A_774 : i32 to index
        %parallel_loop3A_823 = arith.constant 96 : index
        %parallel_loop3A_824 = tpu.vector_load %arg13[%parallel_loop3A_822, %parallel_loop3A_823] {strides = array<i32>} : memref<80x128xf32, #tpu.memory_space<vmem>>, vector<16xf32>,
        %parallel_loop3A_825 = arith.index_cast %parallel_loop3A_774 : i32 to index
        %parallel_loop3A_826 = arith.constant 96 : index
        %parallel_loop3A_827 = tpu.vector_load %arg14[%parallel_loop3A_825, %parallel_loop3A_826] {strides = array<i32>} : memref<80x128xf32, #tpu.memory_space<vmem>>, vector<16xf32>,
        %parallel_loop3A_828 = arith.mulf %parallel_loop3A_824, %parallel_loop3A_827 : vector<16xf32>
        %parallel_loop3A_829 = arith.addf %parallel_loop3A_821, %parallel_loop3A_828 : vector<16xf32>
        %parallel_loop3A_830 = arith.index_cast %parallel_loop3A_774 : i32 to index
        %parallel_loop3A_831 = arith.constant 112 : index
        %parallel_loop3A_832 = tpu.vector_load %arg13[%parallel_loop3A_830, %parallel_loop3A_831] {strides = array<i32>} : memref<80x128xf32, #tpu.memory_space<vmem>>, vector<16xf32>,
        %parallel_loop3A_833 = arith.index_cast %parallel_loop3A_774 : i32 to index
        %parallel_loop3A_834 = arith.constant 112 : index
        %parallel_loop3A_835 = tpu.vector_load %arg14[%parallel_loop3A_833, %parallel_loop3A_834] {strides = array<i32>} : memref<80x128xf32, #tpu.memory_space<vmem>>, vector<16xf32>,
        %parallel_loop3A_836 = arith.mulf %parallel_loop3A_832, %parallel_loop3A_835 : vector<16xf32>
        %parallel_loop3A_837 = arith.addf %parallel_loop3A_829, %parallel_loop3A_836 : vector<16xf32>
        %parallel_loop3A_838 = arith.constant true
        %parallel_loop3A_839 = vector.broadcast %parallel_loop3A_838 : i1 to vector<16xi1>
        %parallel_loop3A_840 = tpu.scan <sum>, %parallel_loop3A_837 masked %parallel_loop3A_839 : vector<16xf32>, vector<16xi1> -> vector<16xf32>
        %parallel_loop3A_841 = arith.constant 8 : i32
        %parallel_loop3A_842 = vector.broadcast %parallel_loop3A_841 : i32 to vector<16xi32>
        %parallel_loop3A_843 = arith.cmpi eq, %parallel_loop3A_112, %parallel_loop3A_842 : vector<16xi32>
        %parallel_loop3A_844 = arith.constant 0 : i32
        %parallel_loop3A_845 = vector.broadcast %parallel_loop3A_844 : i32 to vector<16xi32>
        %parallel_loop3A_846 = arith.cmpi slt, %parallel_loop3A_114, %parallel_loop3A_845 : vector<16xi32>
        %parallel_loop3A_847 = arith.constant 16 : i32
        %parallel_loop3A_848 = vector.broadcast %parallel_loop3A_847 : i32 to vector<16xi32>
        %parallel_loop3A_849 = arith.addi %parallel_loop3A_114, %parallel_loop3A_848 : vector<16xi32>
        %parallel_loop3A_850 = arith.select %parallel_loop3A_846, %parallel_loop3A_849, %parallel_loop3A_114 : vector<16xi1>, vector<16xi32>
        %parallel_loop3A_851 = vector.shape_cast %parallel_loop3A_850 : vector<16xi32> to vector<16x1xi32>
        %parallel_loop3A_852 = vector.shape_cast %parallel_loop3A_851 : vector<16x1xi32> to vector<16xi32>
        %parallel_loop3A_853 = tpu.dynamic_gather %parallel_loop3A_840[%parallel_loop3A_852] in [0] : vector<16xf32>, vector<16xi32> -> vector<16xf32>
        %parallel_loop3A_854 = arith.select %parallel_loop3A_843, %parallel_loop3A_853, %parallel_loop3A_772 : vector<16xi1>, vector<16xf32>
        %parallel_loop3A_855 = arith.constant 9 : i32
        %parallel_loop3A_856 = arith.addi %parallel_loop3A_111, %parallel_loop3A_855 : i32
        %parallel_loop3A_857 = arith.index_cast %parallel_loop3A_856 : i32 to index
        %parallel_loop3A_858 = arith.constant 0 : index
        %parallel_loop3A_859 = tpu.vector_load %arg13[%parallel_loop3A_857, %parallel_loop3A_858] {strides = array<i32>} : memref<80x128xf32, #tpu.memory_space<vmem>>, vector<16xf32>,
        %parallel_loop3A_860 = arith.index_cast %parallel_loop3A_856 : i32 to index
        %parallel_loop3A_861 = arith.constant 0 : index
        %parallel_loop3A_862 = tpu.vector_load %arg14[%parallel_loop3A_860, %parallel_loop3A_861] {strides = array<i32>} : memref<80x128xf32, #tpu.memory_space<vmem>>, vector<16xf32>,
        %parallel_loop3A_863 = arith.mulf %parallel_loop3A_859, %parallel_loop3A_862 : vector<16xf32>
        %parallel_loop3A_864 = arith.index_cast %parallel_loop3A_856 : i32 to index
        %parallel_loop3A_865 = arith.constant 16 : index
        %parallel_loop3A_866 = tpu.vector_load %arg13[%parallel_loop3A_864, %parallel_loop3A_865] {strides = array<i32>} : memref<80x128xf32, #tpu.memory_space<vmem>>, vector<16xf32>,
        %parallel_loop3A_867 = arith.index_cast %parallel_loop3A_856 : i32 to index
        %parallel_loop3A_868 = arith.constant 16 : index
        %parallel_loop3A_869 = tpu.vector_load %arg14[%parallel_loop3A_867, %parallel_loop3A_868] {strides = array<i32>} : memref<80x128xf32, #tpu.memory_space<vmem>>, vector<16xf32>,
        %parallel_loop3A_870 = arith.mulf %parallel_loop3A_866, %parallel_loop3A_869 : vector<16xf32>
        %parallel_loop3A_871 = arith.addf %parallel_loop3A_863, %parallel_loop3A_870 : vector<16xf32>
        %parallel_loop3A_872 = arith.index_cast %parallel_loop3A_856 : i32 to index
        %parallel_loop3A_873 = arith.constant 32 : index
        %parallel_loop3A_874 = tpu.vector_load %arg13[%parallel_loop3A_872, %parallel_loop3A_873] {strides = array<i32>} : memref<80x128xf32, #tpu.memory_space<vmem>>, vector<16xf32>,
        %parallel_loop3A_875 = arith.index_cast %parallel_loop3A_856 : i32 to index
        %parallel_loop3A_876 = arith.constant 32 : index
        %parallel_loop3A_877 = tpu.vector_load %arg14[%parallel_loop3A_875, %parallel_loop3A_876] {strides = array<i32>} : memref<80x128xf32, #tpu.memory_space<vmem>>, vector<16xf32>,
        %parallel_loop3A_878 = arith.mulf %parallel_loop3A_874, %parallel_loop3A_877 : vector<16xf32>
        %parallel_loop3A_879 = arith.addf %parallel_loop3A_871, %parallel_loop3A_878 : vector<16xf32>
        %parallel_loop3A_880 = arith.index_cast %parallel_loop3A_856 : i32 to index
        %parallel_loop3A_881 = arith.constant 48 : index
        %parallel_loop3A_882 = tpu.vector_load %arg13[%parallel_loop3A_880, %parallel_loop3A_881] {strides = array<i32>} : memref<80x128xf32, #tpu.memory_space<vmem>>, vector<16xf32>,
        %parallel_loop3A_883 = arith.index_cast %parallel_loop3A_856 : i32 to index
        %parallel_loop3A_884 = arith.constant 48 : index
        %parallel_loop3A_885 = tpu.vector_load %arg14[%parallel_loop3A_883, %parallel_loop3A_884] {strides = array<i32>} : memref<80x128xf32, #tpu.memory_space<vmem>>, vector<16xf32>,
        %parallel_loop3A_886 = arith.mulf %parallel_loop3A_882, %parallel_loop3A_885 : vector<16xf32>
        %parallel_loop3A_887 = arith.addf %parallel_loop3A_879, %parallel_loop3A_886 : vector<16xf32>
        %parallel_loop3A_888 = arith.index_cast %parallel_loop3A_856 : i32 to index
        %parallel_loop3A_889 = arith.constant 64 : index
        %parallel_loop3A_890 = tpu.vector_load %arg13[%parallel_loop3A_888, %parallel_loop3A_889] {strides = array<i32>} : memref<80x128xf32, #tpu.memory_space<vmem>>, vector<16xf32>,
        %parallel_loop3A_891 = arith.index_cast %parallel_loop3A_856 : i32 to index
        %parallel_loop3A_892 = arith.constant 64 : index
        %parallel_loop3A_893 = tpu.vector_load %arg14[%parallel_loop3A_891, %parallel_loop3A_892] {strides = array<i32>} : memref<80x128xf32, #tpu.memory_space<vmem>>, vector<16xf32>,
        %parallel_loop3A_894 = arith.mulf %parallel_loop3A_890, %parallel_loop3A_893 : vector<16xf32>
        %parallel_loop3A_895 = arith.addf %parallel_loop3A_887, %parallel_loop3A_894 : vector<16xf32>
        %parallel_loop3A_896 = arith.index_cast %parallel_loop3A_856 : i32 to index
        %parallel_loop3A_897 = arith.constant 80 : index
        %parallel_loop3A_898 = tpu.vector_load %arg13[%parallel_loop3A_896, %parallel_loop3A_897] {strides = array<i32>} : memref<80x128xf32, #tpu.memory_space<vmem>>, vector<16xf32>,
        %parallel_loop3A_899 = arith.index_cast %parallel_loop3A_856 : i32 to index
        %parallel_loop3A_900 = arith.constant 80 : index
        %parallel_loop3A_901 = tpu.vector_load %arg14[%parallel_loop3A_899, %parallel_loop3A_900] {strides = array<i32>} : memref<80x128xf32, #tpu.memory_space<vmem>>, vector<16xf32>,
        %parallel_loop3A_902 = arith.mulf %parallel_loop3A_898, %parallel_loop3A_901 : vector<16xf32>
        %parallel_loop3A_903 = arith.addf %parallel_loop3A_895, %parallel_loop3A_902 : vector<16xf32>
        %parallel_loop3A_904 = arith.index_cast %parallel_loop3A_856 : i32 to index
        %parallel_loop3A_905 = arith.constant 96 : index
        %parallel_loop3A_906 = tpu.vector_load %arg13[%parallel_loop3A_904, %parallel_loop3A_905] {strides = array<i32>} : memref<80x128xf32, #tpu.memory_space<vmem>>, vector<16xf32>,
        %parallel_loop3A_907 = arith.index_cast %parallel_loop3A_856 : i32 to index
        %parallel_loop3A_908 = arith.constant 96 : index
        %parallel_loop3A_909 = tpu.vector_load %arg14[%parallel_loop3A_907, %parallel_loop3A_908] {strides = array<i32>} : memref<80x128xf32, #tpu.memory_space<vmem>>, vector<16xf32>,
        %parallel_loop3A_910 = arith.mulf %parallel_loop3A_906, %parallel_loop3A_909 : vector<16xf32>
        %parallel_loop3A_911 = arith.addf %parallel_loop3A_903, %parallel_loop3A_910 : vector<16xf32>
        %parallel_loop3A_912 = arith.index_cast %parallel_loop3A_856 : i32 to index
        %parallel_loop3A_913 = arith.constant 112 : index
        %parallel_loop3A_914 = tpu.vector_load %arg13[%parallel_loop3A_912, %parallel_loop3A_913] {strides = array<i32>} : memref<80x128xf32, #tpu.memory_space<vmem>>, vector<16xf32>,
        %parallel_loop3A_915 = arith.index_cast %parallel_loop3A_856 : i32 to index
        %parallel_loop3A_916 = arith.constant 112 : index
        %parallel_loop3A_917 = tpu.vector_load %arg14[%parallel_loop3A_915, %parallel_loop3A_916] {strides = array<i32>} : memref<80x128xf32, #tpu.memory_space<vmem>>, vector<16xf32>,
        %parallel_loop3A_918 = arith.mulf %parallel_loop3A_914, %parallel_loop3A_917 : vector<16xf32>
        %parallel_loop3A_919 = arith.addf %parallel_loop3A_911, %parallel_loop3A_918 : vector<16xf32>
        %parallel_loop3A_920 = arith.constant true
        %parallel_loop3A_921 = vector.broadcast %parallel_loop3A_920 : i1 to vector<16xi1>
        %parallel_loop3A_922 = tpu.scan <sum>, %parallel_loop3A_919 masked %parallel_loop3A_921 : vector<16xf32>, vector<16xi1> -> vector<16xf32>
        %parallel_loop3A_923 = arith.constant 9 : i32
        %parallel_loop3A_924 = vector.broadcast %parallel_loop3A_923 : i32 to vector<16xi32>
        %parallel_loop3A_925 = arith.cmpi eq, %parallel_loop3A_112, %parallel_loop3A_924 : vector<16xi32>
        %parallel_loop3A_926 = arith.constant 0 : i32
        %parallel_loop3A_927 = vector.broadcast %parallel_loop3A_926 : i32 to vector<16xi32>
        %parallel_loop3A_928 = arith.cmpi slt, %parallel_loop3A_114, %parallel_loop3A_927 : vector<16xi32>
        %parallel_loop3A_929 = arith.constant 16 : i32
        %parallel_loop3A_930 = vector.broadcast %parallel_loop3A_929 : i32 to vector<16xi32>
        %parallel_loop3A_931 = arith.addi %parallel_loop3A_114, %parallel_loop3A_930 : vector<16xi32>
        %parallel_loop3A_932 = arith.select %parallel_loop3A_928, %parallel_loop3A_931, %parallel_loop3A_114 : vector<16xi1>, vector<16xi32>
        %parallel_loop3A_933 = vector.shape_cast %parallel_loop3A_932 : vector<16xi32> to vector<16x1xi32>
        %parallel_loop3A_934 = vector.shape_cast %parallel_loop3A_933 : vector<16x1xi32> to vector<16xi32>
        %parallel_loop3A_935 = tpu.dynamic_gather %parallel_loop3A_922[%parallel_loop3A_934] in [0] : vector<16xf32>, vector<16xi32> -> vector<16xf32>
        %parallel_loop3A_936 = arith.select %parallel_loop3A_925, %parallel_loop3A_935, %parallel_loop3A_854 : vector<16xi1>, vector<16xf32>
        %parallel_loop3A_937 = arith.constant 10 : i32
        %parallel_loop3A_938 = arith.addi %parallel_loop3A_111, %parallel_loop3A_937 : i32
        %parallel_loop3A_939 = arith.index_cast %parallel_loop3A_938 : i32 to index
        %parallel_loop3A_940 = arith.constant 0 : index
        %parallel_loop3A_941 = tpu.vector_load %arg13[%parallel_loop3A_939, %parallel_loop3A_940] {strides = array<i32>} : memref<80x128xf32, #tpu.memory_space<vmem>>, vector<16xf32>,
        %parallel_loop3A_942 = arith.index_cast %parallel_loop3A_938 : i32 to index
        %parallel_loop3A_943 = arith.constant 0 : index
        %parallel_loop3A_944 = tpu.vector_load %arg14[%parallel_loop3A_942, %parallel_loop3A_943] {strides = array<i32>} : memref<80x128xf32, #tpu.memory_space<vmem>>, vector<16xf32>,
        %parallel_loop3A_945 = arith.mulf %parallel_loop3A_941, %parallel_loop3A_944 : vector<16xf32>
        %parallel_loop3A_946 = arith.index_cast %parallel_loop3A_938 : i32 to index
        %parallel_loop3A_947 = arith.constant 16 : index
        %parallel_loop3A_948 = tpu.vector_load %arg13[%parallel_loop3A_946, %parallel_loop3A_947] {strides = array<i32>} : memref<80x128xf32, #tpu.memory_space<vmem>>, vector<16xf32>,
        %parallel_loop3A_949 = arith.index_cast %parallel_loop3A_938 : i32 to index
        %parallel_loop3A_950 = arith.constant 16 : index
        %parallel_loop3A_951 = tpu.vector_load %arg14[%parallel_loop3A_949, %parallel_loop3A_950] {strides = array<i32>} : memref<80x128xf32, #tpu.memory_space<vmem>>, vector<16xf32>,
        %parallel_loop3A_952 = arith.mulf %parallel_loop3A_948, %parallel_loop3A_951 : vector<16xf32>
        %parallel_loop3A_953 = arith.addf %parallel_loop3A_945, %parallel_loop3A_952 : vector<16xf32>
        %parallel_loop3A_954 = arith.index_cast %parallel_loop3A_938 : i32 to index
        %parallel_loop3A_955 = arith.constant 32 : index
        %parallel_loop3A_956 = tpu.vector_load %arg13[%parallel_loop3A_954, %parallel_loop3A_955] {strides = array<i32>} : memref<80x128xf32, #tpu.memory_space<vmem>>, vector<16xf32>,
        %parallel_loop3A_957 = arith.index_cast %parallel_loop3A_938 : i32 to index
        %parallel_loop3A_958 = arith.constant 32 : index
        %parallel_loop3A_959 = tpu.vector_load %arg14[%parallel_loop3A_957, %parallel_loop3A_958] {strides = array<i32>} : memref<80x128xf32, #tpu.memory_space<vmem>>, vector<16xf32>,
        %parallel_loop3A_960 = arith.mulf %parallel_loop3A_956, %parallel_loop3A_959 : vector<16xf32>
        %parallel_loop3A_961 = arith.addf %parallel_loop3A_953, %parallel_loop3A_960 : vector<16xf32>
        %parallel_loop3A_962 = arith.index_cast %parallel_loop3A_938 : i32 to index
        %parallel_loop3A_963 = arith.constant 48 : index
        %parallel_loop3A_964 = tpu.vector_load %arg13[%parallel_loop3A_962, %parallel_loop3A_963] {strides = array<i32>} : memref<80x128xf32, #tpu.memory_space<vmem>>, vector<16xf32>,
        %parallel_loop3A_965 = arith.index_cast %parallel_loop3A_938 : i32 to index
        %parallel_loop3A_966 = arith.constant 48 : index
        %parallel_loop3A_967 = tpu.vector_load %arg14[%parallel_loop3A_965, %parallel_loop3A_966] {strides = array<i32>} : memref<80x128xf32, #tpu.memory_space<vmem>>, vector<16xf32>,
        %parallel_loop3A_968 = arith.mulf %parallel_loop3A_964, %parallel_loop3A_967 : vector<16xf32>
        %parallel_loop3A_969 = arith.addf %parallel_loop3A_961, %parallel_loop3A_968 : vector<16xf32>
        %parallel_loop3A_970 = arith.index_cast %parallel_loop3A_938 : i32 to index
        %parallel_loop3A_971 = arith.constant 64 : index
        %parallel_loop3A_972 = tpu.vector_load %arg13[%parallel_loop3A_970, %parallel_loop3A_971] {strides = array<i32>} : memref<80x128xf32, #tpu.memory_space<vmem>>, vector<16xf32>,
        %parallel_loop3A_973 = arith.index_cast %parallel_loop3A_938 : i32 to index
        %parallel_loop3A_974 = arith.constant 64 : index
        %parallel_loop3A_975 = tpu.vector_load %arg14[%parallel_loop3A_973, %parallel_loop3A_974] {strides = array<i32>} : memref<80x128xf32, #tpu.memory_space<vmem>>, vector<16xf32>,
        %parallel_loop3A_976 = arith.mulf %parallel_loop3A_972, %parallel_loop3A_975 : vector<16xf32>
        %parallel_loop3A_977 = arith.addf %parallel_loop3A_969, %parallel_loop3A_976 : vector<16xf32>
        %parallel_loop3A_978 = arith.index_cast %parallel_loop3A_938 : i32 to index
        %parallel_loop3A_979 = arith.constant 80 : index
        %parallel_loop3A_980 = tpu.vector_load %arg13[%parallel_loop3A_978, %parallel_loop3A_979] {strides = array<i32>} : memref<80x128xf32, #tpu.memory_space<vmem>>, vector<16xf32>,
        %parallel_loop3A_981 = arith.index_cast %parallel_loop3A_938 : i32 to index
        %parallel_loop3A_982 = arith.constant 80 : index
        %parallel_loop3A_983 = tpu.vector_load %arg14[%parallel_loop3A_981, %parallel_loop3A_982] {strides = array<i32>} : memref<80x128xf32, #tpu.memory_space<vmem>>, vector<16xf32>,
        %parallel_loop3A_984 = arith.mulf %parallel_loop3A_980, %parallel_loop3A_983 : vector<16xf32>
        %parallel_loop3A_985 = arith.addf %parallel_loop3A_977, %parallel_loop3A_984 : vector<16xf32>
        %parallel_loop3A_986 = arith.index_cast %parallel_loop3A_938 : i32 to index
        %parallel_loop3A_987 = arith.constant 96 : index
        %parallel_loop3A_988 = tpu.vector_load %arg13[%parallel_loop3A_986, %parallel_loop3A_987] {strides = array<i32>} : memref<80x128xf32, #tpu.memory_space<vmem>>, vector<16xf32>,
        %parallel_loop3A_989 = arith.index_cast %parallel_loop3A_938 : i32 to index
        %parallel_loop3A_990 = arith.constant 96 : index
        %parallel_loop3A_991 = tpu.vector_load %arg14[%parallel_loop3A_989, %parallel_loop3A_990] {strides = array<i32>} : memref<80x128xf32, #tpu.memory_space<vmem>>, vector<16xf32>,
        %parallel_loop3A_992 = arith.mulf %parallel_loop3A_988, %parallel_loop3A_991 : vector<16xf32>
        %parallel_loop3A_993 = arith.addf %parallel_loop3A_985, %parallel_loop3A_992 : vector<16xf32>
        %parallel_loop3A_994 = arith.index_cast %parallel_loop3A_938 : i32 to index
        %parallel_loop3A_995 = arith.constant 112 : index
        %parallel_loop3A_996 = tpu.vector_load %arg13[%parallel_loop3A_994, %parallel_loop3A_995] {strides = array<i32>} : memref<80x128xf32, #tpu.memory_space<vmem>>, vector<16xf32>,
        %parallel_loop3A_997 = arith.index_cast %parallel_loop3A_938 : i32 to index
        %parallel_loop3A_998 = arith.constant 112 : index
        %parallel_loop3A_999 = tpu.vector_load %arg14[%parallel_loop3A_997, %parallel_loop3A_998] {strides = array<i32>} : memref<80x128xf32, #tpu.memory_space<vmem>>, vector<16xf32>,
        %parallel_loop3A_1000 = arith.mulf %parallel_loop3A_996, %parallel_loop3A_999 : vector<16xf32>
        %parallel_loop3A_1001 = arith.addf %parallel_loop3A_993, %parallel_loop3A_1000 : vector<16xf32>
        %parallel_loop3A_1002 = arith.constant true
        %parallel_loop3A_1003 = vector.broadcast %parallel_loop3A_1002 : i1 to vector<16xi1>
        %parallel_loop3A_1004 = tpu.scan <sum>, %parallel_loop3A_1001 masked %parallel_loop3A_1003 : vector<16xf32>, vector<16xi1> -> vector<16xf32>
        %parallel_loop3A_1005 = arith.constant 10 : i32
        %parallel_loop3A_1006 = vector.broadcast %parallel_loop3A_1005 : i32 to vector<16xi32>
        %parallel_loop3A_1007 = arith.cmpi eq, %parallel_loop3A_112, %parallel_loop3A_1006 : vector<16xi32>
        %parallel_loop3A_1008 = arith.constant 0 : i32
        %parallel_loop3A_1009 = vector.broadcast %parallel_loop3A_1008 : i32 to vector<16xi32>
        %parallel_loop3A_1010 = arith.cmpi slt, %parallel_loop3A_114, %parallel_loop3A_1009 : vector<16xi32>
        %parallel_loop3A_1011 = arith.constant 16 : i32
        %parallel_loop3A_1012 = vector.broadcast %parallel_loop3A_1011 : i32 to vector<16xi32>
        %parallel_loop3A_1013 = arith.addi %parallel_loop3A_114, %parallel_loop3A_1012 : vector<16xi32>
        %parallel_loop3A_1014 = arith.select %parallel_loop3A_1010, %parallel_loop3A_1013, %parallel_loop3A_114 : vector<16xi1>, vector<16xi32>
        %parallel_loop3A_1015 = vector.shape_cast %parallel_loop3A_1014 : vector<16xi32> to vector<16x1xi32>
        %parallel_loop3A_1016 = vector.shape_cast %parallel_loop3A_1015 : vector<16x1xi32> to vector<16xi32>
        %parallel_loop3A_1017 = tpu.dynamic_gather %parallel_loop3A_1004[%parallel_loop3A_1016] in [0] : vector<16xf32>, vector<16xi32> -> vector<16xf32>
        %parallel_loop3A_1018 = arith.select %parallel_loop3A_1007, %parallel_loop3A_1017, %parallel_loop3A_936 : vector<16xi1>, vector<16xf32>
        %parallel_loop3A_1019 = arith.constant 11 : i32
        %parallel_loop3A_1020 = arith.addi %parallel_loop3A_111, %parallel_loop3A_1019 : i32
        %parallel_loop3A_1021 = arith.index_cast %parallel_loop3A_1020 : i32 to index
        %parallel_loop3A_1022 = arith.constant 0 : index
        %parallel_loop3A_1023 = tpu.vector_load %arg13[%parallel_loop3A_1021, %parallel_loop3A_1022] {strides = array<i32>} : memref<80x128xf32, #tpu.memory_space<vmem>>, vector<16xf32>,
        %parallel_loop3A_1024 = arith.index_cast %parallel_loop3A_1020 : i32 to index
        %parallel_loop3A_1025 = arith.constant 0 : index
        %parallel_loop3A_1026 = tpu.vector_load %arg14[%parallel_loop3A_1024, %parallel_loop3A_1025] {strides = array<i32>} : memref<80x128xf32, #tpu.memory_space<vmem>>, vector<16xf32>,
        %parallel_loop3A_1027 = arith.mulf %parallel_loop3A_1023, %parallel_loop3A_1026 : vector<16xf32>
        %parallel_loop3A_1028 = arith.index_cast %parallel_loop3A_1020 : i32 to index
        %parallel_loop3A_1029 = arith.constant 16 : index
        %parallel_loop3A_1030 = tpu.vector_load %arg13[%parallel_loop3A_1028, %parallel_loop3A_1029] {strides = array<i32>} : memref<80x128xf32, #tpu.memory_space<vmem>>, vector<16xf32>,
        %parallel_loop3A_1031 = arith.index_cast %parallel_loop3A_1020 : i32 to index
        %parallel_loop3A_1032 = arith.constant 16 : index
        %parallel_loop3A_1033 = tpu.vector_load %arg14[%parallel_loop3A_1031, %parallel_loop3A_1032] {strides = array<i32>} : memref<80x128xf32, #tpu.memory_space<vmem>>, vector<16xf32>,
        %parallel_loop3A_1034 = arith.mulf %parallel_loop3A_1030, %parallel_loop3A_1033 : vector<16xf32>
        %parallel_loop3A_1035 = arith.addf %parallel_loop3A_1027, %parallel_loop3A_1034 : vector<16xf32>
        %parallel_loop3A_1036 = arith.index_cast %parallel_loop3A_1020 : i32 to index
        %parallel_loop3A_1037 = arith.constant 32 : index
        %parallel_loop3A_1038 = tpu.vector_load %arg13[%parallel_loop3A_1036, %parallel_loop3A_1037] {strides = array<i32>} : memref<80x128xf32, #tpu.memory_space<vmem>>, vector<16xf32>,
        %parallel_loop3A_1039 = arith.index_cast %parallel_loop3A_1020 : i32 to index
        %parallel_loop3A_1040 = arith.constant 32 : index
        %parallel_loop3A_1041 = tpu.vector_load %arg14[%parallel_loop3A_1039, %parallel_loop3A_1040] {strides = array<i32>} : memref<80x128xf32, #tpu.memory_space<vmem>>, vector<16xf32>,
        %parallel_loop3A_1042 = arith.mulf %parallel_loop3A_1038, %parallel_loop3A_1041 : vector<16xf32>
        %parallel_loop3A_1043 = arith.addf %parallel_loop3A_1035, %parallel_loop3A_1042 : vector<16xf32>
        %parallel_loop3A_1044 = arith.index_cast %parallel_loop3A_1020 : i32 to index
        %parallel_loop3A_1045 = arith.constant 48 : index
        %parallel_loop3A_1046 = tpu.vector_load %arg13[%parallel_loop3A_1044, %parallel_loop3A_1045] {strides = array<i32>} : memref<80x128xf32, #tpu.memory_space<vmem>>, vector<16xf32>,
        %parallel_loop3A_1047 = arith.index_cast %parallel_loop3A_1020 : i32 to index
        %parallel_loop3A_1048 = arith.constant 48 : index
        %parallel_loop3A_1049 = tpu.vector_load %arg14[%parallel_loop3A_1047, %parallel_loop3A_1048] {strides = array<i32>} : memref<80x128xf32, #tpu.memory_space<vmem>>, vector<16xf32>,
        %parallel_loop3A_1050 = arith.mulf %parallel_loop3A_1046, %parallel_loop3A_1049 : vector<16xf32>
        %parallel_loop3A_1051 = arith.addf %parallel_loop3A_1043, %parallel_loop3A_1050 : vector<16xf32>
        %parallel_loop3A_1052 = arith.index_cast %parallel_loop3A_1020 : i32 to index
        %parallel_loop3A_1053 = arith.constant 64 : index
        %parallel_loop3A_1054 = tpu.vector_load %arg13[%parallel_loop3A_1052, %parallel_loop3A_1053] {strides = array<i32>} : memref<80x128xf32, #tpu.memory_space<vmem>>, vector<16xf32>,
        %parallel_loop3A_1055 = arith.index_cast %parallel_loop3A_1020 : i32 to index
        %parallel_loop3A_1056 = arith.constant 64 : index
        %parallel_loop3A_1057 = tpu.vector_load %arg14[%parallel_loop3A_1055, %parallel_loop3A_1056] {strides = array<i32>} : memref<80x128xf32, #tpu.memory_space<vmem>>, vector<16xf32>,
        %parallel_loop3A_1058 = arith.mulf %parallel_loop3A_1054, %parallel_loop3A_1057 : vector<16xf32>
        %parallel_loop3A_1059 = arith.addf %parallel_loop3A_1051, %parallel_loop3A_1058 : vector<16xf32>
        %parallel_loop3A_1060 = arith.index_cast %parallel_loop3A_1020 : i32 to index
        %parallel_loop3A_1061 = arith.constant 80 : index
        %parallel_loop3A_1062 = tpu.vector_load %arg13[%parallel_loop3A_1060, %parallel_loop3A_1061] {strides = array<i32>} : memref<80x128xf32, #tpu.memory_space<vmem>>, vector<16xf32>,
        %parallel_loop3A_1063 = arith.index_cast %parallel_loop3A_1020 : i32 to index
        %parallel_loop3A_1064 = arith.constant 80 : index
        %parallel_loop3A_1065 = tpu.vector_load %arg14[%parallel_loop3A_1063, %parallel_loop3A_1064] {strides = array<i32>} : memref<80x128xf32, #tpu.memory_space<vmem>>, vector<16xf32>,
        %parallel_loop3A_1066 = arith.mulf %parallel_loop3A_1062, %parallel_loop3A_1065 : vector<16xf32>
        %parallel_loop3A_1067 = arith.addf %parallel_loop3A_1059, %parallel_loop3A_1066 : vector<16xf32>
        %parallel_loop3A_1068 = arith.index_cast %parallel_loop3A_1020 : i32 to index
        %parallel_loop3A_1069 = arith.constant 96 : index
        %parallel_loop3A_1070 = tpu.vector_load %arg13[%parallel_loop3A_1068, %parallel_loop3A_1069] {strides = array<i32>} : memref<80x128xf32, #tpu.memory_space<vmem>>, vector<16xf32>,
        %parallel_loop3A_1071 = arith.index_cast %parallel_loop3A_1020 : i32 to index
        %parallel_loop3A_1072 = arith.constant 96 : index
        %parallel_loop3A_1073 = tpu.vector_load %arg14[%parallel_loop3A_1071, %parallel_loop3A_1072] {strides = array<i32>} : memref<80x128xf32, #tpu.memory_space<vmem>>, vector<16xf32>,
        %parallel_loop3A_1074 = arith.mulf %parallel_loop3A_1070, %parallel_loop3A_1073 : vector<16xf32>
        %parallel_loop3A_1075 = arith.addf %parallel_loop3A_1067, %parallel_loop3A_1074 : vector<16xf32>
        %parallel_loop3A_1076 = arith.index_cast %parallel_loop3A_1020 : i32 to index
        %parallel_loop3A_1077 = arith.constant 112 : index
        %parallel_loop3A_1078 = tpu.vector_load %arg13[%parallel_loop3A_1076, %parallel_loop3A_1077] {strides = array<i32>} : memref<80x128xf32, #tpu.memory_space<vmem>>, vector<16xf32>,
        %parallel_loop3A_1079 = arith.index_cast %parallel_loop3A_1020 : i32 to index
        %parallel_loop3A_1080 = arith.constant 112 : index
        %parallel_loop3A_1081 = tpu.vector_load %arg14[%parallel_loop3A_1079, %parallel_loop3A_1080] {strides = array<i32>} : memref<80x128xf32, #tpu.memory_space<vmem>>, vector<16xf32>,
        %parallel_loop3A_1082 = arith.mulf %parallel_loop3A_1078, %parallel_loop3A_1081 : vector<16xf32>
        %parallel_loop3A_1083 = arith.addf %parallel_loop3A_1075, %parallel_loop3A_1082 : vector<16xf32>
        %parallel_loop3A_1084 = arith.constant true
        %parallel_loop3A_1085 = vector.broadcast %parallel_loop3A_1084 : i1 to vector<16xi1>
        %parallel_loop3A_1086 = tpu.scan <sum>, %parallel_loop3A_1083 masked %parallel_loop3A_1085 : vector<16xf32>, vector<16xi1> -> vector<16xf32>
        %parallel_loop3A_1087 = arith.constant 11 : i32
        %parallel_loop3A_1088 = vector.broadcast %parallel_loop3A_1087 : i32 to vector<16xi32>
        %parallel_loop3A_1089 = arith.cmpi eq, %parallel_loop3A_112, %parallel_loop3A_1088 : vector<16xi32>
        %parallel_loop3A_1090 = arith.constant 0 : i32
        %parallel_loop3A_1091 = vector.broadcast %parallel_loop3A_1090 : i32 to vector<16xi32>
        %parallel_loop3A_1092 = arith.cmpi slt, %parallel_loop3A_114, %parallel_loop3A_1091 : vector<16xi32>
        %parallel_loop3A_1093 = arith.constant 16 : i32
        %parallel_loop3A_1094 = vector.broadcast %parallel_loop3A_1093 : i32 to vector<16xi32>
        %parallel_loop3A_1095 = arith.addi %parallel_loop3A_114, %parallel_loop3A_1094 : vector<16xi32>
        %parallel_loop3A_1096 = arith.select %parallel_loop3A_1092, %parallel_loop3A_1095, %parallel_loop3A_114 : vector<16xi1>, vector<16xi32>
        %parallel_loop3A_1097 = vector.shape_cast %parallel_loop3A_1096 : vector<16xi32> to vector<16x1xi32>
        %parallel_loop3A_1098 = vector.shape_cast %parallel_loop3A_1097 : vector<16x1xi32> to vector<16xi32>
        %parallel_loop3A_1099 = tpu.dynamic_gather %parallel_loop3A_1086[%parallel_loop3A_1098] in [0] : vector<16xf32>, vector<16xi32> -> vector<16xf32>
        %parallel_loop3A_1100 = arith.select %parallel_loop3A_1089, %parallel_loop3A_1099, %parallel_loop3A_1018 : vector<16xi1>, vector<16xf32>
        %parallel_loop3A_1101 = arith.constant 12 : i32
        %parallel_loop3A_1102 = arith.addi %parallel_loop3A_111, %parallel_loop3A_1101 : i32
        %parallel_loop3A_1103 = arith.index_cast %parallel_loop3A_1102 : i32 to index
        %parallel_loop3A_1104 = arith.constant 0 : index
        %parallel_loop3A_1105 = tpu.vector_load %arg13[%parallel_loop3A_1103, %parallel_loop3A_1104] {strides = array<i32>} : memref<80x128xf32, #tpu.memory_space<vmem>>, vector<16xf32>,
        %parallel_loop3A_1106 = arith.index_cast %parallel_loop3A_1102 : i32 to index
        %parallel_loop3A_1107 = arith.constant 0 : index
        %parallel_loop3A_1108 = tpu.vector_load %arg14[%parallel_loop3A_1106, %parallel_loop3A_1107] {strides = array<i32>} : memref<80x128xf32, #tpu.memory_space<vmem>>, vector<16xf32>,
        %parallel_loop3A_1109 = arith.mulf %parallel_loop3A_1105, %parallel_loop3A_1108 : vector<16xf32>
        %parallel_loop3A_1110 = arith.index_cast %parallel_loop3A_1102 : i32 to index
        %parallel_loop3A_1111 = arith.constant 16 : index
        %parallel_loop3A_1112 = tpu.vector_load %arg13[%parallel_loop3A_1110, %parallel_loop3A_1111] {strides = array<i32>} : memref<80x128xf32, #tpu.memory_space<vmem>>, vector<16xf32>,
        %parallel_loop3A_1113 = arith.index_cast %parallel_loop3A_1102 : i32 to index
        %parallel_loop3A_1114 = arith.constant 16 : index
        %parallel_loop3A_1115 = tpu.vector_load %arg14[%parallel_loop3A_1113, %parallel_loop3A_1114] {strides = array<i32>} : memref<80x128xf32, #tpu.memory_space<vmem>>, vector<16xf32>,
        %parallel_loop3A_1116 = arith.mulf %parallel_loop3A_1112, %parallel_loop3A_1115 : vector<16xf32>
        %parallel_loop3A_1117 = arith.addf %parallel_loop3A_1109, %parallel_loop3A_1116 : vector<16xf32>
        %parallel_loop3A_1118 = arith.index_cast %parallel_loop3A_1102 : i32 to index
        %parallel_loop3A_1119 = arith.constant 32 : index
        %parallel_loop3A_1120 = tpu.vector_load %arg13[%parallel_loop3A_1118, %parallel_loop3A_1119] {strides = array<i32>} : memref<80x128xf32, #tpu.memory_space<vmem>>, vector<16xf32>,
        %parallel_loop3A_1121 = arith.index_cast %parallel_loop3A_1102 : i32 to index
        %parallel_loop3A_1122 = arith.constant 32 : index
        %parallel_loop3A_1123 = tpu.vector_load %arg14[%parallel_loop3A_1121, %parallel_loop3A_1122] {strides = array<i32>} : memref<80x128xf32, #tpu.memory_space<vmem>>, vector<16xf32>,
        %parallel_loop3A_1124 = arith.mulf %parallel_loop3A_1120, %parallel_loop3A_1123 : vector<16xf32>
        %parallel_loop3A_1125 = arith.addf %parallel_loop3A_1117, %parallel_loop3A_1124 : vector<16xf32>
        %parallel_loop3A_1126 = arith.index_cast %parallel_loop3A_1102 : i32 to index
        %parallel_loop3A_1127 = arith.constant 48 : index
        %parallel_loop3A_1128 = tpu.vector_load %arg13[%parallel_loop3A_1126, %parallel_loop3A_1127] {strides = array<i32>} : memref<80x128xf32, #tpu.memory_space<vmem>>, vector<16xf32>,
        %parallel_loop3A_1129 = arith.index_cast %parallel_loop3A_1102 : i32 to index
        %parallel_loop3A_1130 = arith.constant 48 : index
        %parallel_loop3A_1131 = tpu.vector_load %arg14[%parallel_loop3A_1129, %parallel_loop3A_1130] {strides = array<i32>} : memref<80x128xf32, #tpu.memory_space<vmem>>, vector<16xf32>,
        %parallel_loop3A_1132 = arith.mulf %parallel_loop3A_1128, %parallel_loop3A_1131 : vector<16xf32>
        %parallel_loop3A_1133 = arith.addf %parallel_loop3A_1125, %parallel_loop3A_1132 : vector<16xf32>
        %parallel_loop3A_1134 = arith.index_cast %parallel_loop3A_1102 : i32 to index
        %parallel_loop3A_1135 = arith.constant 64 : index
        %parallel_loop3A_1136 = tpu.vector_load %arg13[%parallel_loop3A_1134, %parallel_loop3A_1135] {strides = array<i32>} : memref<80x128xf32, #tpu.memory_space<vmem>>, vector<16xf32>,
        %parallel_loop3A_1137 = arith.index_cast %parallel_loop3A_1102 : i32 to index
        %parallel_loop3A_1138 = arith.constant 64 : index
        %parallel_loop3A_1139 = tpu.vector_load %arg14[%parallel_loop3A_1137, %parallel_loop3A_1138] {strides = array<i32>} : memref<80x128xf32, #tpu.memory_space<vmem>>, vector<16xf32>,
        %parallel_loop3A_1140 = arith.mulf %parallel_loop3A_1136, %parallel_loop3A_1139 : vector<16xf32>
        %parallel_loop3A_1141 = arith.addf %parallel_loop3A_1133, %parallel_loop3A_1140 : vector<16xf32>
        %parallel_loop3A_1142 = arith.index_cast %parallel_loop3A_1102 : i32 to index
        %parallel_loop3A_1143 = arith.constant 80 : index
        %parallel_loop3A_1144 = tpu.vector_load %arg13[%parallel_loop3A_1142, %parallel_loop3A_1143] {strides = array<i32>} : memref<80x128xf32, #tpu.memory_space<vmem>>, vector<16xf32>,
        %parallel_loop3A_1145 = arith.index_cast %parallel_loop3A_1102 : i32 to index
        %parallel_loop3A_1146 = arith.constant 80 : index
        %parallel_loop3A_1147 = tpu.vector_load %arg14[%parallel_loop3A_1145, %parallel_loop3A_1146] {strides = array<i32>} : memref<80x128xf32, #tpu.memory_space<vmem>>, vector<16xf32>,
        %parallel_loop3A_1148 = arith.mulf %parallel_loop3A_1144, %parallel_loop3A_1147 : vector<16xf32>
        %parallel_loop3A_1149 = arith.addf %parallel_loop3A_1141, %parallel_loop3A_1148 : vector<16xf32>
        %parallel_loop3A_1150 = arith.index_cast %parallel_loop3A_1102 : i32 to index
        %parallel_loop3A_1151 = arith.constant 96 : index
        %parallel_loop3A_1152 = tpu.vector_load %arg13[%parallel_loop3A_1150, %parallel_loop3A_1151] {strides = array<i32>} : memref<80x128xf32, #tpu.memory_space<vmem>>, vector<16xf32>,
        %parallel_loop3A_1153 = arith.index_cast %parallel_loop3A_1102 : i32 to index
        %parallel_loop3A_1154 = arith.constant 96 : index
        %parallel_loop3A_1155 = tpu.vector_load %arg14[%parallel_loop3A_1153, %parallel_loop3A_1154] {strides = array<i32>} : memref<80x128xf32, #tpu.memory_space<vmem>>, vector<16xf32>,
        %parallel_loop3A_1156 = arith.mulf %parallel_loop3A_1152, %parallel_loop3A_1155 : vector<16xf32>
        %parallel_loop3A_1157 = arith.addf %parallel_loop3A_1149, %parallel_loop3A_1156 : vector<16xf32>
        %parallel_loop3A_1158 = arith.index_cast %parallel_loop3A_1102 : i32 to index
        %parallel_loop3A_1159 = arith.constant 112 : index
        %parallel_loop3A_1160 = tpu.vector_load %arg13[%parallel_loop3A_1158, %parallel_loop3A_1159] {strides = array<i32>} : memref<80x128xf32, #tpu.memory_space<vmem>>, vector<16xf32>,
        %parallel_loop3A_1161 = arith.index_cast %parallel_loop3A_1102 : i32 to index
        %parallel_loop3A_1162 = arith.constant 112 : index
        %parallel_loop3A_1163 = tpu.vector_load %arg14[%parallel_loop3A_1161, %parallel_loop3A_1162] {strides = array<i32>} : memref<80x128xf32, #tpu.memory_space<vmem>>, vector<16xf32>,
        %parallel_loop3A_1164 = arith.mulf %parallel_loop3A_1160, %parallel_loop3A_1163 : vector<16xf32>
        %parallel_loop3A_1165 = arith.addf %parallel_loop3A_1157, %parallel_loop3A_1164 : vector<16xf32>
        %parallel_loop3A_1166 = arith.constant true
        %parallel_loop3A_1167 = vector.broadcast %parallel_loop3A_1166 : i1 to vector<16xi1>
        %parallel_loop3A_1168 = tpu.scan <sum>, %parallel_loop3A_1165 masked %parallel_loop3A_1167 : vector<16xf32>, vector<16xi1> -> vector<16xf32>
        %parallel_loop3A_1169 = arith.constant 12 : i32
        %parallel_loop3A_1170 = vector.broadcast %parallel_loop3A_1169 : i32 to vector<16xi32>
        %parallel_loop3A_1171 = arith.cmpi eq, %parallel_loop3A_112, %parallel_loop3A_1170 : vector<16xi32>
        %parallel_loop3A_1172 = arith.constant 0 : i32
        %parallel_loop3A_1173 = vector.broadcast %parallel_loop3A_1172 : i32 to vector<16xi32>
        %parallel_loop3A_1174 = arith.cmpi slt, %parallel_loop3A_114, %parallel_loop3A_1173 : vector<16xi32>
        %parallel_loop3A_1175 = arith.constant 16 : i32
        %parallel_loop3A_1176 = vector.broadcast %parallel_loop3A_1175 : i32 to vector<16xi32>
        %parallel_loop3A_1177 = arith.addi %parallel_loop3A_114, %parallel_loop3A_1176 : vector<16xi32>
        %parallel_loop3A_1178 = arith.select %parallel_loop3A_1174, %parallel_loop3A_1177, %parallel_loop3A_114 : vector<16xi1>, vector<16xi32>
        %parallel_loop3A_1179 = vector.shape_cast %parallel_loop3A_1178 : vector<16xi32> to vector<16x1xi32>
        %parallel_loop3A_1180 = vector.shape_cast %parallel_loop3A_1179 : vector<16x1xi32> to vector<16xi32>
        %parallel_loop3A_1181 = tpu.dynamic_gather %parallel_loop3A_1168[%parallel_loop3A_1180] in [0] : vector<16xf32>, vector<16xi32> -> vector<16xf32>
        %parallel_loop3A_1182 = arith.select %parallel_loop3A_1171, %parallel_loop3A_1181, %parallel_loop3A_1100 : vector<16xi1>, vector<16xf32>
        %parallel_loop3A_1183 = arith.constant 13 : i32
        %parallel_loop3A_1184 = arith.addi %parallel_loop3A_111, %parallel_loop3A_1183 : i32
        %parallel_loop3A_1185 = arith.index_cast %parallel_loop3A_1184 : i32 to index
        %parallel_loop3A_1186 = arith.constant 0 : index
        %parallel_loop3A_1187 = tpu.vector_load %arg13[%parallel_loop3A_1185, %parallel_loop3A_1186] {strides = array<i32>} : memref<80x128xf32, #tpu.memory_space<vmem>>, vector<16xf32>,
        %parallel_loop3A_1188 = arith.index_cast %parallel_loop3A_1184 : i32 to index
        %parallel_loop3A_1189 = arith.constant 0 : index
        %parallel_loop3A_1190 = tpu.vector_load %arg14[%parallel_loop3A_1188, %parallel_loop3A_1189] {strides = array<i32>} : memref<80x128xf32, #tpu.memory_space<vmem>>, vector<16xf32>,
        %parallel_loop3A_1191 = arith.mulf %parallel_loop3A_1187, %parallel_loop3A_1190 : vector<16xf32>
        %parallel_loop3A_1192 = arith.index_cast %parallel_loop3A_1184 : i32 to index
        %parallel_loop3A_1193 = arith.constant 16 : index
        %parallel_loop3A_1194 = tpu.vector_load %arg13[%parallel_loop3A_1192, %parallel_loop3A_1193] {strides = array<i32>} : memref<80x128xf32, #tpu.memory_space<vmem>>, vector<16xf32>,
        %parallel_loop3A_1195 = arith.index_cast %parallel_loop3A_1184 : i32 to index
        %parallel_loop3A_1196 = arith.constant 16 : index
        %parallel_loop3A_1197 = tpu.vector_load %arg14[%parallel_loop3A_1195, %parallel_loop3A_1196] {strides = array<i32>} : memref<80x128xf32, #tpu.memory_space<vmem>>, vector<16xf32>,
        %parallel_loop3A_1198 = arith.mulf %parallel_loop3A_1194, %parallel_loop3A_1197 : vector<16xf32>
        %parallel_loop3A_1199 = arith.addf %parallel_loop3A_1191, %parallel_loop3A_1198 : vector<16xf32>
        %parallel_loop3A_1200 = arith.index_cast %parallel_loop3A_1184 : i32 to index
        %parallel_loop3A_1201 = arith.constant 32 : index
        %parallel_loop3A_1202 = tpu.vector_load %arg13[%parallel_loop3A_1200, %parallel_loop3A_1201] {strides = array<i32>} : memref<80x128xf32, #tpu.memory_space<vmem>>, vector<16xf32>,
        %parallel_loop3A_1203 = arith.index_cast %parallel_loop3A_1184 : i32 to index
        %parallel_loop3A_1204 = arith.constant 32 : index
        %parallel_loop3A_1205 = tpu.vector_load %arg14[%parallel_loop3A_1203, %parallel_loop3A_1204] {strides = array<i32>} : memref<80x128xf32, #tpu.memory_space<vmem>>, vector<16xf32>,
        %parallel_loop3A_1206 = arith.mulf %parallel_loop3A_1202, %parallel_loop3A_1205 : vector<16xf32>
        %parallel_loop3A_1207 = arith.addf %parallel_loop3A_1199, %parallel_loop3A_1206 : vector<16xf32>
        %parallel_loop3A_1208 = arith.index_cast %parallel_loop3A_1184 : i32 to index
        %parallel_loop3A_1209 = arith.constant 48 : index
        %parallel_loop3A_1210 = tpu.vector_load %arg13[%parallel_loop3A_1208, %parallel_loop3A_1209] {strides = array<i32>} : memref<80x128xf32, #tpu.memory_space<vmem>>, vector<16xf32>,
        %parallel_loop3A_1211 = arith.index_cast %parallel_loop3A_1184 : i32 to index
        %parallel_loop3A_1212 = arith.constant 48 : index
        %parallel_loop3A_1213 = tpu.vector_load %arg14[%parallel_loop3A_1211, %parallel_loop3A_1212] {strides = array<i32>} : memref<80x128xf32, #tpu.memory_space<vmem>>, vector<16xf32>,
        %parallel_loop3A_1214 = arith.mulf %parallel_loop3A_1210, %parallel_loop3A_1213 : vector<16xf32>
        %parallel_loop3A_1215 = arith.addf %parallel_loop3A_1207, %parallel_loop3A_1214 : vector<16xf32>
        %parallel_loop3A_1216 = arith.index_cast %parallel_loop3A_1184 : i32 to index
        %parallel_loop3A_1217 = arith.constant 64 : index
        %parallel_loop3A_1218 = tpu.vector_load %arg13[%parallel_loop3A_1216, %parallel_loop3A_1217] {strides = array<i32>} : memref<80x128xf32, #tpu.memory_space<vmem>>, vector<16xf32>,
        %parallel_loop3A_1219 = arith.index_cast %parallel_loop3A_1184 : i32 to index
        %parallel_loop3A_1220 = arith.constant 64 : index
        %parallel_loop3A_1221 = tpu.vector_load %arg14[%parallel_loop3A_1219, %parallel_loop3A_1220] {strides = array<i32>} : memref<80x128xf32, #tpu.memory_space<vmem>>, vector<16xf32>,
        %parallel_loop3A_1222 = arith.mulf %parallel_loop3A_1218, %parallel_loop3A_1221 : vector<16xf32>
        %parallel_loop3A_1223 = arith.addf %parallel_loop3A_1215, %parallel_loop3A_1222 : vector<16xf32>
        %parallel_loop3A_1224 = arith.index_cast %parallel_loop3A_1184 : i32 to index
        %parallel_loop3A_1225 = arith.constant 80 : index
        %parallel_loop3A_1226 = tpu.vector_load %arg13[%parallel_loop3A_1224, %parallel_loop3A_1225] {strides = array<i32>} : memref<80x128xf32, #tpu.memory_space<vmem>>, vector<16xf32>,
        %parallel_loop3A_1227 = arith.index_cast %parallel_loop3A_1184 : i32 to index
        %parallel_loop3A_1228 = arith.constant 80 : index
        %parallel_loop3A_1229 = tpu.vector_load %arg14[%parallel_loop3A_1227, %parallel_loop3A_1228] {strides = array<i32>} : memref<80x128xf32, #tpu.memory_space<vmem>>, vector<16xf32>,
        %parallel_loop3A_1230 = arith.mulf %parallel_loop3A_1226, %parallel_loop3A_1229 : vector<16xf32>
        %parallel_loop3A_1231 = arith.addf %parallel_loop3A_1223, %parallel_loop3A_1230 : vector<16xf32>
        %parallel_loop3A_1232 = arith.index_cast %parallel_loop3A_1184 : i32 to index
        %parallel_loop3A_1233 = arith.constant 96 : index
        %parallel_loop3A_1234 = tpu.vector_load %arg13[%parallel_loop3A_1232, %parallel_loop3A_1233] {strides = array<i32>} : memref<80x128xf32, #tpu.memory_space<vmem>>, vector<16xf32>,
        %parallel_loop3A_1235 = arith.index_cast %parallel_loop3A_1184 : i32 to index
        %parallel_loop3A_1236 = arith.constant 96 : index
        %parallel_loop3A_1237 = tpu.vector_load %arg14[%parallel_loop3A_1235, %parallel_loop3A_1236] {strides = array<i32>} : memref<80x128xf32, #tpu.memory_space<vmem>>, vector<16xf32>,
        %parallel_loop3A_1238 = arith.mulf %parallel_loop3A_1234, %parallel_loop3A_1237 : vector<16xf32>
        %parallel_loop3A_1239 = arith.addf %parallel_loop3A_1231, %parallel_loop3A_1238 : vector<16xf32>
        %parallel_loop3A_1240 = arith.index_cast %parallel_loop3A_1184 : i32 to index
        %parallel_loop3A_1241 = arith.constant 112 : index
        %parallel_loop3A_1242 = tpu.vector_load %arg13[%parallel_loop3A_1240, %parallel_loop3A_1241] {strides = array<i32>} : memref<80x128xf32, #tpu.memory_space<vmem>>, vector<16xf32>,
        %parallel_loop3A_1243 = arith.index_cast %parallel_loop3A_1184 : i32 to index
        %parallel_loop3A_1244 = arith.constant 112 : index
        %parallel_loop3A_1245 = tpu.vector_load %arg14[%parallel_loop3A_1243, %parallel_loop3A_1244] {strides = array<i32>} : memref<80x128xf32, #tpu.memory_space<vmem>>, vector<16xf32>,
        %parallel_loop3A_1246 = arith.mulf %parallel_loop3A_1242, %parallel_loop3A_1245 : vector<16xf32>
        %parallel_loop3A_1247 = arith.addf %parallel_loop3A_1239, %parallel_loop3A_1246 : vector<16xf32>
        %parallel_loop3A_1248 = arith.constant true
        %parallel_loop3A_1249 = vector.broadcast %parallel_loop3A_1248 : i1 to vector<16xi1>
        %parallel_loop3A_1250 = tpu.scan <sum>, %parallel_loop3A_1247 masked %parallel_loop3A_1249 : vector<16xf32>, vector<16xi1> -> vector<16xf32>
        %parallel_loop3A_1251 = arith.constant 13 : i32
        %parallel_loop3A_1252 = vector.broadcast %parallel_loop3A_1251 : i32 to vector<16xi32>
        %parallel_loop3A_1253 = arith.cmpi eq, %parallel_loop3A_112, %parallel_loop3A_1252 : vector<16xi32>
        %parallel_loop3A_1254 = arith.constant 0 : i32
        %parallel_loop3A_1255 = vector.broadcast %parallel_loop3A_1254 : i32 to vector<16xi32>
        %parallel_loop3A_1256 = arith.cmpi slt, %parallel_loop3A_114, %parallel_loop3A_1255 : vector<16xi32>
        %parallel_loop3A_1257 = arith.constant 16 : i32
        %parallel_loop3A_1258 = vector.broadcast %parallel_loop3A_1257 : i32 to vector<16xi32>
        %parallel_loop3A_1259 = arith.addi %parallel_loop3A_114, %parallel_loop3A_1258 : vector<16xi32>
        %parallel_loop3A_1260 = arith.select %parallel_loop3A_1256, %parallel_loop3A_1259, %parallel_loop3A_114 : vector<16xi1>, vector<16xi32>
        %parallel_loop3A_1261 = vector.shape_cast %parallel_loop3A_1260 : vector<16xi32> to vector<16x1xi32>
        %parallel_loop3A_1262 = vector.shape_cast %parallel_loop3A_1261 : vector<16x1xi32> to vector<16xi32>
        %parallel_loop3A_1263 = tpu.dynamic_gather %parallel_loop3A_1250[%parallel_loop3A_1262] in [0] : vector<16xf32>, vector<16xi32> -> vector<16xf32>
        %parallel_loop3A_1264 = arith.select %parallel_loop3A_1253, %parallel_loop3A_1263, %parallel_loop3A_1182 : vector<16xi1>, vector<16xf32>
        %parallel_loop3A_1265 = arith.constant 14 : i32
        %parallel_loop3A_1266 = arith.addi %parallel_loop3A_111, %parallel_loop3A_1265 : i32
        %parallel_loop3A_1267 = arith.index_cast %parallel_loop3A_1266 : i32 to index
        %parallel_loop3A_1268 = arith.constant 0 : index
        %parallel_loop3A_1269 = tpu.vector_load %arg13[%parallel_loop3A_1267, %parallel_loop3A_1268] {strides = array<i32>} : memref<80x128xf32, #tpu.memory_space<vmem>>, vector<16xf32>,
        %parallel_loop3A_1270 = arith.index_cast %parallel_loop3A_1266 : i32 to index
        %parallel_loop3A_1271 = arith.constant 0 : index
        %parallel_loop3A_1272 = tpu.vector_load %arg14[%parallel_loop3A_1270, %parallel_loop3A_1271] {strides = array<i32>} : memref<80x128xf32, #tpu.memory_space<vmem>>, vector<16xf32>,
        %parallel_loop3A_1273 = arith.mulf %parallel_loop3A_1269, %parallel_loop3A_1272 : vector<16xf32>
        %parallel_loop3A_1274 = arith.index_cast %parallel_loop3A_1266 : i32 to index
        %parallel_loop3A_1275 = arith.constant 16 : index
        %parallel_loop3A_1276 = tpu.vector_load %arg13[%parallel_loop3A_1274, %parallel_loop3A_1275] {strides = array<i32>} : memref<80x128xf32, #tpu.memory_space<vmem>>, vector<16xf32>,
        %parallel_loop3A_1277 = arith.index_cast %parallel_loop3A_1266 : i32 to index
        %parallel_loop3A_1278 = arith.constant 16 : index
        %parallel_loop3A_1279 = tpu.vector_load %arg14[%parallel_loop3A_1277, %parallel_loop3A_1278] {strides = array<i32>} : memref<80x128xf32, #tpu.memory_space<vmem>>, vector<16xf32>,
        %parallel_loop3A_1280 = arith.mulf %parallel_loop3A_1276, %parallel_loop3A_1279 : vector<16xf32>
        %parallel_loop3A_1281 = arith.addf %parallel_loop3A_1273, %parallel_loop3A_1280 : vector<16xf32>
        %parallel_loop3A_1282 = arith.index_cast %parallel_loop3A_1266 : i32 to index
        %parallel_loop3A_1283 = arith.constant 32 : index
        %parallel_loop3A_1284 = tpu.vector_load %arg13[%parallel_loop3A_1282, %parallel_loop3A_1283] {strides = array<i32>} : memref<80x128xf32, #tpu.memory_space<vmem>>, vector<16xf32>,
        %parallel_loop3A_1285 = arith.index_cast %parallel_loop3A_1266 : i32 to index
        %parallel_loop3A_1286 = arith.constant 32 : index
        %parallel_loop3A_1287 = tpu.vector_load %arg14[%parallel_loop3A_1285, %parallel_loop3A_1286] {strides = array<i32>} : memref<80x128xf32, #tpu.memory_space<vmem>>, vector<16xf32>,
        %parallel_loop3A_1288 = arith.mulf %parallel_loop3A_1284, %parallel_loop3A_1287 : vector<16xf32>
        %parallel_loop3A_1289 = arith.addf %parallel_loop3A_1281, %parallel_loop3A_1288 : vector<16xf32>
        %parallel_loop3A_1290 = arith.index_cast %parallel_loop3A_1266 : i32 to index
        %parallel_loop3A_1291 = arith.constant 48 : index
        %parallel_loop3A_1292 = tpu.vector_load %arg13[%parallel_loop3A_1290, %parallel_loop3A_1291] {strides = array<i32>} : memref<80x128xf32, #tpu.memory_space<vmem>>, vector<16xf32>,
        %parallel_loop3A_1293 = arith.index_cast %parallel_loop3A_1266 : i32 to index
        %parallel_loop3A_1294 = arith.constant 48 : index
        %parallel_loop3A_1295 = tpu.vector_load %arg14[%parallel_loop3A_1293, %parallel_loop3A_1294] {strides = array<i32>} : memref<80x128xf32, #tpu.memory_space<vmem>>, vector<16xf32>,
        %parallel_loop3A_1296 = arith.mulf %parallel_loop3A_1292, %parallel_loop3A_1295 : vector<16xf32>
        %parallel_loop3A_1297 = arith.addf %parallel_loop3A_1289, %parallel_loop3A_1296 : vector<16xf32>
        %parallel_loop3A_1298 = arith.index_cast %parallel_loop3A_1266 : i32 to index
        %parallel_loop3A_1299 = arith.constant 64 : index
        %parallel_loop3A_1300 = tpu.vector_load %arg13[%parallel_loop3A_1298, %parallel_loop3A_1299] {strides = array<i32>} : memref<80x128xf32, #tpu.memory_space<vmem>>, vector<16xf32>,
        %parallel_loop3A_1301 = arith.index_cast %parallel_loop3A_1266 : i32 to index
        %parallel_loop3A_1302 = arith.constant 64 : index
        %parallel_loop3A_1303 = tpu.vector_load %arg14[%parallel_loop3A_1301, %parallel_loop3A_1302] {strides = array<i32>} : memref<80x128xf32, #tpu.memory_space<vmem>>, vector<16xf32>,
        %parallel_loop3A_1304 = arith.mulf %parallel_loop3A_1300, %parallel_loop3A_1303 : vector<16xf32>
        %parallel_loop3A_1305 = arith.addf %parallel_loop3A_1297, %parallel_loop3A_1304 : vector<16xf32>
        %parallel_loop3A_1306 = arith.index_cast %parallel_loop3A_1266 : i32 to index
        %parallel_loop3A_1307 = arith.constant 80 : index
        %parallel_loop3A_1308 = tpu.vector_load %arg13[%parallel_loop3A_1306, %parallel_loop3A_1307] {strides = array<i32>} : memref<80x128xf32, #tpu.memory_space<vmem>>, vector<16xf32>,
        %parallel_loop3A_1309 = arith.index_cast %parallel_loop3A_1266 : i32 to index
        %parallel_loop3A_1310 = arith.constant 80 : index
        %parallel_loop3A_1311 = tpu.vector_load %arg14[%parallel_loop3A_1309, %parallel_loop3A_1310] {strides = array<i32>} : memref<80x128xf32, #tpu.memory_space<vmem>>, vector<16xf32>,
        %parallel_loop3A_1312 = arith.mulf %parallel_loop3A_1308, %parallel_loop3A_1311 : vector<16xf32>
        %parallel_loop3A_1313 = arith.addf %parallel_loop3A_1305, %parallel_loop3A_1312 : vector<16xf32>
        %parallel_loop3A_1314 = arith.index_cast %parallel_loop3A_1266 : i32 to index
        %parallel_loop3A_1315 = arith.constant 96 : index
        %parallel_loop3A_1316 = tpu.vector_load %arg13[%parallel_loop3A_1314, %parallel_loop3A_1315] {strides = array<i32>} : memref<80x128xf32, #tpu.memory_space<vmem>>, vector<16xf32>,
        %parallel_loop3A_1317 = arith.index_cast %parallel_loop3A_1266 : i32 to index
        %parallel_loop3A_1318 = arith.constant 96 : index
        %parallel_loop3A_1319 = tpu.vector_load %arg14[%parallel_loop3A_1317, %parallel_loop3A_1318] {strides = array<i32>} : memref<80x128xf32, #tpu.memory_space<vmem>>, vector<16xf32>,
        %parallel_loop3A_1320 = arith.mulf %parallel_loop3A_1316, %parallel_loop3A_1319 : vector<16xf32>
        %parallel_loop3A_1321 = arith.addf %parallel_loop3A_1313, %parallel_loop3A_1320 : vector<16xf32>
        %parallel_loop3A_1322 = arith.index_cast %parallel_loop3A_1266 : i32 to index
        %parallel_loop3A_1323 = arith.constant 112 : index
        %parallel_loop3A_1324 = tpu.vector_load %arg13[%parallel_loop3A_1322, %parallel_loop3A_1323] {strides = array<i32>} : memref<80x128xf32, #tpu.memory_space<vmem>>, vector<16xf32>,
        %parallel_loop3A_1325 = arith.index_cast %parallel_loop3A_1266 : i32 to index
        %parallel_loop3A_1326 = arith.constant 112 : index
        %parallel_loop3A_1327 = tpu.vector_load %arg14[%parallel_loop3A_1325, %parallel_loop3A_1326] {strides = array<i32>} : memref<80x128xf32, #tpu.memory_space<vmem>>, vector<16xf32>,
        %parallel_loop3A_1328 = arith.mulf %parallel_loop3A_1324, %parallel_loop3A_1327 : vector<16xf32>
        %parallel_loop3A_1329 = arith.addf %parallel_loop3A_1321, %parallel_loop3A_1328 : vector<16xf32>
        %parallel_loop3A_1330 = arith.constant true
        %parallel_loop3A_1331 = vector.broadcast %parallel_loop3A_1330 : i1 to vector<16xi1>
        %parallel_loop3A_1332 = tpu.scan <sum>, %parallel_loop3A_1329 masked %parallel_loop3A_1331 : vector<16xf32>, vector<16xi1> -> vector<16xf32>
        %parallel_loop3A_1333 = arith.constant 14 : i32
        %parallel_loop3A_1334 = vector.broadcast %parallel_loop3A_1333 : i32 to vector<16xi32>
        %parallel_loop3A_1335 = arith.cmpi eq, %parallel_loop3A_112, %parallel_loop3A_1334 : vector<16xi32>
        %parallel_loop3A_1336 = arith.constant 0 : i32
        %parallel_loop3A_1337 = vector.broadcast %parallel_loop3A_1336 : i32 to vector<16xi32>
        %parallel_loop3A_1338 = arith.cmpi slt, %parallel_loop3A_114, %parallel_loop3A_1337 : vector<16xi32>
        %parallel_loop3A_1339 = arith.constant 16 : i32
        %parallel_loop3A_1340 = vector.broadcast %parallel_loop3A_1339 : i32 to vector<16xi32>
        %parallel_loop3A_1341 = arith.addi %parallel_loop3A_114, %parallel_loop3A_1340 : vector<16xi32>
        %parallel_loop3A_1342 = arith.select %parallel_loop3A_1338, %parallel_loop3A_1341, %parallel_loop3A_114 : vector<16xi1>, vector<16xi32>
        %parallel_loop3A_1343 = vector.shape_cast %parallel_loop3A_1342 : vector<16xi32> to vector<16x1xi32>
        %parallel_loop3A_1344 = vector.shape_cast %parallel_loop3A_1343 : vector<16x1xi32> to vector<16xi32>
        %parallel_loop3A_1345 = tpu.dynamic_gather %parallel_loop3A_1332[%parallel_loop3A_1344] in [0] : vector<16xf32>, vector<16xi32> -> vector<16xf32>
        %parallel_loop3A_1346 = arith.select %parallel_loop3A_1335, %parallel_loop3A_1345, %parallel_loop3A_1264 : vector<16xi1>, vector<16xf32>
        %parallel_loop3A_1347 = arith.constant 15 : i32
        %parallel_loop3A_1348 = arith.addi %parallel_loop3A_111, %parallel_loop3A_1347 : i32
        %parallel_loop3A_1349 = arith.index_cast %parallel_loop3A_1348 : i32 to index
        %parallel_loop3A_1350 = arith.constant 0 : index
        %parallel_loop3A_1351 = tpu.vector_load %arg13[%parallel_loop3A_1349, %parallel_loop3A_1350] {strides = array<i32>} : memref<80x128xf32, #tpu.memory_space<vmem>>, vector<16xf32>,
        %parallel_loop3A_1352 = arith.index_cast %parallel_loop3A_1348 : i32 to index
        %parallel_loop3A_1353 = arith.constant 0 : index
        %parallel_loop3A_1354 = tpu.vector_load %arg14[%parallel_loop3A_1352, %parallel_loop3A_1353] {strides = array<i32>} : memref<80x128xf32, #tpu.memory_space<vmem>>, vector<16xf32>,
        %parallel_loop3A_1355 = arith.mulf %parallel_loop3A_1351, %parallel_loop3A_1354 : vector<16xf32>
        %parallel_loop3A_1356 = arith.index_cast %parallel_loop3A_1348 : i32 to index
        %parallel_loop3A_1357 = arith.constant 16 : index
        %parallel_loop3A_1358 = tpu.vector_load %arg13[%parallel_loop3A_1356, %parallel_loop3A_1357] {strides = array<i32>} : memref<80x128xf32, #tpu.memory_space<vmem>>, vector<16xf32>,
        %parallel_loop3A_1359 = arith.index_cast %parallel_loop3A_1348 : i32 to index
        %parallel_loop3A_1360 = arith.constant 16 : index
        %parallel_loop3A_1361 = tpu.vector_load %arg14[%parallel_loop3A_1359, %parallel_loop3A_1360] {strides = array<i32>} : memref<80x128xf32, #tpu.memory_space<vmem>>, vector<16xf32>,
        %parallel_loop3A_1362 = arith.mulf %parallel_loop3A_1358, %parallel_loop3A_1361 : vector<16xf32>
        %parallel_loop3A_1363 = arith.addf %parallel_loop3A_1355, %parallel_loop3A_1362 : vector<16xf32>
        %parallel_loop3A_1364 = arith.index_cast %parallel_loop3A_1348 : i32 to index
        %parallel_loop3A_1365 = arith.constant 32 : index
        %parallel_loop3A_1366 = tpu.vector_load %arg13[%parallel_loop3A_1364, %parallel_loop3A_1365] {strides = array<i32>} : memref<80x128xf32, #tpu.memory_space<vmem>>, vector<16xf32>,
        %parallel_loop3A_1367 = arith.index_cast %parallel_loop3A_1348 : i32 to index
        %parallel_loop3A_1368 = arith.constant 32 : index
        %parallel_loop3A_1369 = tpu.vector_load %arg14[%parallel_loop3A_1367, %parallel_loop3A_1368] {strides = array<i32>} : memref<80x128xf32, #tpu.memory_space<vmem>>, vector<16xf32>,
        %parallel_loop3A_1370 = arith.mulf %parallel_loop3A_1366, %parallel_loop3A_1369 : vector<16xf32>
        %parallel_loop3A_1371 = arith.addf %parallel_loop3A_1363, %parallel_loop3A_1370 : vector<16xf32>
        %parallel_loop3A_1372 = arith.index_cast %parallel_loop3A_1348 : i32 to index
        %parallel_loop3A_1373 = arith.constant 48 : index
        %parallel_loop3A_1374 = tpu.vector_load %arg13[%parallel_loop3A_1372, %parallel_loop3A_1373] {strides = array<i32>} : memref<80x128xf32, #tpu.memory_space<vmem>>, vector<16xf32>,
        %parallel_loop3A_1375 = arith.index_cast %parallel_loop3A_1348 : i32 to index
        %parallel_loop3A_1376 = arith.constant 48 : index
        %parallel_loop3A_1377 = tpu.vector_load %arg14[%parallel_loop3A_1375, %parallel_loop3A_1376] {strides = array<i32>} : memref<80x128xf32, #tpu.memory_space<vmem>>, vector<16xf32>,
        %parallel_loop3A_1378 = arith.mulf %parallel_loop3A_1374, %parallel_loop3A_1377 : vector<16xf32>
        %parallel_loop3A_1379 = arith.addf %parallel_loop3A_1371, %parallel_loop3A_1378 : vector<16xf32>
        %parallel_loop3A_1380 = arith.index_cast %parallel_loop3A_1348 : i32 to index
        %parallel_loop3A_1381 = arith.constant 64 : index
        %parallel_loop3A_1382 = tpu.vector_load %arg13[%parallel_loop3A_1380, %parallel_loop3A_1381] {strides = array<i32>} : memref<80x128xf32, #tpu.memory_space<vmem>>, vector<16xf32>,
        %parallel_loop3A_1383 = arith.index_cast %parallel_loop3A_1348 : i32 to index
        %parallel_loop3A_1384 = arith.constant 64 : index
        %parallel_loop3A_1385 = tpu.vector_load %arg14[%parallel_loop3A_1383, %parallel_loop3A_1384] {strides = array<i32>} : memref<80x128xf32, #tpu.memory_space<vmem>>, vector<16xf32>,
        %parallel_loop3A_1386 = arith.mulf %parallel_loop3A_1382, %parallel_loop3A_1385 : vector<16xf32>
        %parallel_loop3A_1387 = arith.addf %parallel_loop3A_1379, %parallel_loop3A_1386 : vector<16xf32>
        %parallel_loop3A_1388 = arith.index_cast %parallel_loop3A_1348 : i32 to index
        %parallel_loop3A_1389 = arith.constant 80 : index
        %parallel_loop3A_1390 = tpu.vector_load %arg13[%parallel_loop3A_1388, %parallel_loop3A_1389] {strides = array<i32>} : memref<80x128xf32, #tpu.memory_space<vmem>>, vector<16xf32>,
        %parallel_loop3A_1391 = arith.index_cast %parallel_loop3A_1348 : i32 to index
        %parallel_loop3A_1392 = arith.constant 80 : index
        %parallel_loop3A_1393 = tpu.vector_load %arg14[%parallel_loop3A_1391, %parallel_loop3A_1392] {strides = array<i32>} : memref<80x128xf32, #tpu.memory_space<vmem>>, vector<16xf32>,
        %parallel_loop3A_1394 = arith.mulf %parallel_loop3A_1390, %parallel_loop3A_1393 : vector<16xf32>
        %parallel_loop3A_1395 = arith.addf %parallel_loop3A_1387, %parallel_loop3A_1394 : vector<16xf32>
        %parallel_loop3A_1396 = arith.index_cast %parallel_loop3A_1348 : i32 to index
        %parallel_loop3A_1397 = arith.constant 96 : index
        %parallel_loop3A_1398 = tpu.vector_load %arg13[%parallel_loop3A_1396, %parallel_loop3A_1397] {strides = array<i32>} : memref<80x128xf32, #tpu.memory_space<vmem>>, vector<16xf32>,
        %parallel_loop3A_1399 = arith.index_cast %parallel_loop3A_1348 : i32 to index
        %parallel_loop3A_1400 = arith.constant 96 : index
        %parallel_loop3A_1401 = tpu.vector_load %arg14[%parallel_loop3A_1399, %parallel_loop3A_1400] {strides = array<i32>} : memref<80x128xf32, #tpu.memory_space<vmem>>, vector<16xf32>,
        %parallel_loop3A_1402 = arith.mulf %parallel_loop3A_1398, %parallel_loop3A_1401 : vector<16xf32>
        %parallel_loop3A_1403 = arith.addf %parallel_loop3A_1395, %parallel_loop3A_1402 : vector<16xf32>
        %parallel_loop3A_1404 = arith.index_cast %parallel_loop3A_1348 : i32 to index
        %parallel_loop3A_1405 = arith.constant 112 : index
        %parallel_loop3A_1406 = tpu.vector_load %arg13[%parallel_loop3A_1404, %parallel_loop3A_1405] {strides = array<i32>} : memref<80x128xf32, #tpu.memory_space<vmem>>, vector<16xf32>,
        %parallel_loop3A_1407 = arith.index_cast %parallel_loop3A_1348 : i32 to index
        %parallel_loop3A_1408 = arith.constant 112 : index
        %parallel_loop3A_1409 = tpu.vector_load %arg14[%parallel_loop3A_1407, %parallel_loop3A_1408] {strides = array<i32>} : memref<80x128xf32, #tpu.memory_space<vmem>>, vector<16xf32>,
        %parallel_loop3A_1410 = arith.mulf %parallel_loop3A_1406, %parallel_loop3A_1409 : vector<16xf32>
        %parallel_loop3A_1411 = arith.addf %parallel_loop3A_1403, %parallel_loop3A_1410 : vector<16xf32>
        %parallel_loop3A_1412 = arith.constant true
        %parallel_loop3A_1413 = vector.broadcast %parallel_loop3A_1412 : i1 to vector<16xi1>
        %parallel_loop3A_1414 = tpu.scan <sum>, %parallel_loop3A_1411 masked %parallel_loop3A_1413 : vector<16xf32>, vector<16xi1> -> vector<16xf32>
        %parallel_loop3A_1415 = arith.constant 15 : i32
        %parallel_loop3A_1416 = vector.broadcast %parallel_loop3A_1415 : i32 to vector<16xi32>
        %parallel_loop3A_1417 = arith.cmpi eq, %parallel_loop3A_112, %parallel_loop3A_1416 : vector<16xi32>
        %parallel_loop3A_1418 = arith.constant 0 : i32
        %parallel_loop3A_1419 = vector.broadcast %parallel_loop3A_1418 : i32 to vector<16xi32>
        %parallel_loop3A_1420 = arith.cmpi slt, %parallel_loop3A_114, %parallel_loop3A_1419 : vector<16xi32>
        %parallel_loop3A_1421 = arith.constant 16 : i32
        %parallel_loop3A_1422 = vector.broadcast %parallel_loop3A_1421 : i32 to vector<16xi32>
        %parallel_loop3A_1423 = arith.addi %parallel_loop3A_114, %parallel_loop3A_1422 : vector<16xi32>
        %parallel_loop3A_1424 = arith.select %parallel_loop3A_1420, %parallel_loop3A_1423, %parallel_loop3A_114 : vector<16xi1>, vector<16xi32>
        %parallel_loop3A_1425 = vector.shape_cast %parallel_loop3A_1424 : vector<16xi32> to vector<16x1xi32>
        %parallel_loop3A_1426 = vector.shape_cast %parallel_loop3A_1425 : vector<16x1xi32> to vector<16xi32>
        %parallel_loop3A_1427 = tpu.dynamic_gather %parallel_loop3A_1414[%parallel_loop3A_1426] in [0] : vector<16xf32>, vector<16xi32> -> vector<16xf32>
        %parallel_loop3A_1428 = arith.select %parallel_loop3A_1417, %parallel_loop3A_1427, %parallel_loop3A_1346 : vector<16xi1>, vector<16xf32>
        %parallel_loop3A_1429 = arith.index_cast %parallel_loop3A_111 : i32 to index
        %parallel_loop3A_1430 = tpu.vector_load %arg16[%parallel_loop3A_1429] {strides = array<i32>} : memref<80xf32, #tpu.memory_space<vmem>>, vector<16xf32>,
        tpu.vector_store %arg16[%parallel_loop3A_1429], %parallel_loop3A_1428 {strides = array<i32>} : memref<80xf32, #tpu.memory_space<vmem>>, vector<16xf32>,
      } {sc.loop_unroll_factor = 1 : i64, sc.parallel_access}
      %add3A_104 = arith.constant 1 : i32
      %add3A_105 = arith.addi %mul3A_36, %add3A_104 : i32
      %mul3A_106 = arith.constant 80 : i32
      %mul3A_107 = arith.muli %add3A_105, %mul3A_106 : i32
      %add3A_108 = arith.addi %mul3A_2, %mul3A_107 : i32
      %dma_start3A_109 = tpu.memref_slice %arg5[%add3A_108] : memref<327680xf32, #tpu.memory_space<hbm>> -> memref<80xf32, #tpu.memory_space<hbm>>
      %dma_start3A_110 = tpu.memref_slice %arg5[%add3A_108] : memref<327680xf32, #tpu.memory_space<hbm>> -> memref<80xf32, #tpu.memory_space<hbm>>
      tpu.enqueue_dma source(%arg16 : memref<80xf32, #tpu.memory_space<vmem>>) target(%dma_start3A_110 : memref<80xf32, #tpu.memory_space<hbm>>) target_semaphore(%arg22 : memref<!tpu.dma_semaphore, #tpu.memory_space<semaphore_mem>>)
    }
    %scan3A_26 = arith.constant 64 : i32
    %add3A_27 = arith.constant 10080 : i32
    %add3A_28 = arith.addi %mul3A_2, %add3A_27 : i32
    %dma_wait3A = tpu.memref_slice %arg5[%add3A_28] : memref<327680xf32, #tpu.memory_space<hbm>> -> memref<80xf32, #tpu.memory_space<hbm>>
    %dma_wait3A_29 = tpu.memref_slice %arg5[%add3A_28] : memref<327680xf32, #tpu.memory_space<hbm>> -> memref<80xf32, #tpu.memory_space<hbm>>
    tpu.wait_dma2 semaphore(%arg21 : memref<!tpu.dma_semaphore, #tpu.memory_space<semaphore_mem>>) src(%arg15 : memref<80xf32, #tpu.memory_space<vmem>>) dst(%dma_wait3A_29 : memref<80xf32, #tpu.memory_space<hbm>>)
    %add3A_30 = arith.constant 10160 : i32
    %add3A_31 = arith.addi %mul3A_2, %add3A_30 : i32
    %dma_wait3A_32 = tpu.memref_slice %arg5[%add3A_31] : memref<327680xf32, #tpu.memory_space<hbm>> -> memref<80xf32, #tpu.memory_space<hbm>>
    %dma_wait3A_33 = tpu.memref_slice %arg5[%add3A_31] : memref<327680xf32, #tpu.memory_space<hbm>> -> memref<80xf32, #tpu.memory_space<hbm>>
    tpu.wait_dma2 semaphore(%arg22 : memref<!tpu.dma_semaphore, #tpu.memory_space<semaphore_mem>>) src(%arg16 : memref<80xf32, #tpu.memory_space<vmem>>) dst(%dma_wait3A_33 : memref<80xf32, #tpu.memory_space<hbm>>)
    return
  }
}

</mosaic_0001>

<sc_bundles>
// kernel: kernel.3.cloned.1.call-start
scs
__scs_entry_jumppad:
0x0: {  	(pc) =	sbr.rel $0x88, $3  }
0x1: {  	(tag) =	ssettag $0x0;
	lr =	simm.s32 $0x1  }
0x2: {  	[smem:$0x3F9F] =	sst lr;
	_ =	strace $0xD0000000  }
0x3: {  	_ = 	snop  }
0x4: {  	_ = 	snop  }
0x5: {  	_ = 	snop  }
0x6: {  	_ = 	snop  }
0x7: {  	_ = 	snop  }
__scs_overlays_trampoline_lowered:
0x8: {  	[smem:$0x3FAE] =	sst s0  }
0x9: {  	[smem:$0x3FAF] =	sst s1  }
0xa: {  	[smem:$0x3FB0] =	sst s2  }
0xb: {  	[smem:$0x3FB1] =	sst s3  }
0xc: {  	[smem:$0x3FB2] =	sst s4  }
0xd: {  	[smem:$0x3FB3] =	sst s5  }
0xe: {  	[smem:$0x3FB4] =	sst s6  }
0xf: {  	[smem:$0x3FB5] =	sst s7  }
0x10: {  	[smem:$0x3FB6] =	sst s8  }
0x11: {  	[smem:$0x3FB7] =	sst s9;
	s0 =	simm.s32 @!p0 $0x0  }
0x12: {  	s1 =	sld [smem:$0x3F9D];
	s0 =	simm.s32 @p0 $0x1  }
0x13: {  	[smem:$0x3FB8] =	sst s0;
	s0 =	simm.s32 @!p1 $0x0  }
0x14: {  	s2 =	sld [smem:$0x3F9C];
	s0 =	simm.s32 @p1 $0x1  }
0x15: {  	[smem:$0x3FB9] =	sst s0;
	s0 =	simm.s32 @!p2 $0x0  }
0x16: {  	s3 =	sld [smem:$0x3FDB];
	s0 =	simm.s32 @p2 $0x1  }
0x17: {  	s4 =	simm.s32 $0x1BF5;
	[smem:$0x3FBB] =	sst s0  }
0x18: {  	s0 =	sld [smem:$0x3F9E];
	_ =	swait.ge [sflag:s4], $0x0  }
0x19: {  	s7 =	sld [smem:$0x3F9F]  }
0x1a: {  	s8 =	sadd.s32 $0xFFFFE003, lr  }
0x1b: {  	s9 =	sadd.s32 $0xFFFFFEF7, lr;
	s5 =	simm.s32 $0xFFFFFFFF;
	p2 =	slt.u32 s8, $0xFFFFF086  }
0x1c: {  	p1 =	slt.u32 s9, $0xF7A;
	s5 =	simm.s32 @!p2 $0x0  }
0x1d: {  	s5 =	simm.s32 @p1 $0x1;
	p0 =	seq.s32 s7, s2  }
0x1e: {  	s7 =	smul.u32 @!p0 $0xF7A, s2;
	p2 =	seq.s32 @!p0 s5, $0x0  }
0x1f: {  	s9 =	smul.u32 $0xF7A, s1;
	s8 =	simm.s32 @!p0 $0x1BF5;
	p2 =	por !p2, p0  }
0x20: {  	[sflag:s8] =	ssyncset.s32 @!p0 $0xFFFFF086;
	s6 =	sadd.s32 @!p0 s3, s7;
	s7 =	simm.s32 @!p0 $0x108  }
0x21: {  	s3 =	sadd.s32 s3, s9;
	s6 =	sadd.s32 @!p0 $0x88, s6;
	s7 =	simm.s32 @p2 $0x1082  }
0x22: {  	[simem:s7], [sflag:s8] =	dma.local @!p0 [hbm:s6], $0xF7A  }
0x23: {  	s9 =	sor.u32 $0xD0000000, s2;
	s6 =	simm.s32 $0x108;
	_ =	swait.ge @!p0 [sflag:s8], $0x0  }
0x24: {  	s3 =	sadd.s32 $0x88, s3;
	s6 =	simm.s32 @!p1 $0x1082;
	[sflag:s4] =	ssyncset.s32 $0xFFFFF086  }
0x25: {  	[simem:s6], [sflag:s4] =	dma.local [hbm:s3], $0xF7A  }
0x26: {  	[smem:$0x3F9F] =	sst s1;
	(tag) =	ssettag s2;
	_ =	strace s9  }
0x27: {  	s1 =	sld [smem:$0x3FAF]  }
0x28: {  	s2 =	sld [smem:$0x3FB0]  }
0x29: {  	s4 =	sld [smem:$0x3FB2]  }
0x2a: {  	p0 =	seq.s32 s5, $0x0;
	s5 =	sld [smem:$0x3FB3]  }
0x2b: {  	s6 =	sld [smem:$0x3FB4]  }
0x2c: {  	s7 =	sld [smem:$0x3FB5]  }
0x2d: {  	s3 =	simm.s32 $0x108;
	s8 =	sld [smem:$0x3FB6]  }
0x2e: {  	s3 =	simm.s32 @!p0 $0x1082;
	s9 =	sld [smem:$0x3FB7]  }
0x2f: {  	lr =	sadd.s32 s0, s3;
	s0 =	sld [smem:$0x3FAE]  }
0x30: {  	s3 =	sld [smem:$0x3FB1]  }
0x31: {  	[smem:$0x3FBA] =	sst s10  }
0x32: {  	s10 =	sld [smem:$0x3FB8];
	_ =	sdelay $0x3  }
0x33: {  	p0 =	seq.s32 s10, $0x1;
	s10 =	sld [smem:$0x3FBA];
	_ =	sdelay $0x3  }
0x34: {  	[smem:$0x3FBA] =	sst s10  }
0x35: {  	s10 =	sld [smem:$0x3FB9];
	_ =	sdelay $0x3  }
0x36: {  	p1 =	seq.s32 s10, $0x1;
	s10 =	sld [smem:$0x3FBA];
	_ =	sdelay $0x3  }
0x37: {  	[smem:$0x3FBA] =	sst s10  }
0x38: {  	s10 =	sld [smem:$0x3FBB]  }
0x39: {  	_ = 	snop;
	(pc) =	sbr.ind lr, $3  }
0x3a: {  	_ = 	snop  }
0x3b: {  	_ = 	snop  }
0x3c: {  	p2 =	seq.s32 s10, $0x1;
	s10 =	sld [smem:$0x3FBA]  }
0x3d: {  	_ =	shalt  }
0x3e: {  	_ =	shalt  }
0x3f: {  	_ =	shalt  }
0x40: {  	_ =	shalt  }
0x41: {  	_ =	shalt  }
0x42: {  	_ =	shalt  }
0x43: {  	_ =	shalt  }
0x44: {  	_ =	shalt  }
0x45: {  	_ =	shalt  }
0x46: {  	_ =	shalt  }
0x47: {  	_ =	shalt  }
0x48: {  	_ =	shalt  }
0x49: {  	_ =	shalt  }
0x4a: {  	_ =	shalt  }
0x4b: {  	_ =	shalt  }
0x4c: {  	_ =	shalt  }
0x4d: {  	_ =	shalt  }
0x4e: {  	_ =	shalt  }
0x4f: {  	_ =	shalt  }
0x50: {  	_ =	shalt  }
0x51: {  	_ =	shalt  }
0x52: {  	_ =	shalt  }
0x53: {  	_ =	shalt  }
0x54: {  	_ =	shalt  }
0x55: {  	_ =	shalt  }
0x56: {  	_ =	shalt  }
0x57: {  	_ =	shalt  }
0x58: {  	_ =	shalt  }
0x59: {  	_ =	shalt  }
0x5a: {  	_ =	shalt  }
0x5b: {  	_ =	shalt  }
0x5c: {  	_ =	shalt  }
0x5d: {  	_ =	shalt  }
0x5e: {  	_ =	shalt  }
0x5f: {  	_ =	shalt  }
0x60: {  	_ =	shalt  }
0x61: {  	_ =	shalt  }
0x62: {  	_ =	shalt  }
0x63: {  	_ =	shalt  }
0x64: {  	_ =	shalt  }
0x65: {  	_ =	shalt  }
0x66: {  	_ =	shalt  }
0x67: {  	_ =	shalt  }
0x68: {  	_ =	shalt  }
0x69: {  	_ =	shalt  }
0x6a: {  	_ =	shalt  }
0x6b: {  	_ =	shalt  }
0x6c: {  	_ =	shalt  }
0x6d: {  	_ =	shalt  }
0x6e: {  	_ =	shalt  }
0x6f: {  	_ =	shalt  }
0x70: {  	_ =	shalt  }
0x71: {  	_ =	shalt  }
0x72: {  	_ =	shalt  }
0x73: {  	_ =	shalt  }
0x74: {  	_ =	shalt  }
0x75: {  	_ =	shalt  }
0x76: {  	_ =	shalt  }
0x77: {  	_ =	shalt  }
0x78: {  	_ =	shalt  }
0x79: {  	_ =	shalt  }
0x7a: {  	_ =	shalt  }
0x7b: {  	_ =	shalt  }
0x7c: {  	_ =	shalt  }
0x7d: {  	_ =	shalt  }
0x7e: {  	_ =	shalt  }
0x7f: {  	_ =	shalt  }
0x80: {  	_ =	shalt  }
0x81: {  	_ =	shalt  }
0x82: {  	_ =	shalt  }
0x83: {  	_ =	shalt  }
0x84: {  	_ =	shalt  }
0x85: {  	_ =	shalt  }
0x86: {  	_ =	shalt  }
0x87: {  	_ =	shalt  }
.Lfunc_end0:
.L_simem_size_0:
called_computation_lowered:
.L_overlay_start_0:
0x88: {  	s2 =	sld [smem:$0x3FD9]  }
0x89: {  	s3 =	sld [smem:$0x3FFE];
	_ =	sdelay $0x1  }
0x8a: {  	s1 =	srdreg.scid  }
0x8b: {  	s0 =	sand.u32 $0x1, s1  }
0x8c: {  	s17 =	sshll.u32 s0, $0xA;
	s2 =	sadd.s32 s3, s2  }
0x8d: {  	s2 =	sadd.s32 s2, s17  }
0x8e: {  	[smem:$0x3FC6] =	sst s2  }
0x8f: {  	_ = 	snop  }
0x90: {  	s2 =	sld [smem:$0x3FC9];
	(tm) =	ssettm $0x1  }
0x91: {  	s18 =	sld [smem:$0x3FFB];
	_ =	sdelay $0x3  }
0x92: {  	_ =	strace s18  }
0x93: {  	s3 =	sld [smem:$0x3FFC];
	_ =	sdelay $0x3  }
0x94: {  	_ =	strace s3  }
0x95: {  	s3 =	sld [smem:$0x3FFD];
	_ =	sdelay $0x3  }
0x96: {  	_ =	strace s3  }
0x97: {  	_ =	strace $0x8FFFFFFF  }
0x98: {  	s19 =	sld [smem:$0x3FDB];
	_ =	sdelay $0x1  }
0x99: {  	s4 =	simm.s32 $_scs_section_size  }
0x9a: {  	s5 =	simm.s32 $_size__tile_overlayer_lowered;
	s6 =	simm.s32 $_tile_overlayer_lowered  }
0x9b: {  	s22 =	simm.s32 $0x1BFF;
	s21 =	sshll.u32 s6, $0x1;
	s3 =	sadd.s32 s4, s19  }
0x9c: {  	s7 =	simm.s32 $0x0;
	s20 =	sshll.u32 s5, $0x1;
	s5 =	sadd.s32 s21, s3  }
0x9d: {  	[timem:s7], [sflag:s22] =	dma.local [hbm:s5], s20  }
0x9e: {  	_ =	swait.ge [sflag:s22], s20  }
0x9f: {  	s4 =	ssub.s32 $0x0, s20;
	[sflag:s22] =	ssyncset.done $0x0  }
0xa0: {  	[sflag:s22] =	ssyncadd.s32 s4;
	_ =	sdelay $0x1  }
0xa1: {  	s23 =	simm.s32 $0x1B8B  }
0xa2: {  	_ =	swait.ge [sflag:s23], $0x1  }
0xa3: {  	[sflag:s23] =	ssyncset.done $0x0  }
0xa4: {  	s25 =	simm.s32 $0x1B8E;
	s24 =	sld [smem:$0x3FFE];
	[sflag:s23] =	ssyncadd.s32 $0xFFFFFFFF  }
0xa5: {  	s26 =	simm.s32 $execute0_lowered;
	[smem:$0x3FD2] =	sst s25  }
0xa6: {  	s5 =	sshll.u32 s26, $0x1;
	_ =	strace $0x80000046;
	[dreg:$0x1] =	wrdreg $0xFFFFFFFF  }
0xa7: {  	s28 =	simm.s32 $_size_execute0_lowered;
	s3 =	sadd.s32 s3, s5;
	[dreg:$0x0] =	wrdreg $0x0  }
0xa8: {  	s5 =	sshll.u32 s28, $0x1;
	[dreg:$0x2] =	wrdreg s3  }
0xa9: {  	[dreg:$0x3] =	wrdreg s5  }
0xaa: {  	[dreg:$0x4] =	wrdreg $0xC0  }
0xab: {  	_ =	task [dreg:s7], $0x5FFFF  }
0xac: {  	[dreg:$0x1] =	wrdreg $0xFFFFFFFF  }
0xad: {  	[dreg:$0x0] =	wrdreg $0x60  }
0xae: {  	[dreg:$0x2] =	wrdreg s2  }
0xaf: {  	[dreg:$0x3] =	wrdreg s24  }
0xb0: {  	[dreg:$0x4] =	wrdreg $0x0  }
0xb1: {  	[dreg:$0x5] =	wrdreg $0x9  }
0xb2: {  	_ =	task.clear_ibuf [dreg:s7], $0x6FFFF;
	_ =	strace $0x90000046  }
0xb3: {  	s29 =	simm.s32 $0x9;
	_ =	strace $0x80000048  }
0xb4: {  	_ =	swait.ge [sflag:s29], $0x1  }
0xb5: {  	[sflag:s29] =	ssyncadd.s32 $0xFFFFFFFF  }
0xb6: {  	_ =	strace $0x90000048  }
0xb7: {  	_ =	sfence  }
0xb8: {  	s30 =	sld [smem:$0x0];
	_ =	sdelay $0x2  }
0xb9: {  	s31 =	sshll.u32 s1, $0xD;
	s1 =	sshrl.u32 s1, $0x2  }
0xba: {  	s3 =	sand.u32 $0x4000, s31;
	s1 =	sadd.s32 s1, s30  }
0xbb: {  	s0 =	sor.u32 s3, s0;
	s1 =	sshll.u32 s1, $0x11  }
0xbc: {  	s0 =	sor.u32 s1, s0  }
0xbd: {  	s0 =	sadd.s32 $0x8F2B, s0  }
0xbe: {  	[sflag:s0] =	ssyncadd.remote.s32 $0x1  }
0xbf: {  	_ =	sfence.sel $0xFFFF  }
0xc0: {  	[dreg:$0x0] =	wrdreg $0xFFFFFFFF;
	(pc) =	sbr.abs _section_cstart, $3  }
0xc1: {  	[dreg:$0x1] =	wrdreg $0xFFFFFFFF  }
0xc2: {  	_ =	task.clear_ibuf [dreg:s7], $0x2FFFF;
	_ =	strace $0x9FFFFFFF  }
0xc3: {  	(tm) =	ssettm $0x7FFFFFFF  }
tec
execute0_lowered:
.L_overlay_start_1:
0x0: {  	(tag) =	ssettag $0x1  }
0x1: {  	s0 =	rddreg [dreg:$0x0]  }
0x2: {  	s2 =	rddreg [dreg:$0x1];
	s1 =	srdreg.scid  }
0x3: {  	s11 =	stileid.u32;
	s3 =	rddreg [dreg:$0x2]  }
0x4: {  	s4 =	simm.s32 $0x0;
	s22 =	simm.s32 $0x7;
	s28 =	simm.s32 $0x13980  }
0x5: {  	s29 =	simm.s32 $0x13A00;
	s30 =	simm.s32 $0x4;
	s31 =	simm.s32 $0x18A80  }
0x6: {  	s21 =	simm.s32 $0x5;
	s1 =	sand.u32 $0x1, s1;
	s5 =	sshll.u32 s11, $0x1  }
0x7: {  	[smem:$0x7FF] =	sst s4;
	s8 =	smul.u32 $0x4E000, s11;
	s6 =	sadd.s32 $0xA000, s2  }
0x8: {  	s10 =	smul.u32 $0x2700, s11;
	s7 =	sadd.s32 $0x14000, s2;
	p0 =	seq.s32 s11, $0xF  }
0x9: {  	s5 =	sor.u32 s1, s5;
	_ =	strace $0x80000047;
	s1 =	ssub.s32 $0x2, s1  }
0xa: {  	s5 =	smul.u32 $0x2800, s5;
	s9 =	sshrl.u32 s1, $0x1;
	s8 =	sshrl.u32 s8, $0x2  }
0xb: {  	s23 =	sadd.s32 s0, s10;
	s10 =	sadd.s32 $0x124800, s3;
	s0 =	sadd.s32 $0x24900, s0  }
0xc: {  	s1 =	ssub.s32 s1, s9;
	s8 =	sadd.s32 s8, s3;
	[dreg:$0x4] =	wrdreg s23  }
0xd: {  	[dreg:$0x5] =	wrdreg s0;
	s18 =	sshrl.u32 @p0 s10, $0x3;
	s23 =	simm.s32 $0x0  }
0xe: {  	s24 =	sshrl.u32 s5, $0x3;
	s14 =	sor.u32 $0x50, s5;
	s15 =	sor.u32 $0xA0, s5  }
0xf: {  	s16 =	sor.u32 $0xF0, s5;
	s1 =	smax.u32 s1, $0x1;
	s20 =	sshrl.u32 @!p0 s8, $0x3  }
0x10: {  	v47 =	vimm.s32 $0xF;
	s8 =	simm.s32 $0x6;
	s12 =	sadd.s32 s6, s24;
	[dreg:$0xa] =	wrdreg s1  }
0x11: {  	vm0 =	vmmov $0x1;
	vm1 =	vmmov $0x3;
	vm2 =	vmmov $0x7;
	s25 =	sor.u32 $0xA, s24;
	s9 =	sadd.s32 s2, s24;
	[dreg:$0x6] =	wrdreg s12  }
0x12: {  	vm3 =	vmmov $0xf;
	vm4 =	vmmov $0x1f;
	vm5 =	vmmov $0x3f;
	s24 =	simm.s32 $0x50;
	[dreg:$0x7] =	wrdreg s9;
	s26 =	sadd.s32 s6, s25  }
0x13: {  	vm6 =	vmmov $0x7f;
	vm7 =	vmmov $0xff;
	vm8 =	vmmov $0x1ff;
	s1 =	simm.s32 $0x1B280;
	s0 =	sadd.s32 s2, s25;
	[dreg:$0x8] =	wrdreg s26  }
0x14: {  	vm9 =	vmmov $0x3ff;
	vm10 =	vmmov $0x7ff;
	vm11 =	vmmov $0xfff;
	s25 =	simm.s32 $0x1DA80;
	[dreg:$0x9] =	wrdreg s0;
	s0 =	sshll.u32 @!p0 s11, $0x6  }
0x15: {  	vm12 =	vmmov $0x1fff;
	vm13 =	vmmov $0x3fff;
	vm14 =	vmmov $0x7fff;
	s26 =	simm.s32 $0x1DB00;
	s19 =	sor.u32 @!p0 $0x1C07, s0;
	s0 =	simm.s32 $0x1  }
.LBB2_1:
0x16: {  	s9 =	simm.s32 @p0 $0x1FC7;
	s10 =	rddreg [dreg:$0x5]  }
0x17: {  	[spmem:s18], [sflag:s9] =	dma.local @p0 [hbm:s10], $0x2800  }
0x18: {  	s9 =	simm.s32 @p0 $0x7  }
0x19: {  	_ =	swait.ge @p0 [sflag:s9], $0x2800  }
0x1a: {  	[sflag:s9] =	ssyncset.done @p0 $0x0  }
0x1b: {  	[sflag:s9] =	ssyncadd.s32 @p0 $0xFFFFD800;
	s9 =	rddreg [dreg:$0x4]  }
0x1c: {  	[spmem:s20], [sflag:s19] =	dma.local @!p0 [hbm:s9], $0x2700  }
0x1d: {  	s9 =	simm.s32 @!p0 $0x7  }
0x1e: {  	_ =	swait.ge @!p0 [sflag:s9], $0x2700  }
0x1f: {  	[sflag:s9] =	ssyncset.done @!p0 $0x0  }
0x20: {  	[sflag:s9] =	ssyncadd.s32 @!p0 $0xFFFFD900  }
0x21: {  	[bflag:$0x0] =	sbarrier.arrive $0xFFFF  }
0x22: {  	s12 =	simm.s32 $0x13880;
	s11 =	rddreg [dreg:$0x6]  }
0x23: {  	[tilespmem:s12], [sflag:$0x7] =	stream.linear.gather [hbm4b:s11+s4], $0x50, $0x38;
	[tilespmem:$0x1DB80] =	vst v63  }
0x24: {  	_ =	swait.ge [sflag:s22], $0x50  }
0x25: {  	[sflag:s22] =	ssyncset.done $0x0  }
0x26: {  	s11 =	simm.s32 $0x13900;
	s13 =	rddreg [dreg:$0x7];
	[sflag:s22] =	ssyncadd.s32 $0xFFFFFFB0  }
0x27: {  	[tilespmem:s11], [sflag:$0x7] =	stream.linear.gather [hbm4b:s13+s4], $0x50, $0x38;
	[tilespmem:$0x1DB80] =	vst v63  }
0x28: {  	_ =	swait.ge [sflag:s22], $0x50  }
0x29: {  	[sflag:s22] =	ssyncset.done $0x0  }
0x2a: {  	s17 =	simm.s32 $0x13A80;
	[sflag:s22] =	ssyncadd.s32 $0xFFFFFFB0  }
0x2b: {  	[tilespmem:s17], [sflag:$0x1] =	stream.indirect.gather [spmem:s3], $0x80, s12, s24, $0xb8;
	[tilespmem:$0x1DB80] =	vst v63  }
0x2c: {  	s12 =	simm.s32 $0x16280  }
0x2d: {  	[tilespmem:s12], [sflag:$0x1] =	stream.indirect.gather [spmem:s3], $0x80, s11, s24, $0xb8;
	[tilespmem:$0x1DB80] =	vst v63  }
0x2e: {  	s13 =	rddreg [dreg:$0x8]  }
0x2f: {  	[tilespmem:s28], [sflag:$0x4] =	stream.linear.gather [hbm4b:s13+s4], $0x50, $0x38;
	[tilespmem:$0x1DB80] =	vst v63  }
0x30: {  	s9 =	simm.s32 $0x0;
	s17 =	rddreg [dreg:$0x9]  }
0x31: {  	[tilespmem:s29], [sflag:$0x4] =	stream.linear.gather [hbm4b:s17+s4], $0x50, $0x38;
	[tilespmem:$0x1DB80] =	vst v63  }
.LBB2_2:
0x32: {  	_ =	swait.ge [sflag:s30], $0x50  }
0x33: {  	[sflag:s30] =	ssyncset.done $0x0  }
0x34: {  	[sflag:s30] =	ssyncadd.s32 $0xFFFFFFB0  }
0x35: {  	_ =	swait.ge [sflag:s30], $0x50  }
0x36: {  	[sflag:s30] =	ssyncset.done $0x0  }
0x37: {  	[sflag:s30] =	ssyncadd.s32 $0xFFFFFFB0  }
0x38: {  	[tilespmem:s31], [sflag:$0x2] =	stream.indirect.gather [spmem:s3], $0x80, s28, s24, $0xb8;
	[tilespmem:$0x1DB80] =	vst v63  }
0x39: {  	_ = 	snop  }
0x3a: {  	[tilespmem:s1], [sflag:$0x2] =	stream.indirect.gather [spmem:s3], $0x80, s29, s24, $0xb8;
	[tilespmem:$0x1DB80] =	vst v63  }
0x3b: {  	_ =	swait.ge [sflag:s0], $0x2800  }
0x3c: {  	s11 =	smul.u32 $0xA0, s9;
	p1 =	seq.s32 s9, $0x3F;
	[sflag:s0] =	ssyncset.done $0x0  }
0x3d: {  	s13 =	simm.s32 @!p1 $0x0;
	p2 =	seq.s32 @!p1 s9, $0x0;
	[sflag:s0] =	ssyncadd.s32 $0xFFFFD800  }
0x3e: {  	s10 =	sadd.s32 @!p1 s11, s15;
	p2 =	por p1, !p2;
	_ =	swait.ge [sflag:s0], $0x2800  }
.Ltmp0:
0x3f: {  	s10 =	sshrl.u32 @!p1 s10, $0x3;
	[sflag:s0] =	ssyncset.done $0x0;
	(pc) =	sbr.rel @!p2 .LBB2_3-.Ltmp0, $4  }
0x40: {  	s17 =	simm.s32 @!p1 $0x13880;
	s12 =	sadd.s32 @!p1 s6, s10;
	[sflag:s0] =	ssyncadd.s32 $0xFFFFD800  }
0x41: {  	[tilespmem:s17], [sflag:$0x3] =	stream.linear.gather @!p1 [hbm4b:s12+s13], $0x50, $0x38;
	[tilespmem:$0x1DB80] =	vst v63  }
0x42: {  	s10 =	sadd.s32 @!p1 s2, s10;
	s12 =	simm.s32 @!p1 $0x13900  }
0x43: {  	[tilespmem:s12], [sflag:$0x3] =	stream.linear.gather @!p1 [hbm4b:s10+s13], $0x50, $0x38;
	[tilespmem:$0x1DB80] =	vst v63  }
.Ltmp1:
0x44: {  	(pc) =	sbr.rel .LBB2_5-.Ltmp1, $4  }
0x45: {  	_ = 	snop  }
0x46: {  	_ =	swait.ge [sflag:s21], $0x50  }
0x47: {  	[sflag:s21] =	ssyncset.done $0x0  }
0x48: {  	p2 =	por $0x0, $0x0;
	[sflag:s21] =	ssyncadd.s32 $0xFFFFFFB0  }
.LBB2_3:
0x49: {  	p2 =	por @!p1 $0x1, $0x1  }
.LBB2_5:
0x4a: {  	s10 =	sadd.s32 s11, s14;
	s12 =	simm.s32 $0x0  }
.LBB2_6:
0x4b: {  	s13 =	sshll.u32 s12, $0x7  }
0x4c: {  	v61 =	vld [tilespmem:s13+$0x13A80]  }
0x4d: {  	v17 =	vld [tilespmem:s13+$0x16280]  }
0x4e: {  	v14 =	vld [tilespmem:s13+$0x13A90]  }
0x4f: {  	v13 =	vld [tilespmem:s13+$0x16290]  }
0x50: {  	v46 =	vld [tilespmem:s13+$0x13AA0]  }
0x51: {  	v20 =	vld [tilespmem:s13+$0x162A0]  }
0x52: {  	v57 =	vld [tilespmem:s13+$0x13AB0]  }
0x53: {  	v27 =	vld [tilespmem:s13+$0x162B0]  }
0x54: {  	v51 =	vld [tilespmem:s13+$0x13AC0]  }
0x55: {  	v33 =	vld [tilespmem:s13+$0x162C0]  }
0x56: {  	v0 =	vld [tilespmem:s13+$0x13AD0]  }
0x57: {  	v62 =	vld [tilespmem:s13+$0x162D0]  }
0x58: {  	v1 =	vld [tilespmem:s13+$0x13AE0]  }
0x59: {  	v10 =	vld [tilespmem:s13+$0x162E0]  }
0x5a: {  	v11 =	vld [tilespmem:s13+$0x13AF0]  }
0x5b: {  	v12 =	vld [tilespmem:s13+$0x162F0]  }
0x5c: {  	v7 =	vld [tilespmem:s13+$0x13B00]  }
0x5d: {  	v4 =	vld [tilespmem:s13+$0x16300]  }
0x5e: {  	v2 =	vld [tilespmem:s13+$0x13B10]  }
0x5f: {  	v9 =	vld [tilespmem:s13+$0x16320]  }
0x60: {  	v26 =	vld [tilespmem:s13+$0x13B30]  }
0x61: {  	v25 =	vld [tilespmem:s13+$0x16330]  }
0x62: {  	v34 =	vld [tilespmem:s13+$0x13B40]  }
0x63: {  	v3 =	vld [tilespmem:s13+$0x13B60]  }
0x64: {  	v15 =	vld [tilespmem:s13+$0x16360];
	[tilespmem:$0x1F850] =	vst v1  }
0x65: {  	v32 =	vld [tilespmem:s13+$0x16340];
	[tilespmem:$0x1F860] =	vst v10  }
0x66: {  	v53 =	vld [tilespmem:s13+$0x13B50];
	[tilespmem:$0x1F870] =	vst v11  }
0x67: {  	v45 =	vld [tilespmem:s13+$0x16350];
	[tilespmem:$0x1F880] =	vst v12  }
0x68: {  	v1 =	vld [tilespmem:s13+$0x16310];
	[tilespmem:$0x1F890] =	vst v3  }
0x69: {  	v10 =	vld [tilespmem:s13+$0x13B20];
	[tilespmem:$0x1F8A0] =	vst v15  }
0x6a: {  	v63 =	vld [tilespmem:s13+$0x16520];
	_ =	sdelay $0x4  }
0x6b: {  	[tilespmem:$0x1FA10] =	vst v63;
	v63 =	vld [tilespmem:s13+$0x13D60];
	_ =	sdelay $0x4  }
0x6c: {  	[tilespmem:$0x1FB30] =	vst v63;
	v63 =	vld [tilespmem:s13+$0x13DC0];
	_ =	sdelay $0x4  }
0x6d: {  	[tilespmem:$0x1FAF0] =	vst v63;
	v63 =	vld [tilespmem:s13+$0x13DE0];
	_ =	sdelay $0x4  }
0x6e: {  	[tilespmem:$0x1FBB0] =	vst v63;
	v63 =	vld [tilespmem:s13+$0x13E20];
	_ =	sdelay $0x4  }
0x6f: {  	[tilespmem:$0x1FB10] =	vst v63;
	v63 =	vld [tilespmem:s13+$0x16620];
	_ =	sdelay $0x1  }
0x70: {  	v3 =	vld [tilespmem:s13+$0x13B70]  }
0x71: {  	v16 =	vld [tilespmem:s13+$0x16370]  }
0x72: {  	v22 =	vld [tilespmem:s13+$0x13B80]  }
0x73: {  	[tilespmem:$0x1FB20] =	vst v63;
	v63 =	vld [tilespmem:s13+$0x13E30]  }
0x74: {  	v15 =	vld [tilespmem:s13+$0x16380]  }
0x75: {  	v11 =	vld [tilespmem:s13+$0x16390]  }
0x76: {  	v31 =	vld [tilespmem:s13+$0x13BA0]  }
0x77: {  	v28 =	vld [tilespmem:s13+$0x163A0]  }
0x78: {  	[tilespmem:$0x1FB70] =	vst v63;
	v63 =	vld [tilespmem:s13+$0x16630]  }
0x79: {  	v54 =	vld [tilespmem:s13+$0x13BB0]  }
0x7a: {  	v42 =	vld [tilespmem:s13+$0x163B0]  }
0x7b: {  	v18 =	vld [tilespmem:s13+$0x13BC0]  }
0x7c: {  	v19 =	vld [tilespmem:s13+$0x163C0]  }
0x7d: {  	[tilespmem:$0x1FB80] =	vst v63;
	v63 =	vld [tilespmem:s13+$0x13E40]  }
0x7e: {  	v21 =	vld [tilespmem:s13+$0x13BD0]  }
0x7f: {  	v23 =	vld [tilespmem:s13+$0x163D0]  }
0x80: {  	v24 =	vld [tilespmem:s13+$0x13BE0]  }
0x81: {  	v29 =	vld [tilespmem:s13+$0x163E0]  }
0x82: {  	[tilespmem:$0x1FBD0] =	vst v63;
	v63 =	vld [tilespmem:s13+$0x16640]  }
0x83: {  	v30 =	vld [tilespmem:s13+$0x13BF0]  }
0x84: {  	v35 =	vld [tilespmem:s13+$0x163F0]  }
0x85: {  	v8 =	vld [tilespmem:s13+$0x13C00]  }
0x86: {  	v5 =	vld [tilespmem:s13+$0x16400]  }
0x87: {  	[tilespmem:$0x1FBE0] =	vst v63;
	v63 =	vld [tilespmem:s13+$0x13E50]  }
0x88: {  	v6 =	vld [tilespmem:s13+$0x13C10]  }
0x89: {  	v38 =	vld [tilespmem:s13+$0x13C30]  }
0x8a: {  	v12 =	vld [tilespmem:s13+$0x13C40]  }
0x8b: {  	v56 =	vld [tilespmem:s13+$0x16440]  }
0x8c: {  	[tilespmem:$0x1FC30] =	vst v63;
	v63 =	vld [tilespmem:s13+$0x16650]  }
0x8d: {  	v36 =	vld [tilespmem:s13+$0x13C50]  }
0x8e: {  	v37 =	vld [tilespmem:s13+$0x16450]  }
0x8f: {  	v39 =	vld [tilespmem:s13+$0x13C60]  }
0x90: {  	v40 =	vld [tilespmem:s13+$0x16460]  }
0x91: {  	[tilespmem:$0x1FC40] =	vst v63;
	v63 =	vld [tilespmem:s13+$0x13E60]  }
0x92: {  	v41 =	vld [tilespmem:s13+$0x13C70]  }
0x93: {  	v43 =	vld [tilespmem:s13+$0x16470]  }
0x94: {  	v55 =	vld [tilespmem:s13+$0x13CB0]  }
0x95: {  	v44 =	vld [tilespmem:s13+$0x164C0]  }
0x96: {  	[tilespmem:$0x1FC50] =	vst v63;
	v63 =	vld [tilespmem:s13+$0x16660]  }
0x97: {  	v48 =	vld [tilespmem:s13+$0x13CD0]  }
0x98: {  	v49 =	vld [tilespmem:s13+$0x164D0]  }
0x99: {  	v50 =	vld [tilespmem:s13+$0x13CE0]  }
0x9a: {  	v52 =	vld [tilespmem:s13+$0x164E0]  }
0x9b: {  	[tilespmem:$0x1FC60] =	vst v63;
	v63 =	vld [tilespmem:s13+$0x13E70]  }
0x9c: {  	v58 =	vld [tilespmem:s13+$0x13CF0]  }
0x9d: {  	v59 =	vld [tilespmem:s13+$0x164F0]  }
0x9e: {  	v60 =	vld [tilespmem:s13+$0x13D20]  }
0x9f: {  	v17 =	vmul.f32 v17, v61;
	v61 =	vld [tilespmem:s13+$0x14000]  }
0xa0: {  	[tilespmem:$0x1FD30] =	vst v63;
	v63 =	vld [tilespmem:s13+$0x16670]  }
0xa1: {  	v13 =	vmul.f32 v13, v14;
	v20 =	vmul.f32 v20, v46;
	v46 =	vld [tilespmem:s13+$0x16810]  }
0xa2: {  	v27 =	vmul.f32 v27, v57;
	v57 =	vld [tilespmem:s13+$0x16820]  }
0xa3: {  	v13 =	vadd.f32 v13, v17;
	v17 =	vmul.f32 v33, v51;
	v51 =	vld [tilespmem:s13+$0x16830]  }
0xa4: {  	v33 =	vmul.f32 v25, v26;
	v26 =	vld [tilespmem:s13+$0x14060]  }
0xa5: {  	[tilespmem:$0x1FD40] =	vst v63;
	v63 =	vld [tilespmem:s13+$0x13E80]  }
0xa6: {  	v13 =	vadd.f32 v20, v13;
	v20 =	vmul.f32 v9, v10;
	v9 =	vld [tilespmem:s13+$0x14050]  }
0xa7: {  	v10 =	vld [tilespmem:$0x1F850]  }
0xa8: {  	[tilespmem:$0x1F900] =	vst v16;
	v16 =	vld [tilespmem:s13+$0x13B90]  }
0xa9: {  	[tilespmem:$0x1F8F0] =	vst v3;
	v3 =	vld [tilespmem:s13+$0x16410]  }
0xaa: {  	[tilespmem:$0x1FBF0] =	vst v63;
	v63 =	vld [tilespmem:s13+$0x16680]  }
0xab: {  	[tilespmem:$0x1F920] =	vst v24;
	v24 =	vld [tilespmem:s13+$0x13C20]  }
0xac: {  	[tilespmem:$0x1F8D0] =	vst v21;
	v21 =	vld [tilespmem:s13+$0x16420]  }
0xad: {  	[tilespmem:$0x1F970] =	vst v35;
	v35 =	vld [tilespmem:s13+$0x16430]  }
0xae: {  	[tilespmem:$0x1F8E0] =	vst v23;
	v23 =	vld [tilespmem:s13+$0x13C80]  }
0xaf: {  	[tilespmem:$0x1FC00] =	vst v63;
	v63 =	vld [tilespmem:s13+$0x13E90]  }
0xb0: {  	[tilespmem:$0x1F8B0] =	vst v18;
	v18 =	vld [tilespmem:s13+$0x16480]  }
0xb1: {  	[tilespmem:$0x1F8C0] =	vst v19;
	v19 =	vld [tilespmem:s13+$0x13C90]  }
0xb2: {  	[tilespmem:$0x1F910] =	vst v12;
	v12 =	vld [tilespmem:s13+$0x16490]  }
0xb3: {  	[tilespmem:$0x1F960] =	vst v30;
	v30 =	vld [tilespmem:s13+$0x13CA0]  }
0xb4: {  	[tilespmem:$0x1FC10] =	vst v63;
	v63 =	vld [tilespmem:s13+$0x16690]  }
0xb5: {  	[tilespmem:$0x1F930] =	vst v29;
	v29 =	vld [tilespmem:s13+$0x164A0]  }
0xb6: {  	[tilespmem:$0x1F9E0] =	vst v41;
	v41 =	vld [tilespmem:s13+$0x164B0]  }
0xb7: {  	[tilespmem:$0x1F940] =	vst v36;
	v36 =	vld [tilespmem:s13+$0x13CC0]  }
0xb8: {  	[tilespmem:$0x1FAD0] =	vst v58;
	v58 =	vld [tilespmem:s13+$0x13D00]  }
0xb9: {  	[tilespmem:$0x1FC20] =	vst v63;
	v63 =	vld [tilespmem:s13+$0x13EA0]  }
0xba: {  	[tilespmem:$0x1F9C0] =	vst v48;
	v48 =	vld [tilespmem:s13+$0x16500]  }
0xbb: {  	[tilespmem:$0x1F9D0] =	vst v49;
	v49 =	vld [tilespmem:s13+$0x13D10]  }
0xbc: {  	[tilespmem:$0x1F9F0] =	vst v43;
	v43 =	vld [tilespmem:s13+$0x16510]  }
0xbd: {  	[tilespmem:$0x1F990] =	vst v40;
	v40 =	vld [tilespmem:s13+$0x13D30]  }
0xbe: {  	[tilespmem:$0x1FC70] =	vst v63;
	v63 =	vld [tilespmem:s13+$0x166A0]  }
0xbf: {  	[tilespmem:$0x1F9B0] =	vst v44;
	v44 =	vld [tilespmem:s13+$0x16530]  }
0xc0: {  	[tilespmem:$0x1FA20] =	vst v50;
	v50 =	vld [tilespmem:s13+$0x13D40]  }
0xc1: {  	[tilespmem:$0x1FA30] =	vst v52;
	v52 =	vld [tilespmem:s13+$0x16540]  }
0xc2: {  	[tilespmem:$0x1FAE0] =	vst v59;
	v59 =	vld [tilespmem:s13+$0x13D50]  }
0xc3: {  	[tilespmem:$0x1FC80] =	vst v63;
	v63 =	vld [tilespmem:s13+$0x13EB0]  }
0xc4: {  	[tilespmem:$0x1FA00] =	vst v60;
	v60 =	vld [tilespmem:s13+$0x16550]  }
0xc5: {  	[tilespmem:$0x1F980] =	vst v39;
	v39 =	vld [tilespmem:s13+$0x16580]  }
0xc6: {  	[tilespmem:$0x1F950] =	vst v37;
	v37 =	vld [tilespmem:s13+$0x13D90]  }
0xc7: {  	[tilespmem:$0x1FE70] =	vst v61;
	v61 =	vld [tilespmem:s13+$0x14010]  }
0xc8: {  	[tilespmem:$0x1FCF0] =	vst v63;
	v63 =	vld [tilespmem:s13+$0x166B0]  }
0xc9: {  	v14 =	vadd.f32 v27, v13;
	v27 =	vmul.f32 v62, v0;
	v62 =	vld [tilespmem:s13+$0x14040]  }
0xca: {  	v13 =	vld [tilespmem:$0x1F860]  }
0xcb: {  	[tilespmem:$0x1FFB0] =	vst v26;
	v26 =	vld [tilespmem:$0x1F8B0]  }
0xcc: {  	v22 =	vmul.f32 v15, v22;
	v15 =	vmul.f32 v42, v54;
	v42 =	vld [tilespmem:$0x1F8F0]  }
0xcd: {  	[tilespmem:$0x1FD00] =	vst v63;
	v63 =	vld [tilespmem:s13+$0x13EC0]  }
0xce: {  	v54 =	vld [tilespmem:$0x1F910]  }
0xcf: {  	v4 =	vmul.f32 v4, v7;
	v1 =	vmul.f32 v1, v2;
	v2 =	vadd.f32 v17, v14;
	v14 =	vld [tilespmem:s13+$0x16840]  }
0xd0: {  	v17 =	vmul.f32 v32, v34;
	v32 =	vld [tilespmem:$0x1F870]  }
0xd1: {  	v1 =	vadd.f32 v1, v4;
	v34 =	vmul.f32 v28, v31;
	v31 =	vld [tilespmem:$0x1F8D0]  }
0xd2: {  	[tilespmem:$0x1FD50] =	vst v63;
	v63 =	vld [tilespmem:s13+$0x166C0]  }
0xd3: {  	v1 =	vadd.f32 v20, v1;
	v20 =	vld [tilespmem:s13+$0x16850]  }
0xd4: {  	v2 =	vadd.f32 v27, v2;
	v27 =	vmul.f32 v45, v53;
	v45 =	vld [tilespmem:s13+$0x14070]  }
0xd5: {  	v53 =	vmul.f32 v5, v8;
	v8 =	vld [tilespmem:$0x1F890]  }
0xd6: {  	[tilespmem:$0x1FA40] =	vst v40;
	v40 =	vld [tilespmem:s13+$0x16560]  }
0xd7: {  	[tilespmem:$0x1FD60] =	vst v63;
	v63 =	vld [tilespmem:s13+$0x13ED0]  }
0xd8: {  	[tilespmem:$0x1FA50] =	vst v44;
	v44 =	vld [tilespmem:s13+$0x13D70]  }
0xd9: {  	[tilespmem:$0x1FA70] =	vst v50;
	v50 =	vld [tilespmem:s13+$0x16570]  }
0xda: {  	[tilespmem:$0x1F9A0] =	vst v36;
	v36 =	vld [tilespmem:s13+$0x16590]  }
0xdb: {  	[tilespmem:$0x1FA90] =	vst v59;
	v59 =	vld [tilespmem:s13+$0x165A0]  }
0xdc: {  	[tilespmem:$0x1FD90] =	vst v63;
	v63 =	vld [tilespmem:s13+$0x166D0]  }
0xdd: {  	[tilespmem:$0x1FA80] =	vst v52;
	v52 =	vld [tilespmem:s13+$0x13DB0]  }
0xde: {  	[tilespmem:$0x1FAA0] =	vst v60;
	v60 =	vld [tilespmem:s13+$0x165B0]  }
0xdf: {  	v25 =	vmul.f32 v11, v16;
	v16 =	vld [tilespmem:s13+$0x16860]  }
0xe0: {  	v1 =	vadd.f32 v33, v1;
	v33 =	vld [tilespmem:$0x1F880]  }
0xe1: {  	[tilespmem:$0x1FDA0] =	vst v63;
	v63 =	vld [tilespmem:s13+$0x13EE0]  }
0xe2: {  	v3 =	vmul.f32 v3, v6;
	v6 =	vld [tilespmem:s13+$0x16870]  }
0xe3: {  	v11 =	vld [tilespmem:$0x1F8A0]  }
0xe4: {  	v7 =	vmul.f32 v13, v10;
	v10 =	vld [tilespmem:s13+$0x14080]  }
0xe5: {  	v24 =	vmul.f32 v21, v24;
	v21 =	vmul.f32 v29, v30;
	v29 =	vld [tilespmem:$0x1F960]  }
0xe6: {  	[tilespmem:$0x1FDB0] =	vst v63;
	v63 =	vld [tilespmem:s13+$0x166E0]  }
0xe7: {  	v30 =	vld [tilespmem:$0x1F970];
	v1 =	vadd.f32 v17, v1  }
0xe8: {  	v56 =	vmul.f32 v56, v54;
	v54 =	vld [tilespmem:$0x1FA10]  }
0xe9: {  	[tilespmem:$0x1FF60] =	vst v9;
	v1 =	vadd.f32 v27, v1;
	v27 =	vld [tilespmem:$0x1F8C0]  }
0xea: {  	v9 =	vadd.f32 v25, v22;
	[tilespmem:$0x1FFC0] =	vst v45;
	v45 =	vld [tilespmem:$0x1F900]  }
0xeb: {  	[tilespmem:$0x1FDC0] =	vst v63;
	v63 =	vld [tilespmem:s13+$0x13EF0]  }
0xec: {  	v13 =	vadd.f32 v34, v9;
	v34 =	vmul.f32 v35, v38;
	v35 =	vmul.f32 v18, v23;
	v18 =	vld [tilespmem:s13+$0x168A0]  }
0xed: {  	v38 =	vmul.f32 v12, v19;
	v12 =	vld [tilespmem:s13+$0x140B0]  }
0xee: {  	v23 =	vld [tilespmem:$0x1F930]  }
0xef: {  	v19 =	vld [tilespmem:s13+$0x168B0]  }
0xf0: {  	[tilespmem:$0x1FDF0] =	vst v63;
	v63 =	vld [tilespmem:s13+$0x166F0]  }
0xf1: {  	[tilespmem:$0x1FB40] =	vst v40;
	v40 =	vld [tilespmem:s13+$0x13D80]  }
0xf2: {  	[tilespmem:$0x1FB90] =	vst v44;
	v44 =	vld [tilespmem:s13+$0x13DA0]  }
0xf3: {  	[tilespmem:$0x1FBA0] =	vst v50;
	v50 =	vld [tilespmem:s13+$0x165C0]  }
0xf4: {  	[tilespmem:$0x1FAB0] =	vst v52;
	v52 =	vld [tilespmem:s13+$0x13DD0]  }
0xf5: {  	[tilespmem:$0x1FE00] =	vst v63;
	v63 =	vld [tilespmem:s13+$0x13F00]  }
0xf6: {  	[tilespmem:$0x1FAC0] =	vst v60;
	v60 =	vld [tilespmem:s13+$0x165D0]  }
0xf7: {  	v5 =	vmul.f32 v11, v8;
	v11 =	vld [tilespmem:s13+$0x16880]  }
0xf8: {  	v2 =	vadd.f32 v7, v2;
	v7 =	vmul.f32 v33, v32;
	v32 =	vld [tilespmem:$0x1F8E0]  }
0xf9: {  	v8 =	vld [tilespmem:s13+$0x140A0]  }
0xfa: {  	[tilespmem:$0x1FC90] =	vst v63;
	v63 =	vld [tilespmem:s13+$0x16700]  }
0xfb: {  	v25 =	vadd.f32 v15, v13;
	v15 =	vld [tilespmem:s13+$0x14090]  }
0xfc: {  	v13 =	vld [tilespmem:s13+$0x140C0]  }
0xfd: {  	[tilespmem:$0x1FFD0] =	vst v6;
	v6 =	vadd.f32 v38, v35;
	v35 =	vld [tilespmem:$0x1F9B0]  }
0xfe: {  	v22 =	vadd.f32 v3, v53;
	v1 =	vadd.f32 v5, v1;
	v5 =	vld [tilespmem:s13+$0x16890]  }
0xff: {  	[tilespmem:$0x1FCA0] =	vst v63;
	v63 =	vld [tilespmem:s13+$0x13F10]  }
0x100: {  	v17 =	vadd.f32 v7, v2;
	v2 =	vadd.f32 v24, v22;
	v22 =	vld [tilespmem:$0x1F920]  }
0x101: {  	v7 =	vmul.f32 v30, v29;
	v30 =	vld [tilespmem:s13+$0x14100]  }
0x102: {  	v29 =	vld [tilespmem:s13+$0x14150]  }
0x103: {  	v28 =	vmul.f32 v27, v26;
	v26 =	vld [tilespmem:$0x1F950]  }
0x104: {  	[tilespmem:$0x1FCB0] =	vst v63;
	v63 =	vld [tilespmem:s13+$0x16710]  }
0x105: {  	v27 =	vadd.f32 v21, v6;
	v21 =	vld [tilespmem:s13+$0x168C0]  }
0x106: {  	v2 =	vadd.f32 v34, v2;
	v34 =	vld [tilespmem:$0x1F9A0]  }
0x107: {  	[tilespmem:$0x1FFE0] =	vst v17;
	v17 =	vld [tilespmem:s13+$0x140D0]  }
0x108: {  	v53 =	vmul.f32 v45, v42;
	v42 =	vmul.f32 v43, v49;
	v43 =	vld [tilespmem:$0x1F9C0]  }
0x109: {  	[tilespmem:$0x1FCC0] =	vst v63;
	v63 =	vld [tilespmem:s13+$0x13F20]  }
0x10a: {  	v45 =	vld [tilespmem:$0x1F9D0]  }
0x10b: {  	v49 =	vld [tilespmem:$0x1F9F0]  }
0x10c: {  	[tilespmem:$0x1FB00] =	vst v50;
	v50 =	vld [tilespmem:s13+$0x165E0]  }
0x10d: {  	[tilespmem:$0x1FB50] =	vst v52;
	v52 =	vld [tilespmem:s13+$0x13DF0]  }
0x10e: {  	[tilespmem:$0x1FD10] =	vst v63;
	v63 =	vld [tilespmem:s13+$0x16720]  }
0x10f: {  	[tilespmem:$0x1FB60] =	vst v60;
	v60 =	vld [tilespmem:s13+$0x165F0]  }
0x110: {  	[tilespmem:$0x1FA60] =	vst v44;
	v44 =	vld [tilespmem:s13+$0x16610]  }
0x111: {  	v33 =	vmul.f32 v32, v31;
	v31 =	vld [tilespmem:$0x1F980]  }
0x112: {  	v32 =	vld [tilespmem:$0x1F990]  }
0x113: {  	[tilespmem:$0x1FD20] =	vst v63;
	v63 =	vld [tilespmem:s13+$0x13F30]  }
0x114: {  	v10 =	vmul.f32 v11, v10;
	v11 =	vld [tilespmem:s13+$0x169E0]  }
0x115: {  	v4 =	vadd.f32 v28, v25;
	v25 =	vld [tilespmem:$0x1F940]  }
0x116: {  	v28 =	vmul.f32 v41, v55;
	v41 =	vmul.f32 v48, v58;
	v48 =	vld [tilespmem:$0x1F9E0]  }
0x117: {  	v9 =	vadd.f32 v53, v1;
	v53 =	vld [tilespmem:$0x1FA00]  }
0x118: {  	[tilespmem:$0x1FD70] =	vst v63;
	v63 =	vld [tilespmem:s13+$0x16730]  }
0x119: {  	v24 =	vmul.f32 v23, v22;
	v22 =	vld [tilespmem:s13+$0x168D0]  }
0x11a: {  	v1 =	vadd.f32 v28, v27;
	v28 =	vld [tilespmem:s13+$0x16960]  }
0x11b: {  	v38 =	vmul.f32 v35, v34;
	v34 =	vld [tilespmem:$0x1FA20]  }
0x11c: {  	v5 =	vmul.f32 v5, v15;
	v35 =	vld [tilespmem:$0x1FA30]  }
0x11d: {  	[tilespmem:$0x1FD80] =	vst v63;
	v63 =	vld [tilespmem:s13+$0x13F40]  }
0x11e: {  	v5 =	vadd.f32 v5, v10;
	v10 =	vld [tilespmem:s13+$0x169F0]  }
0x11f: {  	[tilespmem:$0x1FCE0] =	vst v60;
	v60 =	vld [tilespmem:s13+$0x13E00]  }
0x120: {  	[tilespmem:$0x1FBC0] =	vst v50;
	v50 =	vld [tilespmem:s13+$0x16600]  }
0x121: {  	[tilespmem:$0x1FCD0] =	vst v52;
	v52 =	vld [tilespmem:s13+$0x13E10]  }
0x122: {  	v4 =	vadd.f32 v33, v4;
	[tilespmem:$0x1FDD0] =	vst v63;
	v63 =	vld [tilespmem:s13+$0x16740]  }
0x123: {  	v33 =	vmul.f32 v32, v31;
	v32 =	vmul.f32 v36, v37;
	v37 =	vld [tilespmem:$0x1FA40]  }
0x124: {  	v4 =	vadd.f32 v24, v4;
	v24 =	vadd.f32 v42, v41;
	v41 =	vld [tilespmem:$0x1FA60]  }
0x125: {  	v31 =	vld [tilespmem:s13+$0x16950]  }
0x126: {  	v1 =	vadd.f32 v38, v1;
	v38 =	vld [tilespmem:$0x1FA50]  }
0x127: {  	[tilespmem:$0x1FDE0] =	vst v63;
	v63 =	vld [tilespmem:s13+$0x13F50]  }
0x128: {  	v58 =	vmul.f32 v39, v40;
	v6 =	vmul.f32 v49, v48;
	v49 =	vld [tilespmem:$0x1FA90]  }
0x129: {  	v2 =	vadd.f32 v56, v2;
	v3 =	vmul.f32 v26, v25;
	v55 =	vmul.f32 v54, v53;
	v53 =	vld [tilespmem:$0x1FAA0]  }
0x12a: {  	v40 =	vadd.f32 v32, v58;
	v32 =	vld [tilespmem:s13+$0x16900]  }
0x12b: {  	v2 =	vadd.f32 v3, v2;
	v3 =	vadd.f32 v7, v4;
	v4 =	vld [tilespmem:s13+$0x140E0]  }
0x12c: {  	[tilespmem:$0x1FE10] =	vst v63;
	v63 =	vld [tilespmem:s13+$0x16750]  }
0x12d: {  	v7 =	vld [tilespmem:s13+$0x168E0]  }
0x12e: {  	v24 =	vadd.f32 v55, v24;
	v55 =	vld [tilespmem:$0x1FAB0]  }
0x12f: {  	v36 =	vmul.f32 v35, v34;
	v34 =	vld [tilespmem:s13+$0x14110]  }
0x130: {  	v35 =	vld [tilespmem:s13+$0x16910]  }
0x131: {  	[tilespmem:$0x1FE20] =	vst v63;
	v63 =	vld [tilespmem:s13+$0x13F60]  }
0x132: {  	v23 =	vadd.f32 v33, v2;
	v33 =	vld [tilespmem:s13+$0x140F0]  }
0x133: {  	v2 =	vmul.f32 v45, v43;
	v43 =	vld [tilespmem:$0x1FA70]  }
0x134: {  	v45 =	vld [tilespmem:$0x1FA80]  }
0x135: {  	v42 =	vmul.f32 v59, v41;
	v59 =	vmul.f32 v50, v60;
	v50 =	vld [tilespmem:$0x1FB30]  }
0x136: {  	[tilespmem:$0x1FEB0] =	vst v63;
	v63 =	vld [tilespmem:s13+$0x16760]  }
0x137: {  	v60 =	vmul.f32 v44, v52;
	v52 =	vld [tilespmem:$0x1FB40]  }
0x138: {  	v39 =	vmul.f32 v38, v37;
	v37 =	vld [tilespmem:s13+$0x16920]  }
0x139: {  	v38 =	vld [tilespmem:s13+$0x14130]  }
0x13a: {  	v56 =	vadd.f32 v2, v1;
	v1 =	vld [tilespmem:s13+$0x168F0]  }
0x13b: {  	[tilespmem:$0x1FEC0] =	vst v63;
	v63 =	vld [tilespmem:s13+$0x13F70]  }
0x13c: {  	v6 =	vadd.f32 v6, v23;
	v23 =	vadd.f32 v42, v40;
	v40 =	vld [tilespmem:$0x1FAE0]  }
0x13d: {  	v42 =	vld [tilespmem:$0x1FAF0]  }
0x13e: {  	v24 =	vadd.f32 v39, v24;
	v39 =	vld [tilespmem:$0x1FAD0]  }
0x13f: {  	v26 =	vadd.f32 v36, v56;
	v56 =	vld [tilespmem:$0x1FAC0]  }
0x140: {  	[tilespmem:$0x1FF00] =	vst v63;
	v63 =	vld [tilespmem:s13+$0x16770]  }
0x141: {  	v36 =	vld [tilespmem:s13+$0x14120]  }
0x142: {  	v48 =	vmul.f32 v45, v43;
	v43 =	vld [tilespmem:$0x1FB00]  }
0x143: {  	v45 =	vld [tilespmem:$0x1FB10]  }
0x144: {  	[tilespmem:$0x1FFF0] =	vst v33;
	v33 =	vld [tilespmem:s13+$0x14140]  }
0x145: {  	[tilespmem:$0x1FF10] =	vst v63;
	v63 =	vld [tilespmem:s13+$0x13F80]  }
0x146: {  	v24 =	vadd.f32 v48, v24;
	v48 =	vld [tilespmem:$0x1FB20]  }
0x147: {  	v54 =	vmul.f32 v53, v49;
	v41 =	vmul.f32 v40, v39;
	v39 =	vld [tilespmem:s13+$0x16930]  }
0x148: {  	v40 =	vld [tilespmem:s13+$0x16940]  }
0x149: {  	v24 =	vadd.f32 v54, v24;
	v54 =	vld [tilespmem:$0x1FB50]  }
0x14a: {  	[tilespmem:$0x1FE30] =	vst v63;
	v63 =	vld [tilespmem:s13+$0x16780]  }
0x14b: {  	v58 =	vmul.f32 v56, v55;
	v55 =	vld [tilespmem:$0x1FB60]  }
0x14c: {  	v44 =	vmul.f32 v43, v42;
	v42 =	vld [tilespmem:$0x1FB90]  }
0x14d: {  	v43 =	vld [tilespmem:$0x1FBA0]  }
0x14e: {  	v23 =	vadd.f32 v58, v23;
	v58 =	vld [tilespmem:$0x1FB70]  }
0x14f: {  	[tilespmem:$0x1FE40] =	vst v63;
	v63 =	vld [tilespmem:s13+$0x13F90]  }
0x150: {  	v25 =	vadd.f32 v60, v59;
	v59 =	vld [tilespmem:$0x1FB80]  }
0x151: {  	v49 =	vmul.f32 v48, v45;
	v45 =	vld [tilespmem:$0x1FBB0]  }
0x152: {  	v53 =	vmul.f32 v52, v50;
	v48 =	vld [tilespmem:$0x1FBC0]  }
0x153: {  	v50 =	vld [tilespmem:$0x1FBD0]  }
0x154: {  	v24 =	vadd.f32 v53, v24;
	v27 =	vadd.f32 v44, v23;
	v44 =	vmul.f32 v43, v42;
	[tilespmem:$0x1FE50] =	vst v63;
	v63 =	vld [tilespmem:s13+$0x16790]  }
0x155: {  	v52 =	vld [tilespmem:$0x1FBE0]  }
0x156: {  	v24 =	vadd.f32 v44, v24;
	v44 =	vld [tilespmem:$0x1FC30]  }
0x157: {  	v56 =	vmul.f32 v55, v54;
	v54 =	vld [tilespmem:$0x1FBF0]  }
0x158: {  	v55 =	vld [tilespmem:$0x1FC00]  }
0x159: {  	v25 =	vadd.f32 v49, v25;
	v60 =	vmul.f32 v59, v58;
	[tilespmem:$0x1FE60] =	vst v63;
	v63 =	vld [tilespmem:s13+$0x13FA0]  }
0x15a: {  	v58 =	vld [tilespmem:$0x1FC10]  }
0x15b: {  	v25 =	vadd.f32 v60, v25;
	v53 =	vmul.f32 v52, v50;
	v59 =	vld [tilespmem:$0x1FC20]  }
0x15c: {  	v52 =	vld [tilespmem:$0x1FC70]  }
0x15d: {  	v25 =	vadd.f32 v53, v25;
	v53 =	vld [tilespmem:$0x1FC80]  }
0x15e: {  	v27 =	vadd.f32 v56, v27;
	v49 =	vmul.f32 v48, v45;
	[tilespmem:$0x1FE90] =	vst v63;
	v63 =	vld [tilespmem:s13+$0x167A0]  }
0x15f: {  	v45 =	vld [tilespmem:$0x1FC40]  }
0x160: {  	v42 =	vadd.f32 v49, v27;
	v49 =	vld [tilespmem:$0x1FC50]  }
0x161: {  	v50 =	vld [tilespmem:$0x1FC60]  }
0x162: {  	v56 =	vmul.f32 v55, v54;
	v54 =	vmul.f32 v53, v52;
	v52 =	vld [tilespmem:$0x1FCD0]  }
0x163: {  	v60 =	vmul.f32 v59, v58;
	[tilespmem:$0x1FEA0] =	vst v63;
	v63 =	vld [tilespmem:s13+$0x13FB0]  }
0x164: {  	v48 =	vmul.f32 v45, v44;
	v53 =	vld [tilespmem:$0x1FCE0]  }
0x165: {  	v23 =	vadd.f32 v41, v26;
	v27 =	vld [tilespmem:s13+$0x14160];
	v41 =	vadd.f32 v60, v56  }
0x166: {  	v26 =	vadd.f32 v48, v25;
	v25 =	vld [tilespmem:s13+$0x14170]  }
0x167: {  	v41 =	vadd.f32 v54, v41;
	v54 =	vld [tilespmem:$0x1FCF0]  }
0x168: {  	[tilespmem:$0x1FEE0] =	vst v63;
	v63 =	vld [tilespmem:s13+$0x167B0]  }
0x169: {  	v43 =	vmul.f32 v50, v49;
	v49 =	vmul.f32 v53, v52;
	v52 =	vld [tilespmem:$0x1FD30]  }
0x16a: {  	v53 =	vld [tilespmem:$0x1FD40]  }
0x16b: {  	v55 =	vld [tilespmem:$0x1FC90]  }
0x16c: {  	v56 =	vld [tilespmem:$0x1FCA0]  }
0x16d: {  	[tilespmem:$0x1FEF0] =	vst v63;
	v63 =	vld [tilespmem:s13+$0x13FC0]  }
0x16e: {  	v58 =	vld [tilespmem:$0x1FCB0]  }
0x16f: {  	v59 =	vld [tilespmem:$0x1FCC0]  }
0x170: {  	v42 =	vadd.f32 v49, v42;
	v49 =	vld [tilespmem:s13+$0x16980]  }
0x171: {  	v45 =	vmul.f32 v56, v55;
	v55 =	vld [tilespmem:$0x1FD00]  }
0x172: {  	[tilespmem:$0x1FF20] =	vst v63;
	v63 =	vld [tilespmem:s13+$0x167C0]  }
0x173: {  	v50 =	vmul.f32 v53, v52;
	v52 =	vld [tilespmem:s13+$0x14180]  }
0x174: {  	v60 =	vmul.f32 v59, v58;
	v58 =	vld [tilespmem:$0x1FD10]  }
0x175: {  	v59 =	vld [tilespmem:$0x1FD20]  }
0x176: {  	v56 =	vmul.f32 v55, v54;
	v54 =	vld [tilespmem:$0x1FD50]  }
0x177: {  	[tilespmem:$0x1FF30] =	vst v63;
	v63 =	vld [tilespmem:s13+$0x13FD0]  }
0x178: {  	v55 =	vld [tilespmem:$0x1FD60]  }
0x179: {  	v53 =	vld [tilespmem:$0x1FD90]  }
0x17a: {  	v45 =	vadd.f32 v60, v45;
	v60 =	vmul.f32 v59, v58;
	v58 =	vld [tilespmem:$0x1FD70]  }
0x17b: {  	v59 =	vld [tilespmem:$0x1FD80]  }
0x17c: {  	[tilespmem:$0x1FF40] =	vst v63;
	v63 =	vld [tilespmem:s13+$0x167D0]  }
0x17d: {  	v41 =	vadd.f32 v56, v41;
	v56 =	vmul.f32 v55, v54;
	v54 =	vld [tilespmem:$0x1FDA0]  }
0x17e: {  	v55 =	vld [tilespmem:$0x1FDB0]  }
0x17f: {  	v41 =	vadd.f32 v56, v41;
	v56 =	vld [tilespmem:$0x1FDC0]  }
0x180: {  	v45 =	vadd.f32 v60, v45;
	v60 =	vmul.f32 v59, v58;
	v58 =	vld [tilespmem:$0x1FDD0]  }
0x181: {  	v43 =	vadd.f32 v43, v26;
	[tilespmem:$0x1FF50] =	vst v63;
	v63 =	vld [tilespmem:s13+$0x13FE0]  }
0x182: {  	v59 =	vld [tilespmem:$0x1FDE0]  }
0x183: {  	v43 =	vadd.f32 v50, v43;
	v50 =	vld [tilespmem:s13+$0x14190]  }
0x184: {  	v44 =	vmul.f32 v54, v53;
	v53 =	vmul.f32 v56, v55;
	v55 =	vld [tilespmem:$0x1FDF0]  }
0x185: {  	v56 =	vld [tilespmem:$0x1FE00]  }
0x186: {  	[tilespmem:$0x1FF70] =	vst v63;
	v63 =	vld [tilespmem:s13+$0x167E0]  }
0x187: {  	v45 =	vadd.f32 v60, v45;
	v60 =	vmul.f32 v59, v58;
	v58 =	vld [tilespmem:$0x1FE10]  }
0x188: {  	v59 =	vld [tilespmem:$0x1FE20]  }
0x189: {  	v0 =	vld [tilespmem:$0x1FEB0]  }
0x18a: {  	v46 =	vmul.f32 v46, v61;
	v61 =	vld [tilespmem:$0x1FEC0]  }
0x18b: {  	[tilespmem:$0x1FF80] =	vst v63;
	v63 =	vld [tilespmem:s13+$0x13FF0]  }
0x18c: {  	v45 =	vadd.f32 v60, v45;
	v60 =	vld [tilespmem:$0x1FE30]  }
0x18d: {  	v48 =	vld [tilespmem:$0x1FE40]  }
0x18e: {  	v41 =	vadd.f32 v44, v41;
	v44 =	vmul.f32 v56, v55;
	v55 =	vmul.f32 v59, v58;
	v58 =	vld [tilespmem:$0x1FE50]  }
0x18f: {  	v59 =	vld [tilespmem:$0x1FE60]  }
0x190: {  	[tilespmem:$0x1FF90] =	vst v63;
	v63 =	vld [tilespmem:s13+$0x167F0]  }
0x191: {  	v54 =	vld [tilespmem:s13+$0x16990]  }
0x192: {  	v61 =	vmul.f32 v61, v0;
	v0 =	vld [tilespmem:$0x1FF00]  }
0x193: {  	v2 =	vld [tilespmem:$0x1FF10]  }
0x194: {  	v45 =	vadd.f32 v55, v45;
	v48 =	vmul.f32 v48, v60;
	v58 =	vmul.f32 v59, v58;
	v55 =	vld [tilespmem:$0x1FE90]  }
0x195: {  	[tilespmem:$0x1FFA0] =	vst v63;
	v63 =	vld [tilespmem:s13+$0x16800]  }
0x196: {  	v8 =	vmul.f32 v18, v8;
	v48 =	vadd.f32 v58, v48;
	v58 =	vld [tilespmem:$0x1FEA0]  }
0x197: {  	v26 =	vld [tilespmem:s13+$0x16970];
	v52 =	vmul.f32 v49, v52;
	v54 =	vmul.f32 v54, v50  }
0x198: {  	v5 =	vadd.f32 v8, v5;
	v56 =	vld [tilespmem:s13+$0x141A0]  }
0x199: {  	v8 =	vadd.f32 v54, v52;
	v52 =	vld [tilespmem:s13+$0x14260];
	v45 =	vadd.f32 v61, v45;
	v61 =	vmul.f32 v2, v0  }
0x19a: {  	[tilespmem:$0x1FE80] =	vst v63;
	v63 =	vld [tilespmem:s13+$0x14020]  }
0x19b: {  	v41 =	vadd.f32 v53, v41;
	v15 =	vadd.f32 v61, v45;
	v45 =	vld [tilespmem:s13+$0x141F0];
	v55 =	vmul.f32 v58, v55  }
0x19c: {  	v60 =	vld [tilespmem:$0x1FE70]  }
0x19d: {  	v41 =	vadd.f32 v44, v41;
	v44 =	vadd.f32 v55, v48;
	v48 =	vld [tilespmem:$0x1FEE0]  }
0x19e: {  	v55 =	vld [tilespmem:$0x1FEF0]  }
0x19f: {  	[tilespmem:$0x1FED0] =	vst v63;
	v63 =	vld [tilespmem:s13+$0x14030]  }
0x1a0: {  	v2 =	vld [tilespmem:$0x1FF30]  }
0x1a1: {  	v61 =	vld [tilespmem:$0x1FF70]  }
0x1a2: {  	v53 =	vld [tilespmem:$0x1FE80]  }
0x1a3: {  	v14 =	vmul.f32 v14, v62;
	v62 =	vld [tilespmem:$0x1FF80]  }
0x1a4: {  	v51 =	vmul.f32 v51, v63;
	v63 =	vld [tilespmem:$0x1FF20]  }
0x1a5: {  	v59 =	vld [tilespmem:s13+$0x169A0]  }
0x1a6: {  	v58 =	vld [tilespmem:s13+$0x169B0]  }
0x1a7: {  	v48 =	vmul.f32 v55, v48;
	v0 =	vld [tilespmem:$0x1FF40];
	v53 =	vmul.f32 v53, v60  }
0x1a8: {  	v18 =	vmul.f32 v62, v61;
	v61 =	vld [tilespmem:$0x1FFB0]  }
0x1a9: {  	v44 =	vadd.f32 v48, v44;
	v46 =	vadd.f32 v46, v53;
	v53 =	vld [tilespmem:$0x1FED0];
	v48 =	vmul.f32 v2, v63  }
0x1aa: {  	v2 =	vld [tilespmem:$0x1FF50]  }
0x1ab: {  	v44 =	vadd.f32 v48, v44;
	v48 =	vld [tilespmem:$0x1FF60]  }
0x1ac: {  	v55 =	vld [tilespmem:s13+$0x169C0]  }
0x1ad: {  	v62 =	vmul.f32 v19, v12;
	v12 =	vld [tilespmem:s13+$0x16A00]  }
0x1ae: {  	v19 =	vld [tilespmem:s13+$0x14230];
	v16 =	vmul.f32 v16, v61  }
0x1af: {  	v61 =	vmul.f32 v21, v13;
	v0 =	vmul.f32 v2, v0;
	v2 =	vld [tilespmem:$0x1FF90]  }
0x1b0: {  	v5 =	vadd.f32 v62, v5;
	v53 =	vmul.f32 v57, v53;
	v20 =	vmul.f32 v20, v48;
	v48 =	vld [tilespmem:$0x1FFA0]  }
0x1b1: {  	v36 =	vmul.f32 v37, v36;
	v62 =	vld [tilespmem:s13+$0x16A10]  }
0x1b2: {  	v37 =	vmul.f32 v22, v17;
	v21 =	vld [tilespmem:s13+$0x14220];
	v5 =	vadd.f32 v61, v5;
	v46 =	vadd.f32 v53, v46  }
0x1b3: {  	v61 =	vld [tilespmem:s13+$0x16A30]  }
0x1b4: {  	v5 =	vadd.f32 v37, v5;
	v37 =	vld [tilespmem:s13+$0x16A40];
	v46 =	vadd.f32 v51, v46  }
0x1b5: {  	v0 =	vadd.f32 v0, v44;
	v44 =	vmul.f32 v48, v2;
	v48 =	vmul.f32 v35, v34;
	v34 =	vld [tilespmem:$0x1FFC0]  }
0x1b6: {  	v35 =	vld [tilespmem:$0x1FFD0]  }
0x1b7: {  	v60 =	vld [tilespmem:s13+$0x141B0];
	v14 =	vadd.f32 v14, v46  }
0x1b8: {  	v46 =	vmul.f32 v32, v30;
	v30 =	vld [tilespmem:s13+$0x14210]  }
0x1b9: {  	v14 =	vadd.f32 v20, v14;
	v20 =	vld [tilespmem:s13+$0x14200]  }
0x1ba: {  	v57 =	vld [tilespmem:s13+$0x141C0];
	v0 =	vadd.f32 v18, v0  }
0x1bb: {  	v14 =	vadd.f32 v16, v14;
	v16 =	vmul.f32 v35, v34;
	v34 =	vld [tilespmem:$0x1FFE0]  }
0x1bc: {  	v0 =	vadd.f32 v44, v0;
	v44 =	vld [tilespmem:s13+$0x16A20]  }
0x1bd: {  	v53 =	vld [tilespmem:s13+$0x141D0];
	v18 =	vadd.f32 v48, v46  }
0x1be: {  	v63 =	vld [tilespmem:s13+$0x169D0];
	v13 =	vmul.f32 v62, v30;
	v12 =	vmul.f32 v12, v20  }
0x1bf: {  	v4 =	vmul.f32 v7, v4;
	v62 =	vld [tilespmem:s13+$0x14240];
	v46 =	vadd.f32 v36, v18;
	v36 =	vmul.f32 v59, v56  }
0x1c0: {  	v49 =	vmul.f32 v31, v29;
	v51 =	vld [tilespmem:s13+$0x141E0];
	v48 =	vmul.f32 v39, v38;
	v38 =	vadd.f32 v13, v12;
	(xrf2) =	vadd.scan.msk.f32 $0xffff, v34  }
0x1c1: {  	v35 =	vmul.f32 v40, v33;
	v40 =	vld [tilespmem:s13+$0x14250];
	v8 =	vadd.f32 v36, v8;
	v39 =	vmul.f32 v44, v21;
	(xrf2) =	vadd.scan.msk.f32 $0xffff, v9  }
0x1c2: {  	v14 =	vadd.f32 v16, v14;
	v16 =	vadd.f32 v48, v46;
	v46 =	vmul.f32 v58, v60;
	v48 =	vld [tilespmem:s13+$0x16A50];
	(xrf2) =	vadd.scan.msk.f32 $0xffff, v3  }
0x1c3: {  	v4 =	vadd.f32 v4, v5;
	v50 =	vmul.f32 v61, v19;
	v21 =	vld [tilespmem:$0x1FFF0];
	v7 =	vadd.f32 v39, v38;
	(xrf2) =	vadd.scan.msk.f32 $0xffff, v6  }
0x1c4: {  	v56 =	vmul.f32 v55, v57;
	v57 =	vld [tilespmem:s13+$0x16A60];
	v59 =	vmul.f32 v37, v62;
	v54 =	vadd.f32 v46, v8;
	(xrf2) =	vadd.scan.msk.f32 $0xffff, v23  }
0x1c5: {  	v62 =	vmul.f32 v63, v53;
	v63 =	vld [tilespmem:s13+$0x16A70];
	v44 =	vadd.f32 v35, v16;
	v58 =	vadd.f32 v50, v7;
	(xrf2) =	vadd.scan.msk.f32 $0xffff, v24  }
0x1c6: {  	v61 =	vmul.f32 v28, v27;
	v27 =	vmul.f32 v26, v25;
	v60 =	vld [tilespmem:s13+$0x14270];
	v5 =	vadd.f32 v56, v54;
	(xrf2) =	vadd.scan.msk.f32 $0xffff, v42  }
0x1c7: {  	v3 =	vadd.f32 v49, v44;
	v22 =	vadd.f32 v59, v58;
	v23 =	vmul.f32 v48, v40;
	(xrf2) =	vadd.scan.msk.f32 $0xffff, v43  }
0x1c8: {  	v1 =	vmul.f32 v1, v21;
	v5 =	vadd.f32 v62, v5;
	v24 =	vmul.f32 v11, v51;
	(xrf2) =	vadd.scan.msk.f32 $0xffff, v41  }
0x1c9: {  	v28 =	vmul.f32 v57, v52;
	v3 =	vadd.f32 v61, v3;
	v2 =	vadd.f32 v23, v22;
	(xrf2) =	vadd.scan.msk.f32 $0xffff, v15  }
0x1ca: {  	v32 =	vmul.f32 v10, v45;
	v30 =	vadd.f32 v1, v4;
	v31 =	vadd.f32 v24, v5;
	v29, _, _ =	vpop (xrf2);
	(xrf2) =	vadd.scan.msk.f32 $0xffff, v0  }
0x1cb: {  	v34 =	vmul.f32 v63, v60;
	v3 =	vadd.f32 v27, v3;
	v2 =	vadd.f32 v28, v2;
	v33, _, _ =	vpop (xrf2);
	(xrf2) =	vadd.scan.msk.f32 $0xffff, v14  }
0x1cc: {  	v1 =	vadd.f32 v32, v31;
	v36 =	vperm.xlane v29, v47;
	v35, _, _ =	vpop (xrf2);
	(xrf2) =	vadd.scan.msk.f32 $0xffff, v30;
	v5 =	vperm.xlane v33, v47  }
0x1cd: {  	v2 =	vadd.f32 v34, v2;
	v37, _, _ =	vpop (xrf2);
	(xrf2) =	vadd.scan.msk.f32 $0xffff, v3;
	v38 =	vperm.xlane v35, v47  }
0x1ce: {  	v0 =	vsel vm0, v36, v5;
	v39, _, _ =	vpop (xrf2);
	(xrf2) =	vadd.scan.msk.f32 $0xffff, v1;
	v40 =	vperm.xlane v37, v47  }
0x1cf: {  	v0 =	vsel vm1, v0, v38;
	v41 =	vperm.xlane v39, v47;
	v42, _, _ =	vpop (xrf2);
	(xrf2) =	vadd.scan.msk.f32 $0xffff, v2  }
0x1d0: {  	v43, _, _ =	vpop (xrf2);
	v0 =	vsel vm2, v0, v40;
	v44 =	vperm.xlane v42, v47  }
0x1d1: {  	v45, _, _ =	vpop (xrf2);
	v0 =	vsel vm3, v0, v41;
	v2 =	vperm.xlane v43, v47  }
0x1d2: {  	v46, _, _ =	vpop (xrf2);
	v0 =	vsel vm4, v0, v44;
	v48 =	vperm.xlane v45, v47  }
0x1d3: {  	v49, _, _ =	vpop (xrf2);
	v0 =	vsel vm5, v0, v2;
	v50 =	vperm.xlane v46, v47  }
0x1d4: {  	v51, _, _ =	vpop (xrf2);
	v0 =	vsel vm6, v0, v48;
	v52 =	vperm.xlane v49, v47  }
0x1d5: {  	v53, _, _ =	vpop (xrf2);
	v0 =	vsel vm7, v0, v50;
	v54 =	vperm.xlane v51, v47  }
0x1d6: {  	v55, _, _ =	vpop (xrf2);
	v0 =	vsel vm8, v0, v52;
	v56 =	vperm.xlane v53, v47  }
0x1d7: {  	v57, _, _ =	vpop (xrf2);
	v0 =	vsel vm9, v0, v54;
	v58 =	vperm.xlane v55, v47  }
0x1d8: {  	p3 =	slt.u32 s12, $0x40;
	v59, _, _ =	vpop (xrf2);
	v0 =	vsel vm10, v0, v56;
	v60 =	vperm.xlane v57, v47  }
.Ltmp2:
0x1d9: {  	v0 =	vsel vm11, v0, v58;
	v61 =	vperm.xlane v59, v47;
	v62, _, _ =	vpop (xrf2);
	(pc) =	sbr.rel @p3 .LBB2_6-.Ltmp2, $4  }
0x1da: {  	v0 =	vsel vm12, v0, v60;
	v63 =	vperm.xlane v62, v47  }
0x1db: {  	v0 =	vsel vm13, v0, v61  }
0x1dc: {  	s17 =	sadd.s32 $0x10, s12;
	v0 =	vsel vm14, v0, v63  }
0x1dd: {  	[tilespmem:s12+$0x1DA80] =	vst v0;
	s12 =	smov.u32 s17  }
0x1de: {  	s12 =	sadd.s32 s5, s11  }
0x1df: {  	s12 =	sshrl.u32 s12, $0x3  }
0x1e0: {  	s12 =	sadd.s32 s7, s12  }
0x1e1: {  	[hbm4b:s12+s4] =	stream.linear.scatter [tilespmem:s25], [sflag:$0x5], $0x50, $0x38;
	[tilespmem:$0x1DB80] =	vst v63  }
0x1e2: {  	s12 =	simm.s32 @p1 $0x2  }
0x1e3: {  	_ =	swait.ge @p1 [sflag:s12], $0x2800  }
0x1e4: {  	[sflag:s12] =	ssyncset.done @p1 $0x0  }
0x1e5: {  	[sflag:s12] =	ssyncadd.s32 @p1 $0xFFFFD800  }
0x1e6: {  	_ =	swait.ge @p1 [sflag:s12], $0x2800  }
0x1e7: {  	[sflag:s12] =	ssyncset.done @p1 $0x0  }
0x1e8: {  	[sflag:s12] =	ssyncadd.s32 @p1 $0xFFFFD800;
	s12 =	simm.s32 @!p1 $0x3  }
0x1e9: {  	_ =	swait.ge @!p1 [sflag:s12], $0x50  }
0x1ea: {  	[sflag:s12] =	ssyncset.done @!p1 $0x0  }
0x1eb: {  	[sflag:s12] =	ssyncadd.s32 @!p1 $0xFFFFFFB0  }
0x1ec: {  	_ =	swait.ge @!p1 [sflag:s12], $0x50  }
0x1ed: {  	s13 =	simm.s32 @!p1 $0x13880;
	[sflag:s12] =	ssyncset.done @!p1 $0x0  }
0x1ee: {  	s17 =	simm.s32 @!p1 $0x13A80;
	[sflag:s12] =	ssyncadd.s32 @!p1 $0xFFFFFFB0;
	s12 =	simm.s32 @!p1 $0x50  }
0x1ef: {  	[tilespmem:s17], [sflag:$0x1] =	stream.indirect.gather @!p1 [spmem:s3], $0x80, s13, s12, $0xb8;
	[tilespmem:$0x1DB80] =	vst v63  }
0x1f0: {  	s13 =	simm.s32 @!p1 $0x13900;
	s17 =	simm.s32 @!p1 $0x16280  }
0x1f1: {  	[tilespmem:s17], [sflag:$0x1] =	stream.indirect.gather @!p1 [spmem:s3], $0x80, s13, s12, $0xb8;
	[tilespmem:$0x1DB80] =	vst v63  }
0x1f2: {  	s12 =	simm.s32 @!p1 $0x2  }
0x1f3: {  	_ =	swait.ge @!p1 [sflag:s12], $0x2800  }
0x1f4: {  	[sflag:s12] =	ssyncset.done @!p1 $0x0  }
0x1f5: {  	[sflag:s12] =	ssyncadd.s32 @!p1 $0xFFFFD800  }
0x1f6: {  	s11 =	sadd.s32 @!p1 s11, s16;
	_ =	swait.ge @!p1 [sflag:s12], $0x2800  }
0x1f7: {  	s11 =	sshrl.u32 @!p1 s11, $0x3;
	s13 =	simm.s32 @!p1 $0x0;
	[sflag:s12] =	ssyncset.done @!p1 $0x0  }
0x1f8: {  	s17 =	simm.s32 @!p1 $0x13980;
	[sflag:s12] =	ssyncadd.s32 @!p1 $0xFFFFD800;
	s12 =	sadd.s32 @!p1 s6, s11  }
0x1f9: {  	[tilespmem:s17], [sflag:$0x4] =	stream.linear.gather @!p1 [hbm4b:s12+s13], $0x50, $0x38;
	[tilespmem:$0x1DB80] =	vst v63  }
0x1fa: {  	s11 =	sadd.s32 @!p1 s2, s11;
	s12 =	simm.s32 @!p1 $0x13A00  }
0x1fb: {  	[tilespmem:s12], [sflag:$0x4] =	stream.linear.gather @!p1 [hbm4b:s11+s13], $0x50, $0x38;
	[tilespmem:$0x1DB80] =	vst v63  }
0x1fc: {  	s11 =	simm.s32 @!p2 $0x6  }
0x1fd: {  	_ =	swait.ge @!p2 [sflag:s11], $0x50  }
0x1fe: {  	[sflag:s11] =	ssyncset.done @!p2 $0x0  }
0x1ff: {  	[sflag:s11] =	ssyncadd.s32 @!p2 $0xFFFFFFB0;
	s11 =	simm.s32 $0x0  }
.LBB2_8:
0x200: {  	s12 =	sshll.u32 s11, $0x7  }
0x201: {  	v61 =	vld [tilespmem:s12+$0x18A80]  }
0x202: {  	v17 =	vld [tilespmem:s12+$0x1B280]  }
0x203: {  	v14 =	vld [tilespmem:s12+$0x18A90]  }
0x204: {  	v13 =	vld [tilespmem:s12+$0x1B290]  }
0x205: {  	v46 =	vld [tilespmem:s12+$0x18AA0]  }
0x206: {  	v20 =	vld [tilespmem:s12+$0x1B2A0]  }
0x207: {  	v57 =	vld [tilespmem:s12+$0x18AB0]  }
0x208: {  	v27 =	vld [tilespmem:s12+$0x1B2B0]  }
0x209: {  	v51 =	vld [tilespmem:s12+$0x18AC0]  }
0x20a: {  	v33 =	vld [tilespmem:s12+$0x1B2C0]  }
0x20b: {  	v0 =	vld [tilespmem:s12+$0x18AD0]  }
0x20c: {  	v62 =	vld [tilespmem:s12+$0x1B2D0]  }
0x20d: {  	v1 =	vld [tilespmem:s12+$0x18AE0]  }
0x20e: {  	v10 =	vld [tilespmem:s12+$0x1B2E0]  }
0x20f: {  	v11 =	vld [tilespmem:s12+$0x18AF0]  }
0x210: {  	v12 =	vld [tilespmem:s12+$0x1B2F0]  }
0x211: {  	v7 =	vld [tilespmem:s12+$0x18B00]  }
0x212: {  	v4 =	vld [tilespmem:s12+$0x1B300]  }
0x213: {  	v2 =	vld [tilespmem:s12+$0x18B10]  }
0x214: {  	v9 =	vld [tilespmem:s12+$0x1B320]  }
0x215: {  	v26 =	vld [tilespmem:s12+$0x18B30]  }
0x216: {  	v25 =	vld [tilespmem:s12+$0x1B330]  }
0x217: {  	v34 =	vld [tilespmem:s12+$0x18B40]  }
0x218: {  	v3 =	vld [tilespmem:s12+$0x18B60]  }
0x219: {  	v15 =	vld [tilespmem:s12+$0x1B360];
	[tilespmem:$0x1F0A0] =	vst v1  }
0x21a: {  	v32 =	vld [tilespmem:s12+$0x1B340];
	[tilespmem:$0x1F0B0] =	vst v10  }
0x21b: {  	v53 =	vld [tilespmem:s12+$0x18B50];
	[tilespmem:$0x1F0C0] =	vst v11  }
0x21c: {  	v45 =	vld [tilespmem:s12+$0x1B350];
	[tilespmem:$0x1F0D0] =	vst v12  }
0x21d: {  	v1 =	vld [tilespmem:s12+$0x1B310];
	[tilespmem:$0x1F0E0] =	vst v3  }
0x21e: {  	v10 =	vld [tilespmem:s12+$0x18B20];
	[tilespmem:$0x1F0F0] =	vst v15  }
0x21f: {  	v63 =	vld [tilespmem:s12+$0x1B520];
	_ =	sdelay $0x4  }
0x220: {  	[tilespmem:$0x1F260] =	vst v63;
	v63 =	vld [tilespmem:s12+$0x18D60];
	_ =	sdelay $0x4  }
0x221: {  	[tilespmem:$0x1F380] =	vst v63;
	v63 =	vld [tilespmem:s12+$0x18DC0];
	_ =	sdelay $0x4  }
0x222: {  	[tilespmem:$0x1F340] =	vst v63;
	v63 =	vld [tilespmem:s12+$0x18DE0];
	_ =	sdelay $0x4  }
0x223: {  	[tilespmem:$0x1F400] =	vst v63;
	v63 =	vld [tilespmem:s12+$0x18E20];
	_ =	sdelay $0x4  }
0x224: {  	[tilespmem:$0x1F360] =	vst v63;
	v63 =	vld [tilespmem:s12+$0x1B620];
	_ =	sdelay $0x1  }
0x225: {  	v3 =	vld [tilespmem:s12+$0x18B70]  }
0x226: {  	v16 =	vld [tilespmem:s12+$0x1B370]  }
0x227: {  	v22 =	vld [tilespmem:s12+$0x18B80]  }
0x228: {  	[tilespmem:$0x1F370] =	vst v63;
	v63 =	vld [tilespmem:s12+$0x18E30]  }
0x229: {  	v15 =	vld [tilespmem:s12+$0x1B380]  }
0x22a: {  	v11 =	vld [tilespmem:s12+$0x1B390]  }
0x22b: {  	v31 =	vld [tilespmem:s12+$0x18BA0]  }
0x22c: {  	v28 =	vld [tilespmem:s12+$0x1B3A0]  }
0x22d: {  	[tilespmem:$0x1F3C0] =	vst v63;
	v63 =	vld [tilespmem:s12+$0x1B630]  }
0x22e: {  	v54 =	vld [tilespmem:s12+$0x18BB0]  }
0x22f: {  	v42 =	vld [tilespmem:s12+$0x1B3B0]  }
0x230: {  	v18 =	vld [tilespmem:s12+$0x18BC0]  }
0x231: {  	v19 =	vld [tilespmem:s12+$0x1B3C0]  }
0x232: {  	[tilespmem:$0x1F3D0] =	vst v63;
	v63 =	vld [tilespmem:s12+$0x18E40]  }
0x233: {  	v21 =	vld [tilespmem:s12+$0x18BD0]  }
0x234: {  	v23 =	vld [tilespmem:s12+$0x1B3D0]  }
0x235: {  	v24 =	vld [tilespmem:s12+$0x18BE0]  }
0x236: {  	v29 =	vld [tilespmem:s12+$0x1B3E0]  }
0x237: {  	[tilespmem:$0x1F420] =	vst v63;
	v63 =	vld [tilespmem:s12+$0x1B640]  }
0x238: {  	v30 =	vld [tilespmem:s12+$0x18BF0]  }
0x239: {  	v35 =	vld [tilespmem:s12+$0x1B3F0]  }
0x23a: {  	v8 =	vld [tilespmem:s12+$0x18C00]  }
0x23b: {  	v5 =	vld [tilespmem:s12+$0x1B400]  }
0x23c: {  	[tilespmem:$0x1F430] =	vst v63;
	v63 =	vld [tilespmem:s12+$0x18E50]  }
0x23d: {  	v6 =	vld [tilespmem:s12+$0x18C10]  }
0x23e: {  	v38 =	vld [tilespmem:s12+$0x18C30]  }
0x23f: {  	v12 =	vld [tilespmem:s12+$0x18C40]  }
0x240: {  	v56 =	vld [tilespmem:s12+$0x1B440]  }
0x241: {  	[tilespmem:$0x1F480] =	vst v63;
	v63 =	vld [tilespmem:s12+$0x1B650]  }
0x242: {  	v36 =	vld [tilespmem:s12+$0x18C50]  }
0x243: {  	v37 =	vld [tilespmem:s12+$0x1B450]  }
0x244: {  	v39 =	vld [tilespmem:s12+$0x18C60]  }
0x245: {  	v40 =	vld [tilespmem:s12+$0x1B460]  }
0x246: {  	[tilespmem:$0x1F490] =	vst v63;
	v63 =	vld [tilespmem:s12+$0x18E60]  }
0x247: {  	v41 =	vld [tilespmem:s12+$0x18C70]  }
0x248: {  	v43 =	vld [tilespmem:s12+$0x1B470]  }
0x249: {  	v55 =	vld [tilespmem:s12+$0x18CB0]  }
0x24a: {  	v44 =	vld [tilespmem:s12+$0x1B4C0]  }
0x24b: {  	[tilespmem:$0x1F4A0] =	vst v63;
	v63 =	vld [tilespmem:s12+$0x1B660]  }
0x24c: {  	v48 =	vld [tilespmem:s12+$0x18CD0]  }
0x24d: {  	v49 =	vld [tilespmem:s12+$0x1B4D0]  }
0x24e: {  	v50 =	vld [tilespmem:s12+$0x18CE0]  }
0x24f: {  	v52 =	vld [tilespmem:s12+$0x1B4E0]  }
0x250: {  	[tilespmem:$0x1F4B0] =	vst v63;
	v63 =	vld [tilespmem:s12+$0x18E70]  }
0x251: {  	v58 =	vld [tilespmem:s12+$0x18CF0]  }
0x252: {  	v59 =	vld [tilespmem:s12+$0x1B4F0]  }
0x253: {  	v60 =	vld [tilespmem:s12+$0x18D20]  }
0x254: {  	v17 =	vmul.f32 v17, v61;
	v61 =	vld [tilespmem:s12+$0x19000]  }
0x255: {  	[tilespmem:$0x1F580] =	vst v63;
	v63 =	vld [tilespmem:s12+$0x1B670]  }
0x256: {  	v13 =	vmul.f32 v13, v14;
	v20 =	vmul.f32 v20, v46;
	v46 =	vld [tilespmem:s12+$0x1B810]  }
0x257: {  	v27 =	vmul.f32 v27, v57;
	v57 =	vld [tilespmem:s12+$0x1B820]  }
0x258: {  	v13 =	vadd.f32 v13, v17;
	v17 =	vmul.f32 v33, v51;
	v51 =	vld [tilespmem:s12+$0x1B830]  }
0x259: {  	v33 =	vmul.f32 v25, v26;
	v26 =	vld [tilespmem:s12+$0x19060]  }
0x25a: {  	[tilespmem:$0x1F590] =	vst v63;
	v63 =	vld [tilespmem:s12+$0x18E80]  }
0x25b: {  	v13 =	vadd.f32 v20, v13;
	v20 =	vmul.f32 v9, v10;
	v9 =	vld [tilespmem:s12+$0x19050]  }
0x25c: {  	v10 =	vld [tilespmem:$0x1F0A0]  }
0x25d: {  	[tilespmem:$0x1F150] =	vst v16;
	v16 =	vld [tilespmem:s12+$0x18B90]  }
0x25e: {  	[tilespmem:$0x1F140] =	vst v3;
	v3 =	vld [tilespmem:s12+$0x1B410]  }
0x25f: {  	[tilespmem:$0x1F440] =	vst v63;
	v63 =	vld [tilespmem:s12+$0x1B680]  }
0x260: {  	[tilespmem:$0x1F170] =	vst v24;
	v24 =	vld [tilespmem:s12+$0x18C20]  }
0x261: {  	[tilespmem:$0x1F120] =	vst v21;
	v21 =	vld [tilespmem:s12+$0x1B420]  }
0x262: {  	[tilespmem:$0x1F1C0] =	vst v35;
	v35 =	vld [tilespmem:s12+$0x1B430]  }
0x263: {  	[tilespmem:$0x1F130] =	vst v23;
	v23 =	vld [tilespmem:s12+$0x18C80]  }
0x264: {  	[tilespmem:$0x1F450] =	vst v63;
	v63 =	vld [tilespmem:s12+$0x18E90]  }
0x265: {  	[tilespmem:$0x1F100] =	vst v18;
	v18 =	vld [tilespmem:s12+$0x1B480]  }
0x266: {  	[tilespmem:$0x1F110] =	vst v19;
	v19 =	vld [tilespmem:s12+$0x18C90]  }
0x267: {  	[tilespmem:$0x1F160] =	vst v12;
	v12 =	vld [tilespmem:s12+$0x1B490]  }
0x268: {  	[tilespmem:$0x1F1B0] =	vst v30;
	v30 =	vld [tilespmem:s12+$0x18CA0]  }
0x269: {  	[tilespmem:$0x1F460] =	vst v63;
	v63 =	vld [tilespmem:s12+$0x1B690]  }
0x26a: {  	[tilespmem:$0x1F180] =	vst v29;
	v29 =	vld [tilespmem:s12+$0x1B4A0]  }
0x26b: {  	[tilespmem:$0x1F230] =	vst v41;
	v41 =	vld [tilespmem:s12+$0x1B4B0]  }
0x26c: {  	[tilespmem:$0x1F190] =	vst v36;
	v36 =	vld [tilespmem:s12+$0x18CC0]  }
0x26d: {  	[tilespmem:$0x1F320] =	vst v58;
	v58 =	vld [tilespmem:s12+$0x18D00]  }
0x26e: {  	[tilespmem:$0x1F470] =	vst v63;
	v63 =	vld [tilespmem:s12+$0x18EA0]  }
0x26f: {  	[tilespmem:$0x1F210] =	vst v48;
	v48 =	vld [tilespmem:s12+$0x1B500]  }
0x270: {  	[tilespmem:$0x1F220] =	vst v49;
	v49 =	vld [tilespmem:s12+$0x18D10]  }
0x271: {  	[tilespmem:$0x1F240] =	vst v43;
	v43 =	vld [tilespmem:s12+$0x1B510]  }
0x272: {  	[tilespmem:$0x1F1E0] =	vst v40;
	v40 =	vld [tilespmem:s12+$0x18D30]  }
0x273: {  	[tilespmem:$0x1F4C0] =	vst v63;
	v63 =	vld [tilespmem:s12+$0x1B6A0]  }
0x274: {  	[tilespmem:$0x1F200] =	vst v44;
	v44 =	vld [tilespmem:s12+$0x1B530]  }
0x275: {  	[tilespmem:$0x1F270] =	vst v50;
	v50 =	vld [tilespmem:s12+$0x18D40]  }
0x276: {  	[tilespmem:$0x1F280] =	vst v52;
	v52 =	vld [tilespmem:s12+$0x1B540]  }
0x277: {  	[tilespmem:$0x1F330] =	vst v59;
	v59 =	vld [tilespmem:s12+$0x18D50]  }
0x278: {  	[tilespmem:$0x1F4D0] =	vst v63;
	v63 =	vld [tilespmem:s12+$0x18EB0]  }
0x279: {  	[tilespmem:$0x1F250] =	vst v60;
	v60 =	vld [tilespmem:s12+$0x1B550]  }
0x27a: {  	[tilespmem:$0x1F1D0] =	vst v39;
	v39 =	vld [tilespmem:s12+$0x1B580]  }
0x27b: {  	[tilespmem:$0x1F1A0] =	vst v37;
	v37 =	vld [tilespmem:s12+$0x18D90]  }
0x27c: {  	[tilespmem:$0x1F6C0] =	vst v61;
	v61 =	vld [tilespmem:s12+$0x19010]  }
0x27d: {  	[tilespmem:$0x1F540] =	vst v63;
	v63 =	vld [tilespmem:s12+$0x1B6B0]  }
0x27e: {  	v14 =	vadd.f32 v27, v13;
	v27 =	vmul.f32 v62, v0;
	v62 =	vld [tilespmem:s12+$0x19040]  }
0x27f: {  	v13 =	vld [tilespmem:$0x1F0B0]  }
0x280: {  	[tilespmem:$0x1F800] =	vst v26;
	v26 =	vld [tilespmem:$0x1F100]  }
0x281: {  	v22 =	vmul.f32 v15, v22;
	v15 =	vmul.f32 v42, v54;
	v42 =	vld [tilespmem:$0x1F140]  }
0x282: {  	[tilespmem:$0x1F550] =	vst v63;
	v63 =	vld [tilespmem:s12+$0x18EC0]  }
0x283: {  	v54 =	vld [tilespmem:$0x1F160]  }
0x284: {  	v4 =	vmul.f32 v4, v7;
	v1 =	vmul.f32 v1, v2;
	v2 =	vadd.f32 v17, v14;
	v14 =	vld [tilespmem:s12+$0x1B840]  }
0x285: {  	v17 =	vmul.f32 v32, v34;
	v32 =	vld [tilespmem:$0x1F0C0]  }
0x286: {  	v1 =	vadd.f32 v1, v4;
	v34 =	vmul.f32 v28, v31;
	v31 =	vld [tilespmem:$0x1F120]  }
0x287: {  	[tilespmem:$0x1F5A0] =	vst v63;
	v63 =	vld [tilespmem:s12+$0x1B6C0]  }
0x288: {  	v1 =	vadd.f32 v20, v1;
	v20 =	vld [tilespmem:s12+$0x1B850]  }
0x289: {  	v2 =	vadd.f32 v27, v2;
	v27 =	vmul.f32 v45, v53;
	v45 =	vld [tilespmem:s12+$0x19070]  }
0x28a: {  	v53 =	vmul.f32 v5, v8;
	v8 =	vld [tilespmem:$0x1F0E0]  }
0x28b: {  	[tilespmem:$0x1F290] =	vst v40;
	v40 =	vld [tilespmem:s12+$0x1B560]  }
0x28c: {  	[tilespmem:$0x1F5B0] =	vst v63;
	v63 =	vld [tilespmem:s12+$0x18ED0]  }
0x28d: {  	[tilespmem:$0x1F2A0] =	vst v44;
	v44 =	vld [tilespmem:s12+$0x18D70]  }
0x28e: {  	[tilespmem:$0x1F2C0] =	vst v50;
	v50 =	vld [tilespmem:s12+$0x1B570]  }
0x28f: {  	[tilespmem:$0x1F1F0] =	vst v36;
	v36 =	vld [tilespmem:s12+$0x1B590]  }
0x290: {  	[tilespmem:$0x1F2E0] =	vst v59;
	v59 =	vld [tilespmem:s12+$0x1B5A0]  }
0x291: {  	[tilespmem:$0x1F5E0] =	vst v63;
	v63 =	vld [tilespmem:s12+$0x1B6D0]  }
0x292: {  	[tilespmem:$0x1F2D0] =	vst v52;
	v52 =	vld [tilespmem:s12+$0x18DB0]  }
0x293: {  	[tilespmem:$0x1F2F0] =	vst v60;
	v60 =	vld [tilespmem:s12+$0x1B5B0]  }
0x294: {  	v25 =	vmul.f32 v11, v16;
	v16 =	vld [tilespmem:s12+$0x1B860]  }
0x295: {  	v1 =	vadd.f32 v33, v1;
	v33 =	vld [tilespmem:$0x1F0D0]  }
0x296: {  	[tilespmem:$0x1F5F0] =	vst v63;
	v63 =	vld [tilespmem:s12+$0x18EE0]  }
0x297: {  	v3 =	vmul.f32 v3, v6;
	v6 =	vld [tilespmem:s12+$0x1B870]  }
0x298: {  	v11 =	vld [tilespmem:$0x1F0F0]  }
0x299: {  	v7 =	vmul.f32 v13, v10;
	v10 =	vld [tilespmem:s12+$0x19080]  }
0x29a: {  	v24 =	vmul.f32 v21, v24;
	v21 =	vmul.f32 v29, v30;
	v29 =	vld [tilespmem:$0x1F1B0]  }
0x29b: {  	[tilespmem:$0x1F600] =	vst v63;
	v63 =	vld [tilespmem:s12+$0x1B6E0]  }
0x29c: {  	v30 =	vld [tilespmem:$0x1F1C0];
	v1 =	vadd.f32 v17, v1  }
0x29d: {  	v56 =	vmul.f32 v56, v54;
	v54 =	vld [tilespmem:$0x1F260]  }
0x29e: {  	[tilespmem:$0x1F7B0] =	vst v9;
	v1 =	vadd.f32 v27, v1;
	v27 =	vld [tilespmem:$0x1F110]  }
0x29f: {  	v9 =	vadd.f32 v25, v22;
	[tilespmem:$0x1F810] =	vst v45;
	v45 =	vld [tilespmem:$0x1F150]  }
0x2a0: {  	[tilespmem:$0x1F610] =	vst v63;
	v63 =	vld [tilespmem:s12+$0x18EF0]  }
0x2a1: {  	v13 =	vadd.f32 v34, v9;
	v34 =	vmul.f32 v35, v38;
	v35 =	vmul.f32 v18, v23;
	v18 =	vld [tilespmem:s12+$0x1B8A0]  }
0x2a2: {  	v38 =	vmul.f32 v12, v19;
	v12 =	vld [tilespmem:s12+$0x190B0]  }
0x2a3: {  	v23 =	vld [tilespmem:$0x1F180]  }
0x2a4: {  	v19 =	vld [tilespmem:s12+$0x1B8B0]  }
0x2a5: {  	[tilespmem:$0x1F640] =	vst v63;
	v63 =	vld [tilespmem:s12+$0x1B6F0]  }
0x2a6: {  	[tilespmem:$0x1F390] =	vst v40;
	v40 =	vld [tilespmem:s12+$0x18D80]  }
0x2a7: {  	[tilespmem:$0x1F3E0] =	vst v44;
	v44 =	vld [tilespmem:s12+$0x18DA0]  }
0x2a8: {  	[tilespmem:$0x1F3F0] =	vst v50;
	v50 =	vld [tilespmem:s12+$0x1B5C0]  }
0x2a9: {  	[tilespmem:$0x1F300] =	vst v52;
	v52 =	vld [tilespmem:s12+$0x18DD0]  }
0x2aa: {  	[tilespmem:$0x1F650] =	vst v63;
	v63 =	vld [tilespmem:s12+$0x18F00]  }
0x2ab: {  	[tilespmem:$0x1F310] =	vst v60;
	v60 =	vld [tilespmem:s12+$0x1B5D0]  }
0x2ac: {  	v5 =	vmul.f32 v11, v8;
	v11 =	vld [tilespmem:s12+$0x1B880]  }
0x2ad: {  	v2 =	vadd.f32 v7, v2;
	v7 =	vmul.f32 v33, v32;
	v32 =	vld [tilespmem:$0x1F130]  }
0x2ae: {  	v8 =	vld [tilespmem:s12+$0x190A0]  }
0x2af: {  	[tilespmem:$0x1F4E0] =	vst v63;
	v63 =	vld [tilespmem:s12+$0x1B700]  }
0x2b0: {  	v25 =	vadd.f32 v15, v13;
	v15 =	vld [tilespmem:s12+$0x19090]  }
0x2b1: {  	v13 =	vld [tilespmem:s12+$0x190C0]  }
0x2b2: {  	[tilespmem:$0x1F820] =	vst v6;
	v6 =	vadd.f32 v38, v35;
	v35 =	vld [tilespmem:$0x1F200]  }
0x2b3: {  	v22 =	vadd.f32 v3, v53;
	v1 =	vadd.f32 v5, v1;
	v5 =	vld [tilespmem:s12+$0x1B890]  }
0x2b4: {  	[tilespmem:$0x1F4F0] =	vst v63;
	v63 =	vld [tilespmem:s12+$0x18F10]  }
0x2b5: {  	v17 =	vadd.f32 v7, v2;
	v2 =	vadd.f32 v24, v22;
	v22 =	vld [tilespmem:$0x1F170]  }
0x2b6: {  	v7 =	vmul.f32 v30, v29;
	v30 =	vld [tilespmem:s12+$0x19100]  }
0x2b7: {  	v29 =	vld [tilespmem:s12+$0x19150]  }
0x2b8: {  	v28 =	vmul.f32 v27, v26;
	v26 =	vld [tilespmem:$0x1F1A0]  }
0x2b9: {  	[tilespmem:$0x1F500] =	vst v63;
	v63 =	vld [tilespmem:s12+$0x1B710]  }
0x2ba: {  	v27 =	vadd.f32 v21, v6;
	v21 =	vld [tilespmem:s12+$0x1B8C0]  }
0x2bb: {  	v2 =	vadd.f32 v34, v2;
	v34 =	vld [tilespmem:$0x1F1F0]  }
0x2bc: {  	[tilespmem:$0x1F830] =	vst v17;
	v17 =	vld [tilespmem:s12+$0x190D0]  }
0x2bd: {  	v53 =	vmul.f32 v45, v42;
	v42 =	vmul.f32 v43, v49;
	v43 =	vld [tilespmem:$0x1F210]  }
0x2be: {  	[tilespmem:$0x1F510] =	vst v63;
	v63 =	vld [tilespmem:s12+$0x18F20]  }
0x2bf: {  	v45 =	vld [tilespmem:$0x1F220]  }
0x2c0: {  	v49 =	vld [tilespmem:$0x1F240]  }
0x2c1: {  	[tilespmem:$0x1F350] =	vst v50;
	v50 =	vld [tilespmem:s12+$0x1B5E0]  }
0x2c2: {  	[tilespmem:$0x1F3A0] =	vst v52;
	v52 =	vld [tilespmem:s12+$0x18DF0]  }
0x2c3: {  	[tilespmem:$0x1F560] =	vst v63;
	v63 =	vld [tilespmem:s12+$0x1B720]  }
0x2c4: {  	[tilespmem:$0x1F3B0] =	vst v60;
	v60 =	vld [tilespmem:s12+$0x1B5F0]  }
0x2c5: {  	[tilespmem:$0x1F2B0] =	vst v44;
	v44 =	vld [tilespmem:s12+$0x1B610]  }
0x2c6: {  	v33 =	vmul.f32 v32, v31;
	v31 =	vld [tilespmem:$0x1F1D0]  }
0x2c7: {  	v32 =	vld [tilespmem:$0x1F1E0]  }
0x2c8: {  	[tilespmem:$0x1F570] =	vst v63;
	v63 =	vld [tilespmem:s12+$0x18F30]  }
0x2c9: {  	v10 =	vmul.f32 v11, v10;
	v11 =	vld [tilespmem:s12+$0x1B9E0]  }
0x2ca: {  	v4 =	vadd.f32 v28, v25;
	v25 =	vld [tilespmem:$0x1F190]  }
0x2cb: {  	v28 =	vmul.f32 v41, v55;
	v41 =	vmul.f32 v48, v58;
	v48 =	vld [tilespmem:$0x1F230]  }
0x2cc: {  	v9 =	vadd.f32 v53, v1;
	v53 =	vld [tilespmem:$0x1F250]  }
0x2cd: {  	[tilespmem:$0x1F5C0] =	vst v63;
	v63 =	vld [tilespmem:s12+$0x1B730]  }
0x2ce: {  	v24 =	vmul.f32 v23, v22;
	v22 =	vld [tilespmem:s12+$0x1B8D0]  }
0x2cf: {  	v1 =	vadd.f32 v28, v27;
	v28 =	vld [tilespmem:s12+$0x1B960]  }
0x2d0: {  	v38 =	vmul.f32 v35, v34;
	v34 =	vld [tilespmem:$0x1F270]  }
0x2d1: {  	v5 =	vmul.f32 v5, v15;
	v35 =	vld [tilespmem:$0x1F280]  }
0x2d2: {  	[tilespmem:$0x1F5D0] =	vst v63;
	v63 =	vld [tilespmem:s12+$0x18F40]  }
0x2d3: {  	v5 =	vadd.f32 v5, v10;
	v10 =	vld [tilespmem:s12+$0x1B9F0]  }
0x2d4: {  	[tilespmem:$0x1F530] =	vst v60;
	v60 =	vld [tilespmem:s12+$0x18E00]  }
0x2d5: {  	[tilespmem:$0x1F410] =	vst v50;
	v50 =	vld [tilespmem:s12+$0x1B600]  }
0x2d6: {  	[tilespmem:$0x1F520] =	vst v52;
	v52 =	vld [tilespmem:s12+$0x18E10]  }
0x2d7: {  	v4 =	vadd.f32 v33, v4;
	[tilespmem:$0x1F620] =	vst v63;
	v63 =	vld [tilespmem:s12+$0x1B740]  }
0x2d8: {  	v33 =	vmul.f32 v32, v31;
	v32 =	vmul.f32 v36, v37;
	v37 =	vld [tilespmem:$0x1F290]  }
0x2d9: {  	v4 =	vadd.f32 v24, v4;
	v24 =	vadd.f32 v42, v41;
	v41 =	vld [tilespmem:$0x1F2B0]  }
0x2da: {  	v31 =	vld [tilespmem:s12+$0x1B950]  }
0x2db: {  	v1 =	vadd.f32 v38, v1;
	v38 =	vld [tilespmem:$0x1F2A0]  }
0x2dc: {  	[tilespmem:$0x1F630] =	vst v63;
	v63 =	vld [tilespmem:s12+$0x18F50]  }
0x2dd: {  	v58 =	vmul.f32 v39, v40;
	v6 =	vmul.f32 v49, v48;
	v49 =	vld [tilespmem:$0x1F2E0]  }
0x2de: {  	v2 =	vadd.f32 v56, v2;
	v3 =	vmul.f32 v26, v25;
	v55 =	vmul.f32 v54, v53;
	v53 =	vld [tilespmem:$0x1F2F0]  }
0x2df: {  	v40 =	vadd.f32 v32, v58;
	v32 =	vld [tilespmem:s12+$0x1B900]  }
0x2e0: {  	v2 =	vadd.f32 v3, v2;
	v3 =	vadd.f32 v7, v4;
	v4 =	vld [tilespmem:s12+$0x190E0]  }
0x2e1: {  	[tilespmem:$0x1F660] =	vst v63;
	v63 =	vld [tilespmem:s12+$0x1B750]  }
0x2e2: {  	v7 =	vld [tilespmem:s12+$0x1B8E0]  }
0x2e3: {  	v24 =	vadd.f32 v55, v24;
	v55 =	vld [tilespmem:$0x1F300]  }
0x2e4: {  	v36 =	vmul.f32 v35, v34;
	v34 =	vld [tilespmem:s12+$0x19110]  }
0x2e5: {  	v35 =	vld [tilespmem:s12+$0x1B910]  }
0x2e6: {  	[tilespmem:$0x1F670] =	vst v63;
	v63 =	vld [tilespmem:s12+$0x18F60]  }
0x2e7: {  	v23 =	vadd.f32 v33, v2;
	v33 =	vld [tilespmem:s12+$0x190F0]  }
0x2e8: {  	v2 =	vmul.f32 v45, v43;
	v43 =	vld [tilespmem:$0x1F2C0]  }
0x2e9: {  	v45 =	vld [tilespmem:$0x1F2D0]  }
0x2ea: {  	v42 =	vmul.f32 v59, v41;
	v59 =	vmul.f32 v50, v60;
	v50 =	vld [tilespmem:$0x1F380]  }
0x2eb: {  	[tilespmem:$0x1F700] =	vst v63;
	v63 =	vld [tilespmem:s12+$0x1B760]  }
0x2ec: {  	v60 =	vmul.f32 v44, v52;
	v52 =	vld [tilespmem:$0x1F390]  }
0x2ed: {  	v39 =	vmul.f32 v38, v37;
	v37 =	vld [tilespmem:s12+$0x1B920]  }
0x2ee: {  	v38 =	vld [tilespmem:s12+$0x19130]  }
0x2ef: {  	v56 =	vadd.f32 v2, v1;
	v1 =	vld [tilespmem:s12+$0x1B8F0]  }
0x2f0: {  	[tilespmem:$0x1F710] =	vst v63;
	v63 =	vld [tilespmem:s12+$0x18F70]  }
0x2f1: {  	v6 =	vadd.f32 v6, v23;
	v23 =	vadd.f32 v42, v40;
	v40 =	vld [tilespmem:$0x1F330]  }
0x2f2: {  	v42 =	vld [tilespmem:$0x1F340]  }
0x2f3: {  	v24 =	vadd.f32 v39, v24;
	v39 =	vld [tilespmem:$0x1F320]  }
0x2f4: {  	v26 =	vadd.f32 v36, v56;
	v56 =	vld [tilespmem:$0x1F310]  }
0x2f5: {  	[tilespmem:$0x1F750] =	vst v63;
	v63 =	vld [tilespmem:s12+$0x1B770]  }
0x2f6: {  	v36 =	vld [tilespmem:s12+$0x19120]  }
0x2f7: {  	v48 =	vmul.f32 v45, v43;
	v43 =	vld [tilespmem:$0x1F350]  }
0x2f8: {  	v45 =	vld [tilespmem:$0x1F360]  }
0x2f9: {  	[tilespmem:$0x1F840] =	vst v33;
	v33 =	vld [tilespmem:s12+$0x19140]  }
0x2fa: {  	[tilespmem:$0x1F760] =	vst v63;
	v63 =	vld [tilespmem:s12+$0x18F80]  }
0x2fb: {  	v24 =	vadd.f32 v48, v24;
	v48 =	vld [tilespmem:$0x1F370]  }
0x2fc: {  	v54 =	vmul.f32 v53, v49;
	v41 =	vmul.f32 v40, v39;
	v39 =	vld [tilespmem:s12+$0x1B930]  }
0x2fd: {  	v40 =	vld [tilespmem:s12+$0x1B940]  }
0x2fe: {  	v24 =	vadd.f32 v54, v24;
	v54 =	vld [tilespmem:$0x1F3A0]  }
0x2ff: {  	[tilespmem:$0x1F680] =	vst v63;
	v63 =	vld [tilespmem:s12+$0x1B780]  }
0x300: {  	v58 =	vmul.f32 v56, v55;
	v55 =	vld [tilespmem:$0x1F3B0]  }
0x301: {  	v44 =	vmul.f32 v43, v42;
	v42 =	vld [tilespmem:$0x1F3E0]  }
0x302: {  	v43 =	vld [tilespmem:$0x1F3F0]  }
0x303: {  	v23 =	vadd.f32 v58, v23;
	v58 =	vld [tilespmem:$0x1F3C0]  }
0x304: {  	[tilespmem:$0x1F690] =	vst v63;
	v63 =	vld [tilespmem:s12+$0x18F90]  }
0x305: {  	v25 =	vadd.f32 v60, v59;
	v59 =	vld [tilespmem:$0x1F3D0]  }
0x306: {  	v49 =	vmul.f32 v48, v45;
	v45 =	vld [tilespmem:$0x1F400]  }
0x307: {  	v53 =	vmul.f32 v52, v50;
	v48 =	vld [tilespmem:$0x1F410]  }
0x308: {  	v50 =	vld [tilespmem:$0x1F420]  }
0x309: {  	v24 =	vadd.f32 v53, v24;
	v27 =	vadd.f32 v44, v23;
	v44 =	vmul.f32 v43, v42;
	[tilespmem:$0x1F6A0] =	vst v63;
	v63 =	vld [tilespmem:s12+$0x1B790]  }
0x30a: {  	v52 =	vld [tilespmem:$0x1F430]  }
0x30b: {  	v24 =	vadd.f32 v44, v24;
	v44 =	vld [tilespmem:$0x1F480]  }
0x30c: {  	v56 =	vmul.f32 v55, v54;
	v54 =	vld [tilespmem:$0x1F440]  }
0x30d: {  	v55 =	vld [tilespmem:$0x1F450]  }
0x30e: {  	v25 =	vadd.f32 v49, v25;
	v60 =	vmul.f32 v59, v58;
	[tilespmem:$0x1F6B0] =	vst v63;
	v63 =	vld [tilespmem:s12+$0x18FA0]  }
0x30f: {  	v58 =	vld [tilespmem:$0x1F460]  }
0x310: {  	v25 =	vadd.f32 v60, v25;
	v53 =	vmul.f32 v52, v50;
	v59 =	vld [tilespmem:$0x1F470]  }
0x311: {  	v52 =	vld [tilespmem:$0x1F4C0]  }
0x312: {  	v25 =	vadd.f32 v53, v25;
	v53 =	vld [tilespmem:$0x1F4D0]  }
0x313: {  	v27 =	vadd.f32 v56, v27;
	v49 =	vmul.f32 v48, v45;
	[tilespmem:$0x1F6E0] =	vst v63;
	v63 =	vld [tilespmem:s12+$0x1B7A0]  }
0x314: {  	v45 =	vld [tilespmem:$0x1F490]  }
0x315: {  	v42 =	vadd.f32 v49, v27;
	v49 =	vld [tilespmem:$0x1F4A0]  }
0x316: {  	v50 =	vld [tilespmem:$0x1F4B0]  }
0x317: {  	v56 =	vmul.f32 v55, v54;
	v54 =	vmul.f32 v53, v52;
	v52 =	vld [tilespmem:$0x1F520]  }
0x318: {  	v60 =	vmul.f32 v59, v58;
	[tilespmem:$0x1F6F0] =	vst v63;
	v63 =	vld [tilespmem:s12+$0x18FB0]  }
0x319: {  	v48 =	vmul.f32 v45, v44;
	v53 =	vld [tilespmem:$0x1F530]  }
0x31a: {  	v23 =	vadd.f32 v41, v26;
	v27 =	vld [tilespmem:s12+$0x19160];
	v41 =	vadd.f32 v60, v56  }
0x31b: {  	v26 =	vadd.f32 v48, v25;
	v25 =	vld [tilespmem:s12+$0x19170]  }
0x31c: {  	v41 =	vadd.f32 v54, v41;
	v54 =	vld [tilespmem:$0x1F540]  }
0x31d: {  	[tilespmem:$0x1F730] =	vst v63;
	v63 =	vld [tilespmem:s12+$0x1B7B0]  }
0x31e: {  	v43 =	vmul.f32 v50, v49;
	v49 =	vmul.f32 v53, v52;
	v52 =	vld [tilespmem:$0x1F580]  }
0x31f: {  	v53 =	vld [tilespmem:$0x1F590]  }
0x320: {  	v55 =	vld [tilespmem:$0x1F4E0]  }
0x321: {  	v56 =	vld [tilespmem:$0x1F4F0]  }
0x322: {  	[tilespmem:$0x1F740] =	vst v63;
	v63 =	vld [tilespmem:s12+$0x18FC0]  }
0x323: {  	v58 =	vld [tilespmem:$0x1F500]  }
0x324: {  	v59 =	vld [tilespmem:$0x1F510]  }
0x325: {  	v42 =	vadd.f32 v49, v42;
	v49 =	vld [tilespmem:s12+$0x1B980]  }
0x326: {  	v45 =	vmul.f32 v56, v55;
	v55 =	vld [tilespmem:$0x1F550]  }
0x327: {  	[tilespmem:$0x1F770] =	vst v63;
	v63 =	vld [tilespmem:s12+$0x1B7C0]  }
0x328: {  	v50 =	vmul.f32 v53, v52;
	v52 =	vld [tilespmem:s12+$0x19180]  }
0x329: {  	v60 =	vmul.f32 v59, v58;
	v58 =	vld [tilespmem:$0x1F560]  }
0x32a: {  	v59 =	vld [tilespmem:$0x1F570]  }
0x32b: {  	v56 =	vmul.f32 v55, v54;
	v54 =	vld [tilespmem:$0x1F5A0]  }
0x32c: {  	[tilespmem:$0x1F780] =	vst v63;
	v63 =	vld [tilespmem:s12+$0x18FD0]  }
0x32d: {  	v55 =	vld [tilespmem:$0x1F5B0]  }
0x32e: {  	v53 =	vld [tilespmem:$0x1F5E0]  }
0x32f: {  	v45 =	vadd.f32 v60, v45;
	v60 =	vmul.f32 v59, v58;
	v58 =	vld [tilespmem:$0x1F5C0]  }
0x330: {  	v59 =	vld [tilespmem:$0x1F5D0]  }
0x331: {  	[tilespmem:$0x1F790] =	vst v63;
	v63 =	vld [tilespmem:s12+$0x1B7D0]  }
0x332: {  	v41 =	vadd.f32 v56, v41;
	v56 =	vmul.f32 v55, v54;
	v54 =	vld [tilespmem:$0x1F5F0]  }
0x333: {  	v55 =	vld [tilespmem:$0x1F600]  }
0x334: {  	v41 =	vadd.f32 v56, v41;
	v56 =	vld [tilespmem:$0x1F610]  }
0x335: {  	v45 =	vadd.f32 v60, v45;
	v60 =	vmul.f32 v59, v58;
	v58 =	vld [tilespmem:$0x1F620]  }
0x336: {  	v43 =	vadd.f32 v43, v26;
	[tilespmem:$0x1F7A0] =	vst v63;
	v63 =	vld [tilespmem:s12+$0x18FE0]  }
0x337: {  	v59 =	vld [tilespmem:$0x1F630]  }
0x338: {  	v43 =	vadd.f32 v50, v43;
	v50 =	vld [tilespmem:s12+$0x19190]  }
0x339: {  	v44 =	vmul.f32 v54, v53;
	v53 =	vmul.f32 v56, v55;
	v55 =	vld [tilespmem:$0x1F640]  }
0x33a: {  	v56 =	vld [tilespmem:$0x1F650]  }
0x33b: {  	[tilespmem:$0x1F7C0] =	vst v63;
	v63 =	vld [tilespmem:s12+$0x1B7E0]  }
0x33c: {  	v45 =	vadd.f32 v60, v45;
	v60 =	vmul.f32 v59, v58;
	v58 =	vld [tilespmem:$0x1F660]  }
0x33d: {  	v59 =	vld [tilespmem:$0x1F670]  }
0x33e: {  	v0 =	vld [tilespmem:$0x1F700]  }
0x33f: {  	v46 =	vmul.f32 v46, v61;
	v61 =	vld [tilespmem:$0x1F710]  }
0x340: {  	[tilespmem:$0x1F7D0] =	vst v63;
	v63 =	vld [tilespmem:s12+$0x18FF0]  }
0x341: {  	v45 =	vadd.f32 v60, v45;
	v60 =	vld [tilespmem:$0x1F680]  }
0x342: {  	v48 =	vld [tilespmem:$0x1F690]  }
0x343: {  	v41 =	vadd.f32 v44, v41;
	v44 =	vmul.f32 v56, v55;
	v55 =	vmul.f32 v59, v58;
	v58 =	vld [tilespmem:$0x1F6A0]  }
0x344: {  	v59 =	vld [tilespmem:$0x1F6B0]  }
0x345: {  	[tilespmem:$0x1F7E0] =	vst v63;
	v63 =	vld [tilespmem:s12+$0x1B7F0]  }
0x346: {  	v54 =	vld [tilespmem:s12+$0x1B990]  }
0x347: {  	v61 =	vmul.f32 v61, v0;
	v0 =	vld [tilespmem:$0x1F750]  }
0x348: {  	v2 =	vld [tilespmem:$0x1F760]  }
0x349: {  	v45 =	vadd.f32 v55, v45;
	v48 =	vmul.f32 v48, v60;
	v58 =	vmul.f32 v59, v58;
	v55 =	vld [tilespmem:$0x1F6E0]  }
0x34a: {  	[tilespmem:$0x1F7F0] =	vst v63;
	v63 =	vld [tilespmem:s12+$0x1B800]  }
0x34b: {  	v8 =	vmul.f32 v18, v8;
	v48 =	vadd.f32 v58, v48;
	v58 =	vld [tilespmem:$0x1F6F0]  }
0x34c: {  	v26 =	vld [tilespmem:s12+$0x1B970];
	v52 =	vmul.f32 v49, v52;
	v54 =	vmul.f32 v54, v50  }
0x34d: {  	v5 =	vadd.f32 v8, v5;
	v56 =	vld [tilespmem:s12+$0x191A0]  }
0x34e: {  	v8 =	vadd.f32 v54, v52;
	v52 =	vld [tilespmem:s12+$0x19260];
	v45 =	vadd.f32 v61, v45;
	v61 =	vmul.f32 v2, v0  }
0x34f: {  	[tilespmem:$0x1F6D0] =	vst v63;
	v63 =	vld [tilespmem:s12+$0x19020]  }
0x350: {  	v41 =	vadd.f32 v53, v41;
	v15 =	vadd.f32 v61, v45;
	v45 =	vld [tilespmem:s12+$0x191F0];
	v55 =	vmul.f32 v58, v55  }
0x351: {  	v60 =	vld [tilespmem:$0x1F6C0]  }
0x352: {  	v41 =	vadd.f32 v44, v41;
	v44 =	vadd.f32 v55, v48;
	v48 =	vld [tilespmem:$0x1F730]  }
0x353: {  	v55 =	vld [tilespmem:$0x1F740]  }
0x354: {  	[tilespmem:$0x1F720] =	vst v63;
	v63 =	vld [tilespmem:s12+$0x19030]  }
0x355: {  	v2 =	vld [tilespmem:$0x1F780]  }
0x356: {  	v61 =	vld [tilespmem:$0x1F7C0]  }
0x357: {  	v53 =	vld [tilespmem:$0x1F6D0]  }
0x358: {  	v14 =	vmul.f32 v14, v62;
	v62 =	vld [tilespmem:$0x1F7D0]  }
0x359: {  	v51 =	vmul.f32 v51, v63;
	v63 =	vld [tilespmem:$0x1F770]  }
0x35a: {  	v59 =	vld [tilespmem:s12+$0x1B9A0]  }
0x35b: {  	v58 =	vld [tilespmem:s12+$0x1B9B0]  }
0x35c: {  	v48 =	vmul.f32 v55, v48;
	v0 =	vld [tilespmem:$0x1F790];
	v53 =	vmul.f32 v53, v60  }
0x35d: {  	v18 =	vmul.f32 v62, v61;
	v61 =	vld [tilespmem:$0x1F800]  }
0x35e: {  	v44 =	vadd.f32 v48, v44;
	v46 =	vadd.f32 v46, v53;
	v53 =	vld [tilespmem:$0x1F720];
	v48 =	vmul.f32 v2, v63  }
0x35f: {  	v2 =	vld [tilespmem:$0x1F7A0]  }
0x360: {  	v44 =	vadd.f32 v48, v44;
	v48 =	vld [tilespmem:$0x1F7B0]  }
0x361: {  	v55 =	vld [tilespmem:s12+$0x1B9C0]  }
0x362: {  	v62 =	vmul.f32 v19, v12;
	v12 =	vld [tilespmem:s12+$0x1BA00]  }
0x363: {  	v19 =	vld [tilespmem:s12+$0x19230];
	v16 =	vmul.f32 v16, v61  }
0x364: {  	v61 =	vmul.f32 v21, v13;
	v0 =	vmul.f32 v2, v0;
	v2 =	vld [tilespmem:$0x1F7E0]  }
0x365: {  	v5 =	vadd.f32 v62, v5;
	v53 =	vmul.f32 v57, v53;
	v20 =	vmul.f32 v20, v48;
	v48 =	vld [tilespmem:$0x1F7F0]  }
0x366: {  	v36 =	vmul.f32 v37, v36;
	v62 =	vld [tilespmem:s12+$0x1BA10]  }
0x367: {  	v37 =	vmul.f32 v22, v17;
	v21 =	vld [tilespmem:s12+$0x19220];
	v5 =	vadd.f32 v61, v5;
	v46 =	vadd.f32 v53, v46  }
0x368: {  	v61 =	vld [tilespmem:s12+$0x1BA30]  }
0x369: {  	v5 =	vadd.f32 v37, v5;
	v37 =	vld [tilespmem:s12+$0x1BA40];
	v46 =	vadd.f32 v51, v46  }
0x36a: {  	v0 =	vadd.f32 v0, v44;
	v44 =	vmul.f32 v48, v2;
	v48 =	vmul.f32 v35, v34;
	v34 =	vld [tilespmem:$0x1F810]  }
0x36b: {  	v35 =	vld [tilespmem:$0x1F820]  }
0x36c: {  	v60 =	vld [tilespmem:s12+$0x191B0];
	v14 =	vadd.f32 v14, v46  }
0x36d: {  	v46 =	vmul.f32 v32, v30;
	v30 =	vld [tilespmem:s12+$0x19210]  }
0x36e: {  	v14 =	vadd.f32 v20, v14;
	v20 =	vld [tilespmem:s12+$0x19200]  }
0x36f: {  	v57 =	vld [tilespmem:s12+$0x191C0];
	v0 =	vadd.f32 v18, v0  }
0x370: {  	v14 =	vadd.f32 v16, v14;
	v16 =	vmul.f32 v35, v34;
	v34 =	vld [tilespmem:$0x1F830]  }
0x371: {  	v0 =	vadd.f32 v44, v0;
	v44 =	vld [tilespmem:s12+$0x1BA20]  }
0x372: {  	v53 =	vld [tilespmem:s12+$0x191D0];
	v18 =	vadd.f32 v48, v46  }
0x373: {  	v63 =	vld [tilespmem:s12+$0x1B9D0];
	v13 =	vmul.f32 v62, v30;
	v12 =	vmul.f32 v12, v20  }
0x374: {  	v4 =	vmul.f32 v7, v4;
	v62 =	vld [tilespmem:s12+$0x19240];
	v46 =	vadd.f32 v36, v18;
	v36 =	vmul.f32 v59, v56  }
0x375: {  	v49 =	vmul.f32 v31, v29;
	v51 =	vld [tilespmem:s12+$0x191E0];
	v48 =	vmul.f32 v39, v38;
	v38 =	vadd.f32 v13, v12;
	(xrf2) =	vadd.scan.msk.f32 $0xffff, v34  }
0x376: {  	v35 =	vmul.f32 v40, v33;
	v40 =	vld [tilespmem:s12+$0x19250];
	v8 =	vadd.f32 v36, v8;
	v39 =	vmul.f32 v44, v21;
	(xrf2) =	vadd.scan.msk.f32 $0xffff, v9  }
0x377: {  	v14 =	vadd.f32 v16, v14;
	v16 =	vadd.f32 v48, v46;
	v46 =	vmul.f32 v58, v60;
	v48 =	vld [tilespmem:s12+$0x1BA50];
	(xrf2) =	vadd.scan.msk.f32 $0xffff, v3  }
0x378: {  	v4 =	vadd.f32 v4, v5;
	v50 =	vmul.f32 v61, v19;
	v21 =	vld [tilespmem:$0x1F840];
	v7 =	vadd.f32 v39, v38;
	(xrf2) =	vadd.scan.msk.f32 $0xffff, v6  }
0x379: {  	v56 =	vmul.f32 v55, v57;
	v57 =	vld [tilespmem:s12+$0x1BA60];
	v59 =	vmul.f32 v37, v62;
	v54 =	vadd.f32 v46, v8;
	(xrf2) =	vadd.scan.msk.f32 $0xffff, v23  }
0x37a: {  	v62 =	vmul.f32 v63, v53;
	v63 =	vld [tilespmem:s12+$0x1BA70];
	v44 =	vadd.f32 v35, v16;
	v58 =	vadd.f32 v50, v7;
	(xrf2) =	vadd.scan.msk.f32 $0xffff, v24  }
0x37b: {  	v61 =	vmul.f32 v28, v27;
	v27 =	vmul.f32 v26, v25;
	v60 =	vld [tilespmem:s12+$0x19270];
	v5 =	vadd.f32 v56, v54;
	(xrf2) =	vadd.scan.msk.f32 $0xffff, v42  }
0x37c: {  	v3 =	vadd.f32 v49, v44;
	v22 =	vadd.f32 v59, v58;
	v23 =	vmul.f32 v48, v40;
	(xrf2) =	vadd.scan.msk.f32 $0xffff, v43  }
0x37d: {  	v1 =	vmul.f32 v1, v21;
	v5 =	vadd.f32 v62, v5;
	v24 =	vmul.f32 v11, v51;
	(xrf2) =	vadd.scan.msk.f32 $0xffff, v41  }
0x37e: {  	v28 =	vmul.f32 v57, v52;
	v3 =	vadd.f32 v61, v3;
	v2 =	vadd.f32 v23, v22;
	(xrf2) =	vadd.scan.msk.f32 $0xffff, v15  }
0x37f: {  	v32 =	vmul.f32 v10, v45;
	v30 =	vadd.f32 v1, v4;
	v31 =	vadd.f32 v24, v5;
	v29, _, _ =	vpop (xrf2);
	(xrf2) =	vadd.scan.msk.f32 $0xffff, v0  }
0x380: {  	v34 =	vmul.f32 v63, v60;
	v3 =	vadd.f32 v27, v3;
	v2 =	vadd.f32 v28, v2;
	v33, _, _ =	vpop (xrf2);
	(xrf2) =	vadd.scan.msk.f32 $0xffff, v14  }
0x381: {  	v1 =	vadd.f32 v32, v31;
	v36 =	vperm.xlane v29, v47;
	v35, _, _ =	vpop (xrf2);
	(xrf2) =	vadd.scan.msk.f32 $0xffff, v30;
	v5 =	vperm.xlane v33, v47  }
0x382: {  	v2 =	vadd.f32 v34, v2;
	v37, _, _ =	vpop (xrf2);
	(xrf2) =	vadd.scan.msk.f32 $0xffff, v3;
	v38 =	vperm.xlane v35, v47  }
0x383: {  	v0 =	vsel vm0, v36, v5;
	v39, _, _ =	vpop (xrf2);
	(xrf2) =	vadd.scan.msk.f32 $0xffff, v1;
	v40 =	vperm.xlane v37, v47  }
0x384: {  	v0 =	vsel vm1, v0, v38;
	v41 =	vperm.xlane v39, v47;
	v42, _, _ =	vpop (xrf2);
	(xrf2) =	vadd.scan.msk.f32 $0xffff, v2  }
0x385: {  	v43, _, _ =	vpop (xrf2);
	v0 =	vsel vm2, v0, v40;
	v44 =	vperm.xlane v42, v47  }
0x386: {  	v45, _, _ =	vpop (xrf2);
	v0 =	vsel vm3, v0, v41;
	v2 =	vperm.xlane v43, v47  }
0x387: {  	v46, _, _ =	vpop (xrf2);
	v0 =	vsel vm4, v0, v44;
	v48 =	vperm.xlane v45, v47  }
0x388: {  	v49, _, _ =	vpop (xrf2);
	v0 =	vsel vm5, v0, v2;
	v50 =	vperm.xlane v46, v47  }
0x389: {  	v51, _, _ =	vpop (xrf2);
	v0 =	vsel vm6, v0, v48;
	v52 =	vperm.xlane v49, v47  }
0x38a: {  	v53, _, _ =	vpop (xrf2);
	v0 =	vsel vm7, v0, v50;
	v54 =	vperm.xlane v51, v47  }
0x38b: {  	v55, _, _ =	vpop (xrf2);
	v0 =	vsel vm8, v0, v52;
	v56 =	vperm.xlane v53, v47  }
0x38c: {  	v57, _, _ =	vpop (xrf2);
	v0 =	vsel vm9, v0, v54;
	v58 =	vperm.xlane v55, v47  }
0x38d: {  	p1 =	slt.u32 s11, $0x40;
	v59, _, _ =	vpop (xrf2);
	v0 =	vsel vm10, v0, v56;
	v60 =	vperm.xlane v57, v47  }
.Ltmp3:
0x38e: {  	v0 =	vsel vm11, v0, v58;
	v61 =	vperm.xlane v59, v47;
	v62, _, _ =	vpop (xrf2);
	(pc) =	sbr.rel @p1 .LBB2_8-.Ltmp3, $4  }
0x38f: {  	v0 =	vsel vm12, v0, v60;
	v63 =	vperm.xlane v62, v47  }
0x390: {  	v0 =	vsel vm13, v0, v61  }
0x391: {  	s17 =	sadd.s32 $0x10, s11;
	v0 =	vsel vm14, v0, v63  }
0x392: {  	[tilespmem:s11+$0x1DB00] =	vst v0;
	s11 =	smov.u32 s17  }
0x393: {  	s9 =	sadd.s32 $0x1, s9  }
0x394: {  	p1 =	sne.s32 s9, $0x40  }
.Ltmp4:
0x395: {  	_ = 	snop;
	(pc) =	sbr.rel @p1 .LBB2_2-.Ltmp4, $4  }
0x396: {  	_ = 	snop  }
0x397: {  	s10 =	sshrl.u32 s10, $0x3  }
0x398: {  	s10 =	sadd.s32 s7, s10  }
0x399: {  	[hbm4b:s10+s4] =	stream.linear.scatter [tilespmem:s26], [sflag:$0x6], $0x50, $0x38;
	[tilespmem:$0x1DB80] =	vst v63  }
0x39a: {  	_ =	swait.ge [sflag:s21], $0x50  }
0x39b: {  	[sflag:s21] =	ssyncset.done $0x0  }
0x39c: {  	[sflag:s21] =	ssyncadd.s32 $0xFFFFFFB0  }
0x39d: {  	_ =	swait.ge [sflag:s8], $0x50  }
0x39e: {  	s23 =	sadd.s32 $0x1, s23;
	s9 =	rddreg [dreg:$0xa]  }
0x39f: {  	p1 =	sne.s32 s23, s9  }
.Ltmp5:
0x3a0: {  	_ = 	snop;
	(pc) =	sbr.rel @p1 .LBB2_1-.Ltmp5, $3  }
0x3a1: {  	_ =	sdelay $0x1  }
0x3a2: {  	[sflag:s8] =	ssyncset.done $0x0  }
0x3a3: {  	[sflag:s8] =	ssyncadd.s32 $0xFFFFFFB0  }
0x3a4: {  	_ =	sfence.sel $0x180000  }
0x3a5: {  	[bflag:$0x0] =	sbarrier.arrive $0xFFFF  }
0x3a6: {  	_ =	strace $0x90000047  }
0x3a7: {  	s0 =	stileid.u32;
	[bflag:$0x2] =	sbarrier.arrive $0xFFFF  }
0x3a8: {  	p0 =	sne.s32 s0, $0x0;
	s0 =	rddreg [dreg:$0x3]  }
0x3a9: {  	s0 =	sadd.s32 @!p0 $0x100000, s0  }
0x3aa: {  	[sflag:s0] =	ssyncadd.tile.s32 @!p0 $0x1;
	_ =	shalt  }
.Lfunc_end2:
_tile_overlayer_lowered:
.L_overlay_start_2:
0x3ab: {  	(tag) =	ssettag $0x2  }
0x3ac: {  	s0 =	rddreg [dreg:$0x0];
	s2 =	stileid.u32  }
0x3ad: {  	s1 =	rddreg [dreg:$0x1];
	p0 =	sne.s32 s2, $0x0  }
0x3ae: {  	s3 =	rddreg [dreg:$0x2];
	[bflag:$0x3] =	sbarrier.arrive $0xFFFF;
	s2 =	simm.s32 @!p0 $0x1C07  }
0x3af: {  	[timem:s3], [sflag:s2] =	dma.local @!p0 [hbm:s0], s1  }
0x3b0: {  	s0 =	simm.s32 @!p0 $0x7  }
0x3b1: {  	_ =	swait.ge @!p0 [sflag:s0], s1  }
0x3b2: {  	s1 =	ssub.s32 @!p0 $0x0, s1;
	[sflag:s0] =	ssyncset.done @!p0 $0x0  }
0x3b3: {  	[sflag:s0] =	ssyncadd.s32 @!p0 s1  }
0x3b4: {  	[bflag:$0x3] =	sbarrier.arrive $0xFFFF  }
0x3b5: {  	_ =	shalt  }

</sc_bundles>
